<compile_context>
chip_gen: v7x
topology: tpu7x:2x2x1
jax: 0.10.2.dev20260603
libtpu: 0.0.44.dev20260713+nightly
codegen_flags: <defaults>
</compile_context>

<pallas_src>
import jax
import jax.numpy as jnp
from jax import lax
from jax.experimental import pallas as pl
from jax.experimental.pallas import tpu as pltpu
from jax.experimental.pallas import tpu_sc as plsc

F32 = jnp.float32
N = 320000
AE = 128
N_ATOMS = 10000
N_ELE = 100
N_ELE_P = 104
N_GRAPHS = 1024
NC, NS = 2, 16
NW = NC * NS
CH = 128
NCHUNKS = N // CH
ITERS = -(-NCHUNKS // NW)
BR = 1280
GRID = N // BR


def _relu(x):
    return jnp.maximum(x, 0.0)


def _dot(a, b):
    return jnp.dot(a, b, preferred_element_type=F32)


def _row_spec(b, w):
    return pl.BlockSpec((b, w), lambda i: (i, 0))


def _full(shape):
    return pl.BlockSpec(shape, lambda i: (0,) * len(shape))


def _t1_body(af, rdf, bdf, wa, ba, wr, br_, wb, bb, h0a, h0b, xr, xb):
    a = af[...]
    h0a[...] = _relu(_dot(a[:, :AE], wa[...]) + ba[...])
    h0b[...] = _relu(_dot(a[:, AE:], wa[...]) + ba[...])
    xr[...] = jnp.clip(_dot(rdf[...], wr[...]) + br_[...], 0.0, 6.0)
    xb[...] = jnp.clip(_dot(bdf[...], wb[...]) + bb[...], 0.0, 6.0)


def _t1(af, rdf, bdf, wa, ba, wr, br_, wb, bb):
    return pl.pallas_call(
        _t1_body,
        grid=(GRID,),
        in_specs=[_row_spec(BR, 256), _row_spec(BR, 128), _row_spec(BR, 128),
                  _full((128, 128)), _full((1, 128)),
                  _full((128, 128)), _full((1, 128)),
                  _full((128, 128)), _full((1, 128))],
        out_specs=[_row_spec(BR, 128)] * 4,
        out_shape=[jax.ShapeDtypeStruct((N, 128), F32)] * 4,
    )(af, rdf, bdf, wa, ba, wr, br_, wb, bb)


def _t3_body(xr, xb, pa, pe, wdr, war, wer, br_, wdb, wab, web, bb,
             u_ref, v_ref, st_ref):
    i = pl.program_id(0)
    u = (_dot(xr[...], wdr[...]) + _dot(pa[...], war[...])
         + _dot(pe[...], wer[...]) + br_[...])
    v = (_dot(xb[...], wdb[...]) + _dot(pa[...], wab[...])
         + _dot(pe[...], web[...]) + bb[...])
    u_ref[...] = u
    v_ref[...] = v
    su = jnp.sum(u, axis=0, keepdims=True)
    squ = jnp.sum(u * u, axis=0, keepdims=True)
    sv = jnp.sum(v, axis=0, keepdims=True)
    sqv = jnp.sum(v * v, axis=0, keepdims=True)
    rows = jnp.concatenate([su, squ, sv, sqv, jnp.zeros((4, 2 * AE), F32)], axis=0)

    @pl.when(i == 0)
    def _():
        st_ref[...] = jnp.zeros_like(st_ref)

    st_ref[...] += rows


def _t3(xr, xb, pa, pe, wdr, war, wer, br_, wdb, wab, web, bb):
    return pl.pallas_call(
        _t3_body,
        grid=(GRID,),
        in_specs=[_row_spec(BR, 128)] * 4
        + [_full((128, 256)), _full((128, 256)), _full((128, 256)), _full((1, 256)),
           _full((128, 256)), _full((128, 256)), _full((128, 256)), _full((1, 256))],
        out_specs=[_row_spec(BR, 256), _row_spec(BR, 256), _full((8, 256))],
        out_shape=[jax.ShapeDtypeStruct((N, 256), F32),
                   jax.ShapeDtypeStruct((N, 256), F32),
                   jax.ShapeDtypeStruct((8, 256), F32)],
    )(xr, xb, pa, pe, wdr, war, wer, br_, wdb, wab, web, bb)


def _t4_body(u, v, h0a, h0b, st, gr, btr, gb, btb, wm1, wm2, bm, h1a, h1b):
    st_ = st[...]
    inv_n = 1.0 / N
    mu = st_[0:1] * inv_n
    vu = st_[1:2] * inv_n - mu * mu
    su_ = gr[...] * lax.rsqrt(vu + 1e-5)
    shu = btr[...] - mu * su_
    mv = st_[2:3] * inv_n
    vv = st_[3:4] * inv_n - mv * mv
    sv_ = gb[...] * lax.rsqrt(vv + 1e-5)
    shv = btb[...] - mv * sv_
    h0 = jnp.concatenate([h0a[...], h0b[...]], axis=1)
    x1 = _relu(u[...] * su_ + shu + h0)
    x2 = _relu(v[...] * sv_ + shv + h0)
    h1 = _relu(_dot(x1, wm1[...]) + _dot(x2, wm2[...]) + bm[...])
    h1a[...] = h1[:, :AE]
    h1b[...] = h1[:, AE:]


def _t4(u, v, h0a, h0b, st, gr, btr, gb, btb, wm1, wm2, bm):
    return pl.pallas_call(
        _t4_body,
        grid=(GRID,),
        in_specs=[_row_spec(BR, 256), _row_spec(BR, 256),
                  _row_spec(BR, 128), _row_spec(BR, 128),
                  _full((8, 256)),
                  _full((1, 256)), _full((1, 256)), _full((1, 256)), _full((1, 256)),
                  _full((256, 256)), _full((256, 256)), _full((1, 256))],
        out_specs=[_row_spec(BR, 128)] * 2,
        out_shape=[jax.ShapeDtypeStruct((N, 128), F32)] * 2,
    )(u, v, h0a, h0b, st, gr, btr, gb, btb, wm1, wm2, bm)


def _fin_body(part, cnt, out):
    s = part[0] + part[1]
    c = cnt[0, :, 0:1] + cnt[1, :, 0:1]
    out[...] = _relu(s / jnp.maximum(c, 1.0))


def _fin(k, part, cnt):
    return pl.pallas_call(
        _fin_body,
        grid=(1,),
        in_specs=[_full((NC, k, 128)), _full((NC, k, 128))],
        out_specs=_full((k, 128)),
        out_shape=jax.ShapeDtypeStruct((k, 128), F32),
    )(part, cnt)


def _t8_body(gpa, gpb, gcnt, ref128, w1a, w1b, w1r, b1, w2, b2, out):
    c = jnp.maximum(gcnt[0, :, 0:1] + gcnt[1, :, 0:1], 1.0)
    ga = (gpa[0] + gpa[1]) / c
    gb_ = (gpb[0] + gpb[1]) / c
    t = _relu(_dot(ga, w1a[...]) + _dot(gb_, w1b[...])
              + ref128[...] * w1r[...] + b1[...])
    out[...] = _dot(t, w2[...]) + b2[...]


def _t8(gpa, gpb, gcnt, ref128, w1a, w1b, w1r, b1, w2, b2):
    return pl.pallas_call(
        _t8_body,
        grid=(1,),
        in_specs=[_full((NC, N_GRAPHS, 128)), _full((NC, N_GRAPHS, 128)),
                  _full((NC, N_GRAPHS, 128)), _full((N_GRAPHS, 128)),
                  _full((128, 128)), _full((128, 128)), _full((1, 128)),
                  _full((1, 128)), _full((128, 128)), _full((1, 128))],
        out_specs=_full((N_GRAPHS, 128)),
        out_shape=jax.ShapeDtypeStruct((N_GRAPHS, 128), F32),
    )(gpa, gpb, gcnt, ref128, w1a, w1b, w1r, b1, w2, b2)


def _ranges(k):
    rp = (k // (NS * 8)) * 8
    rem = k - rp * NS
    return rp, rem


def _chunks(total):
    off = 0
    while off < total:
        sz = min(CH, total - off)
        yield off, sz
        off += sz


def _zero_rows(dst, zbuf, k, sid):
    rp, rem = _ranges(k)
    if rp:
        for off, sz in _chunks(rp):
            pltpu.sync_copy(zbuf.at[pl.ds(0, sz)], dst.at[pl.ds(sid * rp + off, sz)])
    if rem:
        @pl.when(sid == 0)
        def _():
            for off, sz in _chunks(rem):
                pltpu.sync_copy(zbuf.at[pl.ds(0, sz)], dst.at[pl.ds(rp * NS + off, sz)])


def _writeout(dst, src, stage, k, cid, sid):
    rp, rem = _ranges(k)
    if rp:
        for off, sz in _chunks(rp):
            pltpu.sync_copy(src.at[pl.ds(sid * rp + off, sz)], stage.at[pl.ds(0, sz)])
            pltpu.sync_copy(stage.at[pl.ds(0, sz)],
                            dst.at[cid, pl.ds(sid * rp + off, sz)])
    if rem:
        @pl.when(sid == 0)
        def _():
            for off, sz in _chunks(rem):
                pltpu.sync_copy(src.at[pl.ds(rp * NS + off, sz)], stage.at[pl.ds(0, sz)])
                pltpu.sync_copy(stage.at[pl.ds(0, sz)],
                                dst.at[cid, pl.ds(rp * NS + off, sz)])


def _make_segsum2(k1, k2):
    mesh = plsc.VectorSubcoreMesh(core_axis_name="c", subcore_axis_name="s")

    def body(x1h, x2h, i1h, i2h, zh, o1h, o2h, i1v, i2v, b1v, b2v,
             ts1, ts2, sl, ss):
        cid = lax.axis_index("c")
        sid = lax.axis_index("s")
        wid = sid * NC + cid
        pltpu.sync_copy(zh, b1v)
        _zero_rows(ts1, b1v, k1, sid)
        _zero_rows(ts2, b1v, k2, sid)
        plsc.subcore_barrier()

        def step(i, carry):
            c = i * NW + wid

            @pl.when(c < NCHUNKS)
            def _():
                r = c * CH
                d1 = pltpu.async_copy(i1h.at[pl.ds(r, CH)], i1v, sl)
                d2 = pltpu.async_copy(i2h.at[pl.ds(r, CH)], i2v, sl)
                d3 = pltpu.async_copy(x1h.at[pl.ds(r, CH)], b1v, sl)
                d4 = pltpu.async_copy(x2h.at[pl.ds(r, CH)], b2v, sl)
                d1.wait()
                d2.wait()
                d3.wait()
                d4.wait()
                e1 = pltpu.async_copy(b1v, ts1.at[i1v], ss, add=True)
                e2 = pltpu.async_copy(b2v, ts2.at[i2v], ss, add=True)
                e1.wait()
                e2.wait()

            return carry

        lax.fori_loop(0, ITERS, step, 0)
        plsc.subcore_barrier()
        _writeout(o1h, ts1, b1v, k1, cid, sid)
        _writeout(o2h, ts2, b1v, k2, cid, sid)

    return pl.kernel(
        body, mesh=mesh,
        out_type=[jax.ShapeDtypeStruct((NC, k1, 128), F32),
                  jax.ShapeDtypeStruct((NC, k2, 128), F32)],
        scratch_types=[pltpu.VMEM((CH,), jnp.int32), pltpu.VMEM((CH,), jnp.int32),
                       pltpu.VMEM((CH, 128), F32), pltpu.VMEM((CH, 128), F32),
                       pltpu.VMEM_SHARED((k1, 128), F32),
                       pltpu.VMEM_SHARED((k2, 128), F32),
                       pltpu.SemaphoreType.DMA, pltpu.SemaphoreType.DMA])


def _make_counts3():
    mesh = plsc.VectorSubcoreMesh(core_axis_name="c", subcore_axis_name="s")
    ks = (N_ATOMS, N_ELE_P, N_GRAPHS)

    def body(iah, ieh, igh, zh, onesh, oah, oeh, ogh,
             iav, iev, igv, bv, tsa, tse, tsg, sl, ss):
        cid = lax.axis_index("c")
        sid = lax.axis_index("s")
        wid = sid * NC + cid
        pltpu.sync_copy(zh, bv)
        for ts, k in zip((tsa, tse, tsg), ks):
            _zero_rows(ts, bv, k, sid)
        plsc.subcore_barrier()
        pltpu.sync_copy(onesh, bv)

        def step(i, carry):
            c = i * NW + wid

            @pl.when(c < NCHUNKS)
            def _():
                r = c * CH
                d1 = pltpu.async_copy(iah.at[pl.ds(r, CH)], iav, sl)
                d2 = pltpu.async_copy(ieh.at[pl.ds(r, CH)], iev, sl)
                d3 = pltpu.async_copy(igh.at[pl.ds(r, CH)], igv, sl)
                d1.wait()
                d2.wait()
                d3.wait()
                e1 = pltpu.async_copy(bv, tsa.at[iav], ss, add=True)
                e2 = pltpu.async_copy(bv, tse.at[iev], ss, add=True)
                e3 = pltpu.async_copy(bv, tsg.at[igv], ss, add=True)
                e1.wait()
                e2.wait()
                e3.wait()

            return carry

        lax.fori_loop(0, ITERS, step, 0)
        plsc.subcore_barrier()
        for oh, ts, k in zip((oah, oeh, ogh), (tsa, tse, tsg), ks):
            _writeout(oh, ts, bv, k, cid, sid)

    return pl.kernel(
        body, mesh=mesh,
        out_type=[jax.ShapeDtypeStruct((NC, k, 128), F32) for k in ks],
        scratch_types=[pltpu.VMEM((CH,), jnp.int32), pltpu.VMEM((CH,), jnp.int32),
                       pltpu.VMEM((CH,), jnp.int32), pltpu.VMEM((CH, 128), F32),
                       pltpu.VMEM_SHARED((N_ATOMS, 128), F32),
                       pltpu.VMEM_SHARED((N_ELE_P, 128), F32),
                       pltpu.VMEM_SHARED((N_GRAPHS, 128), F32),
                       pltpu.SemaphoreType.DMA, pltpu.SemaphoreType.DMA])


def _make_gather():
    mesh = plsc.VectorSubcoreMesh(core_axis_name="c", subcore_axis_name="s")
    out_type = [jax.ShapeDtypeStruct((N, 128), F32),
                jax.ShapeDtypeStruct((N, 128), F32)]
    scr = [pltpu.VMEM((CH,), jnp.int32), pltpu.VMEM((CH,), jnp.int32),
           pltpu.VMEM((CH, 128), F32), pltpu.VMEM((CH, 128), F32),
           pltpu.SemaphoreType.DMA, pltpu.SemaphoreType.DMA,
           pltpu.SemaphoreType.DMA]

    def body(t1h, t2h, i1h, i2h, g1h, g2h, i1v, i2v, b1v, b2v, s1, s2, sl):
        cid = lax.axis_index("c")
        sid = lax.axis_index("s")
        wid = sid * NC + cid

        def step(i, carry):
            c = i * NW + wid

            @pl.when(c < NCHUNKS)
            def _():
                r = c * CH
                di1 = pltpu.async_copy(i1h.at[pl.ds(r, CH)], i1v, sl)
                di2 = pltpu.async_copy(i2h.at[pl.ds(r, CH)], i2v, sl)
                di1.wait()
                di2.wait()
                d1 = pltpu.async_copy(t1h.at[i1v], b1v, s1)
                d2 = pltpu.async_copy(t2h.at[i2v], b2v, s2)
                d1.wait()
                d2.wait()
                dw1 = pltpu.async_copy(b1v, g1h.at[pl.ds(r, CH)], s1)
                dw2 = pltpu.async_copy(b2v, g2h.at[pl.ds(r, CH)], s2)
                dw1.wait()
                dw2.wait()

            return carry

        lax.fori_loop(0, ITERS, step, 0)

    return pl.kernel(body, mesh=mesh, out_type=out_type, scratch_types=scr)


def kernel(atom_feat, rdf_feat, bdf_feat, atom_idx, ele_idx, graph_idx,
           ref_feat, params):
    aidx = atom_idx.astype(jnp.int32)
    eidx = ele_idx.astype(jnp.int32)
    gidx = graph_idx.astype(jnp.int32)
    p = params

    wa = p["embed_atom"]["W"].T
    ba = p["embed_atom"]["b"][None]
    wr = p["embed_rdf"]["W"].T
    brr = p["embed_rdf"]["b"][None]
    wb = p["embed_bdf"]["W"].T
    bbb = p["embed_bdf"]["b"][None]
    h0a, h0b, xr, xb = _t1(atom_feat, rdf_feat, bdf_feat,
                           wa, ba, wr, brr, wb, bbb)

    za = jnp.zeros((CH, 128), F32)
    ones = jnp.ones((CH, 128), F32)
    gather_ae = _make_gather()
    seg_ae = _make_segsum2(N_ATOMS, N_ELE_P)
    acnt, ecnt, gcnt = _make_counts3()(aidx, eidx, gidx, za, ones)

    xa, xbh = h0a, h0b
    for li, mod in enumerate((p["dl1"], p["dl2"])):
        ap, ep = seg_ae(xa, xbh, aidx, eidx, za)
        A = _fin(N_ATOMS, ap, acnt)
        E = _fin(N_ELE_P, ep, ecnt)
        PA, PE = gather_ae(A, E, aidx, eidx)

        wtr = mod["rdf"]["fc1"]["W"].T
        wtb = mod["bdf"]["fc1"]["W"].T
        u, v, st = _t3(xr, xb, PA, PE,
                       wtr[:128], wtr[128:256], wtr[256:],
                       mod["rdf"]["fc1"]["b"][None],
                       wtb[:128], wtb[128:256], wtb[256:],
                       mod["bdf"]["fc1"]["b"][None])
        wm = mod["fc1"]["W"].T
        xa, xbh = _t4(u, v, xa, xbh, st,
                      mod["rdf"]["bn_gamma"][None], mod["rdf"]["bn_beta"][None],
                      mod["bdf"]["bn_gamma"][None], mod["bdf"]["bn_beta"][None],
                      wm[:256], wm[256:], mod["fc1"]["b"][None])

    gpa, gpb = _make_segsum2(N_GRAPHS, N_GRAPHS)(xa, xbh, gidx, gidx, za)

    w1t = p["fc1"]["W"].T
    w1a = jnp.pad(w1t[:128], ((0, 0), (0, 112)))
    w1b = jnp.pad(w1t[128:256], ((0, 0), (0, 112)))
    w1r = jnp.pad(w1t[256:257], ((0, 0), (0, 112)))
    b1 = jnp.pad(p["fc1"]["b"][None], ((0, 0), (0, 112)))
    w2 = jnp.pad(p["fc2"]["W"].T, ((0, 112), (0, 127)))
    b2 = jnp.pad(p["fc2"]["b"][None], ((0, 0), (0, 127)))
    ref128 = jnp.broadcast_to(ref_feat, (N_GRAPHS, 128))
    out = _t8(gpa, gpb, gcnt, ref128, w1a, w1b, w1r, b1, w2, b2)
    return out[:, :1]

# --- scband reference (transcript-rebuilt; emitter-appended) ---
"""Pipeline reference for scband-dist-nn-88794153877521 (READ-ONLY COPY).

The authoritative reference and input builder live on the scoring server;
editing this copy changes nothing except your own understanding.
"""

import jax, jax.numpy as jnp
import numpy as np

N_AF = 128
AE = 128
N = 320000
N_ATOMS = 10000
N_ELE = 100
N_GRAPHS = 1024


def _lin(key, in_d, out_d):
    k1, k2 = jax.random.split(key)
    s = 1.0 / np.sqrt(in_d)
    W = jax.random.uniform(k1, (out_d, in_d), minval=-s, maxval=s, dtype=jnp.float32)
    b = jax.random.uniform(k2, (out_d,), minval=-s, maxval=s, dtype=jnp.float32)
    return {"W": W, "b": b}


def _dist_layer_params(key, n_de, n_ae):
    k1, _ = jax.random.split(key)
    return {"fc1": _lin(k1, n_de + 2 * n_ae, 2 * n_ae),
            "bn_gamma": jnp.ones((2 * n_ae,), jnp.float32),
            "bn_beta": jnp.zeros((2 * n_ae,), jnp.float32)}


def _module_params(key):
    k1, k2, k3 = jax.random.split(key, 3)
    return {"rdf": _dist_layer_params(k1, 128, AE),
            "bdf": _dist_layer_params(k2, 128, AE),
            "fc1": _lin(k3, AE * 4, AE * 2)}


def setup_inputs(seed: int = 0):
    key = jax.random.key(seed)
    ks = jax.random.split(key, 14)
    atom_feat = jax.random.normal(ks[0], (N, 2 * N_AF), dtype=jnp.float32)
    rdf_feat = jax.random.normal(ks[1], (N, 128), dtype=jnp.float32)
    bdf_feat = jax.random.normal(ks[2], (N, 128), dtype=jnp.float32)
    atom_idx = jax.random.randint(ks[3], (N,), 0, N_ATOMS, dtype=jnp.int64 if jax.config.jax_enable_x64 else jnp.int32)
    ele_idx = jax.random.randint(ks[4], (N,), 0, N_ELE, dtype=jnp.int64 if jax.config.jax_enable_x64 else jnp.int32)
    graph_idx = jnp.sort(jax.random.randint(ks[5], (N,), 0, N_GRAPHS, dtype=jnp.int64 if jax.config.jax_enable_x64 else jnp.int32))
    ref_feat = jax.random.normal(ks[6], (N_GRAPHS, 1), dtype=jnp.float32)
    params = {
        "embed_atom": _lin(ks[7], N_AF, AE),
        "embed_rdf": _lin(ks[8], 128, 128),
        "embed_bdf": _lin(ks[9], 128, 128),
        "dl1": _module_params(ks[10]),
        "dl2": _module_params(ks[11]),
        "fc1": _lin(ks[12], AE * 2 + 1, 16),
        "fc2": _lin(ks[13], 16, 1),
    }
    return {"atom_feat": atom_feat, "rdf_feat": rdf_feat, "bdf_feat": bdf_feat,
            "atom_idx": atom_idx, "ele_idx": ele_idx, "graph_idx": graph_idx,
            "ref_feat": ref_feat, "params": params}


def _linear(p, x):
    return x @ p["W"].T + p["b"]


def _segment_mean(x, ids, num_segments):
    s = jax.ops.segment_sum(x, ids, num_segments=num_segments)
    c = jax.ops.segment_sum(jnp.ones((x.shape[0],), x.dtype), ids, num_segments=num_segments)
    return s / jnp.maximum(c, 1.0)[:, None]


def _bn_train(h, gamma, beta, eps=1e-5):
    m = jnp.mean(h, axis=0)
    v = jnp.var(h, axis=0)
    return (h - m) / jnp.sqrt(v + eps) * gamma + beta


def _dist_layer_fwd(p, x, dist_feat, atom_idx, ele_idx):
    pa = jax.nn.relu(_segment_mean(x[:, :AE], atom_idx, N_ATOMS))[atom_idx, :]
    pe = jax.nn.relu(_segment_mean(x[:, AE:], ele_idx, N_ELE))[ele_idx, :]
    h = jnp.concatenate([dist_feat, pa, pe], axis=1)
    h = _linear(p["fc1"], h)
    h = _bn_train(h, p["bn_gamma"], p["bn_beta"])
    return jax.nn.relu(h + x)


def _module_fwd(p, x, rdf, bdf, atom_idx, ele_idx):
    x1 = _dist_layer_fwd(p["rdf"], x, rdf, atom_idx, ele_idx)
    x2 = _dist_layer_fwd(p["bdf"], x, bdf, atom_idx, ele_idx)
    return jax.nn.relu(_linear(p["fc1"], jnp.concatenate([x1, x2], axis=1)))


def reference(atom_feat, rdf_feat, bdf_feat, atom_idx, ele_idx, graph_idx, ref_feat, params):
    a1 = jax.nn.relu(_linear(params["embed_atom"], atom_feat[:, :N_AF]))
    a2 = jax.nn.relu(_linear(params["embed_atom"], atom_feat[:, N_AF:]))
    x_rdf = jax.nn.relu6(_linear(params["embed_rdf"], rdf_feat))
    x_bdf = jax.nn.relu6(_linear(params["embed_bdf"], bdf_feat))
    h = jnp.concatenate([a1, a2], axis=1)
    h = _module_fwd(params["dl1"], h, x_rdf, x_bdf, atom_idx, ele_idx)
    h = _module_fwd(params["dl2"], h, x_rdf, x_bdf, atom_idx, ele_idx)
    h = _segment_mean(h, graph_idx, N_GRAPHS)
    h = jax.nn.relu(_linear(params["fc1"], jnp.concatenate([h, ref_feat], axis=1)))
    gap = _linear(params["fc2"], h)
    return gap

if __name__ == "__main__":
    import jax
    _d = setup_inputs()
    print(jax.jit(kernel)(*tuple(_d.values())))

</pallas_src>

<mosaic_0001>
#map = affine_map<(d0, d1) -> (0, 0)>
#map1 = affine_map<(d0, d1) -> (0)>
module attributes {stable_mosaic.version = 14 : i64} {
  func.func @body(%arg0: i32, %arg1: i32, %arg2: memref<10000x128xf32, #tpu.memory_space<hbm>>, %arg3: memref<104x128xf32, #tpu.memory_space<hbm>>, %arg4: memref<320000xi32, #tpu.memory_space<hbm>>, %arg5: memref<320000xi32, #tpu.memory_space<hbm>>, %arg6: memref<320000x128xf32, #tpu.memory_space<hbm>>, %arg7: memref<320000x128xf32, #tpu.memory_space<hbm>>, %arg8: memref<128xi32, #tpu.memory_space<vmem>>, %arg9: memref<128xi32, #tpu.memory_space<vmem>>, %arg10: memref<128x128xf32, #tpu.memory_space<vmem>>, %arg11: memref<128x128xf32, #tpu.memory_space<vmem>>, %arg12: memref<!tpu.dma_semaphore, #tpu.memory_space<semaphore_mem>>, %arg13: memref<!tpu.dma_semaphore, #tpu.memory_space<semaphore_mem>>, %arg14: memref<!tpu.dma_semaphore, #tpu.memory_space<semaphore_mem>>) attributes {dimension_semantics = [#tpu.dimension_semantics<core_parallel>, #tpu.dimension_semantics<subcore_parallel>], iteration_bounds = array<i64: 2, 16>, scalar_prefetch = 0 : i64, scratch_operands = 7 : i64, tpu.core_type = #tpu.core_type<sc_vector_subcore>, window_params = [{transform_indices = #map}, {transform_indices = #map}, {transform_indices = #map1}, {transform_indices = #map1}, {transform_indices = #map}, {transform_indices = #map}]} {
    %mul3A = arith.constant 2 : i32
    %mul3A_0 = arith.muli %arg1, %mul3A : i32
    %add3A = arith.addi %mul3A_0, %arg0 : i32
    %scan3A = arith.constant 0 : i32
    %scan3A_1 = arith.constant 0 : i32
    %scan3A_2 = arith.constant 79 : i32
    %scan3A_3 = arith.addi %scan3A_1, %scan3A_2 : i32
    %scan3A_4 = arith.constant 1 : i32
    scf.for %scan3A_6 = %scan3A_1 to %scan3A_3 step %scan3A_4  : i32 {
      %mul3A_7 = arith.constant 32 : i32
      %mul3A_8 = arith.muli %scan3A_6, %mul3A_7 : i32
      %add3A_9 = arith.addi %mul3A_8, %add3A : i32
      %lt3A = arith.constant 2500 : i32
      %lt3A_10 = arith.cmpi slt, %add3A_9, %lt3A : i32
      %convert_element_type3A = arith.extui %lt3A_10 : i1 to i32
      %cond3A = arith.constant 0 : i32
      %cond3A_11 = arith.cmpi ne, %convert_element_type3A, %cond3A : i32
      scf.if %cond3A_11 {
        %mul3A_12 = arith.constant 128 : i32
        %mul3A_13 = arith.muli %add3A_9, %mul3A_12 : i32
        %dma_start3A = tpu.memref_slice %arg4[%mul3A_13] : memref<320000xi32, #tpu.memory_space<hbm>> -> memref<128xi32, #tpu.memory_space<hbm>>
        %dma_start3A_14 = tpu.memref_slice %arg4[%mul3A_13] : memref<320000xi32, #tpu.memory_space<hbm>> -> memref<128xi32, #tpu.memory_space<hbm>>
        tpu.enqueue_dma source(%dma_start3A_14 : memref<128xi32, #tpu.memory_space<hbm>>) target(%arg8 : memref<128xi32, #tpu.memory_space<vmem>>) target_semaphore(%arg14 : memref<!tpu.dma_semaphore, #tpu.memory_space<semaphore_mem>>)
        %dma_start3A_15 = tpu.memref_slice %arg5[%mul3A_13] : memref<320000xi32, #tpu.memory_space<hbm>> -> memref<128xi32, #tpu.memory_space<hbm>>
        %dma_start3A_16 = tpu.memref_slice %arg5[%mul3A_13] : memref<320000xi32, #tpu.memory_space<hbm>> -> memref<128xi32, #tpu.memory_space<hbm>>
        tpu.enqueue_dma source(%dma_start3A_16 : memref<128xi32, #tpu.memory_space<hbm>>) target(%arg9 : memref<128xi32, #tpu.memory_space<vmem>>) target_semaphore(%arg14 : memref<!tpu.dma_semaphore, #tpu.memory_space<semaphore_mem>>)
        %dma_wait3A = tpu.memref_slice %arg4[%mul3A_13] : memref<320000xi32, #tpu.memory_space<hbm>> -> memref<128xi32, #tpu.memory_space<hbm>>
        %dma_wait3A_17 = tpu.memref_slice %arg4[%mul3A_13] : memref<320000xi32, #tpu.memory_space<hbm>> -> memref<128xi32, #tpu.memory_space<hbm>>
        tpu.wait_dma2 semaphore(%arg14 : memref<!tpu.dma_semaphore, #tpu.memory_space<semaphore_mem>>) src(%dma_wait3A_17 : memref<128xi32, #tpu.memory_space<hbm>>) dst(%arg8 : memref<128xi32, #tpu.memory_space<vmem>>)
        %dma_wait3A_18 = tpu.memref_slice %arg5[%mul3A_13] : memref<320000xi32, #tpu.memory_space<hbm>> -> memref<128xi32, #tpu.memory_space<hbm>>
        %dma_wait3A_19 = tpu.memref_slice %arg5[%mul3A_13] : memref<320000xi32, #tpu.memory_space<hbm>> -> memref<128xi32, #tpu.memory_space<hbm>>
        tpu.wait_dma2 semaphore(%arg14 : memref<!tpu.dma_semaphore, #tpu.memory_space<semaphore_mem>>) src(%dma_wait3A_19 : memref<128xi32, #tpu.memory_space<hbm>>) dst(%arg9 : memref<128xi32, #tpu.memory_space<vmem>>)
        %dma_start3A_20 = arith.constant 0 : i32
        %dma_start3A_21 = arith.constant 0 : i32
        %dma_start3A_22 = tpu.memref_slice %arg2[%dma_start3A_20, %dma_start3A_21] : memref<10000x128xf32, #tpu.memory_space<hbm>> -> memref<10000x128xf32, #tpu.memory_space<hbm>>
        tpu.enqueue_indirect_dma source(%dma_start3A_22 : memref<10000x128xf32, #tpu.memory_space<hbm>>) target(%arg10 : memref<128x128xf32, #tpu.memory_space<vmem>>) offsets(%arg8 : memref<128xi32, #tpu.memory_space<vmem>>) semaphore(%arg12 : memref<!tpu.dma_semaphore, #tpu.memory_space<semaphore_mem>>)
        %dma_start3A_23 = arith.constant 0 : i32
        %dma_start3A_24 = arith.constant 0 : i32
        %dma_start3A_25 = tpu.memref_slice %arg3[%dma_start3A_23, %dma_start3A_24] : memref<104x128xf32, #tpu.memory_space<hbm>> -> memref<104x128xf32, #tpu.memory_space<hbm>>
        tpu.enqueue_indirect_dma source(%dma_start3A_25 : memref<104x128xf32, #tpu.memory_space<hbm>>) target(%arg11 : memref<128x128xf32, #tpu.memory_space<vmem>>) offsets(%arg9 : memref<128xi32, #tpu.memory_space<vmem>>) semaphore(%arg13 : memref<!tpu.dma_semaphore, #tpu.memory_space<semaphore_mem>>)
        %dma_wait3A_26 = arith.constant 0 : i32
        %dma_wait3A_27 = arith.constant 0 : i32
        %dma_wait3A_28 = tpu.memref_slice %arg2[%dma_wait3A_26, %dma_wait3A_27] : memref<10000x128xf32, #tpu.memory_space<hbm>> -> memref<10000x128xf32, #tpu.memory_space<hbm>>
        tpu.wait_indirect_dma semaphore(%arg12 : memref<!tpu.dma_semaphore, #tpu.memory_space<semaphore_mem>>) src(%dma_wait3A_28 : memref<10000x128xf32, #tpu.memory_space<hbm>>) dst(%arg10 : memref<128x128xf32, #tpu.memory_space<vmem>>)
        %dma_wait3A_29 = arith.constant 0 : i32
        %dma_wait3A_30 = arith.constant 0 : i32
        %dma_wait3A_31 = tpu.memref_slice %arg3[%dma_wait3A_29, %dma_wait3A_30] : memref<104x128xf32, #tpu.memory_space<hbm>> -> memref<104x128xf32, #tpu.memory_space<hbm>>
        tpu.wait_indirect_dma semaphore(%arg13 : memref<!tpu.dma_semaphore, #tpu.memory_space<semaphore_mem>>) src(%dma_wait3A_31 : memref<104x128xf32, #tpu.memory_space<hbm>>) dst(%arg11 : memref<128x128xf32, #tpu.memory_space<vmem>>)
        %dma_start3A_32 = arith.constant 0 : i32
        %dma_start3A_33 = tpu.memref_slice %arg6[%mul3A_13, %dma_start3A_32] : memref<320000x128xf32, #tpu.memory_space<hbm>> -> memref<128x128xf32, #tpu.memory_space<hbm>>
        %dma_start3A_34 = arith.constant 0 : i32
        %dma_start3A_35 = tpu.memref_slice %arg6[%mul3A_13, %dma_start3A_34] : memref<320000x128xf32, #tpu.memory_space<hbm>> -> memref<128x128xf32, #tpu.memory_space<hbm>>
        tpu.enqueue_dma source(%arg10 : memref<128x128xf32, #tpu.memory_space<vmem>>) target(%dma_start3A_35 : memref<128x128xf32, #tpu.memory_space<hbm>>) target_semaphore(%arg12 : memref<!tpu.dma_semaphore, #tpu.memory_space<semaphore_mem>>)
        %dma_start3A_36 = arith.constant 0 : i32
        %dma_start3A_37 = tpu.memref_slice %arg7[%mul3A_13, %dma_start3A_36] : memref<320000x128xf32, #tpu.memory_space<hbm>> -> memref<128x128xf32, #tpu.memory_space<hbm>>
        %dma_start3A_38 = arith.constant 0 : i32
        %dma_start3A_39 = tpu.memref_slice %arg7[%mul3A_13, %dma_start3A_38] : memref<320000x128xf32, #tpu.memory_space<hbm>> -> memref<128x128xf32, #tpu.memory_space<hbm>>
        tpu.enqueue_dma source(%arg11 : memref<128x128xf32, #tpu.memory_space<vmem>>) target(%dma_start3A_39 : memref<128x128xf32, #tpu.memory_space<hbm>>) target_semaphore(%arg13 : memref<!tpu.dma_semaphore, #tpu.memory_space<semaphore_mem>>)
        %dma_wait3A_40 = arith.constant 0 : i32
        %dma_wait3A_41 = tpu.memref_slice %arg6[%mul3A_13, %dma_wait3A_40] : memref<320000x128xf32, #tpu.memory_space<hbm>> -> memref<128x128xf32, #tpu.memory_space<hbm>>
        %dma_wait3A_42 = arith.constant 0 : i32
        %dma_wait3A_43 = tpu.memref_slice %arg6[%mul3A_13, %dma_wait3A_42] : memref<320000x128xf32, #tpu.memory_space<hbm>> -> memref<128x128xf32, #tpu.memory_space<hbm>>
        tpu.wait_dma2 semaphore(%arg12 : memref<!tpu.dma_semaphore, #tpu.memory_space<semaphore_mem>>) src(%arg10 : memref<128x128xf32, #tpu.memory_space<vmem>>) dst(%dma_wait3A_43 : memref<128x128xf32, #tpu.memory_space<hbm>>)
        %dma_wait3A_44 = arith.constant 0 : i32
        %dma_wait3A_45 = tpu.memref_slice %arg7[%mul3A_13, %dma_wait3A_44] : memref<320000x128xf32, #tpu.memory_space<hbm>> -> memref<128x128xf32, #tpu.memory_space<hbm>>
        %dma_wait3A_46 = arith.constant 0 : i32
        %dma_wait3A_47 = tpu.memref_slice %arg7[%mul3A_13, %dma_wait3A_46] : memref<320000x128xf32, #tpu.memory_space<hbm>> -> memref<128x128xf32, #tpu.memory_space<hbm>>
        tpu.wait_dma2 semaphore(%arg13 : memref<!tpu.dma_semaphore, #tpu.memory_space<semaphore_mem>>) src(%arg11 : memref<128x128xf32, #tpu.memory_space<vmem>>) dst(%dma_wait3A_47 : memref<128x128xf32, #tpu.memory_space<hbm>>)
      } else {
      }
    }
    %scan3A_5 = arith.constant 79 : i32
    return
  }
}

#map = affine_map<(d0, d1) -> (0, 0)>
#map1 = affine_map<(d0, d1) -> (0)>
#map2 = affine_map<(d0, d1) -> (0, 0, 0)>
module attributes {stable_mosaic.version = 14 : i64} {
  func.func @body(%arg0: i32, %arg1: i32, %arg2: memref<320000x128xf32, #tpu.memory_space<hbm>>, %arg3: memref<320000x128xf32, #tpu.memory_space<hbm>>, %arg4: memref<320000xi32, #tpu.memory_space<hbm>>, %arg5: memref<320000xi32, #tpu.memory_space<hbm>>, %arg6: memref<128x128xf32, #tpu.memory_space<hbm>>, %arg7: memref<2x10000x128xf32, #tpu.memory_space<hbm>>, %arg8: memref<2x104x128xf32, #tpu.memory_space<hbm>>, %arg9: memref<128xi32, #tpu.memory_space<vmem>>, %arg10: memref<128xi32, #tpu.memory_space<vmem>>, %arg11: memref<128x128xf32, #tpu.memory_space<vmem>>, %arg12: memref<128x128xf32, #tpu.memory_space<vmem>>, %arg13: memref<10000x128xf32, #tpu.memory_space<vmem_shared>>, %arg14: memref<104x128xf32, #tpu.memory_space<vmem_shared>>, %arg15: memref<!tpu.dma_semaphore, #tpu.memory_space<semaphore_mem>>, %arg16: memref<!tpu.dma_semaphore, #tpu.memory_space<semaphore_mem>>) attributes {dimension_semantics = [#tpu.dimension_semantics<core_parallel>, #tpu.dimension_semantics<subcore_parallel>], iteration_bounds = array<i64: 2, 16>, scalar_prefetch = 0 : i64, scratch_operands = 8 : i64, tpu.core_type = #tpu.core_type<sc_vector_subcore>, window_params = [{transform_indices = #map}, {transform_indices = #map}, {transform_indices = #map1}, {transform_indices = #map1}, {transform_indices = #map}, {transform_indices = #map2}, {transform_indices = #map2}]} {
    %mul3A = arith.constant 2 : i32
    %mul3A_0 = arith.muli %arg1, %mul3A : i32
    %add3A = arith.addi %mul3A_0, %arg0 : i32
    "tpu.region"() ({
      %run_scoped3A = tpu.sem_alloc : memref<!tpu.dma_semaphore, #tpu.memory_space<semaphore_mem>>
      tpu.enqueue_dma source(%arg6 : memref<128x128xf32, #tpu.memory_space<hbm>>) target(%arg11 : memref<128x128xf32, #tpu.memory_space<vmem>>) target_semaphore(%run_scoped3A : memref<!tpu.dma_semaphore, #tpu.memory_space<semaphore_mem>>)
      tpu.wait_dma2 semaphore(%run_scoped3A : memref<!tpu.dma_semaphore, #tpu.memory_space<semaphore_mem>>) src(%arg6 : memref<128x128xf32, #tpu.memory_space<hbm>>) dst(%arg11 : memref<128x128xf32, #tpu.memory_space<vmem>>)
      tpu.yield
    }) : () -> ()
    %mul3A_1 = arith.constant 624 : i32
    %mul3A_2 = arith.muli %arg1, %mul3A_1 : i32
    %add3A_3 = arith.constant 0 : i32
    %add3A_4 = arith.addi %mul3A_2, %add3A_3 : i32
    "tpu.region"() ({
      %run_scoped3A = tpu.sem_alloc : memref<!tpu.dma_semaphore, #tpu.memory_space<semaphore_mem>>
      %dma_start3A = arith.constant 0 : i32
      %dma_start3A_84 = arith.constant 0 : i32
      %dma_start3A_85 = tpu.memref_slice %arg11[%dma_start3A, %dma_start3A_84] : memref<128x128xf32, #tpu.memory_space<vmem>> -> memref<128x128xf32, #tpu.memory_space<vmem>>
      %dma_start3A_86 = arith.constant 0 : i32
      %dma_start3A_87 = tpu.memref_slice %arg13[%add3A_4, %dma_start3A_86] : memref<10000x128xf32, #tpu.memory_space<vmem_shared>> -> memref<128x128xf32, #tpu.memory_space<vmem_shared>>
      %dma_start3A_88 = arith.constant 0 : i32
      %dma_start3A_89 = tpu.memref_slice %arg13[%add3A_4, %dma_start3A_88] : memref<10000x128xf32, #tpu.memory_space<vmem_shared>> -> memref<128x128xf32, #tpu.memory_space<vmem_shared>>
      %dma_start3A_90 = arith.constant 0 : i32
      %dma_start3A_91 = arith.constant 0 : i32
      %dma_start3A_92 = tpu.memref_slice %arg11[%dma_start3A_90, %dma_start3A_91] : memref<128x128xf32, #tpu.memory_space<vmem>> -> memref<128x128xf32, #tpu.memory_space<vmem>>
      tpu.enqueue_dma source(%dma_start3A_92 : memref<128x128xf32, #tpu.memory_space<vmem>>) target(%dma_start3A_89 : memref<128x128xf32, #tpu.memory_space<vmem_shared>>) target_semaphore(%run_scoped3A : memref<!tpu.dma_semaphore, #tpu.memory_space<semaphore_mem>>)
      %dma_wait3A = arith.constant 0 : i32
      %dma_wait3A_93 = arith.constant 0 : i32
      %dma_wait3A_94 = tpu.memref_slice %arg11[%dma_wait3A, %dma_wait3A_93] : memref<128x128xf32, #tpu.memory_space<vmem>> -> memref<128x128xf32, #tpu.memory_space<vmem>>
      %dma_wait3A_95 = arith.constant 0 : i32
      %dma_wait3A_96 = tpu.memref_slice %arg13[%add3A_4, %dma_wait3A_95] : memref<10000x128xf32, #tpu.memory_space<vmem_shared>> -> memref<128x128xf32, #tpu.memory_space<vmem_shared>>
      %dma_wait3A_97 = arith.constant 0 : i32
      %dma_wait3A_98 = tpu.memref_slice %arg13[%add3A_4, %dma_wait3A_97] : memref<10000x128xf32, #tpu.memory_space<vmem_shared>> -> memref<128x128xf32, #tpu.memory_space<vmem_shared>>
      %dma_wait3A_99 = arith.constant 0 : i32
      %dma_wait3A_100 = arith.constant 0 : i32
      %dma_wait3A_101 = tpu.memref_slice %arg11[%dma_wait3A_99, %dma_wait3A_100] : memref<128x128xf32, #tpu.memory_space<vmem>> -> memref<128x128xf32, #tpu.memory_space<vmem>>
      tpu.wait_dma2 semaphore(%run_scoped3A : memref<!tpu.dma_semaphore, #tpu.memory_space<semaphore_mem>>) src(%dma_wait3A_101 : memref<128x128xf32, #tpu.memory_space<vmem>>) dst(%dma_wait3A_98 : memref<128x128xf32, #tpu.memory_space<vmem_shared>>)
      tpu.yield
    }) : () -> ()
    %mul3A_5 = arith.constant 624 : i32
    %mul3A_6 = arith.muli %arg1, %mul3A_5 : i32
    %add3A_7 = arith.constant 128 : i32
    %add3A_8 = arith.addi %mul3A_6, %add3A_7 : i32
    "tpu.region"() ({
      %run_scoped3A = tpu.sem_alloc : memref<!tpu.dma_semaphore, #tpu.memory_space<semaphore_mem>>
      %dma_start3A = arith.constant 0 : i32
      %dma_start3A_84 = arith.constant 0 : i32
      %dma_start3A_85 = tpu.memref_slice %arg11[%dma_start3A, %dma_start3A_84] : memref<128x128xf32, #tpu.memory_space<vmem>> -> memref<128x128xf32, #tpu.memory_space<vmem>>
      %dma_start3A_86 = arith.constant 0 : i32
      %dma_start3A_87 = tpu.memref_slice %arg13[%add3A_8, %dma_start3A_86] : memref<10000x128xf32, #tpu.memory_space<vmem_shared>> -> memref<128x128xf32, #tpu.memory_space<vmem_shared>>
      %dma_start3A_88 = arith.constant 0 : i32
      %dma_start3A_89 = tpu.memref_slice %arg13[%add3A_8, %dma_start3A_88] : memref<10000x128xf32, #tpu.memory_space<vmem_shared>> -> memref<128x128xf32, #tpu.memory_space<vmem_shared>>
      %dma_start3A_90 = arith.constant 0 : i32
      %dma_start3A_91 = arith.constant 0 : i32
      %dma_start3A_92 = tpu.memref_slice %arg11[%dma_start3A_90, %dma_start3A_91] : memref<128x128xf32, #tpu.memory_space<vmem>> -> memref<128x128xf32, #tpu.memory_space<vmem>>
      tpu.enqueue_dma source(%dma_start3A_92 : memref<128x128xf32, #tpu.memory_space<vmem>>) target(%dma_start3A_89 : memref<128x128xf32, #tpu.memory_space<vmem_shared>>) target_semaphore(%run_scoped3A : memref<!tpu.dma_semaphore, #tpu.memory_space<semaphore_mem>>)
      %dma_wait3A = arith.constant 0 : i32
      %dma_wait3A_93 = arith.constant 0 : i32
      %dma_wait3A_94 = tpu.memref_slice %arg11[%dma_wait3A, %dma_wait3A_93] : memref<128x128xf32, #tpu.memory_space<vmem>> -> memref<128x128xf32, #tpu.memory_space<vmem>>
      %dma_wait3A_95 = arith.constant 0 : i32
      %dma_wait3A_96 = tpu.memref_slice %arg13[%add3A_8, %dma_wait3A_95] : memref<10000x128xf32, #tpu.memory_space<vmem_shared>> -> memref<128x128xf32, #tpu.memory_space<vmem_shared>>
      %dma_wait3A_97 = arith.constant 0 : i32
      %dma_wait3A_98 = tpu.memref_slice %arg13[%add3A_8, %dma_wait3A_97] : memref<10000x128xf32, #tpu.memory_space<vmem_shared>> -> memref<128x128xf32, #tpu.memory_space<vmem_shared>>
      %dma_wait3A_99 = arith.constant 0 : i32
      %dma_wait3A_100 = arith.constant 0 : i32
      %dma_wait3A_101 = tpu.memref_slice %arg11[%dma_wait3A_99, %dma_wait3A_100] : memref<128x128xf32, #tpu.memory_space<vmem>> -> memref<128x128xf32, #tpu.memory_space<vmem>>
      tpu.wait_dma2 semaphore(%run_scoped3A : memref<!tpu.dma_semaphore, #tpu.memory_space<semaphore_mem>>) src(%dma_wait3A_101 : memref<128x128xf32, #tpu.memory_space<vmem>>) dst(%dma_wait3A_98 : memref<128x128xf32, #tpu.memory_space<vmem_shared>>)
      tpu.yield
    }) : () -> ()
    %mul3A_9 = arith.constant 624 : i32
    %mul3A_10 = arith.muli %arg1, %mul3A_9 : i32
    %add3A_11 = arith.constant 256 : i32
    %add3A_12 = arith.addi %mul3A_10, %add3A_11 : i32
    "tpu.region"() ({
      %run_scoped3A = tpu.sem_alloc : memref<!tpu.dma_semaphore, #tpu.memory_space<semaphore_mem>>
      %dma_start3A = arith.constant 0 : i32
      %dma_start3A_84 = arith.constant 0 : i32
      %dma_start3A_85 = tpu.memref_slice %arg11[%dma_start3A, %dma_start3A_84] : memref<128x128xf32, #tpu.memory_space<vmem>> -> memref<128x128xf32, #tpu.memory_space<vmem>>
      %dma_start3A_86 = arith.constant 0 : i32
      %dma_start3A_87 = tpu.memref_slice %arg13[%add3A_12, %dma_start3A_86] : memref<10000x128xf32, #tpu.memory_space<vmem_shared>> -> memref<128x128xf32, #tpu.memory_space<vmem_shared>>
      %dma_start3A_88 = arith.constant 0 : i32
      %dma_start3A_89 = tpu.memref_slice %arg13[%add3A_12, %dma_start3A_88] : memref<10000x128xf32, #tpu.memory_space<vmem_shared>> -> memref<128x128xf32, #tpu.memory_space<vmem_shared>>
      %dma_start3A_90 = arith.constant 0 : i32
      %dma_start3A_91 = arith.constant 0 : i32
      %dma_start3A_92 = tpu.memref_slice %arg11[%dma_start3A_90, %dma_start3A_91] : memref<128x128xf32, #tpu.memory_space<vmem>> -> memref<128x128xf32, #tpu.memory_space<vmem>>
      tpu.enqueue_dma source(%dma_start3A_92 : memref<128x128xf32, #tpu.memory_space<vmem>>) target(%dma_start3A_89 : memref<128x128xf32, #tpu.memory_space<vmem_shared>>) target_semaphore(%run_scoped3A : memref<!tpu.dma_semaphore, #tpu.memory_space<semaphore_mem>>)
      %dma_wait3A = arith.constant 0 : i32
      %dma_wait3A_93 = arith.constant 0 : i32
      %dma_wait3A_94 = tpu.memref_slice %arg11[%dma_wait3A, %dma_wait3A_93] : memref<128x128xf32, #tpu.memory_space<vmem>> -> memref<128x128xf32, #tpu.memory_space<vmem>>
      %dma_wait3A_95 = arith.constant 0 : i32
      %dma_wait3A_96 = tpu.memref_slice %arg13[%add3A_12, %dma_wait3A_95] : memref<10000x128xf32, #tpu.memory_space<vmem_shared>> -> memref<128x128xf32, #tpu.memory_space<vmem_shared>>
      %dma_wait3A_97 = arith.constant 0 : i32
      %dma_wait3A_98 = tpu.memref_slice %arg13[%add3A_12, %dma_wait3A_97] : memref<10000x128xf32, #tpu.memory_space<vmem_shared>> -> memref<128x128xf32, #tpu.memory_space<vmem_shared>>
      %dma_wait3A_99 = arith.constant 0 : i32
      %dma_wait3A_100 = arith.constant 0 : i32
      %dma_wait3A_101 = tpu.memref_slice %arg11[%dma_wait3A_99, %dma_wait3A_100] : memref<128x128xf32, #tpu.memory_space<vmem>> -> memref<128x128xf32, #tpu.memory_space<vmem>>
      tpu.wait_dma2 semaphore(%run_scoped3A : memref<!tpu.dma_semaphore, #tpu.memory_space<semaphore_mem>>) src(%dma_wait3A_101 : memref<128x128xf32, #tpu.memory_space<vmem>>) dst(%dma_wait3A_98 : memref<128x128xf32, #tpu.memory_space<vmem_shared>>)
      tpu.yield
    }) : () -> ()
    %mul3A_13 = arith.constant 624 : i32
    %mul3A_14 = arith.muli %arg1, %mul3A_13 : i32
    %add3A_15 = arith.constant 384 : i32
    %add3A_16 = arith.addi %mul3A_14, %add3A_15 : i32
    "tpu.region"() ({
      %run_scoped3A = tpu.sem_alloc : memref<!tpu.dma_semaphore, #tpu.memory_space<semaphore_mem>>
      %dma_start3A = arith.constant 0 : i32
      %dma_start3A_84 = arith.constant 0 : i32
      %dma_start3A_85 = tpu.memref_slice %arg11[%dma_start3A, %dma_start3A_84] : memref<128x128xf32, #tpu.memory_space<vmem>> -> memref<128x128xf32, #tpu.memory_space<vmem>>
      %dma_start3A_86 = arith.constant 0 : i32
      %dma_start3A_87 = tpu.memref_slice %arg13[%add3A_16, %dma_start3A_86] : memref<10000x128xf32, #tpu.memory_space<vmem_shared>> -> memref<128x128xf32, #tpu.memory_space<vmem_shared>>
      %dma_start3A_88 = arith.constant 0 : i32
      %dma_start3A_89 = tpu.memref_slice %arg13[%add3A_16, %dma_start3A_88] : memref<10000x128xf32, #tpu.memory_space<vmem_shared>> -> memref<128x128xf32, #tpu.memory_space<vmem_shared>>
      %dma_start3A_90 = arith.constant 0 : i32
      %dma_start3A_91 = arith.constant 0 : i32
      %dma_start3A_92 = tpu.memref_slice %arg11[%dma_start3A_90, %dma_start3A_91] : memref<128x128xf32, #tpu.memory_space<vmem>> -> memref<128x128xf32, #tpu.memory_space<vmem>>
      tpu.enqueue_dma source(%dma_start3A_92 : memref<128x128xf32, #tpu.memory_space<vmem>>) target(%dma_start3A_89 : memref<128x128xf32, #tpu.memory_space<vmem_shared>>) target_semaphore(%run_scoped3A : memref<!tpu.dma_semaphore, #tpu.memory_space<semaphore_mem>>)
      %dma_wait3A = arith.constant 0 : i32
      %dma_wait3A_93 = arith.constant 0 : i32
      %dma_wait3A_94 = tpu.memref_slice %arg11[%dma_wait3A, %dma_wait3A_93] : memref<128x128xf32, #tpu.memory_space<vmem>> -> memref<128x128xf32, #tpu.memory_space<vmem>>
      %dma_wait3A_95 = arith.constant 0 : i32
      %dma_wait3A_96 = tpu.memref_slice %arg13[%add3A_16, %dma_wait3A_95] : memref<10000x128xf32, #tpu.memory_space<vmem_shared>> -> memref<128x128xf32, #tpu.memory_space<vmem_shared>>
      %dma_wait3A_97 = arith.constant 0 : i32
      %dma_wait3A_98 = tpu.memref_slice %arg13[%add3A_16, %dma_wait3A_97] : memref<10000x128xf32, #tpu.memory_space<vmem_shared>> -> memref<128x128xf32, #tpu.memory_space<vmem_shared>>
      %dma_wait3A_99 = arith.constant 0 : i32
      %dma_wait3A_100 = arith.constant 0 : i32
      %dma_wait3A_101 = tpu.memref_slice %arg11[%dma_wait3A_99, %dma_wait3A_100] : memref<128x128xf32, #tpu.memory_space<vmem>> -> memref<128x128xf32, #tpu.memory_space<vmem>>
      tpu.wait_dma2 semaphore(%run_scoped3A : memref<!tpu.dma_semaphore, #tpu.memory_space<semaphore_mem>>) src(%dma_wait3A_101 : memref<128x128xf32, #tpu.memory_space<vmem>>) dst(%dma_wait3A_98 : memref<128x128xf32, #tpu.memory_space<vmem_shared>>)
      tpu.yield
    }) : () -> ()
    %mul3A_17 = arith.constant 624 : i32
    %mul3A_18 = arith.muli %arg1, %mul3A_17 : i32
    %add3A_19 = arith.constant 512 : i32
    %add3A_20 = arith.addi %mul3A_18, %add3A_19 : i32
    "tpu.region"() ({
      %run_scoped3A = tpu.sem_alloc : memref<!tpu.dma_semaphore, #tpu.memory_space<semaphore_mem>>
      %dma_start3A = arith.constant 0 : i32
      %dma_start3A_84 = arith.constant 0 : i32
      %dma_start3A_85 = tpu.memref_slice %arg11[%dma_start3A, %dma_start3A_84] : memref<128x128xf32, #tpu.memory_space<vmem>> -> memref<112x128xf32, #tpu.memory_space<vmem>>
      %dma_start3A_86 = arith.constant 0 : i32
      %dma_start3A_87 = tpu.memref_slice %arg13[%add3A_20, %dma_start3A_86] : memref<10000x128xf32, #tpu.memory_space<vmem_shared>> -> memref<112x128xf32, #tpu.memory_space<vmem_shared>>
      %dma_start3A_88 = arith.constant 0 : i32
      %dma_start3A_89 = tpu.memref_slice %arg13[%add3A_20, %dma_start3A_88] : memref<10000x128xf32, #tpu.memory_space<vmem_shared>> -> memref<112x128xf32, #tpu.memory_space<vmem_shared>>
      %dma_start3A_90 = arith.constant 0 : i32
      %dma_start3A_91 = arith.constant 0 : i32
      %dma_start3A_92 = tpu.memref_slice %arg11[%dma_start3A_90, %dma_start3A_91] : memref<128x128xf32, #tpu.memory_space<vmem>> -> memref<112x128xf32, #tpu.memory_space<vmem>>
      tpu.enqueue_dma source(%dma_start3A_92 : memref<112x128xf32, #tpu.memory_space<vmem>>) target(%dma_start3A_89 : memref<112x128xf32, #tpu.memory_space<vmem_shared>>) target_semaphore(%run_scoped3A : memref<!tpu.dma_semaphore, #tpu.memory_space<semaphore_mem>>)
      %dma_wait3A = arith.constant 0 : i32
      %dma_wait3A_93 = arith.constant 0 : i32
      %dma_wait3A_94 = tpu.memref_slice %arg11[%dma_wait3A, %dma_wait3A_93] : memref<128x128xf32, #tpu.memory_space<vmem>> -> memref<112x128xf32, #tpu.memory_space<vmem>>
      %dma_wait3A_95 = arith.constant 0 : i32
      %dma_wait3A_96 = tpu.memref_slice %arg13[%add3A_20, %dma_wait3A_95] : memref<10000x128xf32, #tpu.memory_space<vmem_shared>> -> memref<112x128xf32, #tpu.memory_space<vmem_shared>>
      %dma_wait3A_97 = arith.constant 0 : i32
      %dma_wait3A_98 = tpu.memref_slice %arg13[%add3A_20, %dma_wait3A_97] : memref<10000x128xf32, #tpu.memory_space<vmem_shared>> -> memref<112x128xf32, #tpu.memory_space<vmem_shared>>
      %dma_wait3A_99 = arith.constant 0 : i32
      %dma_wait3A_100 = arith.constant 0 : i32
      %dma_wait3A_101 = tpu.memref_slice %arg11[%dma_wait3A_99, %dma_wait3A_100] : memref<128x128xf32, #tpu.memory_space<vmem>> -> memref<112x128xf32, #tpu.memory_space<vmem>>
      tpu.wait_dma2 semaphore(%run_scoped3A : memref<!tpu.dma_semaphore, #tpu.memory_space<semaphore_mem>>) src(%dma_wait3A_101 : memref<112x128xf32, #tpu.memory_space<vmem>>) dst(%dma_wait3A_98 : memref<112x128xf32, #tpu.memory_space<vmem_shared>>)
      tpu.yield
    }) : () -> ()
    %eq3A = arith.constant 0 : i32
    %eq3A_21 = arith.cmpi eq, %arg1, %eq3A : i32
    %convert_element_type3A = arith.extui %eq3A_21 : i1 to i32
    %cond3A = arith.constant 0 : i32
    %cond3A_22 = arith.cmpi ne, %convert_element_type3A, %cond3A : i32
    scf.if %cond3A_22 {
      "tpu.region"() ({
        %run_scoped3A = tpu.sem_alloc : memref<!tpu.dma_semaphore, #tpu.memory_space<semaphore_mem>>
        %dma_start3A = arith.constant 0 : i32
        %dma_start3A_84 = arith.constant 0 : i32
        %dma_start3A_85 = tpu.memref_slice %arg11[%dma_start3A, %dma_start3A_84] : memref<128x128xf32, #tpu.memory_space<vmem>> -> memref<16x128xf32, #tpu.memory_space<vmem>>
        %dma_start3A_86 = arith.constant 9984 : i32
        %dma_start3A_87 = arith.constant 0 : i32
        %dma_start3A_88 = tpu.memref_slice %arg13[%dma_start3A_86, %dma_start3A_87] : memref<10000x128xf32, #tpu.memory_space<vmem_shared>> -> memref<16x128xf32, #tpu.memory_space<vmem_shared>>
        %dma_start3A_89 = arith.constant 9984 : i32
        %dma_start3A_90 = arith.constant 0 : i32
        %dma_start3A_91 = tpu.memref_slice %arg13[%dma_start3A_89, %dma_start3A_90] : memref<10000x128xf32, #tpu.memory_space<vmem_shared>> -> memref<16x128xf32, #tpu.memory_space<vmem_shared>>
        %dma_start3A_92 = arith.constant 0 : i32
        %dma_start3A_93 = arith.constant 0 : i32
        %dma_start3A_94 = tpu.memref_slice %arg11[%dma_start3A_92, %dma_start3A_93] : memref<128x128xf32, #tpu.memory_space<vmem>> -> memref<16x128xf32, #tpu.memory_space<vmem>>
        tpu.enqueue_dma source(%dma_start3A_94 : memref<16x128xf32, #tpu.memory_space<vmem>>) target(%dma_start3A_91 : memref<16x128xf32, #tpu.memory_space<vmem_shared>>) target_semaphore(%run_scoped3A : memref<!tpu.dma_semaphore, #tpu.memory_space<semaphore_mem>>)
        %dma_wait3A = arith.constant 0 : i32
        %dma_wait3A_95 = arith.constant 0 : i32
        %dma_wait3A_96 = tpu.memref_slice %arg11[%dma_wait3A, %dma_wait3A_95] : memref<128x128xf32, #tpu.memory_space<vmem>> -> memref<16x128xf32, #tpu.memory_space<vmem>>
        %dma_wait3A_97 = arith.constant 9984 : i32
        %dma_wait3A_98 = arith.constant 0 : i32
        %dma_wait3A_99 = tpu.memref_slice %arg13[%dma_wait3A_97, %dma_wait3A_98] : memref<10000x128xf32, #tpu.memory_space<vmem_shared>> -> memref<16x128xf32, #tpu.memory_space<vmem_shared>>
        %dma_wait3A_100 = arith.constant 9984 : i32
        %dma_wait3A_101 = arith.constant 0 : i32
        %dma_wait3A_102 = tpu.memref_slice %arg13[%dma_wait3A_100, %dma_wait3A_101] : memref<10000x128xf32, #tpu.memory_space<vmem_shared>> -> memref<16x128xf32, #tpu.memory_space<vmem_shared>>
        %dma_wait3A_103 = arith.constant 0 : i32
        %dma_wait3A_104 = arith.constant 0 : i32
        %dma_wait3A_105 = tpu.memref_slice %arg11[%dma_wait3A_103, %dma_wait3A_104] : memref<128x128xf32, #tpu.memory_space<vmem>> -> memref<16x128xf32, #tpu.memory_space<vmem>>
        tpu.wait_dma2 semaphore(%run_scoped3A : memref<!tpu.dma_semaphore, #tpu.memory_space<semaphore_mem>>) src(%dma_wait3A_105 : memref<16x128xf32, #tpu.memory_space<vmem>>) dst(%dma_wait3A_102 : memref<16x128xf32, #tpu.memory_space<vmem_shared>>)
        tpu.yield
      }) : () -> ()
    } else {
    }
    %eq3A_23 = arith.constant 0 : i32
    %eq3A_24 = arith.cmpi eq, %arg1, %eq3A_23 : i32
    %convert_element_type3A_25 = arith.extui %eq3A_24 : i1 to i32
    %cond3A_26 = arith.constant 0 : i32
    %cond3A_27 = arith.cmpi ne, %convert_element_type3A_25, %cond3A_26 : i32
    scf.if %cond3A_27 {
      "tpu.region"() ({
        %run_scoped3A = tpu.sem_alloc : memref<!tpu.dma_semaphore, #tpu.memory_space<semaphore_mem>>
        %dma_start3A = arith.constant 0 : i32
        %dma_start3A_84 = arith.constant 0 : i32
        %dma_start3A_85 = tpu.memref_slice %arg11[%dma_start3A, %dma_start3A_84] : memref<128x128xf32, #tpu.memory_space<vmem>> -> memref<104x128xf32, #tpu.memory_space<vmem>>
        %dma_start3A_86 = arith.constant 0 : i32
        %dma_start3A_87 = arith.constant 0 : i32
        %dma_start3A_88 = tpu.memref_slice %arg14[%dma_start3A_86, %dma_start3A_87] : memref<104x128xf32, #tpu.memory_space<vmem_shared>> -> memref<104x128xf32, #tpu.memory_space<vmem_shared>>
        %dma_start3A_89 = arith.constant 0 : i32
        %dma_start3A_90 = arith.constant 0 : i32
        %dma_start3A_91 = tpu.memref_slice %arg14[%dma_start3A_89, %dma_start3A_90] : memref<104x128xf32, #tpu.memory_space<vmem_shared>> -> memref<104x128xf32, #tpu.memory_space<vmem_shared>>
        %dma_start3A_92 = arith.constant 0 : i32
        %dma_start3A_93 = arith.constant 0 : i32
        %dma_start3A_94 = tpu.memref_slice %arg11[%dma_start3A_92, %dma_start3A_93] : memref<128x128xf32, #tpu.memory_space<vmem>> -> memref<104x128xf32, #tpu.memory_space<vmem>>
        tpu.enqueue_dma source(%dma_start3A_94 : memref<104x128xf32, #tpu.memory_space<vmem>>) target(%dma_start3A_91 : memref<104x128xf32, #tpu.memory_space<vmem_shared>>) target_semaphore(%run_scoped3A : memref<!tpu.dma_semaphore, #tpu.memory_space<semaphore_mem>>)
        %dma_wait3A = arith.constant 0 : i32
        %dma_wait3A_95 = arith.constant 0 : i32
        %dma_wait3A_96 = tpu.memref_slice %arg11[%dma_wait3A, %dma_wait3A_95] : memref<128x128xf32, #tpu.memory_space<vmem>> -> memref<104x128xf32, #tpu.memory_space<vmem>>
        %dma_wait3A_97 = arith.constant 0 : i32
        %dma_wait3A_98 = arith.constant 0 : i32
        %dma_wait3A_99 = tpu.memref_slice %arg14[%dma_wait3A_97, %dma_wait3A_98] : memref<104x128xf32, #tpu.memory_space<vmem_shared>> -> memref<104x128xf32, #tpu.memory_space<vmem_shared>>
        %dma_wait3A_100 = arith.constant 0 : i32
        %dma_wait3A_101 = arith.constant 0 : i32
        %dma_wait3A_102 = tpu.memref_slice %arg14[%dma_wait3A_100, %dma_wait3A_101] : memref<104x128xf32, #tpu.memory_space<vmem_shared>> -> memref<104x128xf32, #tpu.memory_space<vmem_shared>>
        %dma_wait3A_103 = arith.constant 0 : i32
        %dma_wait3A_104 = arith.constant 0 : i32
        %dma_wait3A_105 = tpu.memref_slice %arg11[%dma_wait3A_103, %dma_wait3A_104] : memref<128x128xf32, #tpu.memory_space<vmem>> -> memref<104x128xf32, #tpu.memory_space<vmem>>
        tpu.wait_dma2 semaphore(%run_scoped3A : memref<!tpu.dma_semaphore, #tpu.memory_space<semaphore_mem>>) src(%dma_wait3A_105 : memref<104x128xf32, #tpu.memory_space<vmem>>) dst(%dma_wait3A_102 : memref<104x128xf32, #tpu.memory_space<vmem_shared>>)
        tpu.yield
      }) : () -> ()
    } else {
    }
    %barrier3A = arith.constant 0 : index
    tpu.barrier barrier_id(%barrier3A)
    %scan3A = arith.constant 0 : i32
    %scan3A_28 = arith.constant 0 : i32
    %scan3A_29 = arith.constant 79 : i32
    %scan3A_30 = arith.addi %scan3A_28, %scan3A_29 : i32
    %scan3A_31 = arith.constant 1 : i32
    scf.for %scan3A_84 = %scan3A_28 to %scan3A_30 step %scan3A_31  : i32 {
      %mul3A_85 = arith.constant 32 : i32
      %mul3A_86 = arith.muli %scan3A_84, %mul3A_85 : i32
      %add3A_87 = arith.addi %mul3A_86, %add3A : i32
      %lt3A = arith.constant 2500 : i32
      %lt3A_88 = arith.cmpi slt, %add3A_87, %lt3A : i32
      %convert_element_type3A_89 = arith.extui %lt3A_88 : i1 to i32
      %cond3A_90 = arith.constant 0 : i32
      %cond3A_91 = arith.cmpi ne, %convert_element_type3A_89, %cond3A_90 : i32
      scf.if %cond3A_91 {
        %mul3A_92 = arith.constant 128 : i32
        %mul3A_93 = arith.muli %add3A_87, %mul3A_92 : i32
        %dma_start3A = tpu.memref_slice %arg4[%mul3A_93] : memref<320000xi32, #tpu.memory_space<hbm>> -> memref<128xi32, #tpu.memory_space<hbm>>
        %dma_start3A_94 = tpu.memref_slice %arg4[%mul3A_93] : memref<320000xi32, #tpu.memory_space<hbm>> -> memref<128xi32, #tpu.memory_space<hbm>>
        tpu.enqueue_dma source(%dma_start3A_94 : memref<128xi32, #tpu.memory_space<hbm>>) target(%arg9 : memref<128xi32, #tpu.memory_space<vmem>>) target_semaphore(%arg15 : memref<!tpu.dma_semaphore, #tpu.memory_space<semaphore_mem>>)
        %dma_start3A_95 = tpu.memref_slice %arg5[%mul3A_93] : memref<320000xi32, #tpu.memory_space<hbm>> -> memref<128xi32, #tpu.memory_space<hbm>>
        %dma_start3A_96 = tpu.memref_slice %arg5[%mul3A_93] : memref<320000xi32, #tpu.memory_space<hbm>> -> memref<128xi32, #tpu.memory_space<hbm>>
        tpu.enqueue_dma source(%dma_start3A_96 : memref<128xi32, #tpu.memory_space<hbm>>) target(%arg10 : memref<128xi32, #tpu.memory_space<vmem>>) target_semaphore(%arg15 : memref<!tpu.dma_semaphore, #tpu.memory_space<semaphore_mem>>)
        %dma_start3A_97 = arith.constant 0 : i32
        %dma_start3A_98 = tpu.memref_slice %arg2[%mul3A_93, %dma_start3A_97] : memref<320000x128xf32, #tpu.memory_space<hbm>> -> memref<128x128xf32, #tpu.memory_space<hbm>>
        %dma_start3A_99 = arith.constant 0 : i32
        %dma_start3A_100 = tpu.memref_slice %arg2[%mul3A_93, %dma_start3A_99] : memref<320000x128xf32, #tpu.memory_space<hbm>> -> memref<128x128xf32, #tpu.memory_space<hbm>>
        tpu.enqueue_dma source(%dma_start3A_100 : memref<128x128xf32, #tpu.memory_space<hbm>>) target(%arg11 : memref<128x128xf32, #tpu.memory_space<vmem>>) target_semaphore(%arg15 : memref<!tpu.dma_semaphore, #tpu.memory_space<semaphore_mem>>)
        %dma_start3A_101 = arith.constant 0 : i32
        %dma_start3A_102 = tpu.memref_slice %arg3[%mul3A_93, %dma_start3A_101] : memref<320000x128xf32, #tpu.memory_space<hbm>> -> memref<128x128xf32, #tpu.memory_space<hbm>>
        %dma_start3A_103 = arith.constant 0 : i32
        %dma_start3A_104 = tpu.memref_slice %arg3[%mul3A_93, %dma_start3A_103] : memref<320000x128xf32, #tpu.memory_space<hbm>> -> memref<128x128xf32, #tpu.memory_space<hbm>>
        tpu.enqueue_dma source(%dma_start3A_104 : memref<128x128xf32, #tpu.memory_space<hbm>>) target(%arg12 : memref<128x128xf32, #tpu.memory_space<vmem>>) target_semaphore(%arg15 : memref<!tpu.dma_semaphore, #tpu.memory_space<semaphore_mem>>)
        %dma_wait3A = tpu.memref_slice %arg4[%mul3A_93] : memref<320000xi32, #tpu.memory_space<hbm>> -> memref<128xi32, #tpu.memory_space<hbm>>
        %dma_wait3A_105 = tpu.memref_slice %arg4[%mul3A_93] : memref<320000xi32, #tpu.memory_space<hbm>> -> memref<128xi32, #tpu.memory_space<hbm>>
        tpu.wait_dma2 semaphore(%arg15 : memref<!tpu.dma_semaphore, #tpu.memory_space<semaphore_mem>>) src(%dma_wait3A_105 : memref<128xi32, #tpu.memory_space<hbm>>) dst(%arg9 : memref<128xi32, #tpu.memory_space<vmem>>)
        %dma_wait3A_106 = tpu.memref_slice %arg5[%mul3A_93] : memref<320000xi32, #tpu.memory_space<hbm>> -> memref<128xi32, #tpu.memory_space<hbm>>
        %dma_wait3A_107 = tpu.memref_slice %arg5[%mul3A_93] : memref<320000xi32, #tpu.memory_space<hbm>> -> memref<128xi32, #tpu.memory_space<hbm>>
        tpu.wait_dma2 semaphore(%arg15 : memref<!tpu.dma_semaphore, #tpu.memory_space<semaphore_mem>>) src(%dma_wait3A_107 : memref<128xi32, #tpu.memory_space<hbm>>) dst(%arg10 : memref<128xi32, #tpu.memory_space<vmem>>)
        %dma_wait3A_108 = arith.constant 0 : i32
        %dma_wait3A_109 = tpu.memref_slice %arg2[%mul3A_93, %dma_wait3A_108] : memref<320000x128xf32, #tpu.memory_space<hbm>> -> memref<128x128xf32, #tpu.memory_space<hbm>>
        %dma_wait3A_110 = arith.constant 0 : i32
        %dma_wait3A_111 = tpu.memref_slice %arg2[%mul3A_93, %dma_wait3A_110] : memref<320000x128xf32, #tpu.memory_space<hbm>> -> memref<128x128xf32, #tpu.memory_space<hbm>>
        tpu.wait_dma2 semaphore(%arg15 : memref<!tpu.dma_semaphore, #tpu.memory_space<semaphore_mem>>) src(%dma_wait3A_111 : memref<128x128xf32, #tpu.memory_space<hbm>>) dst(%arg11 : memref<128x128xf32, #tpu.memory_space<vmem>>)
        %dma_wait3A_112 = arith.constant 0 : i32
        %dma_wait3A_113 = tpu.memref_slice %arg3[%mul3A_93, %dma_wait3A_112] : memref<320000x128xf32, #tpu.memory_space<hbm>> -> memref<128x128xf32, #tpu.memory_space<hbm>>
        %dma_wait3A_114 = arith.constant 0 : i32
        %dma_wait3A_115 = tpu.memref_slice %arg3[%mul3A_93, %dma_wait3A_114] : memref<320000x128xf32, #tpu.memory_space<hbm>> -> memref<128x128xf32, #tpu.memory_space<hbm>>
        tpu.wait_dma2 semaphore(%arg15 : memref<!tpu.dma_semaphore, #tpu.memory_space<semaphore_mem>>) src(%dma_wait3A_115 : memref<128x128xf32, #tpu.memory_space<hbm>>) dst(%arg12 : memref<128x128xf32, #tpu.memory_space<vmem>>)
        %dma_start3A_116 = arith.constant 0 : i32
        %dma_start3A_117 = arith.constant 0 : i32
        %dma_start3A_118 = tpu.memref_slice %arg13[%dma_start3A_116, %dma_start3A_117] : memref<10000x128xf32, #tpu.memory_space<vmem_shared>> -> memref<10000x128xf32, #tpu.memory_space<vmem_shared>>
        tpu.enqueue_indirect_dma source(%arg11 : memref<128x128xf32, #tpu.memory_space<vmem>>) target(%dma_start3A_118 : memref<10000x128xf32, #tpu.memory_space<vmem_shared>>) offsets(%arg9 : memref<128xi32, #tpu.memory_space<vmem>>) semaphore(%arg16 : memref<!tpu.dma_semaphore, #tpu.memory_space<semaphore_mem>>) {add = true}
        %dma_start3A_119 = arith.constant 0 : i32
        %dma_start3A_120 = arith.constant 0 : i32
        %dma_start3A_121 = tpu.memref_slice %arg14[%dma_start3A_119, %dma_start3A_120] : memref<104x128xf32, #tpu.memory_space<vmem_shared>> -> memref<104x128xf32, #tpu.memory_space<vmem_shared>>
        tpu.enqueue_indirect_dma source(%arg12 : memref<128x128xf32, #tpu.memory_space<vmem>>) target(%dma_start3A_121 : memref<104x128xf32, #tpu.memory_space<vmem_shared>>) offsets(%arg10 : memref<128xi32, #tpu.memory_space<vmem>>) semaphore(%arg16 : memref<!tpu.dma_semaphore, #tpu.memory_space<semaphore_mem>>) {add = true}
        %dma_wait3A_122 = arith.constant 0 : i32
        %dma_wait3A_123 = arith.constant 0 : i32
        %dma_wait3A_124 = tpu.memref_slice %arg13[%dma_wait3A_122, %dma_wait3A_123] : memref<10000x128xf32, #tpu.memory_space<vmem_shared>> -> memref<10000x128xf32, #tpu.memory_space<vmem_shared>>
        tpu.wait_indirect_dma semaphore(%arg16 : memref<!tpu.dma_semaphore, #tpu.memory_space<semaphore_mem>>) src(%arg11 : memref<128x128xf32, #tpu.memory_space<vmem>>) dst(%dma_wait3A_124 : memref<10000x128xf32, #tpu.memory_space<vmem_shared>>)
        %dma_wait3A_125 = arith.constant 0 : i32
        %dma_wait3A_126 = arith.constant 0 : i32
        %dma_wait3A_127 = tpu.memref_slice %arg14[%dma_wait3A_125, %dma_wait3A_126] : memref<104x128xf32, #tpu.memory_space<vmem_shared>> -> memref<104x128xf32, #tpu.memory_space<vmem_shared>>
        tpu.wait_indirect_dma semaphore(%arg16 : memref<!tpu.dma_semaphore, #tpu.memory_space<semaphore_mem>>) src(%arg12 : memref<128x128xf32, #tpu.memory_space<vmem>>) dst(%dma_wait3A_127 : memref<104x128xf32, #tpu.memory_space<vmem_shared>>)
      } else {
      }
    }
    %scan3A_32 = arith.constant 79 : i32
    %barrier3A_33 = arith.constant 0 : index
    tpu.barrier barrier_id(%barrier3A_33)
    %mul3A_34 = arith.constant 624 : i32
    %mul3A_35 = arith.muli %arg1, %mul3A_34 : i32
    %add3A_36 = arith.constant 0 : i32
    %add3A_37 = arith.addi %mul3A_35, %add3A_36 : i32
    "tpu.region"() ({
      %run_scoped3A = tpu.sem_alloc : memref<!tpu.dma_semaphore, #tpu.memory_space<semaphore_mem>>
      %dma_start3A = arith.constant 0 : i32
      %dma_start3A_84 = arith.constant 0 : i32
      %dma_start3A_85 = tpu.memref_slice %arg11[%dma_start3A, %dma_start3A_84] : memref<128x128xf32, #tpu.memory_space<vmem>> -> memref<128x128xf32, #tpu.memory_space<vmem>>
      %dma_start3A_86 = arith.constant 0 : i32
      %dma_start3A_87 = tpu.memref_slice %arg13[%add3A_37, %dma_start3A_86] : memref<10000x128xf32, #tpu.memory_space<vmem_shared>> -> memref<128x128xf32, #tpu.memory_space<vmem_shared>>
      %dma_start3A_88 = arith.constant 0 : i32
      %dma_start3A_89 = arith.constant 0 : i32
      %dma_start3A_90 = tpu.memref_slice %arg11[%dma_start3A_88, %dma_start3A_89] : memref<128x128xf32, #tpu.memory_space<vmem>> -> memref<128x128xf32, #tpu.memory_space<vmem>>
      %dma_start3A_91 = arith.constant 0 : i32
      %dma_start3A_92 = tpu.memref_slice %arg13[%add3A_37, %dma_start3A_91] : memref<10000x128xf32, #tpu.memory_space<vmem_shared>> -> memref<128x128xf32, #tpu.memory_space<vmem_shared>>
      tpu.enqueue_dma source(%dma_start3A_92 : memref<128x128xf32, #tpu.memory_space<vmem_shared>>) target(%dma_start3A_90 : memref<128x128xf32, #tpu.memory_space<vmem>>) target_semaphore(%run_scoped3A : memref<!tpu.dma_semaphore, #tpu.memory_space<semaphore_mem>>)
      %dma_wait3A = arith.constant 0 : i32
      %dma_wait3A_93 = arith.constant 0 : i32
      %dma_wait3A_94 = tpu.memref_slice %arg11[%dma_wait3A, %dma_wait3A_93] : memref<128x128xf32, #tpu.memory_space<vmem>> -> memref<128x128xf32, #tpu.memory_space<vmem>>
      %dma_wait3A_95 = arith.constant 0 : i32
      %dma_wait3A_96 = tpu.memref_slice %arg13[%add3A_37, %dma_wait3A_95] : memref<10000x128xf32, #tpu.memory_space<vmem_shared>> -> memref<128x128xf32, #tpu.memory_space<vmem_shared>>
      %dma_wait3A_97 = arith.constant 0 : i32
      %dma_wait3A_98 = arith.constant 0 : i32
      %dma_wait3A_99 = tpu.memref_slice %arg11[%dma_wait3A_97, %dma_wait3A_98] : memref<128x128xf32, #tpu.memory_space<vmem>> -> memref<128x128xf32, #tpu.memory_space<vmem>>
      %dma_wait3A_100 = arith.constant 0 : i32
      %dma_wait3A_101 = tpu.memref_slice %arg13[%add3A_37, %dma_wait3A_100] : memref<10000x128xf32, #tpu.memory_space<vmem_shared>> -> memref<128x128xf32, #tpu.memory_space<vmem_shared>>
      tpu.wait_dma2 semaphore(%run_scoped3A : memref<!tpu.dma_semaphore, #tpu.memory_space<semaphore_mem>>) src(%dma_wait3A_101 : memref<128x128xf32, #tpu.memory_space<vmem_shared>>) dst(%dma_wait3A_99 : memref<128x128xf32, #tpu.memory_space<vmem>>)
      tpu.yield
    }) : () -> ()
    %mul3A_38 = arith.constant 624 : i32
    %mul3A_39 = arith.muli %arg1, %mul3A_38 : i32
    %add3A_40 = arith.constant 0 : i32
    %add3A_41 = arith.addi %mul3A_39, %add3A_40 : i32
    "tpu.region"() ({
      %run_scoped3A = tpu.sem_alloc : memref<!tpu.dma_semaphore, #tpu.memory_space<semaphore_mem>>
      %dma_start3A = arith.constant 0 : i32
      %dma_start3A_84 = arith.constant 0 : i32
      %dma_start3A_85 = tpu.memref_slice %arg11[%dma_start3A, %dma_start3A_84] : memref<128x128xf32, #tpu.memory_space<vmem>> -> memref<128x128xf32, #tpu.memory_space<vmem>>
      %dma_start3A_86 = arith.constant 0 : i32
      %dma_start3A_87 = tpu.memref_slice %arg7[%arg0, %add3A_41, %dma_start3A_86] : memref<2x10000x128xf32, #tpu.memory_space<hbm>> -> memref<1x128x128xf32, #tpu.memory_space<hbm>>
      %dma_start3A_88 = tpu.memref_squeeze %dma_start3A_87 : memref<1x128x128xf32, #tpu.memory_space<hbm>> -> memref<128x128xf32, #tpu.memory_space<hbm>>
      %dma_start3A_89 = arith.constant 0 : i32
      %dma_start3A_90 = tpu.memref_slice %arg7[%arg0, %add3A_41, %dma_start3A_89] : memref<2x10000x128xf32, #tpu.memory_space<hbm>> -> memref<1x128x128xf32, #tpu.memory_space<hbm>>
      %dma_start3A_91 = tpu.memref_squeeze %dma_start3A_90 : memref<1x128x128xf32, #tpu.memory_space<hbm>> -> memref<128x128xf32, #tpu.memory_space<hbm>>
      %dma_start3A_92 = arith.constant 0 : i32
      %dma_start3A_93 = arith.constant 0 : i32
      %dma_start3A_94 = tpu.memref_slice %arg11[%dma_start3A_92, %dma_start3A_93] : memref<128x128xf32, #tpu.memory_space<vmem>> -> memref<128x128xf32, #tpu.memory_space<vmem>>
      tpu.enqueue_dma source(%dma_start3A_94 : memref<128x128xf32, #tpu.memory_space<vmem>>) target(%dma_start3A_91 : memref<128x128xf32, #tpu.memory_space<hbm>>) target_semaphore(%run_scoped3A : memref<!tpu.dma_semaphore, #tpu.memory_space<semaphore_mem>>)
      %dma_wait3A = arith.constant 0 : i32
      %dma_wait3A_95 = arith.constant 0 : i32
      %dma_wait3A_96 = tpu.memref_slice %arg11[%dma_wait3A, %dma_wait3A_95] : memref<128x128xf32, #tpu.memory_space<vmem>> -> memref<128x128xf32, #tpu.memory_space<vmem>>
      %dma_wait3A_97 = arith.constant 0 : i32
      %dma_wait3A_98 = tpu.memref_slice %arg7[%arg0, %add3A_41, %dma_wait3A_97] : memref<2x10000x128xf32, #tpu.memory_space<hbm>> -> memref<1x128x128xf32, #tpu.memory_space<hbm>>
      %dma_wait3A_99 = tpu.memref_squeeze %dma_wait3A_98 : memref<1x128x128xf32, #tpu.memory_space<hbm>> -> memref<128x128xf32, #tpu.memory_space<hbm>>
      %dma_wait3A_100 = arith.constant 0 : i32
      %dma_wait3A_101 = tpu.memref_slice %arg7[%arg0, %add3A_41, %dma_wait3A_100] : memref<2x10000x128xf32, #tpu.memory_space<hbm>> -> memref<1x128x128xf32, #tpu.memory_space<hbm>>
      %dma_wait3A_102 = tpu.memref_squeeze %dma_wait3A_101 : memref<1x128x128xf32, #tpu.memory_space<hbm>> -> memref<128x128xf32, #tpu.memory_space<hbm>>
      %dma_wait3A_103 = arith.constant 0 : i32
      %dma_wait3A_104 = arith.constant 0 : i32
      %dma_wait3A_105 = tpu.memref_slice %arg11[%dma_wait3A_103, %dma_wait3A_104] : memref<128x128xf32, #tpu.memory_space<vmem>> -> memref<128x128xf32, #tpu.memory_space<vmem>>
      tpu.wait_dma2 semaphore(%run_scoped3A : memref<!tpu.dma_semaphore, #tpu.memory_space<semaphore_mem>>) src(%dma_wait3A_105 : memref<128x128xf32, #tpu.memory_space<vmem>>) dst(%dma_wait3A_102 : memref<128x128xf32, #tpu.memory_space<hbm>>)
      tpu.yield
    }) : () -> ()
    %mul3A_42 = arith.constant 624 : i32
    %mul3A_43 = arith.muli %arg1, %mul3A_42 : i32
    %add3A_44 = arith.constant 128 : i32
    %add3A_45 = arith.addi %mul3A_43, %add3A_44 : i32
    "tpu.region"() ({
      %run_scoped3A = tpu.sem_alloc : memref<!tpu.dma_semaphore, #tpu.memory_space<semaphore_mem>>
      %dma_start3A = arith.constant 0 : i32
      %dma_start3A_84 = arith.constant 0 : i32
      %dma_start3A_85 = tpu.memref_slice %arg11[%dma_start3A, %dma_start3A_84] : memref<128x128xf32, #tpu.memory_space<vmem>> -> memref<128x128xf32, #tpu.memory_space<vmem>>
      %dma_start3A_86 = arith.constant 0 : i32
      %dma_start3A_87 = tpu.memref_slice %arg13[%add3A_45, %dma_start3A_86] : memref<10000x128xf32, #tpu.memory_space<vmem_shared>> -> memref<128x128xf32, #tpu.memory_space<vmem_shared>>
      %dma_start3A_88 = arith.constant 0 : i32
      %dma_start3A_89 = arith.constant 0 : i32
      %dma_start3A_90 = tpu.memref_slice %arg11[%dma_start3A_88, %dma_start3A_89] : memref<128x128xf32, #tpu.memory_space<vmem>> -> memref<128x128xf32, #tpu.memory_space<vmem>>
      %dma_start3A_91 = arith.constant 0 : i32
      %dma_start3A_92 = tpu.memref_slice %arg13[%add3A_45, %dma_start3A_91] : memref<10000x128xf32, #tpu.memory_space<vmem_shared>> -> memref<128x128xf32, #tpu.memory_space<vmem_shared>>
      tpu.enqueue_dma source(%dma_start3A_92 : memref<128x128xf32, #tpu.memory_space<vmem_shared>>) target(%dma_start3A_90 : memref<128x128xf32, #tpu.memory_space<vmem>>) target_semaphore(%run_scoped3A : memref<!tpu.dma_semaphore, #tpu.memory_space<semaphore_mem>>)
      %dma_wait3A = arith.constant 0 : i32
      %dma_wait3A_93 = arith.constant 0 : i32
      %dma_wait3A_94 = tpu.memref_slice %arg11[%dma_wait3A, %dma_wait3A_93] : memref<128x128xf32, #tpu.memory_space<vmem>> -> memref<128x128xf32, #tpu.memory_space<vmem>>
      %dma_wait3A_95 = arith.constant 0 : i32
      %dma_wait3A_96 = tpu.memref_slice %arg13[%add3A_45, %dma_wait3A_95] : memref<10000x128xf32, #tpu.memory_space<vmem_shared>> -> memref<128x128xf32, #tpu.memory_space<vmem_shared>>
      %dma_wait3A_97 = arith.constant 0 : i32
      %dma_wait3A_98 = arith.constant 0 : i32
      %dma_wait3A_99 = tpu.memref_slice %arg11[%dma_wait3A_97, %dma_wait3A_98] : memref<128x128xf32, #tpu.memory_space<vmem>> -> memref<128x128xf32, #tpu.memory_space<vmem>>
      %dma_wait3A_100 = arith.constant 0 : i32
      %dma_wait3A_101 = tpu.memref_slice %arg13[%add3A_45, %dma_wait3A_100] : memref<10000x128xf32, #tpu.memory_space<vmem_shared>> -> memref<128x128xf32, #tpu.memory_space<vmem_shared>>
      tpu.wait_dma2 semaphore(%run_scoped3A : memref<!tpu.dma_semaphore, #tpu.memory_space<semaphore_mem>>) src(%dma_wait3A_101 : memref<128x128xf32, #tpu.memory_space<vmem_shared>>) dst(%dma_wait3A_99 : memref<128x128xf32, #tpu.memory_space<vmem>>)
      tpu.yield
    }) : () -> ()
    %mul3A_46 = arith.constant 624 : i32
    %mul3A_47 = arith.muli %arg1, %mul3A_46 : i32
    %add3A_48 = arith.constant 128 : i32
    %add3A_49 = arith.addi %mul3A_47, %add3A_48 : i32
    "tpu.region"() ({
      %run_scoped3A = tpu.sem_alloc : memref<!tpu.dma_semaphore, #tpu.memory_space<semaphore_mem>>
      %dma_start3A = arith.constant 0 : i32
      %dma_start3A_84 = arith.constant 0 : i32
      %dma_start3A_85 = tpu.memref_slice %arg11[%dma_start3A, %dma_start3A_84] : memref<128x128xf32, #tpu.memory_space<vmem>> -> memref<128x128xf32, #tpu.memory_space<vmem>>
      %dma_start3A_86 = arith.constant 0 : i32
      %dma_start3A_87 = tpu.memref_slice %arg7[%arg0, %add3A_49, %dma_start3A_86] : memref<2x10000x128xf32, #tpu.memory_space<hbm>> -> memref<1x128x128xf32, #tpu.memory_space<hbm>>
      %dma_start3A_88 = tpu.memref_squeeze %dma_start3A_87 : memref<1x128x128xf32, #tpu.memory_space<hbm>> -> memref<128x128xf32, #tpu.memory_space<hbm>>
      %dma_start3A_89 = arith.constant 0 : i32
      %dma_start3A_90 = tpu.memref_slice %arg7[%arg0, %add3A_49, %dma_start3A_89] : memref<2x10000x128xf32, #tpu.memory_space<hbm>> -> memref<1x128x128xf32, #tpu.memory_space<hbm>>
      %dma_start3A_91 = tpu.memref_squeeze %dma_start3A_90 : memref<1x128x128xf32, #tpu.memory_space<hbm>> -> memref<128x128xf32, #tpu.memory_space<hbm>>
      %dma_start3A_92 = arith.constant 0 : i32
      %dma_start3A_93 = arith.constant 0 : i32
      %dma_start3A_94 = tpu.memref_slice %arg11[%dma_start3A_92, %dma_start3A_93] : memref<128x128xf32, #tpu.memory_space<vmem>> -> memref<128x128xf32, #tpu.memory_space<vmem>>
      tpu.enqueue_dma source(%dma_start3A_94 : memref<128x128xf32, #tpu.memory_space<vmem>>) target(%dma_start3A_91 : memref<128x128xf32, #tpu.memory_space<hbm>>) target_semaphore(%run_scoped3A : memref<!tpu.dma_semaphore, #tpu.memory_space<semaphore_mem>>)
      %dma_wait3A = arith.constant 0 : i32
      %dma_wait3A_95 = arith.constant 0 : i32
      %dma_wait3A_96 = tpu.memref_slice %arg11[%dma_wait3A, %dma_wait3A_95] : memref<128x128xf32, #tpu.memory_space<vmem>> -> memref<128x128xf32, #tpu.memory_space<vmem>>
      %dma_wait3A_97 = arith.constant 0 : i32
      %dma_wait3A_98 = tpu.memref_slice %arg7[%arg0, %add3A_49, %dma_wait3A_97] : memref<2x10000x128xf32, #tpu.memory_space<hbm>> -> memref<1x128x128xf32, #tpu.memory_space<hbm>>
      %dma_wait3A_99 = tpu.memref_squeeze %dma_wait3A_98 : memref<1x128x128xf32, #tpu.memory_space<hbm>> -> memref<128x128xf32, #tpu.memory_space<hbm>>
      %dma_wait3A_100 = arith.constant 0 : i32
      %dma_wait3A_101 = tpu.memref_slice %arg7[%arg0, %add3A_49, %dma_wait3A_100] : memref<2x10000x128xf32, #tpu.memory_space<hbm>> -> memref<1x128x128xf32, #tpu.memory_space<hbm>>
      %dma_wait3A_102 = tpu.memref_squeeze %dma_wait3A_101 : memref<1x128x128xf32, #tpu.memory_space<hbm>> -> memref<128x128xf32, #tpu.memory_space<hbm>>
      %dma_wait3A_103 = arith.constant 0 : i32
      %dma_wait3A_104 = arith.constant 0 : i32
      %dma_wait3A_105 = tpu.memref_slice %arg11[%dma_wait3A_103, %dma_wait3A_104] : memref<128x128xf32, #tpu.memory_space<vmem>> -> memref<128x128xf32, #tpu.memory_space<vmem>>
      tpu.wait_dma2 semaphore(%run_scoped3A : memref<!tpu.dma_semaphore, #tpu.memory_space<semaphore_mem>>) src(%dma_wait3A_105 : memref<128x128xf32, #tpu.memory_space<vmem>>) dst(%dma_wait3A_102 : memref<128x128xf32, #tpu.memory_space<hbm>>)
      tpu.yield
    }) : () -> ()
    %mul3A_50 = arith.constant 624 : i32
    %mul3A_51 = arith.muli %arg1, %mul3A_50 : i32
    %add3A_52 = arith.constant 256 : i32
    %add3A_53 = arith.addi %mul3A_51, %add3A_52 : i32
    "tpu.region"() ({
      %run_scoped3A = tpu.sem_alloc : memref<!tpu.dma_semaphore, #tpu.memory_space<semaphore_mem>>
      %dma_start3A = arith.constant 0 : i32
      %dma_start3A_84 = arith.constant 0 : i32
      %dma_start3A_85 = tpu.memref_slice %arg11[%dma_start3A, %dma_start3A_84] : memref<128x128xf32, #tpu.memory_space<vmem>> -> memref<128x128xf32, #tpu.memory_space<vmem>>
      %dma_start3A_86 = arith.constant 0 : i32
      %dma_start3A_87 = tpu.memref_slice %arg13[%add3A_53, %dma_start3A_86] : memref<10000x128xf32, #tpu.memory_space<vmem_shared>> -> memref<128x128xf32, #tpu.memory_space<vmem_shared>>
      %dma_start3A_88 = arith.constant 0 : i32
      %dma_start3A_89 = arith.constant 0 : i32
      %dma_start3A_90 = tpu.memref_slice %arg11[%dma_start3A_88, %dma_start3A_89] : memref<128x128xf32, #tpu.memory_space<vmem>> -> memref<128x128xf32, #tpu.memory_space<vmem>>
      %dma_start3A_91 = arith.constant 0 : i32
      %dma_start3A_92 = tpu.memref_slice %arg13[%add3A_53, %dma_start3A_91] : memref<10000x128xf32, #tpu.memory_space<vmem_shared>> -> memref<128x128xf32, #tpu.memory_space<vmem_shared>>
      tpu.enqueue_dma source(%dma_start3A_92 : memref<128x128xf32, #tpu.memory_space<vmem_shared>>) target(%dma_start3A_90 : memref<128x128xf32, #tpu.memory_space<vmem>>) target_semaphore(%run_scoped3A : memref<!tpu.dma_semaphore, #tpu.memory_space<semaphore_mem>>)
      %dma_wait3A = arith.constant 0 : i32
      %dma_wait3A_93 = arith.constant 0 : i32
      %dma_wait3A_94 = tpu.memref_slice %arg11[%dma_wait3A, %dma_wait3A_93] : memref<128x128xf32, #tpu.memory_space<vmem>> -> memref<128x128xf32, #tpu.memory_space<vmem>>
      %dma_wait3A_95 = arith.constant 0 : i32
      %dma_wait3A_96 = tpu.memref_slice %arg13[%add3A_53, %dma_wait3A_95] : memref<10000x128xf32, #tpu.memory_space<vmem_shared>> -> memref<128x128xf32, #tpu.memory_space<vmem_shared>>
      %dma_wait3A_97 = arith.constant 0 : i32
      %dma_wait3A_98 = arith.constant 0 : i32
      %dma_wait3A_99 = tpu.memref_slice %arg11[%dma_wait3A_97, %dma_wait3A_98] : memref<128x128xf32, #tpu.memory_space<vmem>> -> memref<128x128xf32, #tpu.memory_space<vmem>>
      %dma_wait3A_100 = arith.constant 0 : i32
      %dma_wait3A_101 = tpu.memref_slice %arg13[%add3A_53, %dma_wait3A_100] : memref<10000x128xf32, #tpu.memory_space<vmem_shared>> -> memref<128x128xf32, #tpu.memory_space<vmem_shared>>
      tpu.wait_dma2 semaphore(%run_scoped3A : memref<!tpu.dma_semaphore, #tpu.memory_space<semaphore_mem>>) src(%dma_wait3A_101 : memref<128x128xf32, #tpu.memory_space<vmem_shared>>) dst(%dma_wait3A_99 : memref<128x128xf32, #tpu.memory_space<vmem>>)
      tpu.yield
    }) : () -> ()
    %mul3A_54 = arith.constant 624 : i32
    %mul3A_55 = arith.muli %arg1, %mul3A_54 : i32
    %add3A_56 = arith.constant 256 : i32
    %add3A_57 = arith.addi %mul3A_55, %add3A_56 : i32
    "tpu.region"() ({
      %run_scoped3A = tpu.sem_alloc : memref<!tpu.dma_semaphore, #tpu.memory_space<semaphore_mem>>
      %dma_start3A = arith.constant 0 : i32
      %dma_start3A_84 = arith.constant 0 : i32
      %dma_start3A_85 = tpu.memref_slice %arg11[%dma_start3A, %dma_start3A_84] : memref<128x128xf32, #tpu.memory_space<vmem>> -> memref<128x128xf32, #tpu.memory_space<vmem>>
      %dma_start3A_86 = arith.constant 0 : i32
      %dma_start3A_87 = tpu.memref_slice %arg7[%arg0, %add3A_57, %dma_start3A_86] : memref<2x10000x128xf32, #tpu.memory_space<hbm>> -> memref<1x128x128xf32, #tpu.memory_space<hbm>>
      %dma_start3A_88 = tpu.memref_squeeze %dma_start3A_87 : memref<1x128x128xf32, #tpu.memory_space<hbm>> -> memref<128x128xf32, #tpu.memory_space<hbm>>
      %dma_start3A_89 = arith.constant 0 : i32
      %dma_start3A_90 = tpu.memref_slice %arg7[%arg0, %add3A_57, %dma_start3A_89] : memref<2x10000x128xf32, #tpu.memory_space<hbm>> -> memref<1x128x128xf32, #tpu.memory_space<hbm>>
      %dma_start3A_91 = tpu.memref_squeeze %dma_start3A_90 : memref<1x128x128xf32, #tpu.memory_space<hbm>> -> memref<128x128xf32, #tpu.memory_space<hbm>>
      %dma_start3A_92 = arith.constant 0 : i32
      %dma_start3A_93 = arith.constant 0 : i32
      %dma_start3A_94 = tpu.memref_slice %arg11[%dma_start3A_92, %dma_start3A_93] : memref<128x128xf32, #tpu.memory_space<vmem>> -> memref<128x128xf32, #tpu.memory_space<vmem>>
      tpu.enqueue_dma source(%dma_start3A_94 : memref<128x128xf32, #tpu.memory_space<vmem>>) target(%dma_start3A_91 : memref<128x128xf32, #tpu.memory_space<hbm>>) target_semaphore(%run_scoped3A : memref<!tpu.dma_semaphore, #tpu.memory_space<semaphore_mem>>)
      %dma_wait3A = arith.constant 0 : i32
      %dma_wait3A_95 = arith.constant 0 : i32
      %dma_wait3A_96 = tpu.memref_slice %arg11[%dma_wait3A, %dma_wait3A_95] : memref<128x128xf32, #tpu.memory_space<vmem>> -> memref<128x128xf32, #tpu.memory_space<vmem>>
      %dma_wait3A_97 = arith.constant 0 : i32
      %dma_wait3A_98 = tpu.memref_slice %arg7[%arg0, %add3A_57, %dma_wait3A_97] : memref<2x10000x128xf32, #tpu.memory_space<hbm>> -> memref<1x128x128xf32, #tpu.memory_space<hbm>>
      %dma_wait3A_99 = tpu.memref_squeeze %dma_wait3A_98 : memref<1x128x128xf32, #tpu.memory_space<hbm>> -> memref<128x128xf32, #tpu.memory_space<hbm>>
      %dma_wait3A_100 = arith.constant 0 : i32
      %dma_wait3A_101 = tpu.memref_slice %arg7[%arg0, %add3A_57, %dma_wait3A_100] : memref<2x10000x128xf32, #tpu.memory_space<hbm>> -> memref<1x128x128xf32, #tpu.memory_space<hbm>>
      %dma_wait3A_102 = tpu.memref_squeeze %dma_wait3A_101 : memref<1x128x128xf32, #tpu.memory_space<hbm>> -> memref<128x128xf32, #tpu.memory_space<hbm>>
      %dma_wait3A_103 = arith.constant 0 : i32
      %dma_wait3A_104 = arith.constant 0 : i32
      %dma_wait3A_105 = tpu.memref_slice %arg11[%dma_wait3A_103, %dma_wait3A_104] : memref<128x128xf32, #tpu.memory_space<vmem>> -> memref<128x128xf32, #tpu.memory_space<vmem>>
      tpu.wait_dma2 semaphore(%run_scoped3A : memref<!tpu.dma_semaphore, #tpu.memory_space<semaphore_mem>>) src(%dma_wait3A_105 : memref<128x128xf32, #tpu.memory_space<vmem>>) dst(%dma_wait3A_102 : memref<128x128xf32, #tpu.memory_space<hbm>>)
      tpu.yield
    }) : () -> ()
    %mul3A_58 = arith.constant 624 : i32
    %mul3A_59 = arith.muli %arg1, %mul3A_58 : i32
    %add3A_60 = arith.constant 384 : i32
    %add3A_61 = arith.addi %mul3A_59, %add3A_60 : i32
    "tpu.region"() ({
      %run_scoped3A = tpu.sem_alloc : memref<!tpu.dma_semaphore, #tpu.memory_space<semaphore_mem>>
      %dma_start3A = arith.constant 0 : i32
      %dma_start3A_84 = arith.constant 0 : i32
      %dma_start3A_85 = tpu.memref_slice %arg11[%dma_start3A, %dma_start3A_84] : memref<128x128xf32, #tpu.memory_space<vmem>> -> memref<128x128xf32, #tpu.memory_space<vmem>>
      %dma_start3A_86 = arith.constant 0 : i32
      %dma_start3A_87 = tpu.memref_slice %arg13[%add3A_61, %dma_start3A_86] : memref<10000x128xf32, #tpu.memory_space<vmem_shared>> -> memref<128x128xf32, #tpu.memory_space<vmem_shared>>
      %dma_start3A_88 = arith.constant 0 : i32
      %dma_start3A_89 = arith.constant 0 : i32
      %dma_start3A_90 = tpu.memref_slice %arg11[%dma_start3A_88, %dma_start3A_89] : memref<128x128xf32, #tpu.memory_space<vmem>> -> memref<128x128xf32, #tpu.memory_space<vmem>>
      %dma_start3A_91 = arith.constant 0 : i32
      %dma_start3A_92 = tpu.memref_slice %arg13[%add3A_61, %dma_start3A_91] : memref<10000x128xf32, #tpu.memory_space<vmem_shared>> -> memref<128x128xf32, #tpu.memory_space<vmem_shared>>
      tpu.enqueue_dma source(%dma_start3A_92 : memref<128x128xf32, #tpu.memory_space<vmem_shared>>) target(%dma_start3A_90 : memref<128x128xf32, #tpu.memory_space<vmem>>) target_semaphore(%run_scoped3A : memref<!tpu.dma_semaphore, #tpu.memory_space<semaphore_mem>>)
      %dma_wait3A = arith.constant 0 : i32
      %dma_wait3A_93 = arith.constant 0 : i32
      %dma_wait3A_94 = tpu.memref_slice %arg11[%dma_wait3A, %dma_wait3A_93] : memref<128x128xf32, #tpu.memory_space<vmem>> -> memref<128x128xf32, #tpu.memory_space<vmem>>
      %dma_wait3A_95 = arith.constant 0 : i32
      %dma_wait3A_96 = tpu.memref_slice %arg13[%add3A_61, %dma_wait3A_95] : memref<10000x128xf32, #tpu.memory_space<vmem_shared>> -> memref<128x128xf32, #tpu.memory_space<vmem_shared>>
      %dma_wait3A_97 = arith.constant 0 : i32
      %dma_wait3A_98 = arith.constant 0 : i32
      %dma_wait3A_99 = tpu.memref_slice %arg11[%dma_wait3A_97, %dma_wait3A_98] : memref<128x128xf32, #tpu.memory_space<vmem>> -> memref<128x128xf32, #tpu.memory_space<vmem>>
      %dma_wait3A_100 = arith.constant 0 : i32
      %dma_wait3A_101 = tpu.memref_slice %arg13[%add3A_61, %dma_wait3A_100] : memref<10000x128xf32, #tpu.memory_space<vmem_shared>> -> memref<128x128xf32, #tpu.memory_space<vmem_shared>>
      tpu.wait_dma2 semaphore(%run_scoped3A : memref<!tpu.dma_semaphore, #tpu.memory_space<semaphore_mem>>) src(%dma_wait3A_101 : memref<128x128xf32, #tpu.memory_space<vmem_shared>>) dst(%dma_wait3A_99 : memref<128x128xf32, #tpu.memory_space<vmem>>)
      tpu.yield
    }) : () -> ()
    %mul3A_62 = arith.constant 624 : i32
    %mul3A_63 = arith.muli %arg1, %mul3A_62 : i32
    %add3A_64 = arith.constant 384 : i32
    %add3A_65 = arith.addi %mul3A_63, %add3A_64 : i32
    "tpu.region"() ({
      %run_scoped3A = tpu.sem_alloc : memref<!tpu.dma_semaphore, #tpu.memory_space<semaphore_mem>>
      %dma_start3A = arith.constant 0 : i32
      %dma_start3A_84 = arith.constant 0 : i32
      %dma_start3A_85 = tpu.memref_slice %arg11[%dma_start3A, %dma_start3A_84] : memref<128x128xf32, #tpu.memory_space<vmem>> -> memref<128x128xf32, #tpu.memory_space<vmem>>
      %dma_start3A_86 = arith.constant 0 : i32
      %dma_start3A_87 = tpu.memref_slice %arg7[%arg0, %add3A_65, %dma_start3A_86] : memref<2x10000x128xf32, #tpu.memory_space<hbm>> -> memref<1x128x128xf32, #tpu.memory_space<hbm>>
      %dma_start3A_88 = tpu.memref_squeeze %dma_start3A_87 : memref<1x128x128xf32, #tpu.memory_space<hbm>> -> memref<128x128xf32, #tpu.memory_space<hbm>>
      %dma_start3A_89 = arith.constant 0 : i32
      %dma_start3A_90 = tpu.memref_slice %arg7[%arg0, %add3A_65, %dma_start3A_89] : memref<2x10000x128xf32, #tpu.memory_space<hbm>> -> memref<1x128x128xf32, #tpu.memory_space<hbm>>
      %dma_start3A_91 = tpu.memref_squeeze %dma_start3A_90 : memref<1x128x128xf32, #tpu.memory_space<hbm>> -> memref<128x128xf32, #tpu.memory_space<hbm>>
      %dma_start3A_92 = arith.constant 0 : i32
      %dma_start3A_93 = arith.constant 0 : i32
      %dma_start3A_94 = tpu.memref_slice %arg11[%dma_start3A_92, %dma_start3A_93] : memref<128x128xf32, #tpu.memory_space<vmem>> -> memref<128x128xf32, #tpu.memory_space<vmem>>
      tpu.enqueue_dma source(%dma_start3A_94 : memref<128x128xf32, #tpu.memory_space<vmem>>) target(%dma_start3A_91 : memref<128x128xf32, #tpu.memory_space<hbm>>) target_semaphore(%run_scoped3A : memref<!tpu.dma_semaphore, #tpu.memory_space<semaphore_mem>>)
      %dma_wait3A = arith.constant 0 : i32
      %dma_wait3A_95 = arith.constant 0 : i32
      %dma_wait3A_96 = tpu.memref_slice %arg11[%dma_wait3A, %dma_wait3A_95] : memref<128x128xf32, #tpu.memory_space<vmem>> -> memref<128x128xf32, #tpu.memory_space<vmem>>
      %dma_wait3A_97 = arith.constant 0 : i32
      %dma_wait3A_98 = tpu.memref_slice %arg7[%arg0, %add3A_65, %dma_wait3A_97] : memref<2x10000x128xf32, #tpu.memory_space<hbm>> -> memref<1x128x128xf32, #tpu.memory_space<hbm>>
      %dma_wait3A_99 = tpu.memref_squeeze %dma_wait3A_98 : memref<1x128x128xf32, #tpu.memory_space<hbm>> -> memref<128x128xf32, #tpu.memory_space<hbm>>
      %dma_wait3A_100 = arith.constant 0 : i32
      %dma_wait3A_101 = tpu.memref_slice %arg7[%arg0, %add3A_65, %dma_wait3A_100] : memref<2x10000x128xf32, #tpu.memory_space<hbm>> -> memref<1x128x128xf32, #tpu.memory_space<hbm>>
      %dma_wait3A_102 = tpu.memref_squeeze %dma_wait3A_101 : memref<1x128x128xf32, #tpu.memory_space<hbm>> -> memref<128x128xf32, #tpu.memory_space<hbm>>
      %dma_wait3A_103 = arith.constant 0 : i32
      %dma_wait3A_104 = arith.constant 0 : i32
      %dma_wait3A_105 = tpu.memref_slice %arg11[%dma_wait3A_103, %dma_wait3A_104] : memref<128x128xf32, #tpu.memory_space<vmem>> -> memref<128x128xf32, #tpu.memory_space<vmem>>
      tpu.wait_dma2 semaphore(%run_scoped3A : memref<!tpu.dma_semaphore, #tpu.memory_space<semaphore_mem>>) src(%dma_wait3A_105 : memref<128x128xf32, #tpu.memory_space<vmem>>) dst(%dma_wait3A_102 : memref<128x128xf32, #tpu.memory_space<hbm>>)
      tpu.yield
    }) : () -> ()
    %mul3A_66 = arith.constant 624 : i32
    %mul3A_67 = arith.muli %arg1, %mul3A_66 : i32
    %add3A_68 = arith.constant 512 : i32
    %add3A_69 = arith.addi %mul3A_67, %add3A_68 : i32
    "tpu.region"() ({
      %run_scoped3A = tpu.sem_alloc : memref<!tpu.dma_semaphore, #tpu.memory_space<semaphore_mem>>
      %dma_start3A = arith.constant 0 : i32
      %dma_start3A_84 = arith.constant 0 : i32
      %dma_start3A_85 = tpu.memref_slice %arg11[%dma_start3A, %dma_start3A_84] : memref<128x128xf32, #tpu.memory_space<vmem>> -> memref<112x128xf32, #tpu.memory_space<vmem>>
      %dma_start3A_86 = arith.constant 0 : i32
      %dma_start3A_87 = tpu.memref_slice %arg13[%add3A_69, %dma_start3A_86] : memref<10000x128xf32, #tpu.memory_space<vmem_shared>> -> memref<112x128xf32, #tpu.memory_space<vmem_shared>>
      %dma_start3A_88 = arith.constant 0 : i32
      %dma_start3A_89 = arith.constant 0 : i32
      %dma_start3A_90 = tpu.memref_slice %arg11[%dma_start3A_88, %dma_start3A_89] : memref<128x128xf32, #tpu.memory_space<vmem>> -> memref<112x128xf32, #tpu.memory_space<vmem>>
      %dma_start3A_91 = arith.constant 0 : i32
      %dma_start3A_92 = tpu.memref_slice %arg13[%add3A_69, %dma_start3A_91] : memref<10000x128xf32, #tpu.memory_space<vmem_shared>> -> memref<112x128xf32, #tpu.memory_space<vmem_shared>>
      tpu.enqueue_dma source(%dma_start3A_92 : memref<112x128xf32, #tpu.memory_space<vmem_shared>>) target(%dma_start3A_90 : memref<112x128xf32, #tpu.memory_space<vmem>>) target_semaphore(%run_scoped3A : memref<!tpu.dma_semaphore, #tpu.memory_space<semaphore_mem>>)
      %dma_wait3A = arith.constant 0 : i32
      %dma_wait3A_93 = arith.constant 0 : i32
      %dma_wait3A_94 = tpu.memref_slice %arg11[%dma_wait3A, %dma_wait3A_93] : memref<128x128xf32, #tpu.memory_space<vmem>> -> memref<112x128xf32, #tpu.memory_space<vmem>>
      %dma_wait3A_95 = arith.constant 0 : i32
      %dma_wait3A_96 = tpu.memref_slice %arg13[%add3A_69, %dma_wait3A_95] : memref<10000x128xf32, #tpu.memory_space<vmem_shared>> -> memref<112x128xf32, #tpu.memory_space<vmem_shared>>
      %dma_wait3A_97 = arith.constant 0 : i32
      %dma_wait3A_98 = arith.constant 0 : i32
      %dma_wait3A_99 = tpu.memref_slice %arg11[%dma_wait3A_97, %dma_wait3A_98] : memref<128x128xf32, #tpu.memory_space<vmem>> -> memref<112x128xf32, #tpu.memory_space<vmem>>
      %dma_wait3A_100 = arith.constant 0 : i32
      %dma_wait3A_101 = tpu.memref_slice %arg13[%add3A_69, %dma_wait3A_100] : memref<10000x128xf32, #tpu.memory_space<vmem_shared>> -> memref<112x128xf32, #tpu.memory_space<vmem_shared>>
      tpu.wait_dma2 semaphore(%run_scoped3A : memref<!tpu.dma_semaphore, #tpu.memory_space<semaphore_mem>>) src(%dma_wait3A_101 : memref<112x128xf32, #tpu.memory_space<vmem_shared>>) dst(%dma_wait3A_99 : memref<112x128xf32, #tpu.memory_space<vmem>>)
      tpu.yield
    }) : () -> ()
    %mul3A_70 = arith.constant 624 : i32
    %mul3A_71 = arith.muli %arg1, %mul3A_70 : i32
    %add3A_72 = arith.constant 512 : i32
    %add3A_73 = arith.addi %mul3A_71, %add3A_72 : i32
    "tpu.region"() ({
      %run_scoped3A = tpu.sem_alloc : memref<!tpu.dma_semaphore, #tpu.memory_space<semaphore_mem>>
      %dma_start3A = arith.constant 0 : i32
      %dma_start3A_84 = arith.constant 0 : i32
      %dma_start3A_85 = tpu.memref_slice %arg11[%dma_start3A, %dma_start3A_84] : memref<128x128xf32, #tpu.memory_space<vmem>> -> memref<112x128xf32, #tpu.memory_space<vmem>>
      %dma_start3A_86 = arith.constant 0 : i32
      %dma_start3A_87 = tpu.memref_slice %arg7[%arg0, %add3A_73, %dma_start3A_86] : memref<2x10000x128xf32, #tpu.memory_space<hbm>> -> memref<1x112x128xf32, #tpu.memory_space<hbm>>
      %dma_start3A_88 = tpu.memref_squeeze %dma_start3A_87 : memref<1x112x128xf32, #tpu.memory_space<hbm>> -> memref<112x128xf32, #tpu.memory_space<hbm>>
      %dma_start3A_89 = arith.constant 0 : i32
      %dma_start3A_90 = tpu.memref_slice %arg7[%arg0, %add3A_73, %dma_start3A_89] : memref<2x10000x128xf32, #tpu.memory_space<hbm>> -> memref<1x112x128xf32, #tpu.memory_space<hbm>>
      %dma_start3A_91 = tpu.memref_squeeze %dma_start3A_90 : memref<1x112x128xf32, #tpu.memory_space<hbm>> -> memref<112x128xf32, #tpu.memory_space<hbm>>
      %dma_start3A_92 = arith.constant 0 : i32
      %dma_start3A_93 = arith.constant 0 : i32
      %dma_start3A_94 = tpu.memref_slice %arg11[%dma_start3A_92, %dma_start3A_93] : memref<128x128xf32, #tpu.memory_space<vmem>> -> memref<112x128xf32, #tpu.memory_space<vmem>>
      tpu.enqueue_dma source(%dma_start3A_94 : memref<112x128xf32, #tpu.memory_space<vmem>>) target(%dma_start3A_91 : memref<112x128xf32, #tpu.memory_space<hbm>>) target_semaphore(%run_scoped3A : memref<!tpu.dma_semaphore, #tpu.memory_space<semaphore_mem>>)
      %dma_wait3A = arith.constant 0 : i32
      %dma_wait3A_95 = arith.constant 0 : i32
      %dma_wait3A_96 = tpu.memref_slice %arg11[%dma_wait3A, %dma_wait3A_95] : memref<128x128xf32, #tpu.memory_space<vmem>> -> memref<112x128xf32, #tpu.memory_space<vmem>>
      %dma_wait3A_97 = arith.constant 0 : i32
      %dma_wait3A_98 = tpu.memref_slice %arg7[%arg0, %add3A_73, %dma_wait3A_97] : memref<2x10000x128xf32, #tpu.memory_space<hbm>> -> memref<1x112x128xf32, #tpu.memory_space<hbm>>
      %dma_wait3A_99 = tpu.memref_squeeze %dma_wait3A_98 : memref<1x112x128xf32, #tpu.memory_space<hbm>> -> memref<112x128xf32, #tpu.memory_space<hbm>>
      %dma_wait3A_100 = arith.constant 0 : i32
      %dma_wait3A_101 = tpu.memref_slice %arg7[%arg0, %add3A_73, %dma_wait3A_100] : memref<2x10000x128xf32, #tpu.memory_space<hbm>> -> memref<1x112x128xf32, #tpu.memory_space<hbm>>
      %dma_wait3A_102 = tpu.memref_squeeze %dma_wait3A_101 : memref<1x112x128xf32, #tpu.memory_space<hbm>> -> memref<112x128xf32, #tpu.memory_space<hbm>>
      %dma_wait3A_103 = arith.constant 0 : i32
      %dma_wait3A_104 = arith.constant 0 : i32
      %dma_wait3A_105 = tpu.memref_slice %arg11[%dma_wait3A_103, %dma_wait3A_104] : memref<128x128xf32, #tpu.memory_space<vmem>> -> memref<112x128xf32, #tpu.memory_space<vmem>>
      tpu.wait_dma2 semaphore(%run_scoped3A : memref<!tpu.dma_semaphore, #tpu.memory_space<semaphore_mem>>) src(%dma_wait3A_105 : memref<112x128xf32, #tpu.memory_space<vmem>>) dst(%dma_wait3A_102 : memref<112x128xf32, #tpu.memory_space<hbm>>)
      tpu.yield
    }) : () -> ()
    %eq3A_74 = arith.constant 0 : i32
    %eq3A_75 = arith.cmpi eq, %arg1, %eq3A_74 : i32
    %convert_element_type3A_76 = arith.extui %eq3A_75 : i1 to i32
    %cond3A_77 = arith.constant 0 : i32
    %cond3A_78 = arith.cmpi ne, %convert_element_type3A_76, %cond3A_77 : i32
    scf.if %cond3A_78 {
      "tpu.region"() ({
        %run_scoped3A = tpu.sem_alloc : memref<!tpu.dma_semaphore, #tpu.memory_space<semaphore_mem>>
        %dma_start3A = arith.constant 0 : i32
        %dma_start3A_84 = arith.constant 0 : i32
        %dma_start3A_85 = tpu.memref_slice %arg11[%dma_start3A, %dma_start3A_84] : memref<128x128xf32, #tpu.memory_space<vmem>> -> memref<16x128xf32, #tpu.memory_space<vmem>>
        %dma_start3A_86 = arith.constant 9984 : i32
        %dma_start3A_87 = arith.constant 0 : i32
        %dma_start3A_88 = tpu.memref_slice %arg13[%dma_start3A_86, %dma_start3A_87] : memref<10000x128xf32, #tpu.memory_space<vmem_shared>> -> memref<16x128xf32, #tpu.memory_space<vmem_shared>>
        %dma_start3A_89 = arith.constant 0 : i32
        %dma_start3A_90 = arith.constant 0 : i32
        %dma_start3A_91 = tpu.memref_slice %arg11[%dma_start3A_89, %dma_start3A_90] : memref<128x128xf32, #tpu.memory_space<vmem>> -> memref<16x128xf32, #tpu.memory_space<vmem>>
        %dma_start3A_92 = arith.constant 9984 : i32
        %dma_start3A_93 = arith.constant 0 : i32
        %dma_start3A_94 = tpu.memref_slice %arg13[%dma_start3A_92, %dma_start3A_93] : memref<10000x128xf32, #tpu.memory_space<vmem_shared>> -> memref<16x128xf32, #tpu.memory_space<vmem_shared>>
        tpu.enqueue_dma source(%dma_start3A_94 : memref<16x128xf32, #tpu.memory_space<vmem_shared>>) target(%dma_start3A_91 : memref<16x128xf32, #tpu.memory_space<vmem>>) target_semaphore(%run_scoped3A : memref<!tpu.dma_semaphore, #tpu.memory_space<semaphore_mem>>)
        %dma_wait3A = arith.constant 0 : i32
        %dma_wait3A_95 = arith.constant 0 : i32
        %dma_wait3A_96 = tpu.memref_slice %arg11[%dma_wait3A, %dma_wait3A_95] : memref<128x128xf32, #tpu.memory_space<vmem>> -> memref<16x128xf32, #tpu.memory_space<vmem>>
        %dma_wait3A_97 = arith.constant 9984 : i32
        %dma_wait3A_98 = arith.constant 0 : i32
        %dma_wait3A_99 = tpu.memref_slice %arg13[%dma_wait3A_97, %dma_wait3A_98] : memref<10000x128xf32, #tpu.memory_space<vmem_shared>> -> memref<16x128xf32, #tpu.memory_space<vmem_shared>>
        %dma_wait3A_100 = arith.constant 0 : i32
        %dma_wait3A_101 = arith.constant 0 : i32
        %dma_wait3A_102 = tpu.memref_slice %arg11[%dma_wait3A_100, %dma_wait3A_101] : memref<128x128xf32, #tpu.memory_space<vmem>> -> memref<16x128xf32, #tpu.memory_space<vmem>>
        %dma_wait3A_103 = arith.constant 9984 : i32
        %dma_wait3A_104 = arith.constant 0 : i32
        %dma_wait3A_105 = tpu.memref_slice %arg13[%dma_wait3A_103, %dma_wait3A_104] : memref<10000x128xf32, #tpu.memory_space<vmem_shared>> -> memref<16x128xf32, #tpu.memory_space<vmem_shared>>
        tpu.wait_dma2 semaphore(%run_scoped3A : memref<!tpu.dma_semaphore, #tpu.memory_space<semaphore_mem>>) src(%dma_wait3A_105 : memref<16x128xf32, #tpu.memory_space<vmem_shared>>) dst(%dma_wait3A_102 : memref<16x128xf32, #tpu.memory_space<vmem>>)
        tpu.yield
      }) : () -> ()
      "tpu.region"() ({
        %run_scoped3A = tpu.sem_alloc : memref<!tpu.dma_semaphore, #tpu.memory_space<semaphore_mem>>
        %dma_start3A = arith.constant 0 : i32
        %dma_start3A_84 = arith.constant 0 : i32
        %dma_start3A_85 = tpu.memref_slice %arg11[%dma_start3A, %dma_start3A_84] : memref<128x128xf32, #tpu.memory_space<vmem>> -> memref<16x128xf32, #tpu.memory_space<vmem>>
        %dma_start3A_86 = arith.constant 9984 : i32
        %dma_start3A_87 = arith.constant 0 : i32
        %dma_start3A_88 = tpu.memref_slice %arg7[%arg0, %dma_start3A_86, %dma_start3A_87] : memref<2x10000x128xf32, #tpu.memory_space<hbm>> -> memref<1x16x128xf32, #tpu.memory_space<hbm>>
        %dma_start3A_89 = tpu.memref_squeeze %dma_start3A_88 : memref<1x16x128xf32, #tpu.memory_space<hbm>> -> memref<16x128xf32, #tpu.memory_space<hbm>>
        %dma_start3A_90 = arith.constant 9984 : i32
        %dma_start3A_91 = arith.constant 0 : i32
        %dma_start3A_92 = tpu.memref_slice %arg7[%arg0, %dma_start3A_90, %dma_start3A_91] : memref<2x10000x128xf32, #tpu.memory_space<hbm>> -> memref<1x16x128xf32, #tpu.memory_space<hbm>>
        %dma_start3A_93 = tpu.memref_squeeze %dma_start3A_92 : memref<1x16x128xf32, #tpu.memory_space<hbm>> -> memref<16x128xf32, #tpu.memory_space<hbm>>
        %dma_start3A_94 = arith.constant 0 : i32
        %dma_start3A_95 = arith.constant 0 : i32
        %dma_start3A_96 = tpu.memref_slice %arg11[%dma_start3A_94, %dma_start3A_95] : memref<128x128xf32, #tpu.memory_space<vmem>> -> memref<16x128xf32, #tpu.memory_space<vmem>>
        tpu.enqueue_dma source(%dma_start3A_96 : memref<16x128xf32, #tpu.memory_space<vmem>>) target(%dma_start3A_93 : memref<16x128xf32, #tpu.memory_space<hbm>>) target_semaphore(%run_scoped3A : memref<!tpu.dma_semaphore, #tpu.memory_space<semaphore_mem>>)
        %dma_wait3A = arith.constant 0 : i32
        %dma_wait3A_97 = arith.constant 0 : i32
        %dma_wait3A_98 = tpu.memref_slice %arg11[%dma_wait3A, %dma_wait3A_97] : memref<128x128xf32, #tpu.memory_space<vmem>> -> memref<16x128xf32, #tpu.memory_space<vmem>>
        %dma_wait3A_99 = arith.constant 9984 : i32
        %dma_wait3A_100 = arith.constant 0 : i32
        %dma_wait3A_101 = tpu.memref_slice %arg7[%arg0, %dma_wait3A_99, %dma_wait3A_100] : memref<2x10000x128xf32, #tpu.memory_space<hbm>> -> memref<1x16x128xf32, #tpu.memory_space<hbm>>
        %dma_wait3A_102 = tpu.memref_squeeze %dma_wait3A_101 : memref<1x16x128xf32, #tpu.memory_space<hbm>> -> memref<16x128xf32, #tpu.memory_space<hbm>>
        %dma_wait3A_103 = arith.constant 9984 : i32
        %dma_wait3A_104 = arith.constant 0 : i32
        %dma_wait3A_105 = tpu.memref_slice %arg7[%arg0, %dma_wait3A_103, %dma_wait3A_104] : memref<2x10000x128xf32, #tpu.memory_space<hbm>> -> memref<1x16x128xf32, #tpu.memory_space<hbm>>
        %dma_wait3A_106 = tpu.memref_squeeze %dma_wait3A_105 : memref<1x16x128xf32, #tpu.memory_space<hbm>> -> memref<16x128xf32, #tpu.memory_space<hbm>>
        %dma_wait3A_107 = arith.constant 0 : i32
        %dma_wait3A_108 = arith.constant 0 : i32
        %dma_wait3A_109 = tpu.memref_slice %arg11[%dma_wait3A_107, %dma_wait3A_108] : memref<128x128xf32, #tpu.memory_space<vmem>> -> memref<16x128xf32, #tpu.memory_space<vmem>>
        tpu.wait_dma2 semaphore(%run_scoped3A : memref<!tpu.dma_semaphore, #tpu.memory_space<semaphore_mem>>) src(%dma_wait3A_109 : memref<16x128xf32, #tpu.memory_space<vmem>>) dst(%dma_wait3A_106 : memref<16x128xf32, #tpu.memory_space<hbm>>)
        tpu.yield
      }) : () -> ()
    } else {
    }
    %eq3A_79 = arith.constant 0 : i32
    %eq3A_80 = arith.cmpi eq, %arg1, %eq3A_79 : i32
    %convert_element_type3A_81 = arith.extui %eq3A_80 : i1 to i32
    %cond3A_82 = arith.constant 0 : i32
    %cond3A_83 = arith.cmpi ne, %convert_element_type3A_81, %cond3A_82 : i32
    scf.if %cond3A_83 {
      "tpu.region"() ({
        %run_scoped3A = tpu.sem_alloc : memref<!tpu.dma_semaphore, #tpu.memory_space<semaphore_mem>>
        %dma_start3A = arith.constant 0 : i32
        %dma_start3A_84 = arith.constant 0 : i32
        %dma_start3A_85 = tpu.memref_slice %arg11[%dma_start3A, %dma_start3A_84] : memref<128x128xf32, #tpu.memory_space<vmem>> -> memref<104x128xf32, #tpu.memory_space<vmem>>
        %dma_start3A_86 = arith.constant 0 : i32
        %dma_start3A_87 = arith.constant 0 : i32
        %dma_start3A_88 = tpu.memref_slice %arg14[%dma_start3A_86, %dma_start3A_87] : memref<104x128xf32, #tpu.memory_space<vmem_shared>> -> memref<104x128xf32, #tpu.memory_space<vmem_shared>>
        %dma_start3A_89 = arith.constant 0 : i32
        %dma_start3A_90 = arith.constant 0 : i32
        %dma_start3A_91 = tpu.memref_slice %arg11[%dma_start3A_89, %dma_start3A_90] : memref<128x128xf32, #tpu.memory_space<vmem>> -> memref<104x128xf32, #tpu.memory_space<vmem>>
        %dma_start3A_92 = arith.constant 0 : i32
        %dma_start3A_93 = arith.constant 0 : i32
        %dma_start3A_94 = tpu.memref_slice %arg14[%dma_start3A_92, %dma_start3A_93] : memref<104x128xf32, #tpu.memory_space<vmem_shared>> -> memref<104x128xf32, #tpu.memory_space<vmem_shared>>
        tpu.enqueue_dma source(%dma_start3A_94 : memref<104x128xf32, #tpu.memory_space<vmem_shared>>) target(%dma_start3A_91 : memref<104x128xf32, #tpu.memory_space<vmem>>) target_semaphore(%run_scoped3A : memref<!tpu.dma_semaphore, #tpu.memory_space<semaphore_mem>>)
        %dma_wait3A = arith.constant 0 : i32
        %dma_wait3A_95 = arith.constant 0 : i32
        %dma_wait3A_96 = tpu.memref_slice %arg11[%dma_wait3A, %dma_wait3A_95] : memref<128x128xf32, #tpu.memory_space<vmem>> -> memref<104x128xf32, #tpu.memory_space<vmem>>
        %dma_wait3A_97 = arith.constant 0 : i32
        %dma_wait3A_98 = arith.constant 0 : i32
        %dma_wait3A_99 = tpu.memref_slice %arg14[%dma_wait3A_97, %dma_wait3A_98] : memref<104x128xf32, #tpu.memory_space<vmem_shared>> -> memref<104x128xf32, #tpu.memory_space<vmem_shared>>
        %dma_wait3A_100 = arith.constant 0 : i32
        %dma_wait3A_101 = arith.constant 0 : i32
        %dma_wait3A_102 = tpu.memref_slice %arg11[%dma_wait3A_100, %dma_wait3A_101] : memref<128x128xf32, #tpu.memory_space<vmem>> -> memref<104x128xf32, #tpu.memory_space<vmem>>
        %dma_wait3A_103 = arith.constant 0 : i32
        %dma_wait3A_104 = arith.constant 0 : i32
        %dma_wait3A_105 = tpu.memref_slice %arg14[%dma_wait3A_103, %dma_wait3A_104] : memref<104x128xf32, #tpu.memory_space<vmem_shared>> -> memref<104x128xf32, #tpu.memory_space<vmem_shared>>
        tpu.wait_dma2 semaphore(%run_scoped3A : memref<!tpu.dma_semaphore, #tpu.memory_space<semaphore_mem>>) src(%dma_wait3A_105 : memref<104x128xf32, #tpu.memory_space<vmem_shared>>) dst(%dma_wait3A_102 : memref<104x128xf32, #tpu.memory_space<vmem>>)
        tpu.yield
      }) : () -> ()
      "tpu.region"() ({
        %run_scoped3A = tpu.sem_alloc : memref<!tpu.dma_semaphore, #tpu.memory_space<semaphore_mem>>
        %dma_start3A = arith.constant 0 : i32
        %dma_start3A_84 = arith.constant 0 : i32
        %dma_start3A_85 = tpu.memref_slice %arg11[%dma_start3A, %dma_start3A_84] : memref<128x128xf32, #tpu.memory_space<vmem>> -> memref<104x128xf32, #tpu.memory_space<vmem>>
        %dma_start3A_86 = arith.constant 0 : i32
        %dma_start3A_87 = arith.constant 0 : i32
        %dma_start3A_88 = tpu.memref_slice %arg8[%arg0, %dma_start3A_86, %dma_start3A_87] : memref<2x104x128xf32, #tpu.memory_space<hbm>> -> memref<1x104x128xf32, #tpu.memory_space<hbm>>
        %dma_start3A_89 = tpu.memref_squeeze %dma_start3A_88 : memref<1x104x128xf32, #tpu.memory_space<hbm>> -> memref<104x128xf32, #tpu.memory_space<hbm>>
        %dma_start3A_90 = arith.constant 0 : i32
        %dma_start3A_91 = arith.constant 0 : i32
        %dma_start3A_92 = tpu.memref_slice %arg8[%arg0, %dma_start3A_90, %dma_start3A_91] : memref<2x104x128xf32, #tpu.memory_space<hbm>> -> memref<1x104x128xf32, #tpu.memory_space<hbm>>
        %dma_start3A_93 = tpu.memref_squeeze %dma_start3A_92 : memref<1x104x128xf32, #tpu.memory_space<hbm>> -> memref<104x128xf32, #tpu.memory_space<hbm>>
        %dma_start3A_94 = arith.constant 0 : i32
        %dma_start3A_95 = arith.constant 0 : i32
        %dma_start3A_96 = tpu.memref_slice %arg11[%dma_start3A_94, %dma_start3A_95] : memref<128x128xf32, #tpu.memory_space<vmem>> -> memref<104x128xf32, #tpu.memory_space<vmem>>
        tpu.enqueue_dma source(%dma_start3A_96 : memref<104x128xf32, #tpu.memory_space<vmem>>) target(%dma_start3A_93 : memref<104x128xf32, #tpu.memory_space<hbm>>) target_semaphore(%run_scoped3A : memref<!tpu.dma_semaphore, #tpu.memory_space<semaphore_mem>>)
        %dma_wait3A = arith.constant 0 : i32
        %dma_wait3A_97 = arith.constant 0 : i32
        %dma_wait3A_98 = tpu.memref_slice %arg11[%dma_wait3A, %dma_wait3A_97] : memref<128x128xf32, #tpu.memory_space<vmem>> -> memref<104x128xf32, #tpu.memory_space<vmem>>
        %dma_wait3A_99 = arith.constant 0 : i32
        %dma_wait3A_100 = arith.constant 0 : i32
        %dma_wait3A_101 = tpu.memref_slice %arg8[%arg0, %dma_wait3A_99, %dma_wait3A_100] : memref<2x104x128xf32, #tpu.memory_space<hbm>> -> memref<1x104x128xf32, #tpu.memory_space<hbm>>
        %dma_wait3A_102 = tpu.memref_squeeze %dma_wait3A_101 : memref<1x104x128xf32, #tpu.memory_space<hbm>> -> memref<104x128xf32, #tpu.memory_space<hbm>>
        %dma_wait3A_103 = arith.constant 0 : i32
        %dma_wait3A_104 = arith.constant 0 : i32
        %dma_wait3A_105 = tpu.memref_slice %arg8[%arg0, %dma_wait3A_103, %dma_wait3A_104] : memref<2x104x128xf32, #tpu.memory_space<hbm>> -> memref<1x104x128xf32, #tpu.memory_space<hbm>>
        %dma_wait3A_106 = tpu.memref_squeeze %dma_wait3A_105 : memref<1x104x128xf32, #tpu.memory_space<hbm>> -> memref<104x128xf32, #tpu.memory_space<hbm>>
        %dma_wait3A_107 = arith.constant 0 : i32
        %dma_wait3A_108 = arith.constant 0 : i32
        %dma_wait3A_109 = tpu.memref_slice %arg11[%dma_wait3A_107, %dma_wait3A_108] : memref<128x128xf32, #tpu.memory_space<vmem>> -> memref<104x128xf32, #tpu.memory_space<vmem>>
        tpu.wait_dma2 semaphore(%run_scoped3A : memref<!tpu.dma_semaphore, #tpu.memory_space<semaphore_mem>>) src(%dma_wait3A_109 : memref<104x128xf32, #tpu.memory_space<vmem>>) dst(%dma_wait3A_106 : memref<104x128xf32, #tpu.memory_space<hbm>>)
        tpu.yield
      }) : () -> ()
    } else {
    }
    return
  }
}

#map = affine_map<(d0, d1) -> (0)>
#map1 = affine_map<(d0, d1) -> (0, 0)>
#map2 = affine_map<(d0, d1) -> (0, 0, 0)>
module attributes {stable_mosaic.version = 14 : i64} {
  func.func @body(%arg0: i32, %arg1: i32, %arg2: memref<320000xi32, #tpu.memory_space<hbm>>, %arg3: memref<320000xi32, #tpu.memory_space<hbm>>, %arg4: memref<320000xi32, #tpu.memory_space<hbm>>, %arg5: memref<128x128xf32, #tpu.memory_space<hbm>>, %arg6: memref<128x128xf32, #tpu.memory_space<hbm>>, %arg7: memref<2x10000x128xf32, #tpu.memory_space<hbm>>, %arg8: memref<2x104x128xf32, #tpu.memory_space<hbm>>, %arg9: memref<2x1024x128xf32, #tpu.memory_space<hbm>>, %arg10: memref<128xi32, #tpu.memory_space<vmem>>, %arg11: memref<128xi32, #tpu.memory_space<vmem>>, %arg12: memref<128xi32, #tpu.memory_space<vmem>>, %arg13: memref<128x128xf32, #tpu.memory_space<vmem>>, %arg14: memref<10000x128xf32, #tpu.memory_space<vmem_shared>>, %arg15: memref<104x128xf32, #tpu.memory_space<vmem_shared>>, %arg16: memref<1024x128xf32, #tpu.memory_space<vmem_shared>>, %arg17: memref<!tpu.dma_semaphore, #tpu.memory_space<semaphore_mem>>, %arg18: memref<!tpu.dma_semaphore, #tpu.memory_space<semaphore_mem>>) attributes {dimension_semantics = [#tpu.dimension_semantics<core_parallel>, #tpu.dimension_semantics<subcore_parallel>], iteration_bounds = array<i64: 2, 16>, scalar_prefetch = 0 : i64, scratch_operands = 9 : i64, tpu.core_type = #tpu.core_type<sc_vector_subcore>, window_params = [{transform_indices = #map}, {transform_indices = #map}, {transform_indices = #map}, {transform_indices = #map1}, {transform_indices = #map1}, {transform_indices = #map2}, {transform_indices = #map2}, {transform_indices = #map2}]} {
    %mul3A = arith.constant 2 : i32
    %mul3A_0 = arith.muli %arg1, %mul3A : i32
    %add3A = arith.addi %mul3A_0, %arg0 : i32
    "tpu.region"() ({
      %run_scoped3A = tpu.sem_alloc : memref<!tpu.dma_semaphore, #tpu.memory_space<semaphore_mem>>
      tpu.enqueue_dma source(%arg5 : memref<128x128xf32, #tpu.memory_space<hbm>>) target(%arg13 : memref<128x128xf32, #tpu.memory_space<vmem>>) target_semaphore(%run_scoped3A : memref<!tpu.dma_semaphore, #tpu.memory_space<semaphore_mem>>)
      tpu.wait_dma2 semaphore(%run_scoped3A : memref<!tpu.dma_semaphore, #tpu.memory_space<semaphore_mem>>) src(%arg5 : memref<128x128xf32, #tpu.memory_space<hbm>>) dst(%arg13 : memref<128x128xf32, #tpu.memory_space<vmem>>)
      tpu.yield
    }) : () -> ()
    %mul3A_1 = arith.constant 624 : i32
    %mul3A_2 = arith.muli %arg1, %mul3A_1 : i32
    %add3A_3 = arith.constant 0 : i32
    %add3A_4 = arith.addi %mul3A_2, %add3A_3 : i32
    "tpu.region"() ({
      %run_scoped3A = tpu.sem_alloc : memref<!tpu.dma_semaphore, #tpu.memory_space<semaphore_mem>>
      %dma_start3A = arith.constant 0 : i32
      %dma_start3A_96 = arith.constant 0 : i32
      %dma_start3A_97 = tpu.memref_slice %arg13[%dma_start3A, %dma_start3A_96] : memref<128x128xf32, #tpu.memory_space<vmem>> -> memref<128x128xf32, #tpu.memory_space<vmem>>
      %dma_start3A_98 = arith.constant 0 : i32
      %dma_start3A_99 = tpu.memref_slice %arg14[%add3A_4, %dma_start3A_98] : memref<10000x128xf32, #tpu.memory_space<vmem_shared>> -> memref<128x128xf32, #tpu.memory_space<vmem_shared>>
      %dma_start3A_100 = arith.constant 0 : i32
      %dma_start3A_101 = tpu.memref_slice %arg14[%add3A_4, %dma_start3A_100] : memref<10000x128xf32, #tpu.memory_space<vmem_shared>> -> memref<128x128xf32, #tpu.memory_space<vmem_shared>>
      %dma_start3A_102 = arith.constant 0 : i32
      %dma_start3A_103 = arith.constant 0 : i32
      %dma_start3A_104 = tpu.memref_slice %arg13[%dma_start3A_102, %dma_start3A_103] : memref<128x128xf32, #tpu.memory_space<vmem>> -> memref<128x128xf32, #tpu.memory_space<vmem>>
      tpu.enqueue_dma source(%dma_start3A_104 : memref<128x128xf32, #tpu.memory_space<vmem>>) target(%dma_start3A_101 : memref<128x128xf32, #tpu.memory_space<vmem_shared>>) target_semaphore(%run_scoped3A : memref<!tpu.dma_semaphore, #tpu.memory_space<semaphore_mem>>)
      %dma_wait3A = arith.constant 0 : i32
      %dma_wait3A_105 = arith.constant 0 : i32
      %dma_wait3A_106 = tpu.memref_slice %arg13[%dma_wait3A, %dma_wait3A_105] : memref<128x128xf32, #tpu.memory_space<vmem>> -> memref<128x128xf32, #tpu.memory_space<vmem>>
      %dma_wait3A_107 = arith.constant 0 : i32
      %dma_wait3A_108 = tpu.memref_slice %arg14[%add3A_4, %dma_wait3A_107] : memref<10000x128xf32, #tpu.memory_space<vmem_shared>> -> memref<128x128xf32, #tpu.memory_space<vmem_shared>>
      %dma_wait3A_109 = arith.constant 0 : i32
      %dma_wait3A_110 = tpu.memref_slice %arg14[%add3A_4, %dma_wait3A_109] : memref<10000x128xf32, #tpu.memory_space<vmem_shared>> -> memref<128x128xf32, #tpu.memory_space<vmem_shared>>
      %dma_wait3A_111 = arith.constant 0 : i32
      %dma_wait3A_112 = arith.constant 0 : i32
      %dma_wait3A_113 = tpu.memref_slice %arg13[%dma_wait3A_111, %dma_wait3A_112] : memref<128x128xf32, #tpu.memory_space<vmem>> -> memref<128x128xf32, #tpu.memory_space<vmem>>
      tpu.wait_dma2 semaphore(%run_scoped3A : memref<!tpu.dma_semaphore, #tpu.memory_space<semaphore_mem>>) src(%dma_wait3A_113 : memref<128x128xf32, #tpu.memory_space<vmem>>) dst(%dma_wait3A_110 : memref<128x128xf32, #tpu.memory_space<vmem_shared>>)
      tpu.yield
    }) : () -> ()
    %mul3A_5 = arith.constant 624 : i32
    %mul3A_6 = arith.muli %arg1, %mul3A_5 : i32
    %add3A_7 = arith.constant 128 : i32
    %add3A_8 = arith.addi %mul3A_6, %add3A_7 : i32
    "tpu.region"() ({
      %run_scoped3A = tpu.sem_alloc : memref<!tpu.dma_semaphore, #tpu.memory_space<semaphore_mem>>
      %dma_start3A = arith.constant 0 : i32
      %dma_start3A_96 = arith.constant 0 : i32
      %dma_start3A_97 = tpu.memref_slice %arg13[%dma_start3A, %dma_start3A_96] : memref<128x128xf32, #tpu.memory_space<vmem>> -> memref<128x128xf32, #tpu.memory_space<vmem>>
      %dma_start3A_98 = arith.constant 0 : i32
      %dma_start3A_99 = tpu.memref_slice %arg14[%add3A_8, %dma_start3A_98] : memref<10000x128xf32, #tpu.memory_space<vmem_shared>> -> memref<128x128xf32, #tpu.memory_space<vmem_shared>>
      %dma_start3A_100 = arith.constant 0 : i32
      %dma_start3A_101 = tpu.memref_slice %arg14[%add3A_8, %dma_start3A_100] : memref<10000x128xf32, #tpu.memory_space<vmem_shared>> -> memref<128x128xf32, #tpu.memory_space<vmem_shared>>
      %dma_start3A_102 = arith.constant 0 : i32
      %dma_start3A_103 = arith.constant 0 : i32
      %dma_start3A_104 = tpu.memref_slice %arg13[%dma_start3A_102, %dma_start3A_103] : memref<128x128xf32, #tpu.memory_space<vmem>> -> memref<128x128xf32, #tpu.memory_space<vmem>>
      tpu.enqueue_dma source(%dma_start3A_104 : memref<128x128xf32, #tpu.memory_space<vmem>>) target(%dma_start3A_101 : memref<128x128xf32, #tpu.memory_space<vmem_shared>>) target_semaphore(%run_scoped3A : memref<!tpu.dma_semaphore, #tpu.memory_space<semaphore_mem>>)
      %dma_wait3A = arith.constant 0 : i32
      %dma_wait3A_105 = arith.constant 0 : i32
      %dma_wait3A_106 = tpu.memref_slice %arg13[%dma_wait3A, %dma_wait3A_105] : memref<128x128xf32, #tpu.memory_space<vmem>> -> memref<128x128xf32, #tpu.memory_space<vmem>>
      %dma_wait3A_107 = arith.constant 0 : i32
      %dma_wait3A_108 = tpu.memref_slice %arg14[%add3A_8, %dma_wait3A_107] : memref<10000x128xf32, #tpu.memory_space<vmem_shared>> -> memref<128x128xf32, #tpu.memory_space<vmem_shared>>
      %dma_wait3A_109 = arith.constant 0 : i32
      %dma_wait3A_110 = tpu.memref_slice %arg14[%add3A_8, %dma_wait3A_109] : memref<10000x128xf32, #tpu.memory_space<vmem_shared>> -> memref<128x128xf32, #tpu.memory_space<vmem_shared>>
      %dma_wait3A_111 = arith.constant 0 : i32
      %dma_wait3A_112 = arith.constant 0 : i32
      %dma_wait3A_113 = tpu.memref_slice %arg13[%dma_wait3A_111, %dma_wait3A_112] : memref<128x128xf32, #tpu.memory_space<vmem>> -> memref<128x128xf32, #tpu.memory_space<vmem>>
      tpu.wait_dma2 semaphore(%run_scoped3A : memref<!tpu.dma_semaphore, #tpu.memory_space<semaphore_mem>>) src(%dma_wait3A_113 : memref<128x128xf32, #tpu.memory_space<vmem>>) dst(%dma_wait3A_110 : memref<128x128xf32, #tpu.memory_space<vmem_shared>>)
      tpu.yield
    }) : () -> ()
    %mul3A_9 = arith.constant 624 : i32
    %mul3A_10 = arith.muli %arg1, %mul3A_9 : i32
    %add3A_11 = arith.constant 256 : i32
    %add3A_12 = arith.addi %mul3A_10, %add3A_11 : i32
    "tpu.region"() ({
      %run_scoped3A = tpu.sem_alloc : memref<!tpu.dma_semaphore, #tpu.memory_space<semaphore_mem>>
      %dma_start3A = arith.constant 0 : i32
      %dma_start3A_96 = arith.constant 0 : i32
      %dma_start3A_97 = tpu.memref_slice %arg13[%dma_start3A, %dma_start3A_96] : memref<128x128xf32, #tpu.memory_space<vmem>> -> memref<128x128xf32, #tpu.memory_space<vmem>>
      %dma_start3A_98 = arith.constant 0 : i32
      %dma_start3A_99 = tpu.memref_slice %arg14[%add3A_12, %dma_start3A_98] : memref<10000x128xf32, #tpu.memory_space<vmem_shared>> -> memref<128x128xf32, #tpu.memory_space<vmem_shared>>
      %dma_start3A_100 = arith.constant 0 : i32
      %dma_start3A_101 = tpu.memref_slice %arg14[%add3A_12, %dma_start3A_100] : memref<10000x128xf32, #tpu.memory_space<vmem_shared>> -> memref<128x128xf32, #tpu.memory_space<vmem_shared>>
      %dma_start3A_102 = arith.constant 0 : i32
      %dma_start3A_103 = arith.constant 0 : i32
      %dma_start3A_104 = tpu.memref_slice %arg13[%dma_start3A_102, %dma_start3A_103] : memref<128x128xf32, #tpu.memory_space<vmem>> -> memref<128x128xf32, #tpu.memory_space<vmem>>
      tpu.enqueue_dma source(%dma_start3A_104 : memref<128x128xf32, #tpu.memory_space<vmem>>) target(%dma_start3A_101 : memref<128x128xf32, #tpu.memory_space<vmem_shared>>) target_semaphore(%run_scoped3A : memref<!tpu.dma_semaphore, #tpu.memory_space<semaphore_mem>>)
      %dma_wait3A = arith.constant 0 : i32
      %dma_wait3A_105 = arith.constant 0 : i32
      %dma_wait3A_106 = tpu.memref_slice %arg13[%dma_wait3A, %dma_wait3A_105] : memref<128x128xf32, #tpu.memory_space<vmem>> -> memref<128x128xf32, #tpu.memory_space<vmem>>
      %dma_wait3A_107 = arith.constant 0 : i32
      %dma_wait3A_108 = tpu.memref_slice %arg14[%add3A_12, %dma_wait3A_107] : memref<10000x128xf32, #tpu.memory_space<vmem_shared>> -> memref<128x128xf32, #tpu.memory_space<vmem_shared>>
      %dma_wait3A_109 = arith.constant 0 : i32
      %dma_wait3A_110 = tpu.memref_slice %arg14[%add3A_12, %dma_wait3A_109] : memref<10000x128xf32, #tpu.memory_space<vmem_shared>> -> memref<128x128xf32, #tpu.memory_space<vmem_shared>>
      %dma_wait3A_111 = arith.constant 0 : i32
      %dma_wait3A_112 = arith.constant 0 : i32
      %dma_wait3A_113 = tpu.memref_slice %arg13[%dma_wait3A_111, %dma_wait3A_112] : memref<128x128xf32, #tpu.memory_space<vmem>> -> memref<128x128xf32, #tpu.memory_space<vmem>>
      tpu.wait_dma2 semaphore(%run_scoped3A : memref<!tpu.dma_semaphore, #tpu.memory_space<semaphore_mem>>) src(%dma_wait3A_113 : memref<128x128xf32, #tpu.memory_space<vmem>>) dst(%dma_wait3A_110 : memref<128x128xf32, #tpu.memory_space<vmem_shared>>)
      tpu.yield
    }) : () -> ()
    %mul3A_13 = arith.constant 624 : i32
    %mul3A_14 = arith.muli %arg1, %mul3A_13 : i32
    %add3A_15 = arith.constant 384 : i32
    %add3A_16 = arith.addi %mul3A_14, %add3A_15 : i32
    "tpu.region"() ({
      %run_scoped3A = tpu.sem_alloc : memref<!tpu.dma_semaphore, #tpu.memory_space<semaphore_mem>>
      %dma_start3A = arith.constant 0 : i32
      %dma_start3A_96 = arith.constant 0 : i32
      %dma_start3A_97 = tpu.memref_slice %arg13[%dma_start3A, %dma_start3A_96] : memref<128x128xf32, #tpu.memory_space<vmem>> -> memref<128x128xf32, #tpu.memory_space<vmem>>
      %dma_start3A_98 = arith.constant 0 : i32
      %dma_start3A_99 = tpu.memref_slice %arg14[%add3A_16, %dma_start3A_98] : memref<10000x128xf32, #tpu.memory_space<vmem_shared>> -> memref<128x128xf32, #tpu.memory_space<vmem_shared>>
      %dma_start3A_100 = arith.constant 0 : i32
      %dma_start3A_101 = tpu.memref_slice %arg14[%add3A_16, %dma_start3A_100] : memref<10000x128xf32, #tpu.memory_space<vmem_shared>> -> memref<128x128xf32, #tpu.memory_space<vmem_shared>>
      %dma_start3A_102 = arith.constant 0 : i32
      %dma_start3A_103 = arith.constant 0 : i32
      %dma_start3A_104 = tpu.memref_slice %arg13[%dma_start3A_102, %dma_start3A_103] : memref<128x128xf32, #tpu.memory_space<vmem>> -> memref<128x128xf32, #tpu.memory_space<vmem>>
      tpu.enqueue_dma source(%dma_start3A_104 : memref<128x128xf32, #tpu.memory_space<vmem>>) target(%dma_start3A_101 : memref<128x128xf32, #tpu.memory_space<vmem_shared>>) target_semaphore(%run_scoped3A : memref<!tpu.dma_semaphore, #tpu.memory_space<semaphore_mem>>)
      %dma_wait3A = arith.constant 0 : i32
      %dma_wait3A_105 = arith.constant 0 : i32
      %dma_wait3A_106 = tpu.memref_slice %arg13[%dma_wait3A, %dma_wait3A_105] : memref<128x128xf32, #tpu.memory_space<vmem>> -> memref<128x128xf32, #tpu.memory_space<vmem>>
      %dma_wait3A_107 = arith.constant 0 : i32
      %dma_wait3A_108 = tpu.memref_slice %arg14[%add3A_16, %dma_wait3A_107] : memref<10000x128xf32, #tpu.memory_space<vmem_shared>> -> memref<128x128xf32, #tpu.memory_space<vmem_shared>>
      %dma_wait3A_109 = arith.constant 0 : i32
      %dma_wait3A_110 = tpu.memref_slice %arg14[%add3A_16, %dma_wait3A_109] : memref<10000x128xf32, #tpu.memory_space<vmem_shared>> -> memref<128x128xf32, #tpu.memory_space<vmem_shared>>
      %dma_wait3A_111 = arith.constant 0 : i32
      %dma_wait3A_112 = arith.constant 0 : i32
      %dma_wait3A_113 = tpu.memref_slice %arg13[%dma_wait3A_111, %dma_wait3A_112] : memref<128x128xf32, #tpu.memory_space<vmem>> -> memref<128x128xf32, #tpu.memory_space<vmem>>
      tpu.wait_dma2 semaphore(%run_scoped3A : memref<!tpu.dma_semaphore, #tpu.memory_space<semaphore_mem>>) src(%dma_wait3A_113 : memref<128x128xf32, #tpu.memory_space<vmem>>) dst(%dma_wait3A_110 : memref<128x128xf32, #tpu.memory_space<vmem_shared>>)
      tpu.yield
    }) : () -> ()
    %mul3A_17 = arith.constant 624 : i32
    %mul3A_18 = arith.muli %arg1, %mul3A_17 : i32
    %add3A_19 = arith.constant 512 : i32
    %add3A_20 = arith.addi %mul3A_18, %add3A_19 : i32
    "tpu.region"() ({
      %run_scoped3A = tpu.sem_alloc : memref<!tpu.dma_semaphore, #tpu.memory_space<semaphore_mem>>
      %dma_start3A = arith.constant 0 : i32
      %dma_start3A_96 = arith.constant 0 : i32
      %dma_start3A_97 = tpu.memref_slice %arg13[%dma_start3A, %dma_start3A_96] : memref<128x128xf32, #tpu.memory_space<vmem>> -> memref<112x128xf32, #tpu.memory_space<vmem>>
      %dma_start3A_98 = arith.constant 0 : i32
      %dma_start3A_99 = tpu.memref_slice %arg14[%add3A_20, %dma_start3A_98] : memref<10000x128xf32, #tpu.memory_space<vmem_shared>> -> memref<112x128xf32, #tpu.memory_space<vmem_shared>>
      %dma_start3A_100 = arith.constant 0 : i32
      %dma_start3A_101 = tpu.memref_slice %arg14[%add3A_20, %dma_start3A_100] : memref<10000x128xf32, #tpu.memory_space<vmem_shared>> -> memref<112x128xf32, #tpu.memory_space<vmem_shared>>
      %dma_start3A_102 = arith.constant 0 : i32
      %dma_start3A_103 = arith.constant 0 : i32
      %dma_start3A_104 = tpu.memref_slice %arg13[%dma_start3A_102, %dma_start3A_103] : memref<128x128xf32, #tpu.memory_space<vmem>> -> memref<112x128xf32, #tpu.memory_space<vmem>>
      tpu.enqueue_dma source(%dma_start3A_104 : memref<112x128xf32, #tpu.memory_space<vmem>>) target(%dma_start3A_101 : memref<112x128xf32, #tpu.memory_space<vmem_shared>>) target_semaphore(%run_scoped3A : memref<!tpu.dma_semaphore, #tpu.memory_space<semaphore_mem>>)
      %dma_wait3A = arith.constant 0 : i32
      %dma_wait3A_105 = arith.constant 0 : i32
      %dma_wait3A_106 = tpu.memref_slice %arg13[%dma_wait3A, %dma_wait3A_105] : memref<128x128xf32, #tpu.memory_space<vmem>> -> memref<112x128xf32, #tpu.memory_space<vmem>>
      %dma_wait3A_107 = arith.constant 0 : i32
      %dma_wait3A_108 = tpu.memref_slice %arg14[%add3A_20, %dma_wait3A_107] : memref<10000x128xf32, #tpu.memory_space<vmem_shared>> -> memref<112x128xf32, #tpu.memory_space<vmem_shared>>
      %dma_wait3A_109 = arith.constant 0 : i32
      %dma_wait3A_110 = tpu.memref_slice %arg14[%add3A_20, %dma_wait3A_109] : memref<10000x128xf32, #tpu.memory_space<vmem_shared>> -> memref<112x128xf32, #tpu.memory_space<vmem_shared>>
      %dma_wait3A_111 = arith.constant 0 : i32
      %dma_wait3A_112 = arith.constant 0 : i32
      %dma_wait3A_113 = tpu.memref_slice %arg13[%dma_wait3A_111, %dma_wait3A_112] : memref<128x128xf32, #tpu.memory_space<vmem>> -> memref<112x128xf32, #tpu.memory_space<vmem>>
      tpu.wait_dma2 semaphore(%run_scoped3A : memref<!tpu.dma_semaphore, #tpu.memory_space<semaphore_mem>>) src(%dma_wait3A_113 : memref<112x128xf32, #tpu.memory_space<vmem>>) dst(%dma_wait3A_110 : memref<112x128xf32, #tpu.memory_space<vmem_shared>>)
      tpu.yield
    }) : () -> ()
    %eq3A = arith.constant 0 : i32
    %eq3A_21 = arith.cmpi eq, %arg1, %eq3A : i32
    %convert_element_type3A = arith.extui %eq3A_21 : i1 to i32
    %cond3A = arith.constant 0 : i32
    %cond3A_22 = arith.cmpi ne, %convert_element_type3A, %cond3A : i32
    scf.if %cond3A_22 {
      "tpu.region"() ({
        %run_scoped3A = tpu.sem_alloc : memref<!tpu.dma_semaphore, #tpu.memory_space<semaphore_mem>>
        %dma_start3A = arith.constant 0 : i32
        %dma_start3A_96 = arith.constant 0 : i32
        %dma_start3A_97 = tpu.memref_slice %arg13[%dma_start3A, %dma_start3A_96] : memref<128x128xf32, #tpu.memory_space<vmem>> -> memref<16x128xf32, #tpu.memory_space<vmem>>
        %dma_start3A_98 = arith.constant 9984 : i32
        %dma_start3A_99 = arith.constant 0 : i32
        %dma_start3A_100 = tpu.memref_slice %arg14[%dma_start3A_98, %dma_start3A_99] : memref<10000x128xf32, #tpu.memory_space<vmem_shared>> -> memref<16x128xf32, #tpu.memory_space<vmem_shared>>
        %dma_start3A_101 = arith.constant 9984 : i32
        %dma_start3A_102 = arith.constant 0 : i32
        %dma_start3A_103 = tpu.memref_slice %arg14[%dma_start3A_101, %dma_start3A_102] : memref<10000x128xf32, #tpu.memory_space<vmem_shared>> -> memref<16x128xf32, #tpu.memory_space<vmem_shared>>
        %dma_start3A_104 = arith.constant 0 : i32
        %dma_start3A_105 = arith.constant 0 : i32
        %dma_start3A_106 = tpu.memref_slice %arg13[%dma_start3A_104, %dma_start3A_105] : memref<128x128xf32, #tpu.memory_space<vmem>> -> memref<16x128xf32, #tpu.memory_space<vmem>>
        tpu.enqueue_dma source(%dma_start3A_106 : memref<16x128xf32, #tpu.memory_space<vmem>>) target(%dma_start3A_103 : memref<16x128xf32, #tpu.memory_space<vmem_shared>>) target_semaphore(%run_scoped3A : memref<!tpu.dma_semaphore, #tpu.memory_space<semaphore_mem>>)
        %dma_wait3A = arith.constant 0 : i32
        %dma_wait3A_107 = arith.constant 0 : i32
        %dma_wait3A_108 = tpu.memref_slice %arg13[%dma_wait3A, %dma_wait3A_107] : memref<128x128xf32, #tpu.memory_space<vmem>> -> memref<16x128xf32, #tpu.memory_space<vmem>>
        %dma_wait3A_109 = arith.constant 9984 : i32
        %dma_wait3A_110 = arith.constant 0 : i32
        %dma_wait3A_111 = tpu.memref_slice %arg14[%dma_wait3A_109, %dma_wait3A_110] : memref<10000x128xf32, #tpu.memory_space<vmem_shared>> -> memref<16x128xf32, #tpu.memory_space<vmem_shared>>
        %dma_wait3A_112 = arith.constant 9984 : i32
        %dma_wait3A_113 = arith.constant 0 : i32
        %dma_wait3A_114 = tpu.memref_slice %arg14[%dma_wait3A_112, %dma_wait3A_113] : memref<10000x128xf32, #tpu.memory_space<vmem_shared>> -> memref<16x128xf32, #tpu.memory_space<vmem_shared>>
        %dma_wait3A_115 = arith.constant 0 : i32
        %dma_wait3A_116 = arith.constant 0 : i32
        %dma_wait3A_117 = tpu.memref_slice %arg13[%dma_wait3A_115, %dma_wait3A_116] : memref<128x128xf32, #tpu.memory_space<vmem>> -> memref<16x128xf32, #tpu.memory_space<vmem>>
        tpu.wait_dma2 semaphore(%run_scoped3A : memref<!tpu.dma_semaphore, #tpu.memory_space<semaphore_mem>>) src(%dma_wait3A_117 : memref<16x128xf32, #tpu.memory_space<vmem>>) dst(%dma_wait3A_114 : memref<16x128xf32, #tpu.memory_space<vmem_shared>>)
        tpu.yield
      }) : () -> ()
    } else {
    }
    %eq3A_23 = arith.constant 0 : i32
    %eq3A_24 = arith.cmpi eq, %arg1, %eq3A_23 : i32
    %convert_element_type3A_25 = arith.extui %eq3A_24 : i1 to i32
    %cond3A_26 = arith.constant 0 : i32
    %cond3A_27 = arith.cmpi ne, %convert_element_type3A_25, %cond3A_26 : i32
    scf.if %cond3A_27 {
      "tpu.region"() ({
        %run_scoped3A = tpu.sem_alloc : memref<!tpu.dma_semaphore, #tpu.memory_space<semaphore_mem>>
        %dma_start3A = arith.constant 0 : i32
        %dma_start3A_96 = arith.constant 0 : i32
        %dma_start3A_97 = tpu.memref_slice %arg13[%dma_start3A, %dma_start3A_96] : memref<128x128xf32, #tpu.memory_space<vmem>> -> memref<104x128xf32, #tpu.memory_space<vmem>>
        %dma_start3A_98 = arith.constant 0 : i32
        %dma_start3A_99 = arith.constant 0 : i32
        %dma_start3A_100 = tpu.memref_slice %arg15[%dma_start3A_98, %dma_start3A_99] : memref<104x128xf32, #tpu.memory_space<vmem_shared>> -> memref<104x128xf32, #tpu.memory_space<vmem_shared>>
        %dma_start3A_101 = arith.constant 0 : i32
        %dma_start3A_102 = arith.constant 0 : i32
        %dma_start3A_103 = tpu.memref_slice %arg15[%dma_start3A_101, %dma_start3A_102] : memref<104x128xf32, #tpu.memory_space<vmem_shared>> -> memref<104x128xf32, #tpu.memory_space<vmem_shared>>
        %dma_start3A_104 = arith.constant 0 : i32
        %dma_start3A_105 = arith.constant 0 : i32
        %dma_start3A_106 = tpu.memref_slice %arg13[%dma_start3A_104, %dma_start3A_105] : memref<128x128xf32, #tpu.memory_space<vmem>> -> memref<104x128xf32, #tpu.memory_space<vmem>>
        tpu.enqueue_dma source(%dma_start3A_106 : memref<104x128xf32, #tpu.memory_space<vmem>>) target(%dma_start3A_103 : memref<104x128xf32, #tpu.memory_space<vmem_shared>>) target_semaphore(%run_scoped3A : memref<!tpu.dma_semaphore, #tpu.memory_space<semaphore_mem>>)
        %dma_wait3A = arith.constant 0 : i32
        %dma_wait3A_107 = arith.constant 0 : i32
        %dma_wait3A_108 = tpu.memref_slice %arg13[%dma_wait3A, %dma_wait3A_107] : memref<128x128xf32, #tpu.memory_space<vmem>> -> memref<104x128xf32, #tpu.memory_space<vmem>>
        %dma_wait3A_109 = arith.constant 0 : i32
        %dma_wait3A_110 = arith.constant 0 : i32
        %dma_wait3A_111 = tpu.memref_slice %arg15[%dma_wait3A_109, %dma_wait3A_110] : memref<104x128xf32, #tpu.memory_space<vmem_shared>> -> memref<104x128xf32, #tpu.memory_space<vmem_shared>>
        %dma_wait3A_112 = arith.constant 0 : i32
        %dma_wait3A_113 = arith.constant 0 : i32
        %dma_wait3A_114 = tpu.memref_slice %arg15[%dma_wait3A_112, %dma_wait3A_113] : memref<104x128xf32, #tpu.memory_space<vmem_shared>> -> memref<104x128xf32, #tpu.memory_space<vmem_shared>>
        %dma_wait3A_115 = arith.constant 0 : i32
        %dma_wait3A_116 = arith.constant 0 : i32
        %dma_wait3A_117 = tpu.memref_slice %arg13[%dma_wait3A_115, %dma_wait3A_116] : memref<128x128xf32, #tpu.memory_space<vmem>> -> memref<104x128xf32, #tpu.memory_space<vmem>>
        tpu.wait_dma2 semaphore(%run_scoped3A : memref<!tpu.dma_semaphore, #tpu.memory_space<semaphore_mem>>) src(%dma_wait3A_117 : memref<104x128xf32, #tpu.memory_space<vmem>>) dst(%dma_wait3A_114 : memref<104x128xf32, #tpu.memory_space<vmem_shared>>)
        tpu.yield
      }) : () -> ()
    } else {
    }
    %mul3A_28 = arith.constant 64 : i32
    %mul3A_29 = arith.muli %arg1, %mul3A_28 : i32
    %add3A_30 = arith.constant 0 : i32
    %add3A_31 = arith.addi %mul3A_29, %add3A_30 : i32
    "tpu.region"() ({
      %run_scoped3A = tpu.sem_alloc : memref<!tpu.dma_semaphore, #tpu.memory_space<semaphore_mem>>
      %dma_start3A = arith.constant 0 : i32
      %dma_start3A_96 = arith.constant 0 : i32
      %dma_start3A_97 = tpu.memref_slice %arg13[%dma_start3A, %dma_start3A_96] : memref<128x128xf32, #tpu.memory_space<vmem>> -> memref<64x128xf32, #tpu.memory_space<vmem>>
      %dma_start3A_98 = arith.constant 0 : i32
      %dma_start3A_99 = tpu.memref_slice %arg16[%add3A_31, %dma_start3A_98] : memref<1024x128xf32, #tpu.memory_space<vmem_shared>> -> memref<64x128xf32, #tpu.memory_space<vmem_shared>>
      %dma_start3A_100 = arith.constant 0 : i32
      %dma_start3A_101 = tpu.memref_slice %arg16[%add3A_31, %dma_start3A_100] : memref<1024x128xf32, #tpu.memory_space<vmem_shared>> -> memref<64x128xf32, #tpu.memory_space<vmem_shared>>
      %dma_start3A_102 = arith.constant 0 : i32
      %dma_start3A_103 = arith.constant 0 : i32
      %dma_start3A_104 = tpu.memref_slice %arg13[%dma_start3A_102, %dma_start3A_103] : memref<128x128xf32, #tpu.memory_space<vmem>> -> memref<64x128xf32, #tpu.memory_space<vmem>>
      tpu.enqueue_dma source(%dma_start3A_104 : memref<64x128xf32, #tpu.memory_space<vmem>>) target(%dma_start3A_101 : memref<64x128xf32, #tpu.memory_space<vmem_shared>>) target_semaphore(%run_scoped3A : memref<!tpu.dma_semaphore, #tpu.memory_space<semaphore_mem>>)
      %dma_wait3A = arith.constant 0 : i32
      %dma_wait3A_105 = arith.constant 0 : i32
      %dma_wait3A_106 = tpu.memref_slice %arg13[%dma_wait3A, %dma_wait3A_105] : memref<128x128xf32, #tpu.memory_space<vmem>> -> memref<64x128xf32, #tpu.memory_space<vmem>>
      %dma_wait3A_107 = arith.constant 0 : i32
      %dma_wait3A_108 = tpu.memref_slice %arg16[%add3A_31, %dma_wait3A_107] : memref<1024x128xf32, #tpu.memory_space<vmem_shared>> -> memref<64x128xf32, #tpu.memory_space<vmem_shared>>
      %dma_wait3A_109 = arith.constant 0 : i32
      %dma_wait3A_110 = tpu.memref_slice %arg16[%add3A_31, %dma_wait3A_109] : memref<1024x128xf32, #tpu.memory_space<vmem_shared>> -> memref<64x128xf32, #tpu.memory_space<vmem_shared>>
      %dma_wait3A_111 = arith.constant 0 : i32
      %dma_wait3A_112 = arith.constant 0 : i32
      %dma_wait3A_113 = tpu.memref_slice %arg13[%dma_wait3A_111, %dma_wait3A_112] : memref<128x128xf32, #tpu.memory_space<vmem>> -> memref<64x128xf32, #tpu.memory_space<vmem>>
      tpu.wait_dma2 semaphore(%run_scoped3A : memref<!tpu.dma_semaphore, #tpu.memory_space<semaphore_mem>>) src(%dma_wait3A_113 : memref<64x128xf32, #tpu.memory_space<vmem>>) dst(%dma_wait3A_110 : memref<64x128xf32, #tpu.memory_space<vmem_shared>>)
      tpu.yield
    }) : () -> ()
    %barrier3A = arith.constant 0 : index
    tpu.barrier barrier_id(%barrier3A)
    "tpu.region"() ({
      %run_scoped3A = tpu.sem_alloc : memref<!tpu.dma_semaphore, #tpu.memory_space<semaphore_mem>>
      tpu.enqueue_dma source(%arg6 : memref<128x128xf32, #tpu.memory_space<hbm>>) target(%arg13 : memref<128x128xf32, #tpu.memory_space<vmem>>) target_semaphore(%run_scoped3A : memref<!tpu.dma_semaphore, #tpu.memory_space<semaphore_mem>>)
      tpu.wait_dma2 semaphore(%run_scoped3A : memref<!tpu.dma_semaphore, #tpu.memory_space<semaphore_mem>>) src(%arg6 : memref<128x128xf32, #tpu.memory_space<hbm>>) dst(%arg13 : memref<128x128xf32, #tpu.memory_space<vmem>>)
      tpu.yield
    }) : () -> ()
    %scan3A = arith.constant 0 : i32
    %scan3A_32 = arith.constant 0 : i32
    %scan3A_33 = arith.constant 79 : i32
    %scan3A_34 = arith.addi %scan3A_32, %scan3A_33 : i32
    %scan3A_35 = arith.constant 1 : i32
    scf.for %scan3A_96 = %scan3A_32 to %scan3A_34 step %scan3A_35  : i32 {
      %mul3A_97 = arith.constant 32 : i32
      %mul3A_98 = arith.muli %scan3A_96, %mul3A_97 : i32
      %add3A_99 = arith.addi %mul3A_98, %add3A : i32
      %lt3A = arith.constant 2500 : i32
      %lt3A_100 = arith.cmpi slt, %add3A_99, %lt3A : i32
      %convert_element_type3A_101 = arith.extui %lt3A_100 : i1 to i32
      %cond3A_102 = arith.constant 0 : i32
      %cond3A_103 = arith.cmpi ne, %convert_element_type3A_101, %cond3A_102 : i32
      scf.if %cond3A_103 {
        %mul3A_104 = arith.constant 128 : i32
        %mul3A_105 = arith.muli %add3A_99, %mul3A_104 : i32
        %dma_start3A = tpu.memref_slice %arg2[%mul3A_105] : memref<320000xi32, #tpu.memory_space<hbm>> -> memref<128xi32, #tpu.memory_space<hbm>>
        %dma_start3A_106 = tpu.memref_slice %arg2[%mul3A_105] : memref<320000xi32, #tpu.memory_space<hbm>> -> memref<128xi32, #tpu.memory_space<hbm>>
        tpu.enqueue_dma source(%dma_start3A_106 : memref<128xi32, #tpu.memory_space<hbm>>) target(%arg10 : memref<128xi32, #tpu.memory_space<vmem>>) target_semaphore(%arg17 : memref<!tpu.dma_semaphore, #tpu.memory_space<semaphore_mem>>)
        %dma_start3A_107 = tpu.memref_slice %arg3[%mul3A_105] : memref<320000xi32, #tpu.memory_space<hbm>> -> memref<128xi32, #tpu.memory_space<hbm>>
        %dma_start3A_108 = tpu.memref_slice %arg3[%mul3A_105] : memref<320000xi32, #tpu.memory_space<hbm>> -> memref<128xi32, #tpu.memory_space<hbm>>
        tpu.enqueue_dma source(%dma_start3A_108 : memref<128xi32, #tpu.memory_space<hbm>>) target(%arg11 : memref<128xi32, #tpu.memory_space<vmem>>) target_semaphore(%arg17 : memref<!tpu.dma_semaphore, #tpu.memory_space<semaphore_mem>>)
        %dma_start3A_109 = tpu.memref_slice %arg4[%mul3A_105] : memref<320000xi32, #tpu.memory_space<hbm>> -> memref<128xi32, #tpu.memory_space<hbm>>
        %dma_start3A_110 = tpu.memref_slice %arg4[%mul3A_105] : memref<320000xi32, #tpu.memory_space<hbm>> -> memref<128xi32, #tpu.memory_space<hbm>>
        tpu.enqueue_dma source(%dma_start3A_110 : memref<128xi32, #tpu.memory_space<hbm>>) target(%arg12 : memref<128xi32, #tpu.memory_space<vmem>>) target_semaphore(%arg17 : memref<!tpu.dma_semaphore, #tpu.memory_space<semaphore_mem>>)
        %dma_wait3A = tpu.memref_slice %arg2[%mul3A_105] : memref<320000xi32, #tpu.memory_space<hbm>> -> memref<128xi32, #tpu.memory_space<hbm>>
        %dma_wait3A_111 = tpu.memref_slice %arg2[%mul3A_105] : memref<320000xi32, #tpu.memory_space<hbm>> -> memref<128xi32, #tpu.memory_space<hbm>>
        tpu.wait_dma2 semaphore(%arg17 : memref<!tpu.dma_semaphore, #tpu.memory_space<semaphore_mem>>) src(%dma_wait3A_111 : memref<128xi32, #tpu.memory_space<hbm>>) dst(%arg10 : memref<128xi32, #tpu.memory_space<vmem>>)
        %dma_wait3A_112 = tpu.memref_slice %arg3[%mul3A_105] : memref<320000xi32, #tpu.memory_space<hbm>> -> memref<128xi32, #tpu.memory_space<hbm>>
        %dma_wait3A_113 = tpu.memref_slice %arg3[%mul3A_105] : memref<320000xi32, #tpu.memory_space<hbm>> -> memref<128xi32, #tpu.memory_space<hbm>>
        tpu.wait_dma2 semaphore(%arg17 : memref<!tpu.dma_semaphore, #tpu.memory_space<semaphore_mem>>) src(%dma_wait3A_113 : memref<128xi32, #tpu.memory_space<hbm>>) dst(%arg11 : memref<128xi32, #tpu.memory_space<vmem>>)
        %dma_wait3A_114 = tpu.memref_slice %arg4[%mul3A_105] : memref<320000xi32, #tpu.memory_space<hbm>> -> memref<128xi32, #tpu.memory_space<hbm>>
        %dma_wait3A_115 = tpu.memref_slice %arg4[%mul3A_105] : memref<320000xi32, #tpu.memory_space<hbm>> -> memref<128xi32, #tpu.memory_space<hbm>>
        tpu.wait_dma2 semaphore(%arg17 : memref<!tpu.dma_semaphore, #tpu.memory_space<semaphore_mem>>) src(%dma_wait3A_115 : memref<128xi32, #tpu.memory_space<hbm>>) dst(%arg12 : memref<128xi32, #tpu.memory_space<vmem>>)
        %dma_start3A_116 = arith.constant 0 : i32
        %dma_start3A_117 = arith.constant 0 : i32
        %dma_start3A_118 = tpu.memref_slice %arg14[%dma_start3A_116, %dma_start3A_117] : memref<10000x128xf32, #tpu.memory_space<vmem_shared>> -> memref<10000x128xf32, #tpu.memory_space<vmem_shared>>
        tpu.enqueue_indirect_dma source(%arg13 : memref<128x128xf32, #tpu.memory_space<vmem>>) target(%dma_start3A_118 : memref<10000x128xf32, #tpu.memory_space<vmem_shared>>) offsets(%arg10 : memref<128xi32, #tpu.memory_space<vmem>>) semaphore(%arg18 : memref<!tpu.dma_semaphore, #tpu.memory_space<semaphore_mem>>) {add = true}
        %dma_start3A_119 = arith.constant 0 : i32
        %dma_start3A_120 = arith.constant 0 : i32
        %dma_start3A_121 = tpu.memref_slice %arg15[%dma_start3A_119, %dma_start3A_120] : memref<104x128xf32, #tpu.memory_space<vmem_shared>> -> memref<104x128xf32, #tpu.memory_space<vmem_shared>>
        tpu.enqueue_indirect_dma source(%arg13 : memref<128x128xf32, #tpu.memory_space<vmem>>) target(%dma_start3A_121 : memref<104x128xf32, #tpu.memory_space<vmem_shared>>) offsets(%arg11 : memref<128xi32, #tpu.memory_space<vmem>>) semaphore(%arg18 : memref<!tpu.dma_semaphore, #tpu.memory_space<semaphore_mem>>) {add = true}
        %dma_start3A_122 = arith.constant 0 : i32
        %dma_start3A_123 = arith.constant 0 : i32
        %dma_start3A_124 = tpu.memref_slice %arg16[%dma_start3A_122, %dma_start3A_123] : memref<1024x128xf32, #tpu.memory_space<vmem_shared>> -> memref<1024x128xf32, #tpu.memory_space<vmem_shared>>
        tpu.enqueue_indirect_dma source(%arg13 : memref<128x128xf32, #tpu.memory_space<vmem>>) target(%dma_start3A_124 : memref<1024x128xf32, #tpu.memory_space<vmem_shared>>) offsets(%arg12 : memref<128xi32, #tpu.memory_space<vmem>>) semaphore(%arg18 : memref<!tpu.dma_semaphore, #tpu.memory_space<semaphore_mem>>) {add = true}
        %dma_wait3A_125 = arith.constant 0 : i32
        %dma_wait3A_126 = arith.constant 0 : i32
        %dma_wait3A_127 = tpu.memref_slice %arg14[%dma_wait3A_125, %dma_wait3A_126] : memref<10000x128xf32, #tpu.memory_space<vmem_shared>> -> memref<10000x128xf32, #tpu.memory_space<vmem_shared>>
        tpu.wait_indirect_dma semaphore(%arg18 : memref<!tpu.dma_semaphore, #tpu.memory_space<semaphore_mem>>) src(%arg13 : memref<128x128xf32, #tpu.memory_space<vmem>>) dst(%dma_wait3A_127 : memref<10000x128xf32, #tpu.memory_space<vmem_shared>>)
        %dma_wait3A_128 = arith.constant 0 : i32
        %dma_wait3A_129 = arith.constant 0 : i32
        %dma_wait3A_130 = tpu.memref_slice %arg15[%dma_wait3A_128, %dma_wait3A_129] : memref<104x128xf32, #tpu.memory_space<vmem_shared>> -> memref<104x128xf32, #tpu.memory_space<vmem_shared>>
        tpu.wait_indirect_dma semaphore(%arg18 : memref<!tpu.dma_semaphore, #tpu.memory_space<semaphore_mem>>) src(%arg13 : memref<128x128xf32, #tpu.memory_space<vmem>>) dst(%dma_wait3A_130 : memref<104x128xf32, #tpu.memory_space<vmem_shared>>)
        %dma_wait3A_131 = arith.constant 0 : i32
        %dma_wait3A_132 = arith.constant 0 : i32
        %dma_wait3A_133 = tpu.memref_slice %arg16[%dma_wait3A_131, %dma_wait3A_132] : memref<1024x128xf32, #tpu.memory_space<vmem_shared>> -> memref<1024x128xf32, #tpu.memory_space<vmem_shared>>
        tpu.wait_indirect_dma semaphore(%arg18 : memref<!tpu.dma_semaphore, #tpu.memory_space<semaphore_mem>>) src(%arg13 : memref<128x128xf32, #tpu.memory_space<vmem>>) dst(%dma_wait3A_133 : memref<1024x128xf32, #tpu.memory_space<vmem_shared>>)
      } else {
      }
    }
    %scan3A_36 = arith.constant 79 : i32
    %barrier3A_37 = arith.constant 0 : index
    tpu.barrier barrier_id(%barrier3A_37)
    %mul3A_38 = arith.constant 624 : i32
    %mul3A_39 = arith.muli %arg1, %mul3A_38 : i32
    %add3A_40 = arith.constant 0 : i32
    %add3A_41 = arith.addi %mul3A_39, %add3A_40 : i32
    "tpu.region"() ({
      %run_scoped3A = tpu.sem_alloc : memref<!tpu.dma_semaphore, #tpu.memory_space<semaphore_mem>>
      %dma_start3A = arith.constant 0 : i32
      %dma_start3A_96 = arith.constant 0 : i32
      %dma_start3A_97 = tpu.memref_slice %arg13[%dma_start3A, %dma_start3A_96] : memref<128x128xf32, #tpu.memory_space<vmem>> -> memref<128x128xf32, #tpu.memory_space<vmem>>
      %dma_start3A_98 = arith.constant 0 : i32
      %dma_start3A_99 = tpu.memref_slice %arg14[%add3A_41, %dma_start3A_98] : memref<10000x128xf32, #tpu.memory_space<vmem_shared>> -> memref<128x128xf32, #tpu.memory_space<vmem_shared>>
      %dma_start3A_100 = arith.constant 0 : i32
      %dma_start3A_101 = arith.constant 0 : i32
      %dma_start3A_102 = tpu.memref_slice %arg13[%dma_start3A_100, %dma_start3A_101] : memref<128x128xf32, #tpu.memory_space<vmem>> -> memref<128x128xf32, #tpu.memory_space<vmem>>
      %dma_start3A_103 = arith.constant 0 : i32
      %dma_start3A_104 = tpu.memref_slice %arg14[%add3A_41, %dma_start3A_103] : memref<10000x128xf32, #tpu.memory_space<vmem_shared>> -> memref<128x128xf32, #tpu.memory_space<vmem_shared>>
      tpu.enqueue_dma source(%dma_start3A_104 : memref<128x128xf32, #tpu.memory_space<vmem_shared>>) target(%dma_start3A_102 : memref<128x128xf32, #tpu.memory_space<vmem>>) target_semaphore(%run_scoped3A : memref<!tpu.dma_semaphore, #tpu.memory_space<semaphore_mem>>)
      %dma_wait3A = arith.constant 0 : i32
      %dma_wait3A_105 = arith.constant 0 : i32
      %dma_wait3A_106 = tpu.memref_slice %arg13[%dma_wait3A, %dma_wait3A_105] : memref<128x128xf32, #tpu.memory_space<vmem>> -> memref<128x128xf32, #tpu.memory_space<vmem>>
      %dma_wait3A_107 = arith.constant 0 : i32
      %dma_wait3A_108 = tpu.memref_slice %arg14[%add3A_41, %dma_wait3A_107] : memref<10000x128xf32, #tpu.memory_space<vmem_shared>> -> memref<128x128xf32, #tpu.memory_space<vmem_shared>>
      %dma_wait3A_109 = arith.constant 0 : i32
      %dma_wait3A_110 = arith.constant 0 : i32
      %dma_wait3A_111 = tpu.memref_slice %arg13[%dma_wait3A_109, %dma_wait3A_110] : memref<128x128xf32, #tpu.memory_space<vmem>> -> memref<128x128xf32, #tpu.memory_space<vmem>>
      %dma_wait3A_112 = arith.constant 0 : i32
      %dma_wait3A_113 = tpu.memref_slice %arg14[%add3A_41, %dma_wait3A_112] : memref<10000x128xf32, #tpu.memory_space<vmem_shared>> -> memref<128x128xf32, #tpu.memory_space<vmem_shared>>
      tpu.wait_dma2 semaphore(%run_scoped3A : memref<!tpu.dma_semaphore, #tpu.memory_space<semaphore_mem>>) src(%dma_wait3A_113 : memref<128x128xf32, #tpu.memory_space<vmem_shared>>) dst(%dma_wait3A_111 : memref<128x128xf32, #tpu.memory_space<vmem>>)
      tpu.yield
    }) : () -> ()
    %mul3A_42 = arith.constant 624 : i32
    %mul3A_43 = arith.muli %arg1, %mul3A_42 : i32
    %add3A_44 = arith.constant 0 : i32
    %add3A_45 = arith.addi %mul3A_43, %add3A_44 : i32
    "tpu.region"() ({
      %run_scoped3A = tpu.sem_alloc : memref<!tpu.dma_semaphore, #tpu.memory_space<semaphore_mem>>
      %dma_start3A = arith.constant 0 : i32
      %dma_start3A_96 = arith.constant 0 : i32
      %dma_start3A_97 = tpu.memref_slice %arg13[%dma_start3A, %dma_start3A_96] : memref<128x128xf32, #tpu.memory_space<vmem>> -> memref<128x128xf32, #tpu.memory_space<vmem>>
      %dma_start3A_98 = arith.constant 0 : i32
      %dma_start3A_99 = tpu.memref_slice %arg7[%arg0, %add3A_45, %dma_start3A_98] : memref<2x10000x128xf32, #tpu.memory_space<hbm>> -> memref<1x128x128xf32, #tpu.memory_space<hbm>>
      %dma_start3A_100 = tpu.memref_squeeze %dma_start3A_99 : memref<1x128x128xf32, #tpu.memory_space<hbm>> -> memref<128x128xf32, #tpu.memory_space<hbm>>
      %dma_start3A_101 = arith.constant 0 : i32
      %dma_start3A_102 = tpu.memref_slice %arg7[%arg0, %add3A_45, %dma_start3A_101] : memref<2x10000x128xf32, #tpu.memory_space<hbm>> -> memref<1x128x128xf32, #tpu.memory_space<hbm>>
      %dma_start3A_103 = tpu.memref_squeeze %dma_start3A_102 : memref<1x128x128xf32, #tpu.memory_space<hbm>> -> memref<128x128xf32, #tpu.memory_space<hbm>>
      %dma_start3A_104 = arith.constant 0 : i32
      %dma_start3A_105 = arith.constant 0 : i32
      %dma_start3A_106 = tpu.memref_slice %arg13[%dma_start3A_104, %dma_start3A_105] : memref<128x128xf32, #tpu.memory_space<vmem>> -> memref<128x128xf32, #tpu.memory_space<vmem>>
      tpu.enqueue_dma source(%dma_start3A_106 : memref<128x128xf32, #tpu.memory_space<vmem>>) target(%dma_start3A_103 : memref<128x128xf32, #tpu.memory_space<hbm>>) target_semaphore(%run_scoped3A : memref<!tpu.dma_semaphore, #tpu.memory_space<semaphore_mem>>)
      %dma_wait3A = arith.constant 0 : i32
      %dma_wait3A_107 = arith.constant 0 : i32
      %dma_wait3A_108 = tpu.memref_slice %arg13[%dma_wait3A, %dma_wait3A_107] : memref<128x128xf32, #tpu.memory_space<vmem>> -> memref<128x128xf32, #tpu.memory_space<vmem>>
      %dma_wait3A_109 = arith.constant 0 : i32
      %dma_wait3A_110 = tpu.memref_slice %arg7[%arg0, %add3A_45, %dma_wait3A_109] : memref<2x10000x128xf32, #tpu.memory_space<hbm>> -> memref<1x128x128xf32, #tpu.memory_space<hbm>>
      %dma_wait3A_111 = tpu.memref_squeeze %dma_wait3A_110 : memref<1x128x128xf32, #tpu.memory_space<hbm>> -> memref<128x128xf32, #tpu.memory_space<hbm>>
      %dma_wait3A_112 = arith.constant 0 : i32
      %dma_wait3A_113 = tpu.memref_slice %arg7[%arg0, %add3A_45, %dma_wait3A_112] : memref<2x10000x128xf32, #tpu.memory_space<hbm>> -> memref<1x128x128xf32, #tpu.memory_space<hbm>>
      %dma_wait3A_114 = tpu.memref_squeeze %dma_wait3A_113 : memref<1x128x128xf32, #tpu.memory_space<hbm>> -> memref<128x128xf32, #tpu.memory_space<hbm>>
      %dma_wait3A_115 = arith.constant 0 : i32
      %dma_wait3A_116 = arith.constant 0 : i32
      %dma_wait3A_117 = tpu.memref_slice %arg13[%dma_wait3A_115, %dma_wait3A_116] : memref<128x128xf32, #tpu.memory_space<vmem>> -> memref<128x128xf32, #tpu.memory_space<vmem>>
      tpu.wait_dma2 semaphore(%run_scoped3A : memref<!tpu.dma_semaphore, #tpu.memory_space<semaphore_mem>>) src(%dma_wait3A_117 : memref<128x128xf32, #tpu.memory_space<vmem>>) dst(%dma_wait3A_114 : memref<128x128xf32, #tpu.memory_space<hbm>>)
      tpu.yield
    }) : () -> ()
    %mul3A_46 = arith.constant 624 : i32
    %mul3A_47 = arith.muli %arg1, %mul3A_46 : i32
    %add3A_48 = arith.constant 128 : i32
    %add3A_49 = arith.addi %mul3A_47, %add3A_48 : i32
    "tpu.region"() ({
      %run_scoped3A = tpu.sem_alloc : memref<!tpu.dma_semaphore, #tpu.memory_space<semaphore_mem>>
      %dma_start3A = arith.constant 0 : i32
      %dma_start3A_96 = arith.constant 0 : i32
      %dma_start3A_97 = tpu.memref_slice %arg13[%dma_start3A, %dma_start3A_96] : memref<128x128xf32, #tpu.memory_space<vmem>> -> memref<128x128xf32, #tpu.memory_space<vmem>>
      %dma_start3A_98 = arith.constant 0 : i32
      %dma_start3A_99 = tpu.memref_slice %arg14[%add3A_49, %dma_start3A_98] : memref<10000x128xf32, #tpu.memory_space<vmem_shared>> -> memref<128x128xf32, #tpu.memory_space<vmem_shared>>
      %dma_start3A_100 = arith.constant 0 : i32
      %dma_start3A_101 = arith.constant 0 : i32
      %dma_start3A_102 = tpu.memref_slice %arg13[%dma_start3A_100, %dma_start3A_101] : memref<128x128xf32, #tpu.memory_space<vmem>> -> memref<128x128xf32, #tpu.memory_space<vmem>>
      %dma_start3A_103 = arith.constant 0 : i32
      %dma_start3A_104 = tpu.memref_slice %arg14[%add3A_49, %dma_start3A_103] : memref<10000x128xf32, #tpu.memory_space<vmem_shared>> -> memref<128x128xf32, #tpu.memory_space<vmem_shared>>
      tpu.enqueue_dma source(%dma_start3A_104 : memref<128x128xf32, #tpu.memory_space<vmem_shared>>) target(%dma_start3A_102 : memref<128x128xf32, #tpu.memory_space<vmem>>) target_semaphore(%run_scoped3A : memref<!tpu.dma_semaphore, #tpu.memory_space<semaphore_mem>>)
      %dma_wait3A = arith.constant 0 : i32
      %dma_wait3A_105 = arith.constant 0 : i32
      %dma_wait3A_106 = tpu.memref_slice %arg13[%dma_wait3A, %dma_wait3A_105] : memref<128x128xf32, #tpu.memory_space<vmem>> -> memref<128x128xf32, #tpu.memory_space<vmem>>
      %dma_wait3A_107 = arith.constant 0 : i32
      %dma_wait3A_108 = tpu.memref_slice %arg14[%add3A_49, %dma_wait3A_107] : memref<10000x128xf32, #tpu.memory_space<vmem_shared>> -> memref<128x128xf32, #tpu.memory_space<vmem_shared>>
      %dma_wait3A_109 = arith.constant 0 : i32
      %dma_wait3A_110 = arith.constant 0 : i32
      %dma_wait3A_111 = tpu.memref_slice %arg13[%dma_wait3A_109, %dma_wait3A_110] : memref<128x128xf32, #tpu.memory_space<vmem>> -> memref<128x128xf32, #tpu.memory_space<vmem>>
      %dma_wait3A_112 = arith.constant 0 : i32
      %dma_wait3A_113 = tpu.memref_slice %arg14[%add3A_49, %dma_wait3A_112] : memref<10000x128xf32, #tpu.memory_space<vmem_shared>> -> memref<128x128xf32, #tpu.memory_space<vmem_shared>>
      tpu.wait_dma2 semaphore(%run_scoped3A : memref<!tpu.dma_semaphore, #tpu.memory_space<semaphore_mem>>) src(%dma_wait3A_113 : memref<128x128xf32, #tpu.memory_space<vmem_shared>>) dst(%dma_wait3A_111 : memref<128x128xf32, #tpu.memory_space<vmem>>)
      tpu.yield
    }) : () -> ()
    %mul3A_50 = arith.constant 624 : i32
    %mul3A_51 = arith.muli %arg1, %mul3A_50 : i32
    %add3A_52 = arith.constant 128 : i32
    %add3A_53 = arith.addi %mul3A_51, %add3A_52 : i32
    "tpu.region"() ({
      %run_scoped3A = tpu.sem_alloc : memref<!tpu.dma_semaphore, #tpu.memory_space<semaphore_mem>>
      %dma_start3A = arith.constant 0 : i32
      %dma_start3A_96 = arith.constant 0 : i32
      %dma_start3A_97 = tpu.memref_slice %arg13[%dma_start3A, %dma_start3A_96] : memref<128x128xf32, #tpu.memory_space<vmem>> -> memref<128x128xf32, #tpu.memory_space<vmem>>
      %dma_start3A_98 = arith.constant 0 : i32
      %dma_start3A_99 = tpu.memref_slice %arg7[%arg0, %add3A_53, %dma_start3A_98] : memref<2x10000x128xf32, #tpu.memory_space<hbm>> -> memref<1x128x128xf32, #tpu.memory_space<hbm>>
      %dma_start3A_100 = tpu.memref_squeeze %dma_start3A_99 : memref<1x128x128xf32, #tpu.memory_space<hbm>> -> memref<128x128xf32, #tpu.memory_space<hbm>>
      %dma_start3A_101 = arith.constant 0 : i32
      %dma_start3A_102 = tpu.memref_slice %arg7[%arg0, %add3A_53, %dma_start3A_101] : memref<2x10000x128xf32, #tpu.memory_space<hbm>> -> memref<1x128x128xf32, #tpu.memory_space<hbm>>
      %dma_start3A_103 = tpu.memref_squeeze %dma_start3A_102 : memref<1x128x128xf32, #tpu.memory_space<hbm>> -> memref<128x128xf32, #tpu.memory_space<hbm>>
      %dma_start3A_104 = arith.constant 0 : i32
      %dma_start3A_105 = arith.constant 0 : i32
      %dma_start3A_106 = tpu.memref_slice %arg13[%dma_start3A_104, %dma_start3A_105] : memref<128x128xf32, #tpu.memory_space<vmem>> -> memref<128x128xf32, #tpu.memory_space<vmem>>
      tpu.enqueue_dma source(%dma_start3A_106 : memref<128x128xf32, #tpu.memory_space<vmem>>) target(%dma_start3A_103 : memref<128x128xf32, #tpu.memory_space<hbm>>) target_semaphore(%run_scoped3A : memref<!tpu.dma_semaphore, #tpu.memory_space<semaphore_mem>>)
      %dma_wait3A = arith.constant 0 : i32
      %dma_wait3A_107 = arith.constant 0 : i32
      %dma_wait3A_108 = tpu.memref_slice %arg13[%dma_wait3A, %dma_wait3A_107] : memref<128x128xf32, #tpu.memory_space<vmem>> -> memref<128x128xf32, #tpu.memory_space<vmem>>
      %dma_wait3A_109 = arith.constant 0 : i32
      %dma_wait3A_110 = tpu.memref_slice %arg7[%arg0, %add3A_53, %dma_wait3A_109] : memref<2x10000x128xf32, #tpu.memory_space<hbm>> -> memref<1x128x128xf32, #tpu.memory_space<hbm>>
      %dma_wait3A_111 = tpu.memref_squeeze %dma_wait3A_110 : memref<1x128x128xf32, #tpu.memory_space<hbm>> -> memref<128x128xf32, #tpu.memory_space<hbm>>
      %dma_wait3A_112 = arith.constant 0 : i32
      %dma_wait3A_113 = tpu.memref_slice %arg7[%arg0, %add3A_53, %dma_wait3A_112] : memref<2x10000x128xf32, #tpu.memory_space<hbm>> -> memref<1x128x128xf32, #tpu.memory_space<hbm>>
      %dma_wait3A_114 = tpu.memref_squeeze %dma_wait3A_113 : memref<1x128x128xf32, #tpu.memory_space<hbm>> -> memref<128x128xf32, #tpu.memory_space<hbm>>
      %dma_wait3A_115 = arith.constant 0 : i32
      %dma_wait3A_116 = arith.constant 0 : i32
      %dma_wait3A_117 = tpu.memref_slice %arg13[%dma_wait3A_115, %dma_wait3A_116] : memref<128x128xf32, #tpu.memory_space<vmem>> -> memref<128x128xf32, #tpu.memory_space<vmem>>
      tpu.wait_dma2 semaphore(%run_scoped3A : memref<!tpu.dma_semaphore, #tpu.memory_space<semaphore_mem>>) src(%dma_wait3A_117 : memref<128x128xf32, #tpu.memory_space<vmem>>) dst(%dma_wait3A_114 : memref<128x128xf32, #tpu.memory_space<hbm>>)
      tpu.yield
    }) : () -> ()
    %mul3A_54 = arith.constant 624 : i32
    %mul3A_55 = arith.muli %arg1, %mul3A_54 : i32
    %add3A_56 = arith.constant 256 : i32
    %add3A_57 = arith.addi %mul3A_55, %add3A_56 : i32
    "tpu.region"() ({
      %run_scoped3A = tpu.sem_alloc : memref<!tpu.dma_semaphore, #tpu.memory_space<semaphore_mem>>
      %dma_start3A = arith.constant 0 : i32
      %dma_start3A_96 = arith.constant 0 : i32
      %dma_start3A_97 = tpu.memref_slice %arg13[%dma_start3A, %dma_start3A_96] : memref<128x128xf32, #tpu.memory_space<vmem>> -> memref<128x128xf32, #tpu.memory_space<vmem>>
      %dma_start3A_98 = arith.constant 0 : i32
      %dma_start3A_99 = tpu.memref_slice %arg14[%add3A_57, %dma_start3A_98] : memref<10000x128xf32, #tpu.memory_space<vmem_shared>> -> memref<128x128xf32, #tpu.memory_space<vmem_shared>>
      %dma_start3A_100 = arith.constant 0 : i32
      %dma_start3A_101 = arith.constant 0 : i32
      %dma_start3A_102 = tpu.memref_slice %arg13[%dma_start3A_100, %dma_start3A_101] : memref<128x128xf32, #tpu.memory_space<vmem>> -> memref<128x128xf32, #tpu.memory_space<vmem>>
      %dma_start3A_103 = arith.constant 0 : i32
      %dma_start3A_104 = tpu.memref_slice %arg14[%add3A_57, %dma_start3A_103] : memref<10000x128xf32, #tpu.memory_space<vmem_shared>> -> memref<128x128xf32, #tpu.memory_space<vmem_shared>>
      tpu.enqueue_dma source(%dma_start3A_104 : memref<128x128xf32, #tpu.memory_space<vmem_shared>>) target(%dma_start3A_102 : memref<128x128xf32, #tpu.memory_space<vmem>>) target_semaphore(%run_scoped3A : memref<!tpu.dma_semaphore, #tpu.memory_space<semaphore_mem>>)
      %dma_wait3A = arith.constant 0 : i32
      %dma_wait3A_105 = arith.constant 0 : i32
      %dma_wait3A_106 = tpu.memref_slice %arg13[%dma_wait3A, %dma_wait3A_105] : memref<128x128xf32, #tpu.memory_space<vmem>> -> memref<128x128xf32, #tpu.memory_space<vmem>>
      %dma_wait3A_107 = arith.constant 0 : i32
      %dma_wait3A_108 = tpu.memref_slice %arg14[%add3A_57, %dma_wait3A_107] : memref<10000x128xf32, #tpu.memory_space<vmem_shared>> -> memref<128x128xf32, #tpu.memory_space<vmem_shared>>
      %dma_wait3A_109 = arith.constant 0 : i32
      %dma_wait3A_110 = arith.constant 0 : i32
      %dma_wait3A_111 = tpu.memref_slice %arg13[%dma_wait3A_109, %dma_wait3A_110] : memref<128x128xf32, #tpu.memory_space<vmem>> -> memref<128x128xf32, #tpu.memory_space<vmem>>
      %dma_wait3A_112 = arith.constant 0 : i32
      %dma_wait3A_113 = tpu.memref_slice %arg14[%add3A_57, %dma_wait3A_112] : memref<10000x128xf32, #tpu.memory_space<vmem_shared>> -> memref<128x128xf32, #tpu.memory_space<vmem_shared>>
      tpu.wait_dma2 semaphore(%run_scoped3A : memref<!tpu.dma_semaphore, #tpu.memory_space<semaphore_mem>>) src(%dma_wait3A_113 : memref<128x128xf32, #tpu.memory_space<vmem_shared>>) dst(%dma_wait3A_111 : memref<128x128xf32, #tpu.memory_space<vmem>>)
      tpu.yield
    }) : () -> ()
    %mul3A_58 = arith.constant 624 : i32
    %mul3A_59 = arith.muli %arg1, %mul3A_58 : i32
    %add3A_60 = arith.constant 256 : i32
    %add3A_61 = arith.addi %mul3A_59, %add3A_60 : i32
    "tpu.region"() ({
      %run_scoped3A = tpu.sem_alloc : memref<!tpu.dma_semaphore, #tpu.memory_space<semaphore_mem>>
      %dma_start3A = arith.constant 0 : i32
      %dma_start3A_96 = arith.constant 0 : i32
      %dma_start3A_97 = tpu.memref_slice %arg13[%dma_start3A, %dma_start3A_96] : memref<128x128xf32, #tpu.memory_space<vmem>> -> memref<128x128xf32, #tpu.memory_space<vmem>>
      %dma_start3A_98 = arith.constant 0 : i32
      %dma_start3A_99 = tpu.memref_slice %arg7[%arg0, %add3A_61, %dma_start3A_98] : memref<2x10000x128xf32, #tpu.memory_space<hbm>> -> memref<1x128x128xf32, #tpu.memory_space<hbm>>
      %dma_start3A_100 = tpu.memref_squeeze %dma_start3A_99 : memref<1x128x128xf32, #tpu.memory_space<hbm>> -> memref<128x128xf32, #tpu.memory_space<hbm>>
      %dma_start3A_101 = arith.constant 0 : i32
      %dma_start3A_102 = tpu.memref_slice %arg7[%arg0, %add3A_61, %dma_start3A_101] : memref<2x10000x128xf32, #tpu.memory_space<hbm>> -> memref<1x128x128xf32, #tpu.memory_space<hbm>>
      %dma_start3A_103 = tpu.memref_squeeze %dma_start3A_102 : memref<1x128x128xf32, #tpu.memory_space<hbm>> -> memref<128x128xf32, #tpu.memory_space<hbm>>
      %dma_start3A_104 = arith.constant 0 : i32
      %dma_start3A_105 = arith.constant 0 : i32
      %dma_start3A_106 = tpu.memref_slice %arg13[%dma_start3A_104, %dma_start3A_105] : memref<128x128xf32, #tpu.memory_space<vmem>> -> memref<128x128xf32, #tpu.memory_space<vmem>>
      tpu.enqueue_dma source(%dma_start3A_106 : memref<128x128xf32, #tpu.memory_space<vmem>>) target(%dma_start3A_103 : memref<128x128xf32, #tpu.memory_space<hbm>>) target_semaphore(%run_scoped3A : memref<!tpu.dma_semaphore, #tpu.memory_space<semaphore_mem>>)
      %dma_wait3A = arith.constant 0 : i32
      %dma_wait3A_107 = arith.constant 0 : i32
      %dma_wait3A_108 = tpu.memref_slice %arg13[%dma_wait3A, %dma_wait3A_107] : memref<128x128xf32, #tpu.memory_space<vmem>> -> memref<128x128xf32, #tpu.memory_space<vmem>>
      %dma_wait3A_109 = arith.constant 0 : i32
      %dma_wait3A_110 = tpu.memref_slice %arg7[%arg0, %add3A_61, %dma_wait3A_109] : memref<2x10000x128xf32, #tpu.memory_space<hbm>> -> memref<1x128x128xf32, #tpu.memory_space<hbm>>
      %dma_wait3A_111 = tpu.memref_squeeze %dma_wait3A_110 : memref<1x128x128xf32, #tpu.memory_space<hbm>> -> memref<128x128xf32, #tpu.memory_space<hbm>>
      %dma_wait3A_112 = arith.constant 0 : i32
      %dma_wait3A_113 = tpu.memref_slice %arg7[%arg0, %add3A_61, %dma_wait3A_112] : memref<2x10000x128xf32, #tpu.memory_space<hbm>> -> memref<1x128x128xf32, #tpu.memory_space<hbm>>
      %dma_wait3A_114 = tpu.memref_squeeze %dma_wait3A_113 : memref<1x128x128xf32, #tpu.memory_space<hbm>> -> memref<128x128xf32, #tpu.memory_space<hbm>>
      %dma_wait3A_115 = arith.constant 0 : i32
      %dma_wait3A_116 = arith.constant 0 : i32
      %dma_wait3A_117 = tpu.memref_slice %arg13[%dma_wait3A_115, %dma_wait3A_116] : memref<128x128xf32, #tpu.memory_space<vmem>> -> memref<128x128xf32, #tpu.memory_space<vmem>>
      tpu.wait_dma2 semaphore(%run_scoped3A : memref<!tpu.dma_semaphore, #tpu.memory_space<semaphore_mem>>) src(%dma_wait3A_117 : memref<128x128xf32, #tpu.memory_space<vmem>>) dst(%dma_wait3A_114 : memref<128x128xf32, #tpu.memory_space<hbm>>)
      tpu.yield
    }) : () -> ()
    %mul3A_62 = arith.constant 624 : i32
    %mul3A_63 = arith.muli %arg1, %mul3A_62 : i32
    %add3A_64 = arith.constant 384 : i32
    %add3A_65 = arith.addi %mul3A_63, %add3A_64 : i32
    "tpu.region"() ({
      %run_scoped3A = tpu.sem_alloc : memref<!tpu.dma_semaphore, #tpu.memory_space<semaphore_mem>>
      %dma_start3A = arith.constant 0 : i32
      %dma_start3A_96 = arith.constant 0 : i32
      %dma_start3A_97 = tpu.memref_slice %arg13[%dma_start3A, %dma_start3A_96] : memref<128x128xf32, #tpu.memory_space<vmem>> -> memref<128x128xf32, #tpu.memory_space<vmem>>
      %dma_start3A_98 = arith.constant 0 : i32
      %dma_start3A_99 = tpu.memref_slice %arg14[%add3A_65, %dma_start3A_98] : memref<10000x128xf32, #tpu.memory_space<vmem_shared>> -> memref<128x128xf32, #tpu.memory_space<vmem_shared>>
      %dma_start3A_100 = arith.constant 0 : i32
      %dma_start3A_101 = arith.constant 0 : i32
      %dma_start3A_102 = tpu.memref_slice %arg13[%dma_start3A_100, %dma_start3A_101] : memref<128x128xf32, #tpu.memory_space<vmem>> -> memref<128x128xf32, #tpu.memory_space<vmem>>
      %dma_start3A_103 = arith.constant 0 : i32
      %dma_start3A_104 = tpu.memref_slice %arg14[%add3A_65, %dma_start3A_103] : memref<10000x128xf32, #tpu.memory_space<vmem_shared>> -> memref<128x128xf32, #tpu.memory_space<vmem_shared>>
      tpu.enqueue_dma source(%dma_start3A_104 : memref<128x128xf32, #tpu.memory_space<vmem_shared>>) target(%dma_start3A_102 : memref<128x128xf32, #tpu.memory_space<vmem>>) target_semaphore(%run_scoped3A : memref<!tpu.dma_semaphore, #tpu.memory_space<semaphore_mem>>)
      %dma_wait3A = arith.constant 0 : i32
      %dma_wait3A_105 = arith.constant 0 : i32
      %dma_wait3A_106 = tpu.memref_slice %arg13[%dma_wait3A, %dma_wait3A_105] : memref<128x128xf32, #tpu.memory_space<vmem>> -> memref<128x128xf32, #tpu.memory_space<vmem>>
      %dma_wait3A_107 = arith.constant 0 : i32
      %dma_wait3A_108 = tpu.memref_slice %arg14[%add3A_65, %dma_wait3A_107] : memref<10000x128xf32, #tpu.memory_space<vmem_shared>> -> memref<128x128xf32, #tpu.memory_space<vmem_shared>>
      %dma_wait3A_109 = arith.constant 0 : i32
      %dma_wait3A_110 = arith.constant 0 : i32
      %dma_wait3A_111 = tpu.memref_slice %arg13[%dma_wait3A_109, %dma_wait3A_110] : memref<128x128xf32, #tpu.memory_space<vmem>> -> memref<128x128xf32, #tpu.memory_space<vmem>>
      %dma_wait3A_112 = arith.constant 0 : i32
      %dma_wait3A_113 = tpu.memref_slice %arg14[%add3A_65, %dma_wait3A_112] : memref<10000x128xf32, #tpu.memory_space<vmem_shared>> -> memref<128x128xf32, #tpu.memory_space<vmem_shared>>
      tpu.wait_dma2 semaphore(%run_scoped3A : memref<!tpu.dma_semaphore, #tpu.memory_space<semaphore_mem>>) src(%dma_wait3A_113 : memref<128x128xf32, #tpu.memory_space<vmem_shared>>) dst(%dma_wait3A_111 : memref<128x128xf32, #tpu.memory_space<vmem>>)
      tpu.yield
    }) : () -> ()
    %mul3A_66 = arith.constant 624 : i32
    %mul3A_67 = arith.muli %arg1, %mul3A_66 : i32
    %add3A_68 = arith.constant 384 : i32
    %add3A_69 = arith.addi %mul3A_67, %add3A_68 : i32
    "tpu.region"() ({
      %run_scoped3A = tpu.sem_alloc : memref<!tpu.dma_semaphore, #tpu.memory_space<semaphore_mem>>
      %dma_start3A = arith.constant 0 : i32
      %dma_start3A_96 = arith.constant 0 : i32
      %dma_start3A_97 = tpu.memref_slice %arg13[%dma_start3A, %dma_start3A_96] : memref<128x128xf32, #tpu.memory_space<vmem>> -> memref<128x128xf32, #tpu.memory_space<vmem>>
      %dma_start3A_98 = arith.constant 0 : i32
      %dma_start3A_99 = tpu.memref_slice %arg7[%arg0, %add3A_69, %dma_start3A_98] : memref<2x10000x128xf32, #tpu.memory_space<hbm>> -> memref<1x128x128xf32, #tpu.memory_space<hbm>>
      %dma_start3A_100 = tpu.memref_squeeze %dma_start3A_99 : memref<1x128x128xf32, #tpu.memory_space<hbm>> -> memref<128x128xf32, #tpu.memory_space<hbm>>
      %dma_start3A_101 = arith.constant 0 : i32
      %dma_start3A_102 = tpu.memref_slice %arg7[%arg0, %add3A_69, %dma_start3A_101] : memref<2x10000x128xf32, #tpu.memory_space<hbm>> -> memref<1x128x128xf32, #tpu.memory_space<hbm>>
      %dma_start3A_103 = tpu.memref_squeeze %dma_start3A_102 : memref<1x128x128xf32, #tpu.memory_space<hbm>> -> memref<128x128xf32, #tpu.memory_space<hbm>>
      %dma_start3A_104 = arith.constant 0 : i32
      %dma_start3A_105 = arith.constant 0 : i32
      %dma_start3A_106 = tpu.memref_slice %arg13[%dma_start3A_104, %dma_start3A_105] : memref<128x128xf32, #tpu.memory_space<vmem>> -> memref<128x128xf32, #tpu.memory_space<vmem>>
      tpu.enqueue_dma source(%dma_start3A_106 : memref<128x128xf32, #tpu.memory_space<vmem>>) target(%dma_start3A_103 : memref<128x128xf32, #tpu.memory_space<hbm>>) target_semaphore(%run_scoped3A : memref<!tpu.dma_semaphore, #tpu.memory_space<semaphore_mem>>)
      %dma_wait3A = arith.constant 0 : i32
      %dma_wait3A_107 = arith.constant 0 : i32
      %dma_wait3A_108 = tpu.memref_slice %arg13[%dma_wait3A, %dma_wait3A_107] : memref<128x128xf32, #tpu.memory_space<vmem>> -> memref<128x128xf32, #tpu.memory_space<vmem>>
      %dma_wait3A_109 = arith.constant 0 : i32
      %dma_wait3A_110 = tpu.memref_slice %arg7[%arg0, %add3A_69, %dma_wait3A_109] : memref<2x10000x128xf32, #tpu.memory_space<hbm>> -> memref<1x128x128xf32, #tpu.memory_space<hbm>>
      %dma_wait3A_111 = tpu.memref_squeeze %dma_wait3A_110 : memref<1x128x128xf32, #tpu.memory_space<hbm>> -> memref<128x128xf32, #tpu.memory_space<hbm>>
      %dma_wait3A_112 = arith.constant 0 : i32
      %dma_wait3A_113 = tpu.memref_slice %arg7[%arg0, %add3A_69, %dma_wait3A_112] : memref<2x10000x128xf32, #tpu.memory_space<hbm>> -> memref<1x128x128xf32, #tpu.memory_space<hbm>>
      %dma_wait3A_114 = tpu.memref_squeeze %dma_wait3A_113 : memref<1x128x128xf32, #tpu.memory_space<hbm>> -> memref<128x128xf32, #tpu.memory_space<hbm>>
      %dma_wait3A_115 = arith.constant 0 : i32
      %dma_wait3A_116 = arith.constant 0 : i32
      %dma_wait3A_117 = tpu.memref_slice %arg13[%dma_wait3A_115, %dma_wait3A_116] : memref<128x128xf32, #tpu.memory_space<vmem>> -> memref<128x128xf32, #tpu.memory_space<vmem>>
      tpu.wait_dma2 semaphore(%run_scoped3A : memref<!tpu.dma_semaphore, #tpu.memory_space<semaphore_mem>>) src(%dma_wait3A_117 : memref<128x128xf32, #tpu.memory_space<vmem>>) dst(%dma_wait3A_114 : memref<128x128xf32, #tpu.memory_space<hbm>>)
      tpu.yield
    }) : () -> ()
    %mul3A_70 = arith.constant 624 : i32
    %mul3A_71 = arith.muli %arg1, %mul3A_70 : i32
    %add3A_72 = arith.constant 512 : i32
    %add3A_73 = arith.addi %mul3A_71, %add3A_72 : i32
    "tpu.region"() ({
      %run_scoped3A = tpu.sem_alloc : memref<!tpu.dma_semaphore, #tpu.memory_space<semaphore_mem>>
      %dma_start3A = arith.constant 0 : i32
      %dma_start3A_96 = arith.constant 0 : i32
      %dma_start3A_97 = tpu.memref_slice %arg13[%dma_start3A, %dma_start3A_96] : memref<128x128xf32, #tpu.memory_space<vmem>> -> memref<112x128xf32, #tpu.memory_space<vmem>>
      %dma_start3A_98 = arith.constant 0 : i32
      %dma_start3A_99 = tpu.memref_slice %arg14[%add3A_73, %dma_start3A_98] : memref<10000x128xf32, #tpu.memory_space<vmem_shared>> -> memref<112x128xf32, #tpu.memory_space<vmem_shared>>
      %dma_start3A_100 = arith.constant 0 : i32
      %dma_start3A_101 = arith.constant 0 : i32
      %dma_start3A_102 = tpu.memref_slice %arg13[%dma_start3A_100, %dma_start3A_101] : memref<128x128xf32, #tpu.memory_space<vmem>> -> memref<112x128xf32, #tpu.memory_space<vmem>>
      %dma_start3A_103 = arith.constant 0 : i32
      %dma_start3A_104 = tpu.memref_slice %arg14[%add3A_73, %dma_start3A_103] : memref<10000x128xf32, #tpu.memory_space<vmem_shared>> -> memref<112x128xf32, #tpu.memory_space<vmem_shared>>
      tpu.enqueue_dma source(%dma_start3A_104 : memref<112x128xf32, #tpu.memory_space<vmem_shared>>) target(%dma_start3A_102 : memref<112x128xf32, #tpu.memory_space<vmem>>) target_semaphore(%run_scoped3A : memref<!tpu.dma_semaphore, #tpu.memory_space<semaphore_mem>>)
      %dma_wait3A = arith.constant 0 : i32
      %dma_wait3A_105 = arith.constant 0 : i32
      %dma_wait3A_106 = tpu.memref_slice %arg13[%dma_wait3A, %dma_wait3A_105] : memref<128x128xf32, #tpu.memory_space<vmem>> -> memref<112x128xf32, #tpu.memory_space<vmem>>
      %dma_wait3A_107 = arith.constant 0 : i32
      %dma_wait3A_108 = tpu.memref_slice %arg14[%add3A_73, %dma_wait3A_107] : memref<10000x128xf32, #tpu.memory_space<vmem_shared>> -> memref<112x128xf32, #tpu.memory_space<vmem_shared>>
      %dma_wait3A_109 = arith.constant 0 : i32
      %dma_wait3A_110 = arith.constant 0 : i32
      %dma_wait3A_111 = tpu.memref_slice %arg13[%dma_wait3A_109, %dma_wait3A_110] : memref<128x128xf32, #tpu.memory_space<vmem>> -> memref<112x128xf32, #tpu.memory_space<vmem>>
      %dma_wait3A_112 = arith.constant 0 : i32
      %dma_wait3A_113 = tpu.memref_slice %arg14[%add3A_73, %dma_wait3A_112] : memref<10000x128xf32, #tpu.memory_space<vmem_shared>> -> memref<112x128xf32, #tpu.memory_space<vmem_shared>>
      tpu.wait_dma2 semaphore(%run_scoped3A : memref<!tpu.dma_semaphore, #tpu.memory_space<semaphore_mem>>) src(%dma_wait3A_113 : memref<112x128xf32, #tpu.memory_space<vmem_shared>>) dst(%dma_wait3A_111 : memref<112x128xf32, #tpu.memory_space<vmem>>)
      tpu.yield
    }) : () -> ()
    %mul3A_74 = arith.constant 624 : i32
    %mul3A_75 = arith.muli %arg1, %mul3A_74 : i32
    %add3A_76 = arith.constant 512 : i32
    %add3A_77 = arith.addi %mul3A_75, %add3A_76 : i32
    "tpu.region"() ({
      %run_scoped3A = tpu.sem_alloc : memref<!tpu.dma_semaphore, #tpu.memory_space<semaphore_mem>>
      %dma_start3A = arith.constant 0 : i32
      %dma_start3A_96 = arith.constant 0 : i32
      %dma_start3A_97 = tpu.memref_slice %arg13[%dma_start3A, %dma_start3A_96] : memref<128x128xf32, #tpu.memory_space<vmem>> -> memref<112x128xf32, #tpu.memory_space<vmem>>
      %dma_start3A_98 = arith.constant 0 : i32
      %dma_start3A_99 = tpu.memref_slice %arg7[%arg0, %add3A_77, %dma_start3A_98] : memref<2x10000x128xf32, #tpu.memory_space<hbm>> -> memref<1x112x128xf32, #tpu.memory_space<hbm>>
      %dma_start3A_100 = tpu.memref_squeeze %dma_start3A_99 : memref<1x112x128xf32, #tpu.memory_space<hbm>> -> memref<112x128xf32, #tpu.memory_space<hbm>>
      %dma_start3A_101 = arith.constant 0 : i32
      %dma_start3A_102 = tpu.memref_slice %arg7[%arg0, %add3A_77, %dma_start3A_101] : memref<2x10000x128xf32, #tpu.memory_space<hbm>> -> memref<1x112x128xf32, #tpu.memory_space<hbm>>
      %dma_start3A_103 = tpu.memref_squeeze %dma_start3A_102 : memref<1x112x128xf32, #tpu.memory_space<hbm>> -> memref<112x128xf32, #tpu.memory_space<hbm>>
      %dma_start3A_104 = arith.constant 0 : i32
      %dma_start3A_105 = arith.constant 0 : i32
      %dma_start3A_106 = tpu.memref_slice %arg13[%dma_start3A_104, %dma_start3A_105] : memref<128x128xf32, #tpu.memory_space<vmem>> -> memref<112x128xf32, #tpu.memory_space<vmem>>
      tpu.enqueue_dma source(%dma_start3A_106 : memref<112x128xf32, #tpu.memory_space<vmem>>) target(%dma_start3A_103 : memref<112x128xf32, #tpu.memory_space<hbm>>) target_semaphore(%run_scoped3A : memref<!tpu.dma_semaphore, #tpu.memory_space<semaphore_mem>>)
      %dma_wait3A = arith.constant 0 : i32
      %dma_wait3A_107 = arith.constant 0 : i32
      %dma_wait3A_108 = tpu.memref_slice %arg13[%dma_wait3A, %dma_wait3A_107] : memref<128x128xf32, #tpu.memory_space<vmem>> -> memref<112x128xf32, #tpu.memory_space<vmem>>
      %dma_wait3A_109 = arith.constant 0 : i32
      %dma_wait3A_110 = tpu.memref_slice %arg7[%arg0, %add3A_77, %dma_wait3A_109] : memref<2x10000x128xf32, #tpu.memory_space<hbm>> -> memref<1x112x128xf32, #tpu.memory_space<hbm>>
      %dma_wait3A_111 = tpu.memref_squeeze %dma_wait3A_110 : memref<1x112x128xf32, #tpu.memory_space<hbm>> -> memref<112x128xf32, #tpu.memory_space<hbm>>
      %dma_wait3A_112 = arith.constant 0 : i32
      %dma_wait3A_113 = tpu.memref_slice %arg7[%arg0, %add3A_77, %dma_wait3A_112] : memref<2x10000x128xf32, #tpu.memory_space<hbm>> -> memref<1x112x128xf32, #tpu.memory_space<hbm>>
      %dma_wait3A_114 = tpu.memref_squeeze %dma_wait3A_113 : memref<1x112x128xf32, #tpu.memory_space<hbm>> -> memref<112x128xf32, #tpu.memory_space<hbm>>
      %dma_wait3A_115 = arith.constant 0 : i32
      %dma_wait3A_116 = arith.constant 0 : i32
      %dma_wait3A_117 = tpu.memref_slice %arg13[%dma_wait3A_115, %dma_wait3A_116] : memref<128x128xf32, #tpu.memory_space<vmem>> -> memref<112x128xf32, #tpu.memory_space<vmem>>
      tpu.wait_dma2 semaphore(%run_scoped3A : memref<!tpu.dma_semaphore, #tpu.memory_space<semaphore_mem>>) src(%dma_wait3A_117 : memref<112x128xf32, #tpu.memory_space<vmem>>) dst(%dma_wait3A_114 : memref<112x128xf32, #tpu.memory_space<hbm>>)
      tpu.yield
    }) : () -> ()
    %eq3A_78 = arith.constant 0 : i32
    %eq3A_79 = arith.cmpi eq, %arg1, %eq3A_78 : i32
    %convert_element_type3A_80 = arith.extui %eq3A_79 : i1 to i32
    %cond3A_81 = arith.constant 0 : i32
    %cond3A_82 = arith.cmpi ne, %convert_element_type3A_80, %cond3A_81 : i32
    scf.if %cond3A_82 {
      "tpu.region"() ({
        %run_scoped3A = tpu.sem_alloc : memref<!tpu.dma_semaphore, #tpu.memory_space<semaphore_mem>>
        %dma_start3A = arith.constant 0 : i32
        %dma_start3A_96 = arith.constant 0 : i32
        %dma_start3A_97 = tpu.memref_slice %arg13[%dma_start3A, %dma_start3A_96] : memref<128x128xf32, #tpu.memory_space<vmem>> -> memref<16x128xf32, #tpu.memory_space<vmem>>
        %dma_start3A_98 = arith.constant 9984 : i32
        %dma_start3A_99 = arith.constant 0 : i32
        %dma_start3A_100 = tpu.memref_slice %arg14[%dma_start3A_98, %dma_start3A_99] : memref<10000x128xf32, #tpu.memory_space<vmem_shared>> -> memref<16x128xf32, #tpu.memory_space<vmem_shared>>
        %dma_start3A_101 = arith.constant 0 : i32
        %dma_start3A_102 = arith.constant 0 : i32
        %dma_start3A_103 = tpu.memref_slice %arg13[%dma_start3A_101, %dma_start3A_102] : memref<128x128xf32, #tpu.memory_space<vmem>> -> memref<16x128xf32, #tpu.memory_space<vmem>>
        %dma_start3A_104 = arith.constant 9984 : i32
        %dma_start3A_105 = arith.constant 0 : i32
        %dma_start3A_106 = tpu.memref_slice %arg14[%dma_start3A_104, %dma_start3A_105] : memref<10000x128xf32, #tpu.memory_space<vmem_shared>> -> memref<16x128xf32, #tpu.memory_space<vmem_shared>>
        tpu.enqueue_dma source(%dma_start3A_106 : memref<16x128xf32, #tpu.memory_space<vmem_shared>>) target(%dma_start3A_103 : memref<16x128xf32, #tpu.memory_space<vmem>>) target_semaphore(%run_scoped3A : memref<!tpu.dma_semaphore, #tpu.memory_space<semaphore_mem>>)
        %dma_wait3A = arith.constant 0 : i32
        %dma_wait3A_107 = arith.constant 0 : i32
        %dma_wait3A_108 = tpu.memref_slice %arg13[%dma_wait3A, %dma_wait3A_107] : memref<128x128xf32, #tpu.memory_space<vmem>> -> memref<16x128xf32, #tpu.memory_space<vmem>>
        %dma_wait3A_109 = arith.constant 9984 : i32
        %dma_wait3A_110 = arith.constant 0 : i32
        %dma_wait3A_111 = tpu.memref_slice %arg14[%dma_wait3A_109, %dma_wait3A_110] : memref<10000x128xf32, #tpu.memory_space<vmem_shared>> -> memref<16x128xf32, #tpu.memory_space<vmem_shared>>
        %dma_wait3A_112 = arith.constant 0 : i32
        %dma_wait3A_113 = arith.constant 0 : i32
        %dma_wait3A_114 = tpu.memref_slice %arg13[%dma_wait3A_112, %dma_wait3A_113] : memref<128x128xf32, #tpu.memory_space<vmem>> -> memref<16x128xf32, #tpu.memory_space<vmem>>
        %dma_wait3A_115 = arith.constant 9984 : i32
        %dma_wait3A_116 = arith.constant 0 : i32
        %dma_wait3A_117 = tpu.memref_slice %arg14[%dma_wait3A_115, %dma_wait3A_116] : memref<10000x128xf32, #tpu.memory_space<vmem_shared>> -> memref<16x128xf32, #tpu.memory_space<vmem_shared>>
        tpu.wait_dma2 semaphore(%run_scoped3A : memref<!tpu.dma_semaphore, #tpu.memory_space<semaphore_mem>>) src(%dma_wait3A_117 : memref<16x128xf32, #tpu.memory_space<vmem_shared>>) dst(%dma_wait3A_114 : memref<16x128xf32, #tpu.memory_space<vmem>>)
        tpu.yield
      }) : () -> ()
      "tpu.region"() ({
        %run_scoped3A = tpu.sem_alloc : memref<!tpu.dma_semaphore, #tpu.memory_space<semaphore_mem>>
        %dma_start3A = arith.constant 0 : i32
        %dma_start3A_96 = arith.constant 0 : i32
        %dma_start3A_97 = tpu.memref_slice %arg13[%dma_start3A, %dma_start3A_96] : memref<128x128xf32, #tpu.memory_space<vmem>> -> memref<16x128xf32, #tpu.memory_space<vmem>>
        %dma_start3A_98 = arith.constant 9984 : i32
        %dma_start3A_99 = arith.constant 0 : i32
        %dma_start3A_100 = tpu.memref_slice %arg7[%arg0, %dma_start3A_98, %dma_start3A_99] : memref<2x10000x128xf32, #tpu.memory_space<hbm>> -> memref<1x16x128xf32, #tpu.memory_space<hbm>>
        %dma_start3A_101 = tpu.memref_squeeze %dma_start3A_100 : memref<1x16x128xf32, #tpu.memory_space<hbm>> -> memref<16x128xf32, #tpu.memory_space<hbm>>
        %dma_start3A_102 = arith.constant 9984 : i32
        %dma_start3A_103 = arith.constant 0 : i32
        %dma_start3A_104 = tpu.memref_slice %arg7[%arg0, %dma_start3A_102, %dma_start3A_103] : memref<2x10000x128xf32, #tpu.memory_space<hbm>> -> memref<1x16x128xf32, #tpu.memory_space<hbm>>
        %dma_start3A_105 = tpu.memref_squeeze %dma_start3A_104 : memref<1x16x128xf32, #tpu.memory_space<hbm>> -> memref<16x128xf32, #tpu.memory_space<hbm>>
        %dma_start3A_106 = arith.constant 0 : i32
        %dma_start3A_107 = arith.constant 0 : i32
        %dma_start3A_108 = tpu.memref_slice %arg13[%dma_start3A_106, %dma_start3A_107] : memref<128x128xf32, #tpu.memory_space<vmem>> -> memref<16x128xf32, #tpu.memory_space<vmem>>
        tpu.enqueue_dma source(%dma_start3A_108 : memref<16x128xf32, #tpu.memory_space<vmem>>) target(%dma_start3A_105 : memref<16x128xf32, #tpu.memory_space<hbm>>) target_semaphore(%run_scoped3A : memref<!tpu.dma_semaphore, #tpu.memory_space<semaphore_mem>>)
        %dma_wait3A = arith.constant 0 : i32
        %dma_wait3A_109 = arith.constant 0 : i32
        %dma_wait3A_110 = tpu.memref_slice %arg13[%dma_wait3A, %dma_wait3A_109] : memref<128x128xf32, #tpu.memory_space<vmem>> -> memref<16x128xf32, #tpu.memory_space<vmem>>
        %dma_wait3A_111 = arith.constant 9984 : i32
        %dma_wait3A_112 = arith.constant 0 : i32
        %dma_wait3A_113 = tpu.memref_slice %arg7[%arg0, %dma_wait3A_111, %dma_wait3A_112] : memref<2x10000x128xf32, #tpu.memory_space<hbm>> -> memref<1x16x128xf32, #tpu.memory_space<hbm>>
        %dma_wait3A_114 = tpu.memref_squeeze %dma_wait3A_113 : memref<1x16x128xf32, #tpu.memory_space<hbm>> -> memref<16x128xf32, #tpu.memory_space<hbm>>
        %dma_wait3A_115 = arith.constant 9984 : i32
        %dma_wait3A_116 = arith.constant 0 : i32
        %dma_wait3A_117 = tpu.memref_slice %arg7[%arg0, %dma_wait3A_115, %dma_wait3A_116] : memref<2x10000x128xf32, #tpu.memory_space<hbm>> -> memref<1x16x128xf32, #tpu.memory_space<hbm>>
        %dma_wait3A_118 = tpu.memref_squeeze %dma_wait3A_117 : memref<1x16x128xf32, #tpu.memory_space<hbm>> -> memref<16x128xf32, #tpu.memory_space<hbm>>
        %dma_wait3A_119 = arith.constant 0 : i32
        %dma_wait3A_120 = arith.constant 0 : i32
        %dma_wait3A_121 = tpu.memref_slice %arg13[%dma_wait3A_119, %dma_wait3A_120] : memref<128x128xf32, #tpu.memory_space<vmem>> -> memref<16x128xf32, #tpu.memory_space<vmem>>
        tpu.wait_dma2 semaphore(%run_scoped3A : memref<!tpu.dma_semaphore, #tpu.memory_space<semaphore_mem>>) src(%dma_wait3A_121 : memref<16x128xf32, #tpu.memory_space<vmem>>) dst(%dma_wait3A_118 : memref<16x128xf32, #tpu.memory_space<hbm>>)
        tpu.yield
      }) : () -> ()
    } else {
    }
    %eq3A_83 = arith.constant 0 : i32
    %eq3A_84 = arith.cmpi eq, %arg1, %eq3A_83 : i32
    %convert_element_type3A_85 = arith.extui %eq3A_84 : i1 to i32
    %cond3A_86 = arith.constant 0 : i32
    %cond3A_87 = arith.cmpi ne, %convert_element_type3A_85, %cond3A_86 : i32
    scf.if %cond3A_87 {
      "tpu.region"() ({
        %run_scoped3A = tpu.sem_alloc : memref<!tpu.dma_semaphore, #tpu.memory_space<semaphore_mem>>
        %dma_start3A = arith.constant 0 : i32
        %dma_start3A_96 = arith.constant 0 : i32
        %dma_start3A_97 = tpu.memref_slice %arg13[%dma_start3A, %dma_start3A_96] : memref<128x128xf32, #tpu.memory_space<vmem>> -> memref<104x128xf32, #tpu.memory_space<vmem>>
        %dma_start3A_98 = arith.constant 0 : i32
        %dma_start3A_99 = arith.constant 0 : i32
        %dma_start3A_100 = tpu.memref_slice %arg15[%dma_start3A_98, %dma_start3A_99] : memref<104x128xf32, #tpu.memory_space<vmem_shared>> -> memref<104x128xf32, #tpu.memory_space<vmem_shared>>
        %dma_start3A_101 = arith.constant 0 : i32
        %dma_start3A_102 = arith.constant 0 : i32
        %dma_start3A_103 = tpu.memref_slice %arg13[%dma_start3A_101, %dma_start3A_102] : memref<128x128xf32, #tpu.memory_space<vmem>> -> memref<104x128xf32, #tpu.memory_space<vmem>>
        %dma_start3A_104 = arith.constant 0 : i32
        %dma_start3A_105 = arith.constant 0 : i32
        %dma_start3A_106 = tpu.memref_slice %arg15[%dma_start3A_104, %dma_start3A_105] : memref<104x128xf32, #tpu.memory_space<vmem_shared>> -> memref<104x128xf32, #tpu.memory_space<vmem_shared>>
        tpu.enqueue_dma source(%dma_start3A_106 : memref<104x128xf32, #tpu.memory_space<vmem_shared>>) target(%dma_start3A_103 : memref<104x128xf32, #tpu.memory_space<vmem>>) target_semaphore(%run_scoped3A : memref<!tpu.dma_semaphore, #tpu.memory_space<semaphore_mem>>)
        %dma_wait3A = arith.constant 0 : i32
        %dma_wait3A_107 = arith.constant 0 : i32
        %dma_wait3A_108 = tpu.memref_slice %arg13[%dma_wait3A, %dma_wait3A_107] : memref<128x128xf32, #tpu.memory_space<vmem>> -> memref<104x128xf32, #tpu.memory_space<vmem>>
        %dma_wait3A_109 = arith.constant 0 : i32
        %dma_wait3A_110 = arith.constant 0 : i32
        %dma_wait3A_111 = tpu.memref_slice %arg15[%dma_wait3A_109, %dma_wait3A_110] : memref<104x128xf32, #tpu.memory_space<vmem_shared>> -> memref<104x128xf32, #tpu.memory_space<vmem_shared>>
        %dma_wait3A_112 = arith.constant 0 : i32
        %dma_wait3A_113 = arith.constant 0 : i32
        %dma_wait3A_114 = tpu.memref_slice %arg13[%dma_wait3A_112, %dma_wait3A_113] : memref<128x128xf32, #tpu.memory_space<vmem>> -> memref<104x128xf32, #tpu.memory_space<vmem>>
        %dma_wait3A_115 = arith.constant 0 : i32
        %dma_wait3A_116 = arith.constant 0 : i32
        %dma_wait3A_117 = tpu.memref_slice %arg15[%dma_wait3A_115, %dma_wait3A_116] : memref<104x128xf32, #tpu.memory_space<vmem_shared>> -> memref<104x128xf32, #tpu.memory_space<vmem_shared>>
        tpu.wait_dma2 semaphore(%run_scoped3A : memref<!tpu.dma_semaphore, #tpu.memory_space<semaphore_mem>>) src(%dma_wait3A_117 : memref<104x128xf32, #tpu.memory_space<vmem_shared>>) dst(%dma_wait3A_114 : memref<104x128xf32, #tpu.memory_space<vmem>>)
        tpu.yield
      }) : () -> ()
      "tpu.region"() ({
        %run_scoped3A = tpu.sem_alloc : memref<!tpu.dma_semaphore, #tpu.memory_space<semaphore_mem>>
        %dma_start3A = arith.constant 0 : i32
        %dma_start3A_96 = arith.constant 0 : i32
        %dma_start3A_97 = tpu.memref_slice %arg13[%dma_start3A, %dma_start3A_96] : memref<128x128xf32, #tpu.memory_space<vmem>> -> memref<104x128xf32, #tpu.memory_space<vmem>>
        %dma_start3A_98 = arith.constant 0 : i32
        %dma_start3A_99 = arith.constant 0 : i32
        %dma_start3A_100 = tpu.memref_slice %arg8[%arg0, %dma_start3A_98, %dma_start3A_99] : memref<2x104x128xf32, #tpu.memory_space<hbm>> -> memref<1x104x128xf32, #tpu.memory_space<hbm>>
        %dma_start3A_101 = tpu.memref_squeeze %dma_start3A_100 : memref<1x104x128xf32, #tpu.memory_space<hbm>> -> memref<104x128xf32, #tpu.memory_space<hbm>>
        %dma_start3A_102 = arith.constant 0 : i32
        %dma_start3A_103 = arith.constant 0 : i32
        %dma_start3A_104 = tpu.memref_slice %arg8[%arg0, %dma_start3A_102, %dma_start3A_103] : memref<2x104x128xf32, #tpu.memory_space<hbm>> -> memref<1x104x128xf32, #tpu.memory_space<hbm>>
        %dma_start3A_105 = tpu.memref_squeeze %dma_start3A_104 : memref<1x104x128xf32, #tpu.memory_space<hbm>> -> memref<104x128xf32, #tpu.memory_space<hbm>>
        %dma_start3A_106 = arith.constant 0 : i32
        %dma_start3A_107 = arith.constant 0 : i32
        %dma_start3A_108 = tpu.memref_slice %arg13[%dma_start3A_106, %dma_start3A_107] : memref<128x128xf32, #tpu.memory_space<vmem>> -> memref<104x128xf32, #tpu.memory_space<vmem>>
        tpu.enqueue_dma source(%dma_start3A_108 : memref<104x128xf32, #tpu.memory_space<vmem>>) target(%dma_start3A_105 : memref<104x128xf32, #tpu.memory_space<hbm>>) target_semaphore(%run_scoped3A : memref<!tpu.dma_semaphore, #tpu.memory_space<semaphore_mem>>)
        %dma_wait3A = arith.constant 0 : i32
        %dma_wait3A_109 = arith.constant 0 : i32
        %dma_wait3A_110 = tpu.memref_slice %arg13[%dma_wait3A, %dma_wait3A_109] : memref<128x128xf32, #tpu.memory_space<vmem>> -> memref<104x128xf32, #tpu.memory_space<vmem>>
        %dma_wait3A_111 = arith.constant 0 : i32
        %dma_wait3A_112 = arith.constant 0 : i32
        %dma_wait3A_113 = tpu.memref_slice %arg8[%arg0, %dma_wait3A_111, %dma_wait3A_112] : memref<2x104x128xf32, #tpu.memory_space<hbm>> -> memref<1x104x128xf32, #tpu.memory_space<hbm>>
        %dma_wait3A_114 = tpu.memref_squeeze %dma_wait3A_113 : memref<1x104x128xf32, #tpu.memory_space<hbm>> -> memref<104x128xf32, #tpu.memory_space<hbm>>
        %dma_wait3A_115 = arith.constant 0 : i32
        %dma_wait3A_116 = arith.constant 0 : i32
        %dma_wait3A_117 = tpu.memref_slice %arg8[%arg0, %dma_wait3A_115, %dma_wait3A_116] : memref<2x104x128xf32, #tpu.memory_space<hbm>> -> memref<1x104x128xf32, #tpu.memory_space<hbm>>
        %dma_wait3A_118 = tpu.memref_squeeze %dma_wait3A_117 : memref<1x104x128xf32, #tpu.memory_space<hbm>> -> memref<104x128xf32, #tpu.memory_space<hbm>>
        %dma_wait3A_119 = arith.constant 0 : i32
        %dma_wait3A_120 = arith.constant 0 : i32
        %dma_wait3A_121 = tpu.memref_slice %arg13[%dma_wait3A_119, %dma_wait3A_120] : memref<128x128xf32, #tpu.memory_space<vmem>> -> memref<104x128xf32, #tpu.memory_space<vmem>>
        tpu.wait_dma2 semaphore(%run_scoped3A : memref<!tpu.dma_semaphore, #tpu.memory_space<semaphore_mem>>) src(%dma_wait3A_121 : memref<104x128xf32, #tpu.memory_space<vmem>>) dst(%dma_wait3A_118 : memref<104x128xf32, #tpu.memory_space<hbm>>)
        tpu.yield
      }) : () -> ()
    } else {
    }
    %mul3A_88 = arith.constant 64 : i32
    %mul3A_89 = arith.muli %arg1, %mul3A_88 : i32
    %add3A_90 = arith.constant 0 : i32
    %add3A_91 = arith.addi %mul3A_89, %add3A_90 : i32
    "tpu.region"() ({
      %run_scoped3A = tpu.sem_alloc : memref<!tpu.dma_semaphore, #tpu.memory_space<semaphore_mem>>
      %dma_start3A = arith.constant 0 : i32
      %dma_start3A_96 = arith.constant 0 : i32
      %dma_start3A_97 = tpu.memref_slice %arg13[%dma_start3A, %dma_start3A_96] : memref<128x128xf32, #tpu.memory_space<vmem>> -> memref<64x128xf32, #tpu.memory_space<vmem>>
      %dma_start3A_98 = arith.constant 0 : i32
      %dma_start3A_99 = tpu.memref_slice %arg16[%add3A_91, %dma_start3A_98] : memref<1024x128xf32, #tpu.memory_space<vmem_shared>> -> memref<64x128xf32, #tpu.memory_space<vmem_shared>>
      %dma_start3A_100 = arith.constant 0 : i32
      %dma_start3A_101 = arith.constant 0 : i32
      %dma_start3A_102 = tpu.memref_slice %arg13[%dma_start3A_100, %dma_start3A_101] : memref<128x128xf32, #tpu.memory_space<vmem>> -> memref<64x128xf32, #tpu.memory_space<vmem>>
      %dma_start3A_103 = arith.constant 0 : i32
      %dma_start3A_104 = tpu.memref_slice %arg16[%add3A_91, %dma_start3A_103] : memref<1024x128xf32, #tpu.memory_space<vmem_shared>> -> memref<64x128xf32, #tpu.memory_space<vmem_shared>>
      tpu.enqueue_dma source(%dma_start3A_104 : memref<64x128xf32, #tpu.memory_space<vmem_shared>>) target(%dma_start3A_102 : memref<64x128xf32, #tpu.memory_space<vmem>>) target_semaphore(%run_scoped3A : memref<!tpu.dma_semaphore, #tpu.memory_space<semaphore_mem>>)
      %dma_wait3A = arith.constant 0 : i32
      %dma_wait3A_105 = arith.constant 0 : i32
      %dma_wait3A_106 = tpu.memref_slice %arg13[%dma_wait3A, %dma_wait3A_105] : memref<128x128xf32, #tpu.memory_space<vmem>> -> memref<64x128xf32, #tpu.memory_space<vmem>>
      %dma_wait3A_107 = arith.constant 0 : i32
      %dma_wait3A_108 = tpu.memref_slice %arg16[%add3A_91, %dma_wait3A_107] : memref<1024x128xf32, #tpu.memory_space<vmem_shared>> -> memref<64x128xf32, #tpu.memory_space<vmem_shared>>
      %dma_wait3A_109 = arith.constant 0 : i32
      %dma_wait3A_110 = arith.constant 0 : i32
      %dma_wait3A_111 = tpu.memref_slice %arg13[%dma_wait3A_109, %dma_wait3A_110] : memref<128x128xf32, #tpu.memory_space<vmem>> -> memref<64x128xf32, #tpu.memory_space<vmem>>
      %dma_wait3A_112 = arith.constant 0 : i32
      %dma_wait3A_113 = tpu.memref_slice %arg16[%add3A_91, %dma_wait3A_112] : memref<1024x128xf32, #tpu.memory_space<vmem_shared>> -> memref<64x128xf32, #tpu.memory_space<vmem_shared>>
      tpu.wait_dma2 semaphore(%run_scoped3A : memref<!tpu.dma_semaphore, #tpu.memory_space<semaphore_mem>>) src(%dma_wait3A_113 : memref<64x128xf32, #tpu.memory_space<vmem_shared>>) dst(%dma_wait3A_111 : memref<64x128xf32, #tpu.memory_space<vmem>>)
      tpu.yield
    }) : () -> ()
    %mul3A_92 = arith.constant 64 : i32
    %mul3A_93 = arith.muli %arg1, %mul3A_92 : i32
    %add3A_94 = arith.constant 0 : i32
    %add3A_95 = arith.addi %mul3A_93, %add3A_94 : i32
    "tpu.region"() ({
      %run_scoped3A = tpu.sem_alloc : memref<!tpu.dma_semaphore, #tpu.memory_space<semaphore_mem>>
      %dma_start3A = arith.constant 0 : i32
      %dma_start3A_96 = arith.constant 0 : i32
      %dma_start3A_97 = tpu.memref_slice %arg13[%dma_start3A, %dma_start3A_96] : memref<128x128xf32, #tpu.memory_space<vmem>> -> memref<64x128xf32, #tpu.memory_space<vmem>>
      %dma_start3A_98 = arith.constant 0 : i32
      %dma_start3A_99 = tpu.memref_slice %arg9[%arg0, %add3A_95, %dma_start3A_98] : memref<2x1024x128xf32, #tpu.memory_space<hbm>> -> memref<1x64x128xf32, #tpu.memory_space<hbm>>
      %dma_start3A_100 = tpu.memref_squeeze %dma_start3A_99 : memref<1x64x128xf32, #tpu.memory_space<hbm>> -> memref<64x128xf32, #tpu.memory_space<hbm>>
      %dma_start3A_101 = arith.constant 0 : i32
      %dma_start3A_102 = tpu.memref_slice %arg9[%arg0, %add3A_95, %dma_start3A_101] : memref<2x1024x128xf32, #tpu.memory_space<hbm>> -> memref<1x64x128xf32, #tpu.memory_space<hbm>>
      %dma_start3A_103 = tpu.memref_squeeze %dma_start3A_102 : memref<1x64x128xf32, #tpu.memory_space<hbm>> -> memref<64x128xf32, #tpu.memory_space<hbm>>
      %dma_start3A_104 = arith.constant 0 : i32
      %dma_start3A_105 = arith.constant 0 : i32
      %dma_start3A_106 = tpu.memref_slice %arg13[%dma_start3A_104, %dma_start3A_105] : memref<128x128xf32, #tpu.memory_space<vmem>> -> memref<64x128xf32, #tpu.memory_space<vmem>>
      tpu.enqueue_dma source(%dma_start3A_106 : memref<64x128xf32, #tpu.memory_space<vmem>>) target(%dma_start3A_103 : memref<64x128xf32, #tpu.memory_space<hbm>>) target_semaphore(%run_scoped3A : memref<!tpu.dma_semaphore, #tpu.memory_space<semaphore_mem>>)
      %dma_wait3A = arith.constant 0 : i32
      %dma_wait3A_107 = arith.constant 0 : i32
      %dma_wait3A_108 = tpu.memref_slice %arg13[%dma_wait3A, %dma_wait3A_107] : memref<128x128xf32, #tpu.memory_space<vmem>> -> memref<64x128xf32, #tpu.memory_space<vmem>>
      %dma_wait3A_109 = arith.constant 0 : i32
      %dma_wait3A_110 = tpu.memref_slice %arg9[%arg0, %add3A_95, %dma_wait3A_109] : memref<2x1024x128xf32, #tpu.memory_space<hbm>> -> memref<1x64x128xf32, #tpu.memory_space<hbm>>
      %dma_wait3A_111 = tpu.memref_squeeze %dma_wait3A_110 : memref<1x64x128xf32, #tpu.memory_space<hbm>> -> memref<64x128xf32, #tpu.memory_space<hbm>>
      %dma_wait3A_112 = arith.constant 0 : i32
      %dma_wait3A_113 = tpu.memref_slice %arg9[%arg0, %add3A_95, %dma_wait3A_112] : memref<2x1024x128xf32, #tpu.memory_space<hbm>> -> memref<1x64x128xf32, #tpu.memory_space<hbm>>
      %dma_wait3A_114 = tpu.memref_squeeze %dma_wait3A_113 : memref<1x64x128xf32, #tpu.memory_space<hbm>> -> memref<64x128xf32, #tpu.memory_space<hbm>>
      %dma_wait3A_115 = arith.constant 0 : i32
      %dma_wait3A_116 = arith.constant 0 : i32
      %dma_wait3A_117 = tpu.memref_slice %arg13[%dma_wait3A_115, %dma_wait3A_116] : memref<128x128xf32, #tpu.memory_space<vmem>> -> memref<64x128xf32, #tpu.memory_space<vmem>>
      tpu.wait_dma2 semaphore(%run_scoped3A : memref<!tpu.dma_semaphore, #tpu.memory_space<semaphore_mem>>) src(%dma_wait3A_117 : memref<64x128xf32, #tpu.memory_space<vmem>>) dst(%dma_wait3A_114 : memref<64x128xf32, #tpu.memory_space<hbm>>)
      tpu.yield
    }) : () -> ()
    return
  }
}

#map = affine_map<(d0, d1) -> (0, 0)>
#map1 = affine_map<(d0, d1) -> (0)>
#map2 = affine_map<(d0, d1) -> (0, 0, 0)>
module attributes {stable_mosaic.version = 14 : i64} {
  func.func @body(%arg0: i32, %arg1: i32, %arg2: memref<320000x128xf32, #tpu.memory_space<hbm>>, %arg3: memref<320000x128xf32, #tpu.memory_space<hbm>>, %arg4: memref<320000xi32, #tpu.memory_space<hbm>>, %arg5: memref<320000xi32, #tpu.memory_space<hbm>>, %arg6: memref<128x128xf32, #tpu.memory_space<hbm>>, %arg7: memref<2x10000x128xf32, #tpu.memory_space<hbm>>, %arg8: memref<2x104x128xf32, #tpu.memory_space<hbm>>, %arg9: memref<128xi32, #tpu.memory_space<vmem>>, %arg10: memref<128xi32, #tpu.memory_space<vmem>>, %arg11: memref<128x128xf32, #tpu.memory_space<vmem>>, %arg12: memref<128x128xf32, #tpu.memory_space<vmem>>, %arg13: memref<10000x128xf32, #tpu.memory_space<vmem_shared>>, %arg14: memref<104x128xf32, #tpu.memory_space<vmem_shared>>, %arg15: memref<!tpu.dma_semaphore, #tpu.memory_space<semaphore_mem>>, %arg16: memref<!tpu.dma_semaphore, #tpu.memory_space<semaphore_mem>>) attributes {dimension_semantics = [#tpu.dimension_semantics<core_parallel>, #tpu.dimension_semantics<subcore_parallel>], iteration_bounds = array<i64: 2, 16>, scalar_prefetch = 0 : i64, scratch_operands = 8 : i64, tpu.core_type = #tpu.core_type<sc_vector_subcore>, window_params = [{transform_indices = #map}, {transform_indices = #map}, {transform_indices = #map1}, {transform_indices = #map1}, {transform_indices = #map}, {transform_indices = #map2}, {transform_indices = #map2}]} {
    %mul3A = arith.constant 2 : i32
    %mul3A_0 = arith.muli %arg1, %mul3A : i32
    %add3A = arith.addi %mul3A_0, %arg0 : i32
    "tpu.region"() ({
      %run_scoped3A = tpu.sem_alloc : memref<!tpu.dma_semaphore, #tpu.memory_space<semaphore_mem>>
      tpu.enqueue_dma source(%arg6 : memref<128x128xf32, #tpu.memory_space<hbm>>) target(%arg11 : memref<128x128xf32, #tpu.memory_space<vmem>>) target_semaphore(%run_scoped3A : memref<!tpu.dma_semaphore, #tpu.memory_space<semaphore_mem>>)
      tpu.wait_dma2 semaphore(%run_scoped3A : memref<!tpu.dma_semaphore, #tpu.memory_space<semaphore_mem>>) src(%arg6 : memref<128x128xf32, #tpu.memory_space<hbm>>) dst(%arg11 : memref<128x128xf32, #tpu.memory_space<vmem>>)
      tpu.yield
    }) : () -> ()
    %mul3A_1 = arith.constant 624 : i32
    %mul3A_2 = arith.muli %arg1, %mul3A_1 : i32
    %add3A_3 = arith.constant 0 : i32
    %add3A_4 = arith.addi %mul3A_2, %add3A_3 : i32
    "tpu.region"() ({
      %run_scoped3A = tpu.sem_alloc : memref<!tpu.dma_semaphore, #tpu.memory_space<semaphore_mem>>
      %dma_start3A = arith.constant 0 : i32
      %dma_start3A_84 = arith.constant 0 : i32
      %dma_start3A_85 = tpu.memref_slice %arg11[%dma_start3A, %dma_start3A_84] : memref<128x128xf32, #tpu.memory_space<vmem>> -> memref<128x128xf32, #tpu.memory_space<vmem>>
      %dma_start3A_86 = arith.constant 0 : i32
      %dma_start3A_87 = tpu.memref_slice %arg13[%add3A_4, %dma_start3A_86] : memref<10000x128xf32, #tpu.memory_space<vmem_shared>> -> memref<128x128xf32, #tpu.memory_space<vmem_shared>>
      %dma_start3A_88 = arith.constant 0 : i32
      %dma_start3A_89 = tpu.memref_slice %arg13[%add3A_4, %dma_start3A_88] : memref<10000x128xf32, #tpu.memory_space<vmem_shared>> -> memref<128x128xf32, #tpu.memory_space<vmem_shared>>
      %dma_start3A_90 = arith.constant 0 : i32
      %dma_start3A_91 = arith.constant 0 : i32
      %dma_start3A_92 = tpu.memref_slice %arg11[%dma_start3A_90, %dma_start3A_91] : memref<128x128xf32, #tpu.memory_space<vmem>> -> memref<128x128xf32, #tpu.memory_space<vmem>>
      tpu.enqueue_dma source(%dma_start3A_92 : memref<128x128xf32, #tpu.memory_space<vmem>>) target(%dma_start3A_89 : memref<128x128xf32, #tpu.memory_space<vmem_shared>>) target_semaphore(%run_scoped3A : memref<!tpu.dma_semaphore, #tpu.memory_space<semaphore_mem>>)
      %dma_wait3A = arith.constant 0 : i32
      %dma_wait3A_93 = arith.constant 0 : i32
      %dma_wait3A_94 = tpu.memref_slice %arg11[%dma_wait3A, %dma_wait3A_93] : memref<128x128xf32, #tpu.memory_space<vmem>> -> memref<128x128xf32, #tpu.memory_space<vmem>>
      %dma_wait3A_95 = arith.constant 0 : i32
      %dma_wait3A_96 = tpu.memref_slice %arg13[%add3A_4, %dma_wait3A_95] : memref<10000x128xf32, #tpu.memory_space<vmem_shared>> -> memref<128x128xf32, #tpu.memory_space<vmem_shared>>
      %dma_wait3A_97 = arith.constant 0 : i32
      %dma_wait3A_98 = tpu.memref_slice %arg13[%add3A_4, %dma_wait3A_97] : memref<10000x128xf32, #tpu.memory_space<vmem_shared>> -> memref<128x128xf32, #tpu.memory_space<vmem_shared>>
      %dma_wait3A_99 = arith.constant 0 : i32
      %dma_wait3A_100 = arith.constant 0 : i32
      %dma_wait3A_101 = tpu.memref_slice %arg11[%dma_wait3A_99, %dma_wait3A_100] : memref<128x128xf32, #tpu.memory_space<vmem>> -> memref<128x128xf32, #tpu.memory_space<vmem>>
      tpu.wait_dma2 semaphore(%run_scoped3A : memref<!tpu.dma_semaphore, #tpu.memory_space<semaphore_mem>>) src(%dma_wait3A_101 : memref<128x128xf32, #tpu.memory_space<vmem>>) dst(%dma_wait3A_98 : memref<128x128xf32, #tpu.memory_space<vmem_shared>>)
      tpu.yield
    }) : () -> ()
    %mul3A_5 = arith.constant 624 : i32
    %mul3A_6 = arith.muli %arg1, %mul3A_5 : i32
    %add3A_7 = arith.constant 128 : i32
    %add3A_8 = arith.addi %mul3A_6, %add3A_7 : i32
    "tpu.region"() ({
      %run_scoped3A = tpu.sem_alloc : memref<!tpu.dma_semaphore, #tpu.memory_space<semaphore_mem>>
      %dma_start3A = arith.constant 0 : i32
      %dma_start3A_84 = arith.constant 0 : i32
      %dma_start3A_85 = tpu.memref_slice %arg11[%dma_start3A, %dma_start3A_84] : memref<128x128xf32, #tpu.memory_space<vmem>> -> memref<128x128xf32, #tpu.memory_space<vmem>>
      %dma_start3A_86 = arith.constant 0 : i32
      %dma_start3A_87 = tpu.memref_slice %arg13[%add3A_8, %dma_start3A_86] : memref<10000x128xf32, #tpu.memory_space<vmem_shared>> -> memref<128x128xf32, #tpu.memory_space<vmem_shared>>
      %dma_start3A_88 = arith.constant 0 : i32
      %dma_start3A_89 = tpu.memref_slice %arg13[%add3A_8, %dma_start3A_88] : memref<10000x128xf32, #tpu.memory_space<vmem_shared>> -> memref<128x128xf32, #tpu.memory_space<vmem_shared>>
      %dma_start3A_90 = arith.constant 0 : i32
      %dma_start3A_91 = arith.constant 0 : i32
      %dma_start3A_92 = tpu.memref_slice %arg11[%dma_start3A_90, %dma_start3A_91] : memref<128x128xf32, #tpu.memory_space<vmem>> -> memref<128x128xf32, #tpu.memory_space<vmem>>
      tpu.enqueue_dma source(%dma_start3A_92 : memref<128x128xf32, #tpu.memory_space<vmem>>) target(%dma_start3A_89 : memref<128x128xf32, #tpu.memory_space<vmem_shared>>) target_semaphore(%run_scoped3A : memref<!tpu.dma_semaphore, #tpu.memory_space<semaphore_mem>>)
      %dma_wait3A = arith.constant 0 : i32
      %dma_wait3A_93 = arith.constant 0 : i32
      %dma_wait3A_94 = tpu.memref_slice %arg11[%dma_wait3A, %dma_wait3A_93] : memref<128x128xf32, #tpu.memory_space<vmem>> -> memref<128x128xf32, #tpu.memory_space<vmem>>
      %dma_wait3A_95 = arith.constant 0 : i32
      %dma_wait3A_96 = tpu.memref_slice %arg13[%add3A_8, %dma_wait3A_95] : memref<10000x128xf32, #tpu.memory_space<vmem_shared>> -> memref<128x128xf32, #tpu.memory_space<vmem_shared>>
      %dma_wait3A_97 = arith.constant 0 : i32
      %dma_wait3A_98 = tpu.memref_slice %arg13[%add3A_8, %dma_wait3A_97] : memref<10000x128xf32, #tpu.memory_space<vmem_shared>> -> memref<128x128xf32, #tpu.memory_space<vmem_shared>>
      %dma_wait3A_99 = arith.constant 0 : i32
      %dma_wait3A_100 = arith.constant 0 : i32
      %dma_wait3A_101 = tpu.memref_slice %arg11[%dma_wait3A_99, %dma_wait3A_100] : memref<128x128xf32, #tpu.memory_space<vmem>> -> memref<128x128xf32, #tpu.memory_space<vmem>>
      tpu.wait_dma2 semaphore(%run_scoped3A : memref<!tpu.dma_semaphore, #tpu.memory_space<semaphore_mem>>) src(%dma_wait3A_101 : memref<128x128xf32, #tpu.memory_space<vmem>>) dst(%dma_wait3A_98 : memref<128x128xf32, #tpu.memory_space<vmem_shared>>)
      tpu.yield
    }) : () -> ()
    %mul3A_9 = arith.constant 624 : i32
    %mul3A_10 = arith.muli %arg1, %mul3A_9 : i32
    %add3A_11 = arith.constant 256 : i32
    %add3A_12 = arith.addi %mul3A_10, %add3A_11 : i32
    "tpu.region"() ({
      %run_scoped3A = tpu.sem_alloc : memref<!tpu.dma_semaphore, #tpu.memory_space<semaphore_mem>>
      %dma_start3A = arith.constant 0 : i32
      %dma_start3A_84 = arith.constant 0 : i32
      %dma_start3A_85 = tpu.memref_slice %arg11[%dma_start3A, %dma_start3A_84] : memref<128x128xf32, #tpu.memory_space<vmem>> -> memref<128x128xf32, #tpu.memory_space<vmem>>
      %dma_start3A_86 = arith.constant 0 : i32
      %dma_start3A_87 = tpu.memref_slice %arg13[%add3A_12, %dma_start3A_86] : memref<10000x128xf32, #tpu.memory_space<vmem_shared>> -> memref<128x128xf32, #tpu.memory_space<vmem_shared>>
      %dma_start3A_88 = arith.constant 0 : i32
      %dma_start3A_89 = tpu.memref_slice %arg13[%add3A_12, %dma_start3A_88] : memref<10000x128xf32, #tpu.memory_space<vmem_shared>> -> memref<128x128xf32, #tpu.memory_space<vmem_shared>>
      %dma_start3A_90 = arith.constant 0 : i32
      %dma_start3A_91 = arith.constant 0 : i32
      %dma_start3A_92 = tpu.memref_slice %arg11[%dma_start3A_90, %dma_start3A_91] : memref<128x128xf32, #tpu.memory_space<vmem>> -> memref<128x128xf32, #tpu.memory_space<vmem>>
      tpu.enqueue_dma source(%dma_start3A_92 : memref<128x128xf32, #tpu.memory_space<vmem>>) target(%dma_start3A_89 : memref<128x128xf32, #tpu.memory_space<vmem_shared>>) target_semaphore(%run_scoped3A : memref<!tpu.dma_semaphore, #tpu.memory_space<semaphore_mem>>)
      %dma_wait3A = arith.constant 0 : i32
      %dma_wait3A_93 = arith.constant 0 : i32
      %dma_wait3A_94 = tpu.memref_slice %arg11[%dma_wait3A, %dma_wait3A_93] : memref<128x128xf32, #tpu.memory_space<vmem>> -> memref<128x128xf32, #tpu.memory_space<vmem>>
      %dma_wait3A_95 = arith.constant 0 : i32
      %dma_wait3A_96 = tpu.memref_slice %arg13[%add3A_12, %dma_wait3A_95] : memref<10000x128xf32, #tpu.memory_space<vmem_shared>> -> memref<128x128xf32, #tpu.memory_space<vmem_shared>>
      %dma_wait3A_97 = arith.constant 0 : i32
      %dma_wait3A_98 = tpu.memref_slice %arg13[%add3A_12, %dma_wait3A_97] : memref<10000x128xf32, #tpu.memory_space<vmem_shared>> -> memref<128x128xf32, #tpu.memory_space<vmem_shared>>
      %dma_wait3A_99 = arith.constant 0 : i32
      %dma_wait3A_100 = arith.constant 0 : i32
      %dma_wait3A_101 = tpu.memref_slice %arg11[%dma_wait3A_99, %dma_wait3A_100] : memref<128x128xf32, #tpu.memory_space<vmem>> -> memref<128x128xf32, #tpu.memory_space<vmem>>
      tpu.wait_dma2 semaphore(%run_scoped3A : memref<!tpu.dma_semaphore, #tpu.memory_space<semaphore_mem>>) src(%dma_wait3A_101 : memref<128x128xf32, #tpu.memory_space<vmem>>) dst(%dma_wait3A_98 : memref<128x128xf32, #tpu.memory_space<vmem_shared>>)
      tpu.yield
    }) : () -> ()
    %mul3A_13 = arith.constant 624 : i32
    %mul3A_14 = arith.muli %arg1, %mul3A_13 : i32
    %add3A_15 = arith.constant 384 : i32
    %add3A_16 = arith.addi %mul3A_14, %add3A_15 : i32
    "tpu.region"() ({
      %run_scoped3A = tpu.sem_alloc : memref<!tpu.dma_semaphore, #tpu.memory_space<semaphore_mem>>
      %dma_start3A = arith.constant 0 : i32
      %dma_start3A_84 = arith.constant 0 : i32
      %dma_start3A_85 = tpu.memref_slice %arg11[%dma_start3A, %dma_start3A_84] : memref<128x128xf32, #tpu.memory_space<vmem>> -> memref<128x128xf32, #tpu.memory_space<vmem>>
      %dma_start3A_86 = arith.constant 0 : i32
      %dma_start3A_87 = tpu.memref_slice %arg13[%add3A_16, %dma_start3A_86] : memref<10000x128xf32, #tpu.memory_space<vmem_shared>> -> memref<128x128xf32, #tpu.memory_space<vmem_shared>>
      %dma_start3A_88 = arith.constant 0 : i32
      %dma_start3A_89 = tpu.memref_slice %arg13[%add3A_16, %dma_start3A_88] : memref<10000x128xf32, #tpu.memory_space<vmem_shared>> -> memref<128x128xf32, #tpu.memory_space<vmem_shared>>
      %dma_start3A_90 = arith.constant 0 : i32
      %dma_start3A_91 = arith.constant 0 : i32
      %dma_start3A_92 = tpu.memref_slice %arg11[%dma_start3A_90, %dma_start3A_91] : memref<128x128xf32, #tpu.memory_space<vmem>> -> memref<128x128xf32, #tpu.memory_space<vmem>>
      tpu.enqueue_dma source(%dma_start3A_92 : memref<128x128xf32, #tpu.memory_space<vmem>>) target(%dma_start3A_89 : memref<128x128xf32, #tpu.memory_space<vmem_shared>>) target_semaphore(%run_scoped3A : memref<!tpu.dma_semaphore, #tpu.memory_space<semaphore_mem>>)
      %dma_wait3A = arith.constant 0 : i32
      %dma_wait3A_93 = arith.constant 0 : i32
      %dma_wait3A_94 = tpu.memref_slice %arg11[%dma_wait3A, %dma_wait3A_93] : memref<128x128xf32, #tpu.memory_space<vmem>> -> memref<128x128xf32, #tpu.memory_space<vmem>>
      %dma_wait3A_95 = arith.constant 0 : i32
      %dma_wait3A_96 = tpu.memref_slice %arg13[%add3A_16, %dma_wait3A_95] : memref<10000x128xf32, #tpu.memory_space<vmem_shared>> -> memref<128x128xf32, #tpu.memory_space<vmem_shared>>
      %dma_wait3A_97 = arith.constant 0 : i32
      %dma_wait3A_98 = tpu.memref_slice %arg13[%add3A_16, %dma_wait3A_97] : memref<10000x128xf32, #tpu.memory_space<vmem_shared>> -> memref<128x128xf32, #tpu.memory_space<vmem_shared>>
      %dma_wait3A_99 = arith.constant 0 : i32
      %dma_wait3A_100 = arith.constant 0 : i32
      %dma_wait3A_101 = tpu.memref_slice %arg11[%dma_wait3A_99, %dma_wait3A_100] : memref<128x128xf32, #tpu.memory_space<vmem>> -> memref<128x128xf32, #tpu.memory_space<vmem>>
      tpu.wait_dma2 semaphore(%run_scoped3A : memref<!tpu.dma_semaphore, #tpu.memory_space<semaphore_mem>>) src(%dma_wait3A_101 : memref<128x128xf32, #tpu.memory_space<vmem>>) dst(%dma_wait3A_98 : memref<128x128xf32, #tpu.memory_space<vmem_shared>>)
      tpu.yield
    }) : () -> ()
    %mul3A_17 = arith.constant 624 : i32
    %mul3A_18 = arith.muli %arg1, %mul3A_17 : i32
    %add3A_19 = arith.constant 512 : i32
    %add3A_20 = arith.addi %mul3A_18, %add3A_19 : i32
    "tpu.region"() ({
      %run_scoped3A = tpu.sem_alloc : memref<!tpu.dma_semaphore, #tpu.memory_space<semaphore_mem>>
      %dma_start3A = arith.constant 0 : i32
      %dma_start3A_84 = arith.constant 0 : i32
      %dma_start3A_85 = tpu.memref_slice %arg11[%dma_start3A, %dma_start3A_84] : memref<128x128xf32, #tpu.memory_space<vmem>> -> memref<112x128xf32, #tpu.memory_space<vmem>>
      %dma_start3A_86 = arith.constant 0 : i32
      %dma_start3A_87 = tpu.memref_slice %arg13[%add3A_20, %dma_start3A_86] : memref<10000x128xf32, #tpu.memory_space<vmem_shared>> -> memref<112x128xf32, #tpu.memory_space<vmem_shared>>
      %dma_start3A_88 = arith.constant 0 : i32
      %dma_start3A_89 = tpu.memref_slice %arg13[%add3A_20, %dma_start3A_88] : memref<10000x128xf32, #tpu.memory_space<vmem_shared>> -> memref<112x128xf32, #tpu.memory_space<vmem_shared>>
      %dma_start3A_90 = arith.constant 0 : i32
      %dma_start3A_91 = arith.constant 0 : i32
      %dma_start3A_92 = tpu.memref_slice %arg11[%dma_start3A_90, %dma_start3A_91] : memref<128x128xf32, #tpu.memory_space<vmem>> -> memref<112x128xf32, #tpu.memory_space<vmem>>
      tpu.enqueue_dma source(%dma_start3A_92 : memref<112x128xf32, #tpu.memory_space<vmem>>) target(%dma_start3A_89 : memref<112x128xf32, #tpu.memory_space<vmem_shared>>) target_semaphore(%run_scoped3A : memref<!tpu.dma_semaphore, #tpu.memory_space<semaphore_mem>>)
      %dma_wait3A = arith.constant 0 : i32
      %dma_wait3A_93 = arith.constant 0 : i32
      %dma_wait3A_94 = tpu.memref_slice %arg11[%dma_wait3A, %dma_wait3A_93] : memref<128x128xf32, #tpu.memory_space<vmem>> -> memref<112x128xf32, #tpu.memory_space<vmem>>
      %dma_wait3A_95 = arith.constant 0 : i32
      %dma_wait3A_96 = tpu.memref_slice %arg13[%add3A_20, %dma_wait3A_95] : memref<10000x128xf32, #tpu.memory_space<vmem_shared>> -> memref<112x128xf32, #tpu.memory_space<vmem_shared>>
      %dma_wait3A_97 = arith.constant 0 : i32
      %dma_wait3A_98 = tpu.memref_slice %arg13[%add3A_20, %dma_wait3A_97] : memref<10000x128xf32, #tpu.memory_space<vmem_shared>> -> memref<112x128xf32, #tpu.memory_space<vmem_shared>>
      %dma_wait3A_99 = arith.constant 0 : i32
      %dma_wait3A_100 = arith.constant 0 : i32
      %dma_wait3A_101 = tpu.memref_slice %arg11[%dma_wait3A_99, %dma_wait3A_100] : memref<128x128xf32, #tpu.memory_space<vmem>> -> memref<112x128xf32, #tpu.memory_space<vmem>>
      tpu.wait_dma2 semaphore(%run_scoped3A : memref<!tpu.dma_semaphore, #tpu.memory_space<semaphore_mem>>) src(%dma_wait3A_101 : memref<112x128xf32, #tpu.memory_space<vmem>>) dst(%dma_wait3A_98 : memref<112x128xf32, #tpu.memory_space<vmem_shared>>)
      tpu.yield
    }) : () -> ()
    %eq3A = arith.constant 0 : i32
    %eq3A_21 = arith.cmpi eq, %arg1, %eq3A : i32
    %convert_element_type3A = arith.extui %eq3A_21 : i1 to i32
    %cond3A = arith.constant 0 : i32
    %cond3A_22 = arith.cmpi ne, %convert_element_type3A, %cond3A : i32
    scf.if %cond3A_22 {
      "tpu.region"() ({
        %run_scoped3A = tpu.sem_alloc : memref<!tpu.dma_semaphore, #tpu.memory_space<semaphore_mem>>
        %dma_start3A = arith.constant 0 : i32
        %dma_start3A_84 = arith.constant 0 : i32
        %dma_start3A_85 = tpu.memref_slice %arg11[%dma_start3A, %dma_start3A_84] : memref<128x128xf32, #tpu.memory_space<vmem>> -> memref<16x128xf32, #tpu.memory_space<vmem>>
        %dma_start3A_86 = arith.constant 9984 : i32
        %dma_start3A_87 = arith.constant 0 : i32
        %dma_start3A_88 = tpu.memref_slice %arg13[%dma_start3A_86, %dma_start3A_87] : memref<10000x128xf32, #tpu.memory_space<vmem_shared>> -> memref<16x128xf32, #tpu.memory_space<vmem_shared>>
        %dma_start3A_89 = arith.constant 9984 : i32
        %dma_start3A_90 = arith.constant 0 : i32
        %dma_start3A_91 = tpu.memref_slice %arg13[%dma_start3A_89, %dma_start3A_90] : memref<10000x128xf32, #tpu.memory_space<vmem_shared>> -> memref<16x128xf32, #tpu.memory_space<vmem_shared>>
        %dma_start3A_92 = arith.constant 0 : i32
        %dma_start3A_93 = arith.constant 0 : i32
        %dma_start3A_94 = tpu.memref_slice %arg11[%dma_start3A_92, %dma_start3A_93] : memref<128x128xf32, #tpu.memory_space<vmem>> -> memref<16x128xf32, #tpu.memory_space<vmem>>
        tpu.enqueue_dma source(%dma_start3A_94 : memref<16x128xf32, #tpu.memory_space<vmem>>) target(%dma_start3A_91 : memref<16x128xf32, #tpu.memory_space<vmem_shared>>) target_semaphore(%run_scoped3A : memref<!tpu.dma_semaphore, #tpu.memory_space<semaphore_mem>>)
        %dma_wait3A = arith.constant 0 : i32
        %dma_wait3A_95 = arith.constant 0 : i32
        %dma_wait3A_96 = tpu.memref_slice %arg11[%dma_wait3A, %dma_wait3A_95] : memref<128x128xf32, #tpu.memory_space<vmem>> -> memref<16x128xf32, #tpu.memory_space<vmem>>
        %dma_wait3A_97 = arith.constant 9984 : i32
        %dma_wait3A_98 = arith.constant 0 : i32
        %dma_wait3A_99 = tpu.memref_slice %arg13[%dma_wait3A_97, %dma_wait3A_98] : memref<10000x128xf32, #tpu.memory_space<vmem_shared>> -> memref<16x128xf32, #tpu.memory_space<vmem_shared>>
        %dma_wait3A_100 = arith.constant 9984 : i32
        %dma_wait3A_101 = arith.constant 0 : i32
        %dma_wait3A_102 = tpu.memref_slice %arg13[%dma_wait3A_100, %dma_wait3A_101] : memref<10000x128xf32, #tpu.memory_space<vmem_shared>> -> memref<16x128xf32, #tpu.memory_space<vmem_shared>>
        %dma_wait3A_103 = arith.constant 0 : i32
        %dma_wait3A_104 = arith.constant 0 : i32
        %dma_wait3A_105 = tpu.memref_slice %arg11[%dma_wait3A_103, %dma_wait3A_104] : memref<128x128xf32, #tpu.memory_space<vmem>> -> memref<16x128xf32, #tpu.memory_space<vmem>>
        tpu.wait_dma2 semaphore(%run_scoped3A : memref<!tpu.dma_semaphore, #tpu.memory_space<semaphore_mem>>) src(%dma_wait3A_105 : memref<16x128xf32, #tpu.memory_space<vmem>>) dst(%dma_wait3A_102 : memref<16x128xf32, #tpu.memory_space<vmem_shared>>)
        tpu.yield
      }) : () -> ()
    } else {
    }
    %eq3A_23 = arith.constant 0 : i32
    %eq3A_24 = arith.cmpi eq, %arg1, %eq3A_23 : i32
    %convert_element_type3A_25 = arith.extui %eq3A_24 : i1 to i32
    %cond3A_26 = arith.constant 0 : i32
    %cond3A_27 = arith.cmpi ne, %convert_element_type3A_25, %cond3A_26 : i32
    scf.if %cond3A_27 {
      "tpu.region"() ({
        %run_scoped3A = tpu.sem_alloc : memref<!tpu.dma_semaphore, #tpu.memory_space<semaphore_mem>>
        %dma_start3A = arith.constant 0 : i32
        %dma_start3A_84 = arith.constant 0 : i32
        %dma_start3A_85 = tpu.memref_slice %arg11[%dma_start3A, %dma_start3A_84] : memref<128x128xf32, #tpu.memory_space<vmem>> -> memref<104x128xf32, #tpu.memory_space<vmem>>
        %dma_start3A_86 = arith.constant 0 : i32
        %dma_start3A_87 = arith.constant 0 : i32
        %dma_start3A_88 = tpu.memref_slice %arg14[%dma_start3A_86, %dma_start3A_87] : memref<104x128xf32, #tpu.memory_space<vmem_shared>> -> memref<104x128xf32, #tpu.memory_space<vmem_shared>>
        %dma_start3A_89 = arith.constant 0 : i32
        %dma_start3A_90 = arith.constant 0 : i32
        %dma_start3A_91 = tpu.memref_slice %arg14[%dma_start3A_89, %dma_start3A_90] : memref<104x128xf32, #tpu.memory_space<vmem_shared>> -> memref<104x128xf32, #tpu.memory_space<vmem_shared>>
        %dma_start3A_92 = arith.constant 0 : i32
        %dma_start3A_93 = arith.constant 0 : i32
        %dma_start3A_94 = tpu.memref_slice %arg11[%dma_start3A_92, %dma_start3A_93] : memref<128x128xf32, #tpu.memory_space<vmem>> -> memref<104x128xf32, #tpu.memory_space<vmem>>
        tpu.enqueue_dma source(%dma_start3A_94 : memref<104x128xf32, #tpu.memory_space<vmem>>) target(%dma_start3A_91 : memref<104x128xf32, #tpu.memory_space<vmem_shared>>) target_semaphore(%run_scoped3A : memref<!tpu.dma_semaphore, #tpu.memory_space<semaphore_mem>>)
        %dma_wait3A = arith.constant 0 : i32
        %dma_wait3A_95 = arith.constant 0 : i32
        %dma_wait3A_96 = tpu.memref_slice %arg11[%dma_wait3A, %dma_wait3A_95] : memref<128x128xf32, #tpu.memory_space<vmem>> -> memref<104x128xf32, #tpu.memory_space<vmem>>
        %dma_wait3A_97 = arith.constant 0 : i32
        %dma_wait3A_98 = arith.constant 0 : i32
        %dma_wait3A_99 = tpu.memref_slice %arg14[%dma_wait3A_97, %dma_wait3A_98] : memref<104x128xf32, #tpu.memory_space<vmem_shared>> -> memref<104x128xf32, #tpu.memory_space<vmem_shared>>
        %dma_wait3A_100 = arith.constant 0 : i32
        %dma_wait3A_101 = arith.constant 0 : i32
        %dma_wait3A_102 = tpu.memref_slice %arg14[%dma_wait3A_100, %dma_wait3A_101] : memref<104x128xf32, #tpu.memory_space<vmem_shared>> -> memref<104x128xf32, #tpu.memory_space<vmem_shared>>
        %dma_wait3A_103 = arith.constant 0 : i32
        %dma_wait3A_104 = arith.constant 0 : i32
        %dma_wait3A_105 = tpu.memref_slice %arg11[%dma_wait3A_103, %dma_wait3A_104] : memref<128x128xf32, #tpu.memory_space<vmem>> -> memref<104x128xf32, #tpu.memory_space<vmem>>
        tpu.wait_dma2 semaphore(%run_scoped3A : memref<!tpu.dma_semaphore, #tpu.memory_space<semaphore_mem>>) src(%dma_wait3A_105 : memref<104x128xf32, #tpu.memory_space<vmem>>) dst(%dma_wait3A_102 : memref<104x128xf32, #tpu.memory_space<vmem_shared>>)
        tpu.yield
      }) : () -> ()
    } else {
    }
    %barrier3A = arith.constant 0 : index
    tpu.barrier barrier_id(%barrier3A)
    %scan3A = arith.constant 0 : i32
    %scan3A_28 = arith.constant 0 : i32
    %scan3A_29 = arith.constant 79 : i32
    %scan3A_30 = arith.addi %scan3A_28, %scan3A_29 : i32
    %scan3A_31 = arith.constant 1 : i32
    scf.for %scan3A_84 = %scan3A_28 to %scan3A_30 step %scan3A_31  : i32 {
      %mul3A_85 = arith.constant 32 : i32
      %mul3A_86 = arith.muli %scan3A_84, %mul3A_85 : i32
      %add3A_87 = arith.addi %mul3A_86, %add3A : i32
      %lt3A = arith.constant 2500 : i32
      %lt3A_88 = arith.cmpi slt, %add3A_87, %lt3A : i32
      %convert_element_type3A_89 = arith.extui %lt3A_88 : i1 to i32
      %cond3A_90 = arith.constant 0 : i32
      %cond3A_91 = arith.cmpi ne, %convert_element_type3A_89, %cond3A_90 : i32
      scf.if %cond3A_91 {
        %mul3A_92 = arith.constant 128 : i32
        %mul3A_93 = arith.muli %add3A_87, %mul3A_92 : i32
        %dma_start3A = tpu.memref_slice %arg4[%mul3A_93] : memref<320000xi32, #tpu.memory_space<hbm>> -> memref<128xi32, #tpu.memory_space<hbm>>
        %dma_start3A_94 = tpu.memref_slice %arg4[%mul3A_93] : memref<320000xi32, #tpu.memory_space<hbm>> -> memref<128xi32, #tpu.memory_space<hbm>>
        tpu.enqueue_dma source(%dma_start3A_94 : memref<128xi32, #tpu.memory_space<hbm>>) target(%arg9 : memref<128xi32, #tpu.memory_space<vmem>>) target_semaphore(%arg15 : memref<!tpu.dma_semaphore, #tpu.memory_space<semaphore_mem>>)
        %dma_start3A_95 = tpu.memref_slice %arg5[%mul3A_93] : memref<320000xi32, #tpu.memory_space<hbm>> -> memref<128xi32, #tpu.memory_space<hbm>>
        %dma_start3A_96 = tpu.memref_slice %arg5[%mul3A_93] : memref<320000xi32, #tpu.memory_space<hbm>> -> memref<128xi32, #tpu.memory_space<hbm>>
        tpu.enqueue_dma source(%dma_start3A_96 : memref<128xi32, #tpu.memory_space<hbm>>) target(%arg10 : memref<128xi32, #tpu.memory_space<vmem>>) target_semaphore(%arg15 : memref<!tpu.dma_semaphore, #tpu.memory_space<semaphore_mem>>)
        %dma_start3A_97 = arith.constant 0 : i32
        %dma_start3A_98 = tpu.memref_slice %arg2[%mul3A_93, %dma_start3A_97] : memref<320000x128xf32, #tpu.memory_space<hbm>> -> memref<128x128xf32, #tpu.memory_space<hbm>>
        %dma_start3A_99 = arith.constant 0 : i32
        %dma_start3A_100 = tpu.memref_slice %arg2[%mul3A_93, %dma_start3A_99] : memref<320000x128xf32, #tpu.memory_space<hbm>> -> memref<128x128xf32, #tpu.memory_space<hbm>>
        tpu.enqueue_dma source(%dma_start3A_100 : memref<128x128xf32, #tpu.memory_space<hbm>>) target(%arg11 : memref<128x128xf32, #tpu.memory_space<vmem>>) target_semaphore(%arg15 : memref<!tpu.dma_semaphore, #tpu.memory_space<semaphore_mem>>)
        %dma_start3A_101 = arith.constant 0 : i32
        %dma_start3A_102 = tpu.memref_slice %arg3[%mul3A_93, %dma_start3A_101] : memref<320000x128xf32, #tpu.memory_space<hbm>> -> memref<128x128xf32, #tpu.memory_space<hbm>>
        %dma_start3A_103 = arith.constant 0 : i32
        %dma_start3A_104 = tpu.memref_slice %arg3[%mul3A_93, %dma_start3A_103] : memref<320000x128xf32, #tpu.memory_space<hbm>> -> memref<128x128xf32, #tpu.memory_space<hbm>>
        tpu.enqueue_dma source(%dma_start3A_104 : memref<128x128xf32, #tpu.memory_space<hbm>>) target(%arg12 : memref<128x128xf32, #tpu.memory_space<vmem>>) target_semaphore(%arg15 : memref<!tpu.dma_semaphore, #tpu.memory_space<semaphore_mem>>)
        %dma_wait3A = tpu.memref_slice %arg4[%mul3A_93] : memref<320000xi32, #tpu.memory_space<hbm>> -> memref<128xi32, #tpu.memory_space<hbm>>
        %dma_wait3A_105 = tpu.memref_slice %arg4[%mul3A_93] : memref<320000xi32, #tpu.memory_space<hbm>> -> memref<128xi32, #tpu.memory_space<hbm>>
        tpu.wait_dma2 semaphore(%arg15 : memref<!tpu.dma_semaphore, #tpu.memory_space<semaphore_mem>>) src(%dma_wait3A_105 : memref<128xi32, #tpu.memory_space<hbm>>) dst(%arg9 : memref<128xi32, #tpu.memory_space<vmem>>)
        %dma_wait3A_106 = tpu.memref_slice %arg5[%mul3A_93] : memref<320000xi32, #tpu.memory_space<hbm>> -> memref<128xi32, #tpu.memory_space<hbm>>
        %dma_wait3A_107 = tpu.memref_slice %arg5[%mul3A_93] : memref<320000xi32, #tpu.memory_space<hbm>> -> memref<128xi32, #tpu.memory_space<hbm>>
        tpu.wait_dma2 semaphore(%arg15 : memref<!tpu.dma_semaphore, #tpu.memory_space<semaphore_mem>>) src(%dma_wait3A_107 : memref<128xi32, #tpu.memory_space<hbm>>) dst(%arg10 : memref<128xi32, #tpu.memory_space<vmem>>)
        %dma_wait3A_108 = arith.constant 0 : i32
        %dma_wait3A_109 = tpu.memref_slice %arg2[%mul3A_93, %dma_wait3A_108] : memref<320000x128xf32, #tpu.memory_space<hbm>> -> memref<128x128xf32, #tpu.memory_space<hbm>>
        %dma_wait3A_110 = arith.constant 0 : i32
        %dma_wait3A_111 = tpu.memref_slice %arg2[%mul3A_93, %dma_wait3A_110] : memref<320000x128xf32, #tpu.memory_space<hbm>> -> memref<128x128xf32, #tpu.memory_space<hbm>>
        tpu.wait_dma2 semaphore(%arg15 : memref<!tpu.dma_semaphore, #tpu.memory_space<semaphore_mem>>) src(%dma_wait3A_111 : memref<128x128xf32, #tpu.memory_space<hbm>>) dst(%arg11 : memref<128x128xf32, #tpu.memory_space<vmem>>)
        %dma_wait3A_112 = arith.constant 0 : i32
        %dma_wait3A_113 = tpu.memref_slice %arg3[%mul3A_93, %dma_wait3A_112] : memref<320000x128xf32, #tpu.memory_space<hbm>> -> memref<128x128xf32, #tpu.memory_space<hbm>>
        %dma_wait3A_114 = arith.constant 0 : i32
        %dma_wait3A_115 = tpu.memref_slice %arg3[%mul3A_93, %dma_wait3A_114] : memref<320000x128xf32, #tpu.memory_space<hbm>> -> memref<128x128xf32, #tpu.memory_space<hbm>>
        tpu.wait_dma2 semaphore(%arg15 : memref<!tpu.dma_semaphore, #tpu.memory_space<semaphore_mem>>) src(%dma_wait3A_115 : memref<128x128xf32, #tpu.memory_space<hbm>>) dst(%arg12 : memref<128x128xf32, #tpu.memory_space<vmem>>)
        %dma_start3A_116 = arith.constant 0 : i32
        %dma_start3A_117 = arith.constant 0 : i32
        %dma_start3A_118 = tpu.memref_slice %arg13[%dma_start3A_116, %dma_start3A_117] : memref<10000x128xf32, #tpu.memory_space<vmem_shared>> -> memref<10000x128xf32, #tpu.memory_space<vmem_shared>>
        tpu.enqueue_indirect_dma source(%arg11 : memref<128x128xf32, #tpu.memory_space<vmem>>) target(%dma_start3A_118 : memref<10000x128xf32, #tpu.memory_space<vmem_shared>>) offsets(%arg9 : memref<128xi32, #tpu.memory_space<vmem>>) semaphore(%arg16 : memref<!tpu.dma_semaphore, #tpu.memory_space<semaphore_mem>>) {add = true}
        %dma_start3A_119 = arith.constant 0 : i32
        %dma_start3A_120 = arith.constant 0 : i32
        %dma_start3A_121 = tpu.memref_slice %arg14[%dma_start3A_119, %dma_start3A_120] : memref<104x128xf32, #tpu.memory_space<vmem_shared>> -> memref<104x128xf32, #tpu.memory_space<vmem_shared>>
        tpu.enqueue_indirect_dma source(%arg12 : memref<128x128xf32, #tpu.memory_space<vmem>>) target(%dma_start3A_121 : memref<104x128xf32, #tpu.memory_space<vmem_shared>>) offsets(%arg10 : memref<128xi32, #tpu.memory_space<vmem>>) semaphore(%arg16 : memref<!tpu.dma_semaphore, #tpu.memory_space<semaphore_mem>>) {add = true}
        %dma_wait3A_122 = arith.constant 0 : i32
        %dma_wait3A_123 = arith.constant 0 : i32
        %dma_wait3A_124 = tpu.memref_slice %arg13[%dma_wait3A_122, %dma_wait3A_123] : memref<10000x128xf32, #tpu.memory_space<vmem_shared>> -> memref<10000x128xf32, #tpu.memory_space<vmem_shared>>
        tpu.wait_indirect_dma semaphore(%arg16 : memref<!tpu.dma_semaphore, #tpu.memory_space<semaphore_mem>>) src(%arg11 : memref<128x128xf32, #tpu.memory_space<vmem>>) dst(%dma_wait3A_124 : memref<10000x128xf32, #tpu.memory_space<vmem_shared>>)
        %dma_wait3A_125 = arith.constant 0 : i32
        %dma_wait3A_126 = arith.constant 0 : i32
        %dma_wait3A_127 = tpu.memref_slice %arg14[%dma_wait3A_125, %dma_wait3A_126] : memref<104x128xf32, #tpu.memory_space<vmem_shared>> -> memref<104x128xf32, #tpu.memory_space<vmem_shared>>
        tpu.wait_indirect_dma semaphore(%arg16 : memref<!tpu.dma_semaphore, #tpu.memory_space<semaphore_mem>>) src(%arg12 : memref<128x128xf32, #tpu.memory_space<vmem>>) dst(%dma_wait3A_127 : memref<104x128xf32, #tpu.memory_space<vmem_shared>>)
      } else {
      }
    }
    %scan3A_32 = arith.constant 79 : i32
    %barrier3A_33 = arith.constant 0 : index
    tpu.barrier barrier_id(%barrier3A_33)
    %mul3A_34 = arith.constant 624 : i32
    %mul3A_35 = arith.muli %arg1, %mul3A_34 : i32
    %add3A_36 = arith.constant 0 : i32
    %add3A_37 = arith.addi %mul3A_35, %add3A_36 : i32
    "tpu.region"() ({
      %run_scoped3A = tpu.sem_alloc : memref<!tpu.dma_semaphore, #tpu.memory_space<semaphore_mem>>
      %dma_start3A = arith.constant 0 : i32
      %dma_start3A_84 = arith.constant 0 : i32
      %dma_start3A_85 = tpu.memref_slice %arg11[%dma_start3A, %dma_start3A_84] : memref<128x128xf32, #tpu.memory_space<vmem>> -> memref<128x128xf32, #tpu.memory_space<vmem>>
      %dma_start3A_86 = arith.constant 0 : i32
      %dma_start3A_87 = tpu.memref_slice %arg13[%add3A_37, %dma_start3A_86] : memref<10000x128xf32, #tpu.memory_space<vmem_shared>> -> memref<128x128xf32, #tpu.memory_space<vmem_shared>>
      %dma_start3A_88 = arith.constant 0 : i32
      %dma_start3A_89 = arith.constant 0 : i32
      %dma_start3A_90 = tpu.memref_slice %arg11[%dma_start3A_88, %dma_start3A_89] : memref<128x128xf32, #tpu.memory_space<vmem>> -> memref<128x128xf32, #tpu.memory_space<vmem>>
      %dma_start3A_91 = arith.constant 0 : i32
      %dma_start3A_92 = tpu.memref_slice %arg13[%add3A_37, %dma_start3A_91] : memref<10000x128xf32, #tpu.memory_space<vmem_shared>> -> memref<128x128xf32, #tpu.memory_space<vmem_shared>>
      tpu.enqueue_dma source(%dma_start3A_92 : memref<128x128xf32, #tpu.memory_space<vmem_shared>>) target(%dma_start3A_90 : memref<128x128xf32, #tpu.memory_space<vmem>>) target_semaphore(%run_scoped3A : memref<!tpu.dma_semaphore, #tpu.memory_space<semaphore_mem>>)
      %dma_wait3A = arith.constant 0 : i32
      %dma_wait3A_93 = arith.constant 0 : i32
      %dma_wait3A_94 = tpu.memref_slice %arg11[%dma_wait3A, %dma_wait3A_93] : memref<128x128xf32, #tpu.memory_space<vmem>> -> memref<128x128xf32, #tpu.memory_space<vmem>>
      %dma_wait3A_95 = arith.constant 0 : i32
      %dma_wait3A_96 = tpu.memref_slice %arg13[%add3A_37, %dma_wait3A_95] : memref<10000x128xf32, #tpu.memory_space<vmem_shared>> -> memref<128x128xf32, #tpu.memory_space<vmem_shared>>
      %dma_wait3A_97 = arith.constant 0 : i32
      %dma_wait3A_98 = arith.constant 0 : i32
      %dma_wait3A_99 = tpu.memref_slice %arg11[%dma_wait3A_97, %dma_wait3A_98] : memref<128x128xf32, #tpu.memory_space<vmem>> -> memref<128x128xf32, #tpu.memory_space<vmem>>
      %dma_wait3A_100 = arith.constant 0 : i32
      %dma_wait3A_101 = tpu.memref_slice %arg13[%add3A_37, %dma_wait3A_100] : memref<10000x128xf32, #tpu.memory_space<vmem_shared>> -> memref<128x128xf32, #tpu.memory_space<vmem_shared>>
      tpu.wait_dma2 semaphore(%run_scoped3A : memref<!tpu.dma_semaphore, #tpu.memory_space<semaphore_mem>>) src(%dma_wait3A_101 : memref<128x128xf32, #tpu.memory_space<vmem_shared>>) dst(%dma_wait3A_99 : memref<128x128xf32, #tpu.memory_space<vmem>>)
      tpu.yield
    }) : () -> ()
    %mul3A_38 = arith.constant 624 : i32
    %mul3A_39 = arith.muli %arg1, %mul3A_38 : i32
    %add3A_40 = arith.constant 0 : i32
    %add3A_41 = arith.addi %mul3A_39, %add3A_40 : i32
    "tpu.region"() ({
      %run_scoped3A = tpu.sem_alloc : memref<!tpu.dma_semaphore, #tpu.memory_space<semaphore_mem>>
      %dma_start3A = arith.constant 0 : i32
      %dma_start3A_84 = arith.constant 0 : i32
      %dma_start3A_85 = tpu.memref_slice %arg11[%dma_start3A, %dma_start3A_84] : memref<128x128xf32, #tpu.memory_space<vmem>> -> memref<128x128xf32, #tpu.memory_space<vmem>>
      %dma_start3A_86 = arith.constant 0 : i32
      %dma_start3A_87 = tpu.memref_slice %arg7[%arg0, %add3A_41, %dma_start3A_86] : memref<2x10000x128xf32, #tpu.memory_space<hbm>> -> memref<1x128x128xf32, #tpu.memory_space<hbm>>
      %dma_start3A_88 = tpu.memref_squeeze %dma_start3A_87 : memref<1x128x128xf32, #tpu.memory_space<hbm>> -> memref<128x128xf32, #tpu.memory_space<hbm>>
      %dma_start3A_89 = arith.constant 0 : i32
      %dma_start3A_90 = tpu.memref_slice %arg7[%arg0, %add3A_41, %dma_start3A_89] : memref<2x10000x128xf32, #tpu.memory_space<hbm>> -> memref<1x128x128xf32, #tpu.memory_space<hbm>>
      %dma_start3A_91 = tpu.memref_squeeze %dma_start3A_90 : memref<1x128x128xf32, #tpu.memory_space<hbm>> -> memref<128x128xf32, #tpu.memory_space<hbm>>
      %dma_start3A_92 = arith.constant 0 : i32
      %dma_start3A_93 = arith.constant 0 : i32
      %dma_start3A_94 = tpu.memref_slice %arg11[%dma_start3A_92, %dma_start3A_93] : memref<128x128xf32, #tpu.memory_space<vmem>> -> memref<128x128xf32, #tpu.memory_space<vmem>>
      tpu.enqueue_dma source(%dma_start3A_94 : memref<128x128xf32, #tpu.memory_space<vmem>>) target(%dma_start3A_91 : memref<128x128xf32, #tpu.memory_space<hbm>>) target_semaphore(%run_scoped3A : memref<!tpu.dma_semaphore, #tpu.memory_space<semaphore_mem>>)
      %dma_wait3A = arith.constant 0 : i32
      %dma_wait3A_95 = arith.constant 0 : i32
      %dma_wait3A_96 = tpu.memref_slice %arg11[%dma_wait3A, %dma_wait3A_95] : memref<128x128xf32, #tpu.memory_space<vmem>> -> memref<128x128xf32, #tpu.memory_space<vmem>>
      %dma_wait3A_97 = arith.constant 0 : i32
      %dma_wait3A_98 = tpu.memref_slice %arg7[%arg0, %add3A_41, %dma_wait3A_97] : memref<2x10000x128xf32, #tpu.memory_space<hbm>> -> memref<1x128x128xf32, #tpu.memory_space<hbm>>
      %dma_wait3A_99 = tpu.memref_squeeze %dma_wait3A_98 : memref<1x128x128xf32, #tpu.memory_space<hbm>> -> memref<128x128xf32, #tpu.memory_space<hbm>>
      %dma_wait3A_100 = arith.constant 0 : i32
      %dma_wait3A_101 = tpu.memref_slice %arg7[%arg0, %add3A_41, %dma_wait3A_100] : memref<2x10000x128xf32, #tpu.memory_space<hbm>> -> memref<1x128x128xf32, #tpu.memory_space<hbm>>
      %dma_wait3A_102 = tpu.memref_squeeze %dma_wait3A_101 : memref<1x128x128xf32, #tpu.memory_space<hbm>> -> memref<128x128xf32, #tpu.memory_space<hbm>>
      %dma_wait3A_103 = arith.constant 0 : i32
      %dma_wait3A_104 = arith.constant 0 : i32
      %dma_wait3A_105 = tpu.memref_slice %arg11[%dma_wait3A_103, %dma_wait3A_104] : memref<128x128xf32, #tpu.memory_space<vmem>> -> memref<128x128xf32, #tpu.memory_space<vmem>>
      tpu.wait_dma2 semaphore(%run_scoped3A : memref<!tpu.dma_semaphore, #tpu.memory_space<semaphore_mem>>) src(%dma_wait3A_105 : memref<128x128xf32, #tpu.memory_space<vmem>>) dst(%dma_wait3A_102 : memref<128x128xf32, #tpu.memory_space<hbm>>)
      tpu.yield
    }) : () -> ()
    %mul3A_42 = arith.constant 624 : i32
    %mul3A_43 = arith.muli %arg1, %mul3A_42 : i32
    %add3A_44 = arith.constant 128 : i32
    %add3A_45 = arith.addi %mul3A_43, %add3A_44 : i32
    "tpu.region"() ({
      %run_scoped3A = tpu.sem_alloc : memref<!tpu.dma_semaphore, #tpu.memory_space<semaphore_mem>>
      %dma_start3A = arith.constant 0 : i32
      %dma_start3A_84 = arith.constant 0 : i32
      %dma_start3A_85 = tpu.memref_slice %arg11[%dma_start3A, %dma_start3A_84] : memref<128x128xf32, #tpu.memory_space<vmem>> -> memref<128x128xf32, #tpu.memory_space<vmem>>
      %dma_start3A_86 = arith.constant 0 : i32
      %dma_start3A_87 = tpu.memref_slice %arg13[%add3A_45, %dma_start3A_86] : memref<10000x128xf32, #tpu.memory_space<vmem_shared>> -> memref<128x128xf32, #tpu.memory_space<vmem_shared>>
      %dma_start3A_88 = arith.constant 0 : i32
      %dma_start3A_89 = arith.constant 0 : i32
      %dma_start3A_90 = tpu.memref_slice %arg11[%dma_start3A_88, %dma_start3A_89] : memref<128x128xf32, #tpu.memory_space<vmem>> -> memref<128x128xf32, #tpu.memory_space<vmem>>
      %dma_start3A_91 = arith.constant 0 : i32
      %dma_start3A_92 = tpu.memref_slice %arg13[%add3A_45, %dma_start3A_91] : memref<10000x128xf32, #tpu.memory_space<vmem_shared>> -> memref<128x128xf32, #tpu.memory_space<vmem_shared>>
      tpu.enqueue_dma source(%dma_start3A_92 : memref<128x128xf32, #tpu.memory_space<vmem_shared>>) target(%dma_start3A_90 : memref<128x128xf32, #tpu.memory_space<vmem>>) target_semaphore(%run_scoped3A : memref<!tpu.dma_semaphore, #tpu.memory_space<semaphore_mem>>)
      %dma_wait3A = arith.constant 0 : i32
      %dma_wait3A_93 = arith.constant 0 : i32
      %dma_wait3A_94 = tpu.memref_slice %arg11[%dma_wait3A, %dma_wait3A_93] : memref<128x128xf32, #tpu.memory_space<vmem>> -> memref<128x128xf32, #tpu.memory_space<vmem>>
      %dma_wait3A_95 = arith.constant 0 : i32
      %dma_wait3A_96 = tpu.memref_slice %arg13[%add3A_45, %dma_wait3A_95] : memref<10000x128xf32, #tpu.memory_space<vmem_shared>> -> memref<128x128xf32, #tpu.memory_space<vmem_shared>>
      %dma_wait3A_97 = arith.constant 0 : i32
      %dma_wait3A_98 = arith.constant 0 : i32
      %dma_wait3A_99 = tpu.memref_slice %arg11[%dma_wait3A_97, %dma_wait3A_98] : memref<128x128xf32, #tpu.memory_space<vmem>> -> memref<128x128xf32, #tpu.memory_space<vmem>>
      %dma_wait3A_100 = arith.constant 0 : i32
      %dma_wait3A_101 = tpu.memref_slice %arg13[%add3A_45, %dma_wait3A_100] : memref<10000x128xf32, #tpu.memory_space<vmem_shared>> -> memref<128x128xf32, #tpu.memory_space<vmem_shared>>
      tpu.wait_dma2 semaphore(%run_scoped3A : memref<!tpu.dma_semaphore, #tpu.memory_space<semaphore_mem>>) src(%dma_wait3A_101 : memref<128x128xf32, #tpu.memory_space<vmem_shared>>) dst(%dma_wait3A_99 : memref<128x128xf32, #tpu.memory_space<vmem>>)
      tpu.yield
    }) : () -> ()
    %mul3A_46 = arith.constant 624 : i32
    %mul3A_47 = arith.muli %arg1, %mul3A_46 : i32
    %add3A_48 = arith.constant 128 : i32
    %add3A_49 = arith.addi %mul3A_47, %add3A_48 : i32
    "tpu.region"() ({
      %run_scoped3A = tpu.sem_alloc : memref<!tpu.dma_semaphore, #tpu.memory_space<semaphore_mem>>
      %dma_start3A = arith.constant 0 : i32
      %dma_start3A_84 = arith.constant 0 : i32
      %dma_start3A_85 = tpu.memref_slice %arg11[%dma_start3A, %dma_start3A_84] : memref<128x128xf32, #tpu.memory_space<vmem>> -> memref<128x128xf32, #tpu.memory_space<vmem>>
      %dma_start3A_86 = arith.constant 0 : i32
      %dma_start3A_87 = tpu.memref_slice %arg7[%arg0, %add3A_49, %dma_start3A_86] : memref<2x10000x128xf32, #tpu.memory_space<hbm>> -> memref<1x128x128xf32, #tpu.memory_space<hbm>>
      %dma_start3A_88 = tpu.memref_squeeze %dma_start3A_87 : memref<1x128x128xf32, #tpu.memory_space<hbm>> -> memref<128x128xf32, #tpu.memory_space<hbm>>
      %dma_start3A_89 = arith.constant 0 : i32
      %dma_start3A_90 = tpu.memref_slice %arg7[%arg0, %add3A_49, %dma_start3A_89] : memref<2x10000x128xf32, #tpu.memory_space<hbm>> -> memref<1x128x128xf32, #tpu.memory_space<hbm>>
      %dma_start3A_91 = tpu.memref_squeeze %dma_start3A_90 : memref<1x128x128xf32, #tpu.memory_space<hbm>> -> memref<128x128xf32, #tpu.memory_space<hbm>>
      %dma_start3A_92 = arith.constant 0 : i32
      %dma_start3A_93 = arith.constant 0 : i32
      %dma_start3A_94 = tpu.memref_slice %arg11[%dma_start3A_92, %dma_start3A_93] : memref<128x128xf32, #tpu.memory_space<vmem>> -> memref<128x128xf32, #tpu.memory_space<vmem>>
      tpu.enqueue_dma source(%dma_start3A_94 : memref<128x128xf32, #tpu.memory_space<vmem>>) target(%dma_start3A_91 : memref<128x128xf32, #tpu.memory_space<hbm>>) target_semaphore(%run_scoped3A : memref<!tpu.dma_semaphore, #tpu.memory_space<semaphore_mem>>)
      %dma_wait3A = arith.constant 0 : i32
      %dma_wait3A_95 = arith.constant 0 : i32
      %dma_wait3A_96 = tpu.memref_slice %arg11[%dma_wait3A, %dma_wait3A_95] : memref<128x128xf32, #tpu.memory_space<vmem>> -> memref<128x128xf32, #tpu.memory_space<vmem>>
      %dma_wait3A_97 = arith.constant 0 : i32
      %dma_wait3A_98 = tpu.memref_slice %arg7[%arg0, %add3A_49, %dma_wait3A_97] : memref<2x10000x128xf32, #tpu.memory_space<hbm>> -> memref<1x128x128xf32, #tpu.memory_space<hbm>>
      %dma_wait3A_99 = tpu.memref_squeeze %dma_wait3A_98 : memref<1x128x128xf32, #tpu.memory_space<hbm>> -> memref<128x128xf32, #tpu.memory_space<hbm>>
      %dma_wait3A_100 = arith.constant 0 : i32
      %dma_wait3A_101 = tpu.memref_slice %arg7[%arg0, %add3A_49, %dma_wait3A_100] : memref<2x10000x128xf32, #tpu.memory_space<hbm>> -> memref<1x128x128xf32, #tpu.memory_space<hbm>>
      %dma_wait3A_102 = tpu.memref_squeeze %dma_wait3A_101 : memref<1x128x128xf32, #tpu.memory_space<hbm>> -> memref<128x128xf32, #tpu.memory_space<hbm>>
      %dma_wait3A_103 = arith.constant 0 : i32
      %dma_wait3A_104 = arith.constant 0 : i32
      %dma_wait3A_105 = tpu.memref_slice %arg11[%dma_wait3A_103, %dma_wait3A_104] : memref<128x128xf32, #tpu.memory_space<vmem>> -> memref<128x128xf32, #tpu.memory_space<vmem>>
      tpu.wait_dma2 semaphore(%run_scoped3A : memref<!tpu.dma_semaphore, #tpu.memory_space<semaphore_mem>>) src(%dma_wait3A_105 : memref<128x128xf32, #tpu.memory_space<vmem>>) dst(%dma_wait3A_102 : memref<128x128xf32, #tpu.memory_space<hbm>>)
      tpu.yield
    }) : () -> ()
    %mul3A_50 = arith.constant 624 : i32
    %mul3A_51 = arith.muli %arg1, %mul3A_50 : i32
    %add3A_52 = arith.constant 256 : i32
    %add3A_53 = arith.addi %mul3A_51, %add3A_52 : i32
    "tpu.region"() ({
      %run_scoped3A = tpu.sem_alloc : memref<!tpu.dma_semaphore, #tpu.memory_space<semaphore_mem>>
      %dma_start3A = arith.constant 0 : i32
      %dma_start3A_84 = arith.constant 0 : i32
      %dma_start3A_85 = tpu.memref_slice %arg11[%dma_start3A, %dma_start3A_84] : memref<128x128xf32, #tpu.memory_space<vmem>> -> memref<128x128xf32, #tpu.memory_space<vmem>>
      %dma_start3A_86 = arith.constant 0 : i32
      %dma_start3A_87 = tpu.memref_slice %arg13[%add3A_53, %dma_start3A_86] : memref<10000x128xf32, #tpu.memory_space<vmem_shared>> -> memref<128x128xf32, #tpu.memory_space<vmem_shared>>
      %dma_start3A_88 = arith.constant 0 : i32
      %dma_start3A_89 = arith.constant 0 : i32
      %dma_start3A_90 = tpu.memref_slice %arg11[%dma_start3A_88, %dma_start3A_89] : memref<128x128xf32, #tpu.memory_space<vmem>> -> memref<128x128xf32, #tpu.memory_space<vmem>>
      %dma_start3A_91 = arith.constant 0 : i32
      %dma_start3A_92 = tpu.memref_slice %arg13[%add3A_53, %dma_start3A_91] : memref<10000x128xf32, #tpu.memory_space<vmem_shared>> -> memref<128x128xf32, #tpu.memory_space<vmem_shared>>
      tpu.enqueue_dma source(%dma_start3A_92 : memref<128x128xf32, #tpu.memory_space<vmem_shared>>) target(%dma_start3A_90 : memref<128x128xf32, #tpu.memory_space<vmem>>) target_semaphore(%run_scoped3A : memref<!tpu.dma_semaphore, #tpu.memory_space<semaphore_mem>>)
      %dma_wait3A = arith.constant 0 : i32
      %dma_wait3A_93 = arith.constant 0 : i32
      %dma_wait3A_94 = tpu.memref_slice %arg11[%dma_wait3A, %dma_wait3A_93] : memref<128x128xf32, #tpu.memory_space<vmem>> -> memref<128x128xf32, #tpu.memory_space<vmem>>
      %dma_wait3A_95 = arith.constant 0 : i32
      %dma_wait3A_96 = tpu.memref_slice %arg13[%add3A_53, %dma_wait3A_95] : memref<10000x128xf32, #tpu.memory_space<vmem_shared>> -> memref<128x128xf32, #tpu.memory_space<vmem_shared>>
      %dma_wait3A_97 = arith.constant 0 : i32
      %dma_wait3A_98 = arith.constant 0 : i32
      %dma_wait3A_99 = tpu.memref_slice %arg11[%dma_wait3A_97, %dma_wait3A_98] : memref<128x128xf32, #tpu.memory_space<vmem>> -> memref<128x128xf32, #tpu.memory_space<vmem>>
      %dma_wait3A_100 = arith.constant 0 : i32
      %dma_wait3A_101 = tpu.memref_slice %arg13[%add3A_53, %dma_wait3A_100] : memref<10000x128xf32, #tpu.memory_space<vmem_shared>> -> memref<128x128xf32, #tpu.memory_space<vmem_shared>>
      tpu.wait_dma2 semaphore(%run_scoped3A : memref<!tpu.dma_semaphore, #tpu.memory_space<semaphore_mem>>) src(%dma_wait3A_101 : memref<128x128xf32, #tpu.memory_space<vmem_shared>>) dst(%dma_wait3A_99 : memref<128x128xf32, #tpu.memory_space<vmem>>)
      tpu.yield
    }) : () -> ()
    %mul3A_54 = arith.constant 624 : i32
    %mul3A_55 = arith.muli %arg1, %mul3A_54 : i32
    %add3A_56 = arith.constant 256 : i32
    %add3A_57 = arith.addi %mul3A_55, %add3A_56 : i32
    "tpu.region"() ({
      %run_scoped3A = tpu.sem_alloc : memref<!tpu.dma_semaphore, #tpu.memory_space<semaphore_mem>>
      %dma_start3A = arith.constant 0 : i32
      %dma_start3A_84 = arith.constant 0 : i32
      %dma_start3A_85 = tpu.memref_slice %arg11[%dma_start3A, %dma_start3A_84] : memref<128x128xf32, #tpu.memory_space<vmem>> -> memref<128x128xf32, #tpu.memory_space<vmem>>
      %dma_start3A_86 = arith.constant 0 : i32
      %dma_start3A_87 = tpu.memref_slice %arg7[%arg0, %add3A_57, %dma_start3A_86] : memref<2x10000x128xf32, #tpu.memory_space<hbm>> -> memref<1x128x128xf32, #tpu.memory_space<hbm>>
      %dma_start3A_88 = tpu.memref_squeeze %dma_start3A_87 : memref<1x128x128xf32, #tpu.memory_space<hbm>> -> memref<128x128xf32, #tpu.memory_space<hbm>>
      %dma_start3A_89 = arith.constant 0 : i32
      %dma_start3A_90 = tpu.memref_slice %arg7[%arg0, %add3A_57, %dma_start3A_89] : memref<2x10000x128xf32, #tpu.memory_space<hbm>> -> memref<1x128x128xf32, #tpu.memory_space<hbm>>
      %dma_start3A_91 = tpu.memref_squeeze %dma_start3A_90 : memref<1x128x128xf32, #tpu.memory_space<hbm>> -> memref<128x128xf32, #tpu.memory_space<hbm>>
      %dma_start3A_92 = arith.constant 0 : i32
      %dma_start3A_93 = arith.constant 0 : i32
      %dma_start3A_94 = tpu.memref_slice %arg11[%dma_start3A_92, %dma_start3A_93] : memref<128x128xf32, #tpu.memory_space<vmem>> -> memref<128x128xf32, #tpu.memory_space<vmem>>
      tpu.enqueue_dma source(%dma_start3A_94 : memref<128x128xf32, #tpu.memory_space<vmem>>) target(%dma_start3A_91 : memref<128x128xf32, #tpu.memory_space<hbm>>) target_semaphore(%run_scoped3A : memref<!tpu.dma_semaphore, #tpu.memory_space<semaphore_mem>>)
      %dma_wait3A = arith.constant 0 : i32
      %dma_wait3A_95 = arith.constant 0 : i32
      %dma_wait3A_96 = tpu.memref_slice %arg11[%dma_wait3A, %dma_wait3A_95] : memref<128x128xf32, #tpu.memory_space<vmem>> -> memref<128x128xf32, #tpu.memory_space<vmem>>
      %dma_wait3A_97 = arith.constant 0 : i32
      %dma_wait3A_98 = tpu.memref_slice %arg7[%arg0, %add3A_57, %dma_wait3A_97] : memref<2x10000x128xf32, #tpu.memory_space<hbm>> -> memref<1x128x128xf32, #tpu.memory_space<hbm>>
      %dma_wait3A_99 = tpu.memref_squeeze %dma_wait3A_98 : memref<1x128x128xf32, #tpu.memory_space<hbm>> -> memref<128x128xf32, #tpu.memory_space<hbm>>
      %dma_wait3A_100 = arith.constant 0 : i32
      %dma_wait3A_101 = tpu.memref_slice %arg7[%arg0, %add3A_57, %dma_wait3A_100] : memref<2x10000x128xf32, #tpu.memory_space<hbm>> -> memref<1x128x128xf32, #tpu.memory_space<hbm>>
      %dma_wait3A_102 = tpu.memref_squeeze %dma_wait3A_101 : memref<1x128x128xf32, #tpu.memory_space<hbm>> -> memref<128x128xf32, #tpu.memory_space<hbm>>
      %dma_wait3A_103 = arith.constant 0 : i32
      %dma_wait3A_104 = arith.constant 0 : i32
      %dma_wait3A_105 = tpu.memref_slice %arg11[%dma_wait3A_103, %dma_wait3A_104] : memref<128x128xf32, #tpu.memory_space<vmem>> -> memref<128x128xf32, #tpu.memory_space<vmem>>
      tpu.wait_dma2 semaphore(%run_scoped3A : memref<!tpu.dma_semaphore, #tpu.memory_space<semaphore_mem>>) src(%dma_wait3A_105 : memref<128x128xf32, #tpu.memory_space<vmem>>) dst(%dma_wait3A_102 : memref<128x128xf32, #tpu.memory_space<hbm>>)
      tpu.yield
    }) : () -> ()
    %mul3A_58 = arith.constant 624 : i32
    %mul3A_59 = arith.muli %arg1, %mul3A_58 : i32
    %add3A_60 = arith.constant 384 : i32
    %add3A_61 = arith.addi %mul3A_59, %add3A_60 : i32
    "tpu.region"() ({
      %run_scoped3A = tpu.sem_alloc : memref<!tpu.dma_semaphore, #tpu.memory_space<semaphore_mem>>
      %dma_start3A = arith.constant 0 : i32
      %dma_start3A_84 = arith.constant 0 : i32
      %dma_start3A_85 = tpu.memref_slice %arg11[%dma_start3A, %dma_start3A_84] : memref<128x128xf32, #tpu.memory_space<vmem>> -> memref<128x128xf32, #tpu.memory_space<vmem>>
      %dma_start3A_86 = arith.constant 0 : i32
      %dma_start3A_87 = tpu.memref_slice %arg13[%add3A_61, %dma_start3A_86] : memref<10000x128xf32, #tpu.memory_space<vmem_shared>> -> memref<128x128xf32, #tpu.memory_space<vmem_shared>>
      %dma_start3A_88 = arith.constant 0 : i32
      %dma_start3A_89 = arith.constant 0 : i32
      %dma_start3A_90 = tpu.memref_slice %arg11[%dma_start3A_88, %dma_start3A_89] : memref<128x128xf32, #tpu.memory_space<vmem>> -> memref<128x128xf32, #tpu.memory_space<vmem>>
      %dma_start3A_91 = arith.constant 0 : i32
      %dma_start3A_92 = tpu.memref_slice %arg13[%add3A_61, %dma_start3A_91] : memref<10000x128xf32, #tpu.memory_space<vmem_shared>> -> memref<128x128xf32, #tpu.memory_space<vmem_shared>>
      tpu.enqueue_dma source(%dma_start3A_92 : memref<128x128xf32, #tpu.memory_space<vmem_shared>>) target(%dma_start3A_90 : memref<128x128xf32, #tpu.memory_space<vmem>>) target_semaphore(%run_scoped3A : memref<!tpu.dma_semaphore, #tpu.memory_space<semaphore_mem>>)
      %dma_wait3A = arith.constant 0 : i32
      %dma_wait3A_93 = arith.constant 0 : i32
      %dma_wait3A_94 = tpu.memref_slice %arg11[%dma_wait3A, %dma_wait3A_93] : memref<128x128xf32, #tpu.memory_space<vmem>> -> memref<128x128xf32, #tpu.memory_space<vmem>>
      %dma_wait3A_95 = arith.constant 0 : i32
      %dma_wait3A_96 = tpu.memref_slice %arg13[%add3A_61, %dma_wait3A_95] : memref<10000x128xf32, #tpu.memory_space<vmem_shared>> -> memref<128x128xf32, #tpu.memory_space<vmem_shared>>
      %dma_wait3A_97 = arith.constant 0 : i32
      %dma_wait3A_98 = arith.constant 0 : i32
      %dma_wait3A_99 = tpu.memref_slice %arg11[%dma_wait3A_97, %dma_wait3A_98] : memref<128x128xf32, #tpu.memory_space<vmem>> -> memref<128x128xf32, #tpu.memory_space<vmem>>
      %dma_wait3A_100 = arith.constant 0 : i32
      %dma_wait3A_101 = tpu.memref_slice %arg13[%add3A_61, %dma_wait3A_100] : memref<10000x128xf32, #tpu.memory_space<vmem_shared>> -> memref<128x128xf32, #tpu.memory_space<vmem_shared>>
      tpu.wait_dma2 semaphore(%run_scoped3A : memref<!tpu.dma_semaphore, #tpu.memory_space<semaphore_mem>>) src(%dma_wait3A_101 : memref<128x128xf32, #tpu.memory_space<vmem_shared>>) dst(%dma_wait3A_99 : memref<128x128xf32, #tpu.memory_space<vmem>>)
      tpu.yield
    }) : () -> ()
    %mul3A_62 = arith.constant 624 : i32
    %mul3A_63 = arith.muli %arg1, %mul3A_62 : i32
    %add3A_64 = arith.constant 384 : i32
    %add3A_65 = arith.addi %mul3A_63, %add3A_64 : i32
    "tpu.region"() ({
      %run_scoped3A = tpu.sem_alloc : memref<!tpu.dma_semaphore, #tpu.memory_space<semaphore_mem>>
      %dma_start3A = arith.constant 0 : i32
      %dma_start3A_84 = arith.constant 0 : i32
      %dma_start3A_85 = tpu.memref_slice %arg11[%dma_start3A, %dma_start3A_84] : memref<128x128xf32, #tpu.memory_space<vmem>> -> memref<128x128xf32, #tpu.memory_space<vmem>>
      %dma_start3A_86 = arith.constant 0 : i32
      %dma_start3A_87 = tpu.memref_slice %arg7[%arg0, %add3A_65, %dma_start3A_86] : memref<2x10000x128xf32, #tpu.memory_space<hbm>> -> memref<1x128x128xf32, #tpu.memory_space<hbm>>
      %dma_start3A_88 = tpu.memref_squeeze %dma_start3A_87 : memref<1x128x128xf32, #tpu.memory_space<hbm>> -> memref<128x128xf32, #tpu.memory_space<hbm>>
      %dma_start3A_89 = arith.constant 0 : i32
      %dma_start3A_90 = tpu.memref_slice %arg7[%arg0, %add3A_65, %dma_start3A_89] : memref<2x10000x128xf32, #tpu.memory_space<hbm>> -> memref<1x128x128xf32, #tpu.memory_space<hbm>>
      %dma_start3A_91 = tpu.memref_squeeze %dma_start3A_90 : memref<1x128x128xf32, #tpu.memory_space<hbm>> -> memref<128x128xf32, #tpu.memory_space<hbm>>
      %dma_start3A_92 = arith.constant 0 : i32
      %dma_start3A_93 = arith.constant 0 : i32
      %dma_start3A_94 = tpu.memref_slice %arg11[%dma_start3A_92, %dma_start3A_93] : memref<128x128xf32, #tpu.memory_space<vmem>> -> memref<128x128xf32, #tpu.memory_space<vmem>>
      tpu.enqueue_dma source(%dma_start3A_94 : memref<128x128xf32, #tpu.memory_space<vmem>>) target(%dma_start3A_91 : memref<128x128xf32, #tpu.memory_space<hbm>>) target_semaphore(%run_scoped3A : memref<!tpu.dma_semaphore, #tpu.memory_space<semaphore_mem>>)
      %dma_wait3A = arith.constant 0 : i32
      %dma_wait3A_95 = arith.constant 0 : i32
      %dma_wait3A_96 = tpu.memref_slice %arg11[%dma_wait3A, %dma_wait3A_95] : memref<128x128xf32, #tpu.memory_space<vmem>> -> memref<128x128xf32, #tpu.memory_space<vmem>>
      %dma_wait3A_97 = arith.constant 0 : i32
      %dma_wait3A_98 = tpu.memref_slice %arg7[%arg0, %add3A_65, %dma_wait3A_97] : memref<2x10000x128xf32, #tpu.memory_space<hbm>> -> memref<1x128x128xf32, #tpu.memory_space<hbm>>
      %dma_wait3A_99 = tpu.memref_squeeze %dma_wait3A_98 : memref<1x128x128xf32, #tpu.memory_space<hbm>> -> memref<128x128xf32, #tpu.memory_space<hbm>>
      %dma_wait3A_100 = arith.constant 0 : i32
      %dma_wait3A_101 = tpu.memref_slice %arg7[%arg0, %add3A_65, %dma_wait3A_100] : memref<2x10000x128xf32, #tpu.memory_space<hbm>> -> memref<1x128x128xf32, #tpu.memory_space<hbm>>
      %dma_wait3A_102 = tpu.memref_squeeze %dma_wait3A_101 : memref<1x128x128xf32, #tpu.memory_space<hbm>> -> memref<128x128xf32, #tpu.memory_space<hbm>>
      %dma_wait3A_103 = arith.constant 0 : i32
      %dma_wait3A_104 = arith.constant 0 : i32
      %dma_wait3A_105 = tpu.memref_slice %arg11[%dma_wait3A_103, %dma_wait3A_104] : memref<128x128xf32, #tpu.memory_space<vmem>> -> memref<128x128xf32, #tpu.memory_space<vmem>>
      tpu.wait_dma2 semaphore(%run_scoped3A : memref<!tpu.dma_semaphore, #tpu.memory_space<semaphore_mem>>) src(%dma_wait3A_105 : memref<128x128xf32, #tpu.memory_space<vmem>>) dst(%dma_wait3A_102 : memref<128x128xf32, #tpu.memory_space<hbm>>)
      tpu.yield
    }) : () -> ()
    %mul3A_66 = arith.constant 624 : i32
    %mul3A_67 = arith.muli %arg1, %mul3A_66 : i32
    %add3A_68 = arith.constant 512 : i32
    %add3A_69 = arith.addi %mul3A_67, %add3A_68 : i32
    "tpu.region"() ({
      %run_scoped3A = tpu.sem_alloc : memref<!tpu.dma_semaphore, #tpu.memory_space<semaphore_mem>>
      %dma_start3A = arith.constant 0 : i32
      %dma_start3A_84 = arith.constant 0 : i32
      %dma_start3A_85 = tpu.memref_slice %arg11[%dma_start3A, %dma_start3A_84] : memref<128x128xf32, #tpu.memory_space<vmem>> -> memref<112x128xf32, #tpu.memory_space<vmem>>
      %dma_start3A_86 = arith.constant 0 : i32
      %dma_start3A_87 = tpu.memref_slice %arg13[%add3A_69, %dma_start3A_86] : memref<10000x128xf32, #tpu.memory_space<vmem_shared>> -> memref<112x128xf32, #tpu.memory_space<vmem_shared>>
      %dma_start3A_88 = arith.constant 0 : i32
      %dma_start3A_89 = arith.constant 0 : i32
      %dma_start3A_90 = tpu.memref_slice %arg11[%dma_start3A_88, %dma_start3A_89] : memref<128x128xf32, #tpu.memory_space<vmem>> -> memref<112x128xf32, #tpu.memory_space<vmem>>
      %dma_start3A_91 = arith.constant 0 : i32
      %dma_start3A_92 = tpu.memref_slice %arg13[%add3A_69, %dma_start3A_91] : memref<10000x128xf32, #tpu.memory_space<vmem_shared>> -> memref<112x128xf32, #tpu.memory_space<vmem_shared>>
      tpu.enqueue_dma source(%dma_start3A_92 : memref<112x128xf32, #tpu.memory_space<vmem_shared>>) target(%dma_start3A_90 : memref<112x128xf32, #tpu.memory_space<vmem>>) target_semaphore(%run_scoped3A : memref<!tpu.dma_semaphore, #tpu.memory_space<semaphore_mem>>)
      %dma_wait3A = arith.constant 0 : i32
      %dma_wait3A_93 = arith.constant 0 : i32
      %dma_wait3A_94 = tpu.memref_slice %arg11[%dma_wait3A, %dma_wait3A_93] : memref<128x128xf32, #tpu.memory_space<vmem>> -> memref<112x128xf32, #tpu.memory_space<vmem>>
      %dma_wait3A_95 = arith.constant 0 : i32
      %dma_wait3A_96 = tpu.memref_slice %arg13[%add3A_69, %dma_wait3A_95] : memref<10000x128xf32, #tpu.memory_space<vmem_shared>> -> memref<112x128xf32, #tpu.memory_space<vmem_shared>>
      %dma_wait3A_97 = arith.constant 0 : i32
      %dma_wait3A_98 = arith.constant 0 : i32
      %dma_wait3A_99 = tpu.memref_slice %arg11[%dma_wait3A_97, %dma_wait3A_98] : memref<128x128xf32, #tpu.memory_space<vmem>> -> memref<112x128xf32, #tpu.memory_space<vmem>>
      %dma_wait3A_100 = arith.constant 0 : i32
      %dma_wait3A_101 = tpu.memref_slice %arg13[%add3A_69, %dma_wait3A_100] : memref<10000x128xf32, #tpu.memory_space<vmem_shared>> -> memref<112x128xf32, #tpu.memory_space<vmem_shared>>
      tpu.wait_dma2 semaphore(%run_scoped3A : memref<!tpu.dma_semaphore, #tpu.memory_space<semaphore_mem>>) src(%dma_wait3A_101 : memref<112x128xf32, #tpu.memory_space<vmem_shared>>) dst(%dma_wait3A_99 : memref<112x128xf32, #tpu.memory_space<vmem>>)
      tpu.yield
    }) : () -> ()
    %mul3A_70 = arith.constant 624 : i32
    %mul3A_71 = arith.muli %arg1, %mul3A_70 : i32
    %add3A_72 = arith.constant 512 : i32
    %add3A_73 = arith.addi %mul3A_71, %add3A_72 : i32
    "tpu.region"() ({
      %run_scoped3A = tpu.sem_alloc : memref<!tpu.dma_semaphore, #tpu.memory_space<semaphore_mem>>
      %dma_start3A = arith.constant 0 : i32
      %dma_start3A_84 = arith.constant 0 : i32
      %dma_start3A_85 = tpu.memref_slice %arg11[%dma_start3A, %dma_start3A_84] : memref<128x128xf32, #tpu.memory_space<vmem>> -> memref<112x128xf32, #tpu.memory_space<vmem>>
      %dma_start3A_86 = arith.constant 0 : i32
      %dma_start3A_87 = tpu.memref_slice %arg7[%arg0, %add3A_73, %dma_start3A_86] : memref<2x10000x128xf32, #tpu.memory_space<hbm>> -> memref<1x112x128xf32, #tpu.memory_space<hbm>>
      %dma_start3A_88 = tpu.memref_squeeze %dma_start3A_87 : memref<1x112x128xf32, #tpu.memory_space<hbm>> -> memref<112x128xf32, #tpu.memory_space<hbm>>
      %dma_start3A_89 = arith.constant 0 : i32
      %dma_start3A_90 = tpu.memref_slice %arg7[%arg0, %add3A_73, %dma_start3A_89] : memref<2x10000x128xf32, #tpu.memory_space<hbm>> -> memref<1x112x128xf32, #tpu.memory_space<hbm>>
      %dma_start3A_91 = tpu.memref_squeeze %dma_start3A_90 : memref<1x112x128xf32, #tpu.memory_space<hbm>> -> memref<112x128xf32, #tpu.memory_space<hbm>>
      %dma_start3A_92 = arith.constant 0 : i32
      %dma_start3A_93 = arith.constant 0 : i32
      %dma_start3A_94 = tpu.memref_slice %arg11[%dma_start3A_92, %dma_start3A_93] : memref<128x128xf32, #tpu.memory_space<vmem>> -> memref<112x128xf32, #tpu.memory_space<vmem>>
      tpu.enqueue_dma source(%dma_start3A_94 : memref<112x128xf32, #tpu.memory_space<vmem>>) target(%dma_start3A_91 : memref<112x128xf32, #tpu.memory_space<hbm>>) target_semaphore(%run_scoped3A : memref<!tpu.dma_semaphore, #tpu.memory_space<semaphore_mem>>)
      %dma_wait3A = arith.constant 0 : i32
      %dma_wait3A_95 = arith.constant 0 : i32
      %dma_wait3A_96 = tpu.memref_slice %arg11[%dma_wait3A, %dma_wait3A_95] : memref<128x128xf32, #tpu.memory_space<vmem>> -> memref<112x128xf32, #tpu.memory_space<vmem>>
      %dma_wait3A_97 = arith.constant 0 : i32
      %dma_wait3A_98 = tpu.memref_slice %arg7[%arg0, %add3A_73, %dma_wait3A_97] : memref<2x10000x128xf32, #tpu.memory_space<hbm>> -> memref<1x112x128xf32, #tpu.memory_space<hbm>>
      %dma_wait3A_99 = tpu.memref_squeeze %dma_wait3A_98 : memref<1x112x128xf32, #tpu.memory_space<hbm>> -> memref<112x128xf32, #tpu.memory_space<hbm>>
      %dma_wait3A_100 = arith.constant 0 : i32
      %dma_wait3A_101 = tpu.memref_slice %arg7[%arg0, %add3A_73, %dma_wait3A_100] : memref<2x10000x128xf32, #tpu.memory_space<hbm>> -> memref<1x112x128xf32, #tpu.memory_space<hbm>>
      %dma_wait3A_102 = tpu.memref_squeeze %dma_wait3A_101 : memref<1x112x128xf32, #tpu.memory_space<hbm>> -> memref<112x128xf32, #tpu.memory_space<hbm>>
      %dma_wait3A_103 = arith.constant 0 : i32
      %dma_wait3A_104 = arith.constant 0 : i32
      %dma_wait3A_105 = tpu.memref_slice %arg11[%dma_wait3A_103, %dma_wait3A_104] : memref<128x128xf32, #tpu.memory_space<vmem>> -> memref<112x128xf32, #tpu.memory_space<vmem>>
      tpu.wait_dma2 semaphore(%run_scoped3A : memref<!tpu.dma_semaphore, #tpu.memory_space<semaphore_mem>>) src(%dma_wait3A_105 : memref<112x128xf32, #tpu.memory_space<vmem>>) dst(%dma_wait3A_102 : memref<112x128xf32, #tpu.memory_space<hbm>>)
      tpu.yield
    }) : () -> ()
    %eq3A_74 = arith.constant 0 : i32
    %eq3A_75 = arith.cmpi eq, %arg1, %eq3A_74 : i32
    %convert_element_type3A_76 = arith.extui %eq3A_75 : i1 to i32
    %cond3A_77 = arith.constant 0 : i32
    %cond3A_78 = arith.cmpi ne, %convert_element_type3A_76, %cond3A_77 : i32
    scf.if %cond3A_78 {
      "tpu.region"() ({
        %run_scoped3A = tpu.sem_alloc : memref<!tpu.dma_semaphore, #tpu.memory_space<semaphore_mem>>
        %dma_start3A = arith.constant 0 : i32
        %dma_start3A_84 = arith.constant 0 : i32
        %dma_start3A_85 = tpu.memref_slice %arg11[%dma_start3A, %dma_start3A_84] : memref<128x128xf32, #tpu.memory_space<vmem>> -> memref<16x128xf32, #tpu.memory_space<vmem>>
        %dma_start3A_86 = arith.constant 9984 : i32
        %dma_start3A_87 = arith.constant 0 : i32
        %dma_start3A_88 = tpu.memref_slice %arg13[%dma_start3A_86, %dma_start3A_87] : memref<10000x128xf32, #tpu.memory_space<vmem_shared>> -> memref<16x128xf32, #tpu.memory_space<vmem_shared>>
        %dma_start3A_89 = arith.constant 0 : i32
        %dma_start3A_90 = arith.constant 0 : i32
        %dma_start3A_91 = tpu.memref_slice %arg11[%dma_start3A_89, %dma_start3A_90] : memref<128x128xf32, #tpu.memory_space<vmem>> -> memref<16x128xf32, #tpu.memory_space<vmem>>
        %dma_start3A_92 = arith.constant 9984 : i32
        %dma_start3A_93 = arith.constant 0 : i32
        %dma_start3A_94 = tpu.memref_slice %arg13[%dma_start3A_92, %dma_start3A_93] : memref<10000x128xf32, #tpu.memory_space<vmem_shared>> -> memref<16x128xf32, #tpu.memory_space<vmem_shared>>
        tpu.enqueue_dma source(%dma_start3A_94 : memref<16x128xf32, #tpu.memory_space<vmem_shared>>) target(%dma_start3A_91 : memref<16x128xf32, #tpu.memory_space<vmem>>) target_semaphore(%run_scoped3A : memref<!tpu.dma_semaphore, #tpu.memory_space<semaphore_mem>>)
        %dma_wait3A = arith.constant 0 : i32
        %dma_wait3A_95 = arith.constant 0 : i32
        %dma_wait3A_96 = tpu.memref_slice %arg11[%dma_wait3A, %dma_wait3A_95] : memref<128x128xf32, #tpu.memory_space<vmem>> -> memref<16x128xf32, #tpu.memory_space<vmem>>
        %dma_wait3A_97 = arith.constant 9984 : i32
        %dma_wait3A_98 = arith.constant 0 : i32
        %dma_wait3A_99 = tpu.memref_slice %arg13[%dma_wait3A_97, %dma_wait3A_98] : memref<10000x128xf32, #tpu.memory_space<vmem_shared>> -> memref<16x128xf32, #tpu.memory_space<vmem_shared>>
        %dma_wait3A_100 = arith.constant 0 : i32
        %dma_wait3A_101 = arith.constant 0 : i32
        %dma_wait3A_102 = tpu.memref_slice %arg11[%dma_wait3A_100, %dma_wait3A_101] : memref<128x128xf32, #tpu.memory_space<vmem>> -> memref<16x128xf32, #tpu.memory_space<vmem>>
        %dma_wait3A_103 = arith.constant 9984 : i32
        %dma_wait3A_104 = arith.constant 0 : i32
        %dma_wait3A_105 = tpu.memref_slice %arg13[%dma_wait3A_103, %dma_wait3A_104] : memref<10000x128xf32, #tpu.memory_space<vmem_shared>> -> memref<16x128xf32, #tpu.memory_space<vmem_shared>>
        tpu.wait_dma2 semaphore(%run_scoped3A : memref<!tpu.dma_semaphore, #tpu.memory_space<semaphore_mem>>) src(%dma_wait3A_105 : memref<16x128xf32, #tpu.memory_space<vmem_shared>>) dst(%dma_wait3A_102 : memref<16x128xf32, #tpu.memory_space<vmem>>)
        tpu.yield
      }) : () -> ()
      "tpu.region"() ({
        %run_scoped3A = tpu.sem_alloc : memref<!tpu.dma_semaphore, #tpu.memory_space<semaphore_mem>>
        %dma_start3A = arith.constant 0 : i32
        %dma_start3A_84 = arith.constant 0 : i32
        %dma_start3A_85 = tpu.memref_slice %arg11[%dma_start3A, %dma_start3A_84] : memref<128x128xf32, #tpu.memory_space<vmem>> -> memref<16x128xf32, #tpu.memory_space<vmem>>
        %dma_start3A_86 = arith.constant 9984 : i32
        %dma_start3A_87 = arith.constant 0 : i32
        %dma_start3A_88 = tpu.memref_slice %arg7[%arg0, %dma_start3A_86, %dma_start3A_87] : memref<2x10000x128xf32, #tpu.memory_space<hbm>> -> memref<1x16x128xf32, #tpu.memory_space<hbm>>
        %dma_start3A_89 = tpu.memref_squeeze %dma_start3A_88 : memref<1x16x128xf32, #tpu.memory_space<hbm>> -> memref<16x128xf32, #tpu.memory_space<hbm>>
        %dma_start3A_90 = arith.constant 9984 : i32
        %dma_start3A_91 = arith.constant 0 : i32
        %dma_start3A_92 = tpu.memref_slice %arg7[%arg0, %dma_start3A_90, %dma_start3A_91] : memref<2x10000x128xf32, #tpu.memory_space<hbm>> -> memref<1x16x128xf32, #tpu.memory_space<hbm>>
        %dma_start3A_93 = tpu.memref_squeeze %dma_start3A_92 : memref<1x16x128xf32, #tpu.memory_space<hbm>> -> memref<16x128xf32, #tpu.memory_space<hbm>>
        %dma_start3A_94 = arith.constant 0 : i32
        %dma_start3A_95 = arith.constant 0 : i32
        %dma_start3A_96 = tpu.memref_slice %arg11[%dma_start3A_94, %dma_start3A_95] : memref<128x128xf32, #tpu.memory_space<vmem>> -> memref<16x128xf32, #tpu.memory_space<vmem>>
        tpu.enqueue_dma source(%dma_start3A_96 : memref<16x128xf32, #tpu.memory_space<vmem>>) target(%dma_start3A_93 : memref<16x128xf32, #tpu.memory_space<hbm>>) target_semaphore(%run_scoped3A : memref<!tpu.dma_semaphore, #tpu.memory_space<semaphore_mem>>)
        %dma_wait3A = arith.constant 0 : i32
        %dma_wait3A_97 = arith.constant 0 : i32
        %dma_wait3A_98 = tpu.memref_slice %arg11[%dma_wait3A, %dma_wait3A_97] : memref<128x128xf32, #tpu.memory_space<vmem>> -> memref<16x128xf32, #tpu.memory_space<vmem>>
        %dma_wait3A_99 = arith.constant 9984 : i32
        %dma_wait3A_100 = arith.constant 0 : i32
        %dma_wait3A_101 = tpu.memref_slice %arg7[%arg0, %dma_wait3A_99, %dma_wait3A_100] : memref<2x10000x128xf32, #tpu.memory_space<hbm>> -> memref<1x16x128xf32, #tpu.memory_space<hbm>>
        %dma_wait3A_102 = tpu.memref_squeeze %dma_wait3A_101 : memref<1x16x128xf32, #tpu.memory_space<hbm>> -> memref<16x128xf32, #tpu.memory_space<hbm>>
        %dma_wait3A_103 = arith.constant 9984 : i32
        %dma_wait3A_104 = arith.constant 0 : i32
        %dma_wait3A_105 = tpu.memref_slice %arg7[%arg0, %dma_wait3A_103, %dma_wait3A_104] : memref<2x10000x128xf32, #tpu.memory_space<hbm>> -> memref<1x16x128xf32, #tpu.memory_space<hbm>>
        %dma_wait3A_106 = tpu.memref_squeeze %dma_wait3A_105 : memref<1x16x128xf32, #tpu.memory_space<hbm>> -> memref<16x128xf32, #tpu.memory_space<hbm>>
        %dma_wait3A_107 = arith.constant 0 : i32
        %dma_wait3A_108 = arith.constant 0 : i32
        %dma_wait3A_109 = tpu.memref_slice %arg11[%dma_wait3A_107, %dma_wait3A_108] : memref<128x128xf32, #tpu.memory_space<vmem>> -> memref<16x128xf32, #tpu.memory_space<vmem>>
        tpu.wait_dma2 semaphore(%run_scoped3A : memref<!tpu.dma_semaphore, #tpu.memory_space<semaphore_mem>>) src(%dma_wait3A_109 : memref<16x128xf32, #tpu.memory_space<vmem>>) dst(%dma_wait3A_106 : memref<16x128xf32, #tpu.memory_space<hbm>>)
        tpu.yield
      }) : () -> ()
    } else {
    }
    %eq3A_79 = arith.constant 0 : i32
    %eq3A_80 = arith.cmpi eq, %arg1, %eq3A_79 : i32
    %convert_element_type3A_81 = arith.extui %eq3A_80 : i1 to i32
    %cond3A_82 = arith.constant 0 : i32
    %cond3A_83 = arith.cmpi ne, %convert_element_type3A_81, %cond3A_82 : i32
    scf.if %cond3A_83 {
      "tpu.region"() ({
        %run_scoped3A = tpu.sem_alloc : memref<!tpu.dma_semaphore, #tpu.memory_space<semaphore_mem>>
        %dma_start3A = arith.constant 0 : i32
        %dma_start3A_84 = arith.constant 0 : i32
        %dma_start3A_85 = tpu.memref_slice %arg11[%dma_start3A, %dma_start3A_84] : memref<128x128xf32, #tpu.memory_space<vmem>> -> memref<104x128xf32, #tpu.memory_space<vmem>>
        %dma_start3A_86 = arith.constant 0 : i32
        %dma_start3A_87 = arith.constant 0 : i32
        %dma_start3A_88 = tpu.memref_slice %arg14[%dma_start3A_86, %dma_start3A_87] : memref<104x128xf32, #tpu.memory_space<vmem_shared>> -> memref<104x128xf32, #tpu.memory_space<vmem_shared>>
        %dma_start3A_89 = arith.constant 0 : i32
        %dma_start3A_90 = arith.constant 0 : i32
        %dma_start3A_91 = tpu.memref_slice %arg11[%dma_start3A_89, %dma_start3A_90] : memref<128x128xf32, #tpu.memory_space<vmem>> -> memref<104x128xf32, #tpu.memory_space<vmem>>
        %dma_start3A_92 = arith.constant 0 : i32
        %dma_start3A_93 = arith.constant 0 : i32
        %dma_start3A_94 = tpu.memref_slice %arg14[%dma_start3A_92, %dma_start3A_93] : memref<104x128xf32, #tpu.memory_space<vmem_shared>> -> memref<104x128xf32, #tpu.memory_space<vmem_shared>>
        tpu.enqueue_dma source(%dma_start3A_94 : memref<104x128xf32, #tpu.memory_space<vmem_shared>>) target(%dma_start3A_91 : memref<104x128xf32, #tpu.memory_space<vmem>>) target_semaphore(%run_scoped3A : memref<!tpu.dma_semaphore, #tpu.memory_space<semaphore_mem>>)
        %dma_wait3A = arith.constant 0 : i32
        %dma_wait3A_95 = arith.constant 0 : i32
        %dma_wait3A_96 = tpu.memref_slice %arg11[%dma_wait3A, %dma_wait3A_95] : memref<128x128xf32, #tpu.memory_space<vmem>> -> memref<104x128xf32, #tpu.memory_space<vmem>>
        %dma_wait3A_97 = arith.constant 0 : i32
        %dma_wait3A_98 = arith.constant 0 : i32
        %dma_wait3A_99 = tpu.memref_slice %arg14[%dma_wait3A_97, %dma_wait3A_98] : memref<104x128xf32, #tpu.memory_space<vmem_shared>> -> memref<104x128xf32, #tpu.memory_space<vmem_shared>>
        %dma_wait3A_100 = arith.constant 0 : i32
        %dma_wait3A_101 = arith.constant 0 : i32
        %dma_wait3A_102 = tpu.memref_slice %arg11[%dma_wait3A_100, %dma_wait3A_101] : memref<128x128xf32, #tpu.memory_space<vmem>> -> memref<104x128xf32, #tpu.memory_space<vmem>>
        %dma_wait3A_103 = arith.constant 0 : i32
        %dma_wait3A_104 = arith.constant 0 : i32
        %dma_wait3A_105 = tpu.memref_slice %arg14[%dma_wait3A_103, %dma_wait3A_104] : memref<104x128xf32, #tpu.memory_space<vmem_shared>> -> memref<104x128xf32, #tpu.memory_space<vmem_shared>>
        tpu.wait_dma2 semaphore(%run_scoped3A : memref<!tpu.dma_semaphore, #tpu.memory_space<semaphore_mem>>) src(%dma_wait3A_105 : memref<104x128xf32, #tpu.memory_space<vmem_shared>>) dst(%dma_wait3A_102 : memref<104x128xf32, #tpu.memory_space<vmem>>)
        tpu.yield
      }) : () -> ()
      "tpu.region"() ({
        %run_scoped3A = tpu.sem_alloc : memref<!tpu.dma_semaphore, #tpu.memory_space<semaphore_mem>>
        %dma_start3A = arith.constant 0 : i32
        %dma_start3A_84 = arith.constant 0 : i32
        %dma_start3A_85 = tpu.memref_slice %arg11[%dma_start3A, %dma_start3A_84] : memref<128x128xf32, #tpu.memory_space<vmem>> -> memref<104x128xf32, #tpu.memory_space<vmem>>
        %dma_start3A_86 = arith.constant 0 : i32
        %dma_start3A_87 = arith.constant 0 : i32
        %dma_start3A_88 = tpu.memref_slice %arg8[%arg0, %dma_start3A_86, %dma_start3A_87] : memref<2x104x128xf32, #tpu.memory_space<hbm>> -> memref<1x104x128xf32, #tpu.memory_space<hbm>>
        %dma_start3A_89 = tpu.memref_squeeze %dma_start3A_88 : memref<1x104x128xf32, #tpu.memory_space<hbm>> -> memref<104x128xf32, #tpu.memory_space<hbm>>
        %dma_start3A_90 = arith.constant 0 : i32
        %dma_start3A_91 = arith.constant 0 : i32
        %dma_start3A_92 = tpu.memref_slice %arg8[%arg0, %dma_start3A_90, %dma_start3A_91] : memref<2x104x128xf32, #tpu.memory_space<hbm>> -> memref<1x104x128xf32, #tpu.memory_space<hbm>>
        %dma_start3A_93 = tpu.memref_squeeze %dma_start3A_92 : memref<1x104x128xf32, #tpu.memory_space<hbm>> -> memref<104x128xf32, #tpu.memory_space<hbm>>
        %dma_start3A_94 = arith.constant 0 : i32
        %dma_start3A_95 = arith.constant 0 : i32
        %dma_start3A_96 = tpu.memref_slice %arg11[%dma_start3A_94, %dma_start3A_95] : memref<128x128xf32, #tpu.memory_space<vmem>> -> memref<104x128xf32, #tpu.memory_space<vmem>>
        tpu.enqueue_dma source(%dma_start3A_96 : memref<104x128xf32, #tpu.memory_space<vmem>>) target(%dma_start3A_93 : memref<104x128xf32, #tpu.memory_space<hbm>>) target_semaphore(%run_scoped3A : memref<!tpu.dma_semaphore, #tpu.memory_space<semaphore_mem>>)
        %dma_wait3A = arith.constant 0 : i32
        %dma_wait3A_97 = arith.constant 0 : i32
        %dma_wait3A_98 = tpu.memref_slice %arg11[%dma_wait3A, %dma_wait3A_97] : memref<128x128xf32, #tpu.memory_space<vmem>> -> memref<104x128xf32, #tpu.memory_space<vmem>>
        %dma_wait3A_99 = arith.constant 0 : i32
        %dma_wait3A_100 = arith.constant 0 : i32
        %dma_wait3A_101 = tpu.memref_slice %arg8[%arg0, %dma_wait3A_99, %dma_wait3A_100] : memref<2x104x128xf32, #tpu.memory_space<hbm>> -> memref<1x104x128xf32, #tpu.memory_space<hbm>>
        %dma_wait3A_102 = tpu.memref_squeeze %dma_wait3A_101 : memref<1x104x128xf32, #tpu.memory_space<hbm>> -> memref<104x128xf32, #tpu.memory_space<hbm>>
        %dma_wait3A_103 = arith.constant 0 : i32
        %dma_wait3A_104 = arith.constant 0 : i32
        %dma_wait3A_105 = tpu.memref_slice %arg8[%arg0, %dma_wait3A_103, %dma_wait3A_104] : memref<2x104x128xf32, #tpu.memory_space<hbm>> -> memref<1x104x128xf32, #tpu.memory_space<hbm>>
        %dma_wait3A_106 = tpu.memref_squeeze %dma_wait3A_105 : memref<1x104x128xf32, #tpu.memory_space<hbm>> -> memref<104x128xf32, #tpu.memory_space<hbm>>
        %dma_wait3A_107 = arith.constant 0 : i32
        %dma_wait3A_108 = arith.constant 0 : i32
        %dma_wait3A_109 = tpu.memref_slice %arg11[%dma_wait3A_107, %dma_wait3A_108] : memref<128x128xf32, #tpu.memory_space<vmem>> -> memref<104x128xf32, #tpu.memory_space<vmem>>
        tpu.wait_dma2 semaphore(%run_scoped3A : memref<!tpu.dma_semaphore, #tpu.memory_space<semaphore_mem>>) src(%dma_wait3A_109 : memref<104x128xf32, #tpu.memory_space<vmem>>) dst(%dma_wait3A_106 : memref<104x128xf32, #tpu.memory_space<hbm>>)
        tpu.yield
      }) : () -> ()
    } else {
    }
    return
  }
}

#map = affine_map<(d0, d1) -> (0, 0)>
#map1 = affine_map<(d0, d1) -> (0)>
module attributes {stable_mosaic.version = 14 : i64} {
  func.func @body(%arg0: i32, %arg1: i32, %arg2: memref<10000x128xf32, #tpu.memory_space<hbm>>, %arg3: memref<104x128xf32, #tpu.memory_space<hbm>>, %arg4: memref<320000xi32, #tpu.memory_space<hbm>>, %arg5: memref<320000xi32, #tpu.memory_space<hbm>>, %arg6: memref<320000x128xf32, #tpu.memory_space<hbm>>, %arg7: memref<320000x128xf32, #tpu.memory_space<hbm>>, %arg8: memref<128xi32, #tpu.memory_space<vmem>>, %arg9: memref<128xi32, #tpu.memory_space<vmem>>, %arg10: memref<128x128xf32, #tpu.memory_space<vmem>>, %arg11: memref<128x128xf32, #tpu.memory_space<vmem>>, %arg12: memref<!tpu.dma_semaphore, #tpu.memory_space<semaphore_mem>>, %arg13: memref<!tpu.dma_semaphore, #tpu.memory_space<semaphore_mem>>, %arg14: memref<!tpu.dma_semaphore, #tpu.memory_space<semaphore_mem>>) attributes {dimension_semantics = [#tpu.dimension_semantics<core_parallel>, #tpu.dimension_semantics<subcore_parallel>], iteration_bounds = array<i64: 2, 16>, scalar_prefetch = 0 : i64, scratch_operands = 7 : i64, tpu.core_type = #tpu.core_type<sc_vector_subcore>, window_params = [{transform_indices = #map}, {transform_indices = #map}, {transform_indices = #map1}, {transform_indices = #map1}, {transform_indices = #map}, {transform_indices = #map}]} {
    %mul3A = arith.constant 2 : i32
    %mul3A_0 = arith.muli %arg1, %mul3A : i32
    %add3A = arith.addi %mul3A_0, %arg0 : i32
    %scan3A = arith.constant 0 : i32
    %scan3A_1 = arith.constant 0 : i32
    %scan3A_2 = arith.constant 79 : i32
    %scan3A_3 = arith.addi %scan3A_1, %scan3A_2 : i32
    %scan3A_4 = arith.constant 1 : i32
    scf.for %scan3A_6 = %scan3A_1 to %scan3A_3 step %scan3A_4  : i32 {
      %mul3A_7 = arith.constant 32 : i32
      %mul3A_8 = arith.muli %scan3A_6, %mul3A_7 : i32
      %add3A_9 = arith.addi %mul3A_8, %add3A : i32
      %lt3A = arith.constant 2500 : i32
      %lt3A_10 = arith.cmpi slt, %add3A_9, %lt3A : i32
      %convert_element_type3A = arith.extui %lt3A_10 : i1 to i32
      %cond3A = arith.constant 0 : i32
      %cond3A_11 = arith.cmpi ne, %convert_element_type3A, %cond3A : i32
      scf.if %cond3A_11 {
        %mul3A_12 = arith.constant 128 : i32
        %mul3A_13 = arith.muli %add3A_9, %mul3A_12 : i32
        %dma_start3A = tpu.memref_slice %arg4[%mul3A_13] : memref<320000xi32, #tpu.memory_space<hbm>> -> memref<128xi32, #tpu.memory_space<hbm>>
        %dma_start3A_14 = tpu.memref_slice %arg4[%mul3A_13] : memref<320000xi32, #tpu.memory_space<hbm>> -> memref<128xi32, #tpu.memory_space<hbm>>
        tpu.enqueue_dma source(%dma_start3A_14 : memref<128xi32, #tpu.memory_space<hbm>>) target(%arg8 : memref<128xi32, #tpu.memory_space<vmem>>) target_semaphore(%arg14 : memref<!tpu.dma_semaphore, #tpu.memory_space<semaphore_mem>>)
        %dma_start3A_15 = tpu.memref_slice %arg5[%mul3A_13] : memref<320000xi32, #tpu.memory_space<hbm>> -> memref<128xi32, #tpu.memory_space<hbm>>
        %dma_start3A_16 = tpu.memref_slice %arg5[%mul3A_13] : memref<320000xi32, #tpu.memory_space<hbm>> -> memref<128xi32, #tpu.memory_space<hbm>>
        tpu.enqueue_dma source(%dma_start3A_16 : memref<128xi32, #tpu.memory_space<hbm>>) target(%arg9 : memref<128xi32, #tpu.memory_space<vmem>>) target_semaphore(%arg14 : memref<!tpu.dma_semaphore, #tpu.memory_space<semaphore_mem>>)
        %dma_wait3A = tpu.memref_slice %arg4[%mul3A_13] : memref<320000xi32, #tpu.memory_space<hbm>> -> memref<128xi32, #tpu.memory_space<hbm>>
        %dma_wait3A_17 = tpu.memref_slice %arg4[%mul3A_13] : memref<320000xi32, #tpu.memory_space<hbm>> -> memref<128xi32, #tpu.memory_space<hbm>>
        tpu.wait_dma2 semaphore(%arg14 : memref<!tpu.dma_semaphore, #tpu.memory_space<semaphore_mem>>) src(%dma_wait3A_17 : memref<128xi32, #tpu.memory_space<hbm>>) dst(%arg8 : memref<128xi32, #tpu.memory_space<vmem>>)
        %dma_wait3A_18 = tpu.memref_slice %arg5[%mul3A_13] : memref<320000xi32, #tpu.memory_space<hbm>> -> memref<128xi32, #tpu.memory_space<hbm>>
        %dma_wait3A_19 = tpu.memref_slice %arg5[%mul3A_13] : memref<320000xi32, #tpu.memory_space<hbm>> -> memref<128xi32, #tpu.memory_space<hbm>>
        tpu.wait_dma2 semaphore(%arg14 : memref<!tpu.dma_semaphore, #tpu.memory_space<semaphore_mem>>) src(%dma_wait3A_19 : memref<128xi32, #tpu.memory_space<hbm>>) dst(%arg9 : memref<128xi32, #tpu.memory_space<vmem>>)
        %dma_start3A_20 = arith.constant 0 : i32
        %dma_start3A_21 = arith.constant 0 : i32
        %dma_start3A_22 = tpu.memref_slice %arg2[%dma_start3A_20, %dma_start3A_21] : memref<10000x128xf32, #tpu.memory_space<hbm>> -> memref<10000x128xf32, #tpu.memory_space<hbm>>
        tpu.enqueue_indirect_dma source(%dma_start3A_22 : memref<10000x128xf32, #tpu.memory_space<hbm>>) target(%arg10 : memref<128x128xf32, #tpu.memory_space<vmem>>) offsets(%arg8 : memref<128xi32, #tpu.memory_space<vmem>>) semaphore(%arg12 : memref<!tpu.dma_semaphore, #tpu.memory_space<semaphore_mem>>)
        %dma_start3A_23 = arith.constant 0 : i32
        %dma_start3A_24 = arith.constant 0 : i32
        %dma_start3A_25 = tpu.memref_slice %arg3[%dma_start3A_23, %dma_start3A_24] : memref<104x128xf32, #tpu.memory_space<hbm>> -> memref<104x128xf32, #tpu.memory_space<hbm>>
        tpu.enqueue_indirect_dma source(%dma_start3A_25 : memref<104x128xf32, #tpu.memory_space<hbm>>) target(%arg11 : memref<128x128xf32, #tpu.memory_space<vmem>>) offsets(%arg9 : memref<128xi32, #tpu.memory_space<vmem>>) semaphore(%arg13 : memref<!tpu.dma_semaphore, #tpu.memory_space<semaphore_mem>>)
        %dma_wait3A_26 = arith.constant 0 : i32
        %dma_wait3A_27 = arith.constant 0 : i32
        %dma_wait3A_28 = tpu.memref_slice %arg2[%dma_wait3A_26, %dma_wait3A_27] : memref<10000x128xf32, #tpu.memory_space<hbm>> -> memref<10000x128xf32, #tpu.memory_space<hbm>>
        tpu.wait_indirect_dma semaphore(%arg12 : memref<!tpu.dma_semaphore, #tpu.memory_space<semaphore_mem>>) src(%dma_wait3A_28 : memref<10000x128xf32, #tpu.memory_space<hbm>>) dst(%arg10 : memref<128x128xf32, #tpu.memory_space<vmem>>)
        %dma_wait3A_29 = arith.constant 0 : i32
        %dma_wait3A_30 = arith.constant 0 : i32
        %dma_wait3A_31 = tpu.memref_slice %arg3[%dma_wait3A_29, %dma_wait3A_30] : memref<104x128xf32, #tpu.memory_space<hbm>> -> memref<104x128xf32, #tpu.memory_space<hbm>>
        tpu.wait_indirect_dma semaphore(%arg13 : memref<!tpu.dma_semaphore, #tpu.memory_space<semaphore_mem>>) src(%dma_wait3A_31 : memref<104x128xf32, #tpu.memory_space<hbm>>) dst(%arg11 : memref<128x128xf32, #tpu.memory_space<vmem>>)
        %dma_start3A_32 = arith.constant 0 : i32
        %dma_start3A_33 = tpu.memref_slice %arg6[%mul3A_13, %dma_start3A_32] : memref<320000x128xf32, #tpu.memory_space<hbm>> -> memref<128x128xf32, #tpu.memory_space<hbm>>
        %dma_start3A_34 = arith.constant 0 : i32
        %dma_start3A_35 = tpu.memref_slice %arg6[%mul3A_13, %dma_start3A_34] : memref<320000x128xf32, #tpu.memory_space<hbm>> -> memref<128x128xf32, #tpu.memory_space<hbm>>
        tpu.enqueue_dma source(%arg10 : memref<128x128xf32, #tpu.memory_space<vmem>>) target(%dma_start3A_35 : memref<128x128xf32, #tpu.memory_space<hbm>>) target_semaphore(%arg12 : memref<!tpu.dma_semaphore, #tpu.memory_space<semaphore_mem>>)
        %dma_start3A_36 = arith.constant 0 : i32
        %dma_start3A_37 = tpu.memref_slice %arg7[%mul3A_13, %dma_start3A_36] : memref<320000x128xf32, #tpu.memory_space<hbm>> -> memref<128x128xf32, #tpu.memory_space<hbm>>
        %dma_start3A_38 = arith.constant 0 : i32
        %dma_start3A_39 = tpu.memref_slice %arg7[%mul3A_13, %dma_start3A_38] : memref<320000x128xf32, #tpu.memory_space<hbm>> -> memref<128x128xf32, #tpu.memory_space<hbm>>
        tpu.enqueue_dma source(%arg11 : memref<128x128xf32, #tpu.memory_space<vmem>>) target(%dma_start3A_39 : memref<128x128xf32, #tpu.memory_space<hbm>>) target_semaphore(%arg13 : memref<!tpu.dma_semaphore, #tpu.memory_space<semaphore_mem>>)
        %dma_wait3A_40 = arith.constant 0 : i32
        %dma_wait3A_41 = tpu.memref_slice %arg6[%mul3A_13, %dma_wait3A_40] : memref<320000x128xf32, #tpu.memory_space<hbm>> -> memref<128x128xf32, #tpu.memory_space<hbm>>
        %dma_wait3A_42 = arith.constant 0 : i32
        %dma_wait3A_43 = tpu.memref_slice %arg6[%mul3A_13, %dma_wait3A_42] : memref<320000x128xf32, #tpu.memory_space<hbm>> -> memref<128x128xf32, #tpu.memory_space<hbm>>
        tpu.wait_dma2 semaphore(%arg12 : memref<!tpu.dma_semaphore, #tpu.memory_space<semaphore_mem>>) src(%arg10 : memref<128x128xf32, #tpu.memory_space<vmem>>) dst(%dma_wait3A_43 : memref<128x128xf32, #tpu.memory_space<hbm>>)
        %dma_wait3A_44 = arith.constant 0 : i32
        %dma_wait3A_45 = tpu.memref_slice %arg7[%mul3A_13, %dma_wait3A_44] : memref<320000x128xf32, #tpu.memory_space<hbm>> -> memref<128x128xf32, #tpu.memory_space<hbm>>
        %dma_wait3A_46 = arith.constant 0 : i32
        %dma_wait3A_47 = tpu.memref_slice %arg7[%mul3A_13, %dma_wait3A_46] : memref<320000x128xf32, #tpu.memory_space<hbm>> -> memref<128x128xf32, #tpu.memory_space<hbm>>
        tpu.wait_dma2 semaphore(%arg13 : memref<!tpu.dma_semaphore, #tpu.memory_space<semaphore_mem>>) src(%arg11 : memref<128x128xf32, #tpu.memory_space<vmem>>) dst(%dma_wait3A_47 : memref<128x128xf32, #tpu.memory_space<hbm>>)
      } else {
      }
    }
    %scan3A_5 = arith.constant 79 : i32
    return
  }
}

#map = affine_map<(d0, d1) -> (0, 0)>
#map1 = affine_map<(d0, d1) -> (0)>
#map2 = affine_map<(d0, d1) -> (0, 0, 0)>
module attributes {stable_mosaic.version = 14 : i64} {
  func.func @body(%arg0: i32, %arg1: i32, %arg2: memref<320000x128xf32, #tpu.memory_space<hbm>>, %arg3: memref<320000x128xf32, #tpu.memory_space<hbm>>, %arg4: memref<320000xi32, #tpu.memory_space<hbm>>, %arg5: memref<320000xi32, #tpu.memory_space<hbm>>, %arg6: memref<128x128xf32, #tpu.memory_space<hbm>>, %arg7: memref<2x1024x128xf32, #tpu.memory_space<hbm>>, %arg8: memref<2x1024x128xf32, #tpu.memory_space<hbm>>, %arg9: memref<128xi32, #tpu.memory_space<vmem>>, %arg10: memref<128xi32, #tpu.memory_space<vmem>>, %arg11: memref<128x128xf32, #tpu.memory_space<vmem>>, %arg12: memref<128x128xf32, #tpu.memory_space<vmem>>, %arg13: memref<1024x128xf32, #tpu.memory_space<vmem_shared>>, %arg14: memref<1024x128xf32, #tpu.memory_space<vmem_shared>>, %arg15: memref<!tpu.dma_semaphore, #tpu.memory_space<semaphore_mem>>, %arg16: memref<!tpu.dma_semaphore, #tpu.memory_space<semaphore_mem>>) attributes {dimension_semantics = [#tpu.dimension_semantics<core_parallel>, #tpu.dimension_semantics<subcore_parallel>], iteration_bounds = array<i64: 2, 16>, scalar_prefetch = 0 : i64, scratch_operands = 8 : i64, tpu.core_type = #tpu.core_type<sc_vector_subcore>, window_params = [{transform_indices = #map}, {transform_indices = #map}, {transform_indices = #map1}, {transform_indices = #map1}, {transform_indices = #map}, {transform_indices = #map2}, {transform_indices = #map2}]} {
    %mul3A = arith.constant 2 : i32
    %mul3A_0 = arith.muli %arg1, %mul3A : i32
    %add3A = arith.addi %mul3A_0, %arg0 : i32
    "tpu.region"() ({
      %run_scoped3A = tpu.sem_alloc : memref<!tpu.dma_semaphore, #tpu.memory_space<semaphore_mem>>
      tpu.enqueue_dma source(%arg6 : memref<128x128xf32, #tpu.memory_space<hbm>>) target(%arg11 : memref<128x128xf32, #tpu.memory_space<vmem>>) target_semaphore(%run_scoped3A : memref<!tpu.dma_semaphore, #tpu.memory_space<semaphore_mem>>)
      tpu.wait_dma2 semaphore(%run_scoped3A : memref<!tpu.dma_semaphore, #tpu.memory_space<semaphore_mem>>) src(%arg6 : memref<128x128xf32, #tpu.memory_space<hbm>>) dst(%arg11 : memref<128x128xf32, #tpu.memory_space<vmem>>)
      tpu.yield
    }) : () -> ()
    %mul3A_1 = arith.constant 64 : i32
    %mul3A_2 = arith.muli %arg1, %mul3A_1 : i32
    %add3A_3 = arith.constant 0 : i32
    %add3A_4 = arith.addi %mul3A_2, %add3A_3 : i32
    "tpu.region"() ({
      %run_scoped3A = tpu.sem_alloc : memref<!tpu.dma_semaphore, #tpu.memory_space<semaphore_mem>>
      %dma_start3A = arith.constant 0 : i32
      %dma_start3A_31 = arith.constant 0 : i32
      %dma_start3A_32 = tpu.memref_slice %arg11[%dma_start3A, %dma_start3A_31] : memref<128x128xf32, #tpu.memory_space<vmem>> -> memref<64x128xf32, #tpu.memory_space<vmem>>
      %dma_start3A_33 = arith.constant 0 : i32
      %dma_start3A_34 = tpu.memref_slice %arg13[%add3A_4, %dma_start3A_33] : memref<1024x128xf32, #tpu.memory_space<vmem_shared>> -> memref<64x128xf32, #tpu.memory_space<vmem_shared>>
      %dma_start3A_35 = arith.constant 0 : i32
      %dma_start3A_36 = tpu.memref_slice %arg13[%add3A_4, %dma_start3A_35] : memref<1024x128xf32, #tpu.memory_space<vmem_shared>> -> memref<64x128xf32, #tpu.memory_space<vmem_shared>>
      %dma_start3A_37 = arith.constant 0 : i32
      %dma_start3A_38 = arith.constant 0 : i32
      %dma_start3A_39 = tpu.memref_slice %arg11[%dma_start3A_37, %dma_start3A_38] : memref<128x128xf32, #tpu.memory_space<vmem>> -> memref<64x128xf32, #tpu.memory_space<vmem>>
      tpu.enqueue_dma source(%dma_start3A_39 : memref<64x128xf32, #tpu.memory_space<vmem>>) target(%dma_start3A_36 : memref<64x128xf32, #tpu.memory_space<vmem_shared>>) target_semaphore(%run_scoped3A : memref<!tpu.dma_semaphore, #tpu.memory_space<semaphore_mem>>)
      %dma_wait3A = arith.constant 0 : i32
      %dma_wait3A_40 = arith.constant 0 : i32
      %dma_wait3A_41 = tpu.memref_slice %arg11[%dma_wait3A, %dma_wait3A_40] : memref<128x128xf32, #tpu.memory_space<vmem>> -> memref<64x128xf32, #tpu.memory_space<vmem>>
      %dma_wait3A_42 = arith.constant 0 : i32
      %dma_wait3A_43 = tpu.memref_slice %arg13[%add3A_4, %dma_wait3A_42] : memref<1024x128xf32, #tpu.memory_space<vmem_shared>> -> memref<64x128xf32, #tpu.memory_space<vmem_shared>>
      %dma_wait3A_44 = arith.constant 0 : i32
      %dma_wait3A_45 = tpu.memref_slice %arg13[%add3A_4, %dma_wait3A_44] : memref<1024x128xf32, #tpu.memory_space<vmem_shared>> -> memref<64x128xf32, #tpu.memory_space<vmem_shared>>
      %dma_wait3A_46 = arith.constant 0 : i32
      %dma_wait3A_47 = arith.constant 0 : i32
      %dma_wait3A_48 = tpu.memref_slice %arg11[%dma_wait3A_46, %dma_wait3A_47] : memref<128x128xf32, #tpu.memory_space<vmem>> -> memref<64x128xf32, #tpu.memory_space<vmem>>
      tpu.wait_dma2 semaphore(%run_scoped3A : memref<!tpu.dma_semaphore, #tpu.memory_space<semaphore_mem>>) src(%dma_wait3A_48 : memref<64x128xf32, #tpu.memory_space<vmem>>) dst(%dma_wait3A_45 : memref<64x128xf32, #tpu.memory_space<vmem_shared>>)
      tpu.yield
    }) : () -> ()
    %mul3A_5 = arith.constant 64 : i32
    %mul3A_6 = arith.muli %arg1, %mul3A_5 : i32
    %add3A_7 = arith.constant 0 : i32
    %add3A_8 = arith.addi %mul3A_6, %add3A_7 : i32
    "tpu.region"() ({
      %run_scoped3A = tpu.sem_alloc : memref<!tpu.dma_semaphore, #tpu.memory_space<semaphore_mem>>
      %dma_start3A = arith.constant 0 : i32
      %dma_start3A_31 = arith.constant 0 : i32
      %dma_start3A_32 = tpu.memref_slice %arg11[%dma_start3A, %dma_start3A_31] : memref<128x128xf32, #tpu.memory_space<vmem>> -> memref<64x128xf32, #tpu.memory_space<vmem>>
      %dma_start3A_33 = arith.constant 0 : i32
      %dma_start3A_34 = tpu.memref_slice %arg14[%add3A_8, %dma_start3A_33] : memref<1024x128xf32, #tpu.memory_space<vmem_shared>> -> memref<64x128xf32, #tpu.memory_space<vmem_shared>>
      %dma_start3A_35 = arith.constant 0 : i32
      %dma_start3A_36 = tpu.memref_slice %arg14[%add3A_8, %dma_start3A_35] : memref<1024x128xf32, #tpu.memory_space<vmem_shared>> -> memref<64x128xf32, #tpu.memory_space<vmem_shared>>
      %dma_start3A_37 = arith.constant 0 : i32
      %dma_start3A_38 = arith.constant 0 : i32
      %dma_start3A_39 = tpu.memref_slice %arg11[%dma_start3A_37, %dma_start3A_38] : memref<128x128xf32, #tpu.memory_space<vmem>> -> memref<64x128xf32, #tpu.memory_space<vmem>>
      tpu.enqueue_dma source(%dma_start3A_39 : memref<64x128xf32, #tpu.memory_space<vmem>>) target(%dma_start3A_36 : memref<64x128xf32, #tpu.memory_space<vmem_shared>>) target_semaphore(%run_scoped3A : memref<!tpu.dma_semaphore, #tpu.memory_space<semaphore_mem>>)
      %dma_wait3A = arith.constant 0 : i32
      %dma_wait3A_40 = arith.constant 0 : i32
      %dma_wait3A_41 = tpu.memref_slice %arg11[%dma_wait3A, %dma_wait3A_40] : memref<128x128xf32, #tpu.memory_space<vmem>> -> memref<64x128xf32, #tpu.memory_space<vmem>>
      %dma_wait3A_42 = arith.constant 0 : i32
      %dma_wait3A_43 = tpu.memref_slice %arg14[%add3A_8, %dma_wait3A_42] : memref<1024x128xf32, #tpu.memory_space<vmem_shared>> -> memref<64x128xf32, #tpu.memory_space<vmem_shared>>
      %dma_wait3A_44 = arith.constant 0 : i32
      %dma_wait3A_45 = tpu.memref_slice %arg14[%add3A_8, %dma_wait3A_44] : memref<1024x128xf32, #tpu.memory_space<vmem_shared>> -> memref<64x128xf32, #tpu.memory_space<vmem_shared>>
      %dma_wait3A_46 = arith.constant 0 : i32
      %dma_wait3A_47 = arith.constant 0 : i32
      %dma_wait3A_48 = tpu.memref_slice %arg11[%dma_wait3A_46, %dma_wait3A_47] : memref<128x128xf32, #tpu.memory_space<vmem>> -> memref<64x128xf32, #tpu.memory_space<vmem>>
      tpu.wait_dma2 semaphore(%run_scoped3A : memref<!tpu.dma_semaphore, #tpu.memory_space<semaphore_mem>>) src(%dma_wait3A_48 : memref<64x128xf32, #tpu.memory_space<vmem>>) dst(%dma_wait3A_45 : memref<64x128xf32, #tpu.memory_space<vmem_shared>>)
      tpu.yield
    }) : () -> ()
    %barrier3A = arith.constant 0 : index
    tpu.barrier barrier_id(%barrier3A)
    %scan3A = arith.constant 0 : i32
    %scan3A_9 = arith.constant 0 : i32
    %scan3A_10 = arith.constant 79 : i32
    %scan3A_11 = arith.addi %scan3A_9, %scan3A_10 : i32
    %scan3A_12 = arith.constant 1 : i32
    scf.for %scan3A_31 = %scan3A_9 to %scan3A_11 step %scan3A_12  : i32 {
      %mul3A_32 = arith.constant 32 : i32
      %mul3A_33 = arith.muli %scan3A_31, %mul3A_32 : i32
      %add3A_34 = arith.addi %mul3A_33, %add3A : i32
      %lt3A = arith.constant 2500 : i32
      %lt3A_35 = arith.cmpi slt, %add3A_34, %lt3A : i32
      %convert_element_type3A = arith.extui %lt3A_35 : i1 to i32
      %cond3A = arith.constant 0 : i32
      %cond3A_36 = arith.cmpi ne, %convert_element_type3A, %cond3A : i32
      scf.if %cond3A_36 {
        %mul3A_37 = arith.constant 128 : i32
        %mul3A_38 = arith.muli %add3A_34, %mul3A_37 : i32
        %dma_start3A = tpu.memref_slice %arg4[%mul3A_38] : memref<320000xi32, #tpu.memory_space<hbm>> -> memref<128xi32, #tpu.memory_space<hbm>>
        %dma_start3A_39 = tpu.memref_slice %arg4[%mul3A_38] : memref<320000xi32, #tpu.memory_space<hbm>> -> memref<128xi32, #tpu.memory_space<hbm>>
        tpu.enqueue_dma source(%dma_start3A_39 : memref<128xi32, #tpu.memory_space<hbm>>) target(%arg9 : memref<128xi32, #tpu.memory_space<vmem>>) target_semaphore(%arg15 : memref<!tpu.dma_semaphore, #tpu.memory_space<semaphore_mem>>)
        %dma_start3A_40 = tpu.memref_slice %arg5[%mul3A_38] : memref<320000xi32, #tpu.memory_space<hbm>> -> memref<128xi32, #tpu.memory_space<hbm>>
        %dma_start3A_41 = tpu.memref_slice %arg5[%mul3A_38] : memref<320000xi32, #tpu.memory_space<hbm>> -> memref<128xi32, #tpu.memory_space<hbm>>
        tpu.enqueue_dma source(%dma_start3A_41 : memref<128xi32, #tpu.memory_space<hbm>>) target(%arg10 : memref<128xi32, #tpu.memory_space<vmem>>) target_semaphore(%arg15 : memref<!tpu.dma_semaphore, #tpu.memory_space<semaphore_mem>>)
        %dma_start3A_42 = arith.constant 0 : i32
        %dma_start3A_43 = tpu.memref_slice %arg2[%mul3A_38, %dma_start3A_42] : memref<320000x128xf32, #tpu.memory_space<hbm>> -> memref<128x128xf32, #tpu.memory_space<hbm>>
        %dma_start3A_44 = arith.constant 0 : i32
        %dma_start3A_45 = tpu.memref_slice %arg2[%mul3A_38, %dma_start3A_44] : memref<320000x128xf32, #tpu.memory_space<hbm>> -> memref<128x128xf32, #tpu.memory_space<hbm>>
        tpu.enqueue_dma source(%dma_start3A_45 : memref<128x128xf32, #tpu.memory_space<hbm>>) target(%arg11 : memref<128x128xf32, #tpu.memory_space<vmem>>) target_semaphore(%arg15 : memref<!tpu.dma_semaphore, #tpu.memory_space<semaphore_mem>>)
        %dma_start3A_46 = arith.constant 0 : i32
        %dma_start3A_47 = tpu.memref_slice %arg3[%mul3A_38, %dma_start3A_46] : memref<320000x128xf32, #tpu.memory_space<hbm>> -> memref<128x128xf32, #tpu.memory_space<hbm>>
        %dma_start3A_48 = arith.constant 0 : i32
        %dma_start3A_49 = tpu.memref_slice %arg3[%mul3A_38, %dma_start3A_48] : memref<320000x128xf32, #tpu.memory_space<hbm>> -> memref<128x128xf32, #tpu.memory_space<hbm>>
        tpu.enqueue_dma source(%dma_start3A_49 : memref<128x128xf32, #tpu.memory_space<hbm>>) target(%arg12 : memref<128x128xf32, #tpu.memory_space<vmem>>) target_semaphore(%arg15 : memref<!tpu.dma_semaphore, #tpu.memory_space<semaphore_mem>>)
        %dma_wait3A = tpu.memref_slice %arg4[%mul3A_38] : memref<320000xi32, #tpu.memory_space<hbm>> -> memref<128xi32, #tpu.memory_space<hbm>>
        %dma_wait3A_50 = tpu.memref_slice %arg4[%mul3A_38] : memref<320000xi32, #tpu.memory_space<hbm>> -> memref<128xi32, #tpu.memory_space<hbm>>
        tpu.wait_dma2 semaphore(%arg15 : memref<!tpu.dma_semaphore, #tpu.memory_space<semaphore_mem>>) src(%dma_wait3A_50 : memref<128xi32, #tpu.memory_space<hbm>>) dst(%arg9 : memref<128xi32, #tpu.memory_space<vmem>>)
        %dma_wait3A_51 = tpu.memref_slice %arg5[%mul3A_38] : memref<320000xi32, #tpu.memory_space<hbm>> -> memref<128xi32, #tpu.memory_space<hbm>>
        %dma_wait3A_52 = tpu.memref_slice %arg5[%mul3A_38] : memref<320000xi32, #tpu.memory_space<hbm>> -> memref<128xi32, #tpu.memory_space<hbm>>
        tpu.wait_dma2 semaphore(%arg15 : memref<!tpu.dma_semaphore, #tpu.memory_space<semaphore_mem>>) src(%dma_wait3A_52 : memref<128xi32, #tpu.memory_space<hbm>>) dst(%arg10 : memref<128xi32, #tpu.memory_space<vmem>>)
        %dma_wait3A_53 = arith.constant 0 : i32
        %dma_wait3A_54 = tpu.memref_slice %arg2[%mul3A_38, %dma_wait3A_53] : memref<320000x128xf32, #tpu.memory_space<hbm>> -> memref<128x128xf32, #tpu.memory_space<hbm>>
        %dma_wait3A_55 = arith.constant 0 : i32
        %dma_wait3A_56 = tpu.memref_slice %arg2[%mul3A_38, %dma_wait3A_55] : memref<320000x128xf32, #tpu.memory_space<hbm>> -> memref<128x128xf32, #tpu.memory_space<hbm>>
        tpu.wait_dma2 semaphore(%arg15 : memref<!tpu.dma_semaphore, #tpu.memory_space<semaphore_mem>>) src(%dma_wait3A_56 : memref<128x128xf32, #tpu.memory_space<hbm>>) dst(%arg11 : memref<128x128xf32, #tpu.memory_space<vmem>>)
        %dma_wait3A_57 = arith.constant 0 : i32
        %dma_wait3A_58 = tpu.memref_slice %arg3[%mul3A_38, %dma_wait3A_57] : memref<320000x128xf32, #tpu.memory_space<hbm>> -> memref<128x128xf32, #tpu.memory_space<hbm>>
        %dma_wait3A_59 = arith.constant 0 : i32
        %dma_wait3A_60 = tpu.memref_slice %arg3[%mul3A_38, %dma_wait3A_59] : memref<320000x128xf32, #tpu.memory_space<hbm>> -> memref<128x128xf32, #tpu.memory_space<hbm>>
        tpu.wait_dma2 semaphore(%arg15 : memref<!tpu.dma_semaphore, #tpu.memory_space<semaphore_mem>>) src(%dma_wait3A_60 : memref<128x128xf32, #tpu.memory_space<hbm>>) dst(%arg12 : memref<128x128xf32, #tpu.memory_space<vmem>>)
        %dma_start3A_61 = arith.constant 0 : i32
        %dma_start3A_62 = arith.constant 0 : i32
        %dma_start3A_63 = tpu.memref_slice %arg13[%dma_start3A_61, %dma_start3A_62] : memref<1024x128xf32, #tpu.memory_space<vmem_shared>> -> memref<1024x128xf32, #tpu.memory_space<vmem_shared>>
        tpu.enqueue_indirect_dma source(%arg11 : memref<128x128xf32, #tpu.memory_space<vmem>>) target(%dma_start3A_63 : memref<1024x128xf32, #tpu.memory_space<vmem_shared>>) offsets(%arg9 : memref<128xi32, #tpu.memory_space<vmem>>) semaphore(%arg16 : memref<!tpu.dma_semaphore, #tpu.memory_space<semaphore_mem>>) {add = true}
        %dma_start3A_64 = arith.constant 0 : i32
        %dma_start3A_65 = arith.constant 0 : i32
        %dma_start3A_66 = tpu.memref_slice %arg14[%dma_start3A_64, %dma_start3A_65] : memref<1024x128xf32, #tpu.memory_space<vmem_shared>> -> memref<1024x128xf32, #tpu.memory_space<vmem_shared>>
        tpu.enqueue_indirect_dma source(%arg12 : memref<128x128xf32, #tpu.memory_space<vmem>>) target(%dma_start3A_66 : memref<1024x128xf32, #tpu.memory_space<vmem_shared>>) offsets(%arg10 : memref<128xi32, #tpu.memory_space<vmem>>) semaphore(%arg16 : memref<!tpu.dma_semaphore, #tpu.memory_space<semaphore_mem>>) {add = true}
        %dma_wait3A_67 = arith.constant 0 : i32
        %dma_wait3A_68 = arith.constant 0 : i32
        %dma_wait3A_69 = tpu.memref_slice %arg13[%dma_wait3A_67, %dma_wait3A_68] : memref<1024x128xf32, #tpu.memory_space<vmem_shared>> -> memref<1024x128xf32, #tpu.memory_space<vmem_shared>>
        tpu.wait_indirect_dma semaphore(%arg16 : memref<!tpu.dma_semaphore, #tpu.memory_space<semaphore_mem>>) src(%arg11 : memref<128x128xf32, #tpu.memory_space<vmem>>) dst(%dma_wait3A_69 : memref<1024x128xf32, #tpu.memory_space<vmem_shared>>)
        %dma_wait3A_70 = arith.constant 0 : i32
        %dma_wait3A_71 = arith.constant 0 : i32
        %dma_wait3A_72 = tpu.memref_slice %arg14[%dma_wait3A_70, %dma_wait3A_71] : memref<1024x128xf32, #tpu.memory_space<vmem_shared>> -> memref<1024x128xf32, #tpu.memory_space<vmem_shared>>
        tpu.wait_indirect_dma semaphore(%arg16 : memref<!tpu.dma_semaphore, #tpu.memory_space<semaphore_mem>>) src(%arg12 : memref<128x128xf32, #tpu.memory_space<vmem>>) dst(%dma_wait3A_72 : memref<1024x128xf32, #tpu.memory_space<vmem_shared>>)
      } else {
      }
    }
    %scan3A_13 = arith.constant 79 : i32
    %barrier3A_14 = arith.constant 0 : index
    tpu.barrier barrier_id(%barrier3A_14)
    %mul3A_15 = arith.constant 64 : i32
    %mul3A_16 = arith.muli %arg1, %mul3A_15 : i32
    %add3A_17 = arith.constant 0 : i32
    %add3A_18 = arith.addi %mul3A_16, %add3A_17 : i32
    "tpu.region"() ({
      %run_scoped3A = tpu.sem_alloc : memref<!tpu.dma_semaphore, #tpu.memory_space<semaphore_mem>>
      %dma_start3A = arith.constant 0 : i32
      %dma_start3A_31 = arith.constant 0 : i32
      %dma_start3A_32 = tpu.memref_slice %arg11[%dma_start3A, %dma_start3A_31] : memref<128x128xf32, #tpu.memory_space<vmem>> -> memref<64x128xf32, #tpu.memory_space<vmem>>
      %dma_start3A_33 = arith.constant 0 : i32
      %dma_start3A_34 = tpu.memref_slice %arg13[%add3A_18, %dma_start3A_33] : memref<1024x128xf32, #tpu.memory_space<vmem_shared>> -> memref<64x128xf32, #tpu.memory_space<vmem_shared>>
      %dma_start3A_35 = arith.constant 0 : i32
      %dma_start3A_36 = arith.constant 0 : i32
      %dma_start3A_37 = tpu.memref_slice %arg11[%dma_start3A_35, %dma_start3A_36] : memref<128x128xf32, #tpu.memory_space<vmem>> -> memref<64x128xf32, #tpu.memory_space<vmem>>
      %dma_start3A_38 = arith.constant 0 : i32
      %dma_start3A_39 = tpu.memref_slice %arg13[%add3A_18, %dma_start3A_38] : memref<1024x128xf32, #tpu.memory_space<vmem_shared>> -> memref<64x128xf32, #tpu.memory_space<vmem_shared>>
      tpu.enqueue_dma source(%dma_start3A_39 : memref<64x128xf32, #tpu.memory_space<vmem_shared>>) target(%dma_start3A_37 : memref<64x128xf32, #tpu.memory_space<vmem>>) target_semaphore(%run_scoped3A : memref<!tpu.dma_semaphore, #tpu.memory_space<semaphore_mem>>)
      %dma_wait3A = arith.constant 0 : i32
      %dma_wait3A_40 = arith.constant 0 : i32
      %dma_wait3A_41 = tpu.memref_slice %arg11[%dma_wait3A, %dma_wait3A_40] : memref<128x128xf32, #tpu.memory_space<vmem>> -> memref<64x128xf32, #tpu.memory_space<vmem>>
      %dma_wait3A_42 = arith.constant 0 : i32
      %dma_wait3A_43 = tpu.memref_slice %arg13[%add3A_18, %dma_wait3A_42] : memref<1024x128xf32, #tpu.memory_space<vmem_shared>> -> memref<64x128xf32, #tpu.memory_space<vmem_shared>>
      %dma_wait3A_44 = arith.constant 0 : i32
      %dma_wait3A_45 = arith.constant 0 : i32
      %dma_wait3A_46 = tpu.memref_slice %arg11[%dma_wait3A_44, %dma_wait3A_45] : memref<128x128xf32, #tpu.memory_space<vmem>> -> memref<64x128xf32, #tpu.memory_space<vmem>>
      %dma_wait3A_47 = arith.constant 0 : i32
      %dma_wait3A_48 = tpu.memref_slice %arg13[%add3A_18, %dma_wait3A_47] : memref<1024x128xf32, #tpu.memory_space<vmem_shared>> -> memref<64x128xf32, #tpu.memory_space<vmem_shared>>
      tpu.wait_dma2 semaphore(%run_scoped3A : memref<!tpu.dma_semaphore, #tpu.memory_space<semaphore_mem>>) src(%dma_wait3A_48 : memref<64x128xf32, #tpu.memory_space<vmem_shared>>) dst(%dma_wait3A_46 : memref<64x128xf32, #tpu.memory_space<vmem>>)
      tpu.yield
    }) : () -> ()
    %mul3A_19 = arith.constant 64 : i32
    %mul3A_20 = arith.muli %arg1, %mul3A_19 : i32
    %add3A_21 = arith.constant 0 : i32
    %add3A_22 = arith.addi %mul3A_20, %add3A_21 : i32
    "tpu.region"() ({
      %run_scoped3A = tpu.sem_alloc : memref<!tpu.dma_semaphore, #tpu.memory_space<semaphore_mem>>
      %dma_start3A = arith.constant 0 : i32
      %dma_start3A_31 = arith.constant 0 : i32
      %dma_start3A_32 = tpu.memref_slice %arg11[%dma_start3A, %dma_start3A_31] : memref<128x128xf32, #tpu.memory_space<vmem>> -> memref<64x128xf32, #tpu.memory_space<vmem>>
      %dma_start3A_33 = arith.constant 0 : i32
      %dma_start3A_34 = tpu.memref_slice %arg7[%arg0, %add3A_22, %dma_start3A_33] : memref<2x1024x128xf32, #tpu.memory_space<hbm>> -> memref<1x64x128xf32, #tpu.memory_space<hbm>>
      %dma_start3A_35 = tpu.memref_squeeze %dma_start3A_34 : memref<1x64x128xf32, #tpu.memory_space<hbm>> -> memref<64x128xf32, #tpu.memory_space<hbm>>
      %dma_start3A_36 = arith.constant 0 : i32
      %dma_start3A_37 = tpu.memref_slice %arg7[%arg0, %add3A_22, %dma_start3A_36] : memref<2x1024x128xf32, #tpu.memory_space<hbm>> -> memref<1x64x128xf32, #tpu.memory_space<hbm>>
      %dma_start3A_38 = tpu.memref_squeeze %dma_start3A_37 : memref<1x64x128xf32, #tpu.memory_space<hbm>> -> memref<64x128xf32, #tpu.memory_space<hbm>>
      %dma_start3A_39 = arith.constant 0 : i32
      %dma_start3A_40 = arith.constant 0 : i32
      %dma_start3A_41 = tpu.memref_slice %arg11[%dma_start3A_39, %dma_start3A_40] : memref<128x128xf32, #tpu.memory_space<vmem>> -> memref<64x128xf32, #tpu.memory_space<vmem>>
      tpu.enqueue_dma source(%dma_start3A_41 : memref<64x128xf32, #tpu.memory_space<vmem>>) target(%dma_start3A_38 : memref<64x128xf32, #tpu.memory_space<hbm>>) target_semaphore(%run_scoped3A : memref<!tpu.dma_semaphore, #tpu.memory_space<semaphore_mem>>)
      %dma_wait3A = arith.constant 0 : i32
      %dma_wait3A_42 = arith.constant 0 : i32
      %dma_wait3A_43 = tpu.memref_slice %arg11[%dma_wait3A, %dma_wait3A_42] : memref<128x128xf32, #tpu.memory_space<vmem>> -> memref<64x128xf32, #tpu.memory_space<vmem>>
      %dma_wait3A_44 = arith.constant 0 : i32
      %dma_wait3A_45 = tpu.memref_slice %arg7[%arg0, %add3A_22, %dma_wait3A_44] : memref<2x1024x128xf32, #tpu.memory_space<hbm>> -> memref<1x64x128xf32, #tpu.memory_space<hbm>>
      %dma_wait3A_46 = tpu.memref_squeeze %dma_wait3A_45 : memref<1x64x128xf32, #tpu.memory_space<hbm>> -> memref<64x128xf32, #tpu.memory_space<hbm>>
      %dma_wait3A_47 = arith.constant 0 : i32
      %dma_wait3A_48 = tpu.memref_slice %arg7[%arg0, %add3A_22, %dma_wait3A_47] : memref<2x1024x128xf32, #tpu.memory_space<hbm>> -> memref<1x64x128xf32, #tpu.memory_space<hbm>>
      %dma_wait3A_49 = tpu.memref_squeeze %dma_wait3A_48 : memref<1x64x128xf32, #tpu.memory_space<hbm>> -> memref<64x128xf32, #tpu.memory_space<hbm>>
      %dma_wait3A_50 = arith.constant 0 : i32
      %dma_wait3A_51 = arith.constant 0 : i32
      %dma_wait3A_52 = tpu.memref_slice %arg11[%dma_wait3A_50, %dma_wait3A_51] : memref<128x128xf32, #tpu.memory_space<vmem>> -> memref<64x128xf32, #tpu.memory_space<vmem>>
      tpu.wait_dma2 semaphore(%run_scoped3A : memref<!tpu.dma_semaphore, #tpu.memory_space<semaphore_mem>>) src(%dma_wait3A_52 : memref<64x128xf32, #tpu.memory_space<vmem>>) dst(%dma_wait3A_49 : memref<64x128xf32, #tpu.memory_space<hbm>>)
      tpu.yield
    }) : () -> ()
    %mul3A_23 = arith.constant 64 : i32
    %mul3A_24 = arith.muli %arg1, %mul3A_23 : i32
    %add3A_25 = arith.constant 0 : i32
    %add3A_26 = arith.addi %mul3A_24, %add3A_25 : i32
    "tpu.region"() ({
      %run_scoped3A = tpu.sem_alloc : memref<!tpu.dma_semaphore, #tpu.memory_space<semaphore_mem>>
      %dma_start3A = arith.constant 0 : i32
      %dma_start3A_31 = arith.constant 0 : i32
      %dma_start3A_32 = tpu.memref_slice %arg11[%dma_start3A, %dma_start3A_31] : memref<128x128xf32, #tpu.memory_space<vmem>> -> memref<64x128xf32, #tpu.memory_space<vmem>>
      %dma_start3A_33 = arith.constant 0 : i32
      %dma_start3A_34 = tpu.memref_slice %arg14[%add3A_26, %dma_start3A_33] : memref<1024x128xf32, #tpu.memory_space<vmem_shared>> -> memref<64x128xf32, #tpu.memory_space<vmem_shared>>
      %dma_start3A_35 = arith.constant 0 : i32
      %dma_start3A_36 = arith.constant 0 : i32
      %dma_start3A_37 = tpu.memref_slice %arg11[%dma_start3A_35, %dma_start3A_36] : memref<128x128xf32, #tpu.memory_space<vmem>> -> memref<64x128xf32, #tpu.memory_space<vmem>>
      %dma_start3A_38 = arith.constant 0 : i32
      %dma_start3A_39 = tpu.memref_slice %arg14[%add3A_26, %dma_start3A_38] : memref<1024x128xf32, #tpu.memory_space<vmem_shared>> -> memref<64x128xf32, #tpu.memory_space<vmem_shared>>
      tpu.enqueue_dma source(%dma_start3A_39 : memref<64x128xf32, #tpu.memory_space<vmem_shared>>) target(%dma_start3A_37 : memref<64x128xf32, #tpu.memory_space<vmem>>) target_semaphore(%run_scoped3A : memref<!tpu.dma_semaphore, #tpu.memory_space<semaphore_mem>>)
      %dma_wait3A = arith.constant 0 : i32
      %dma_wait3A_40 = arith.constant 0 : i32
      %dma_wait3A_41 = tpu.memref_slice %arg11[%dma_wait3A, %dma_wait3A_40] : memref<128x128xf32, #tpu.memory_space<vmem>> -> memref<64x128xf32, #tpu.memory_space<vmem>>
      %dma_wait3A_42 = arith.constant 0 : i32
      %dma_wait3A_43 = tpu.memref_slice %arg14[%add3A_26, %dma_wait3A_42] : memref<1024x128xf32, #tpu.memory_space<vmem_shared>> -> memref<64x128xf32, #tpu.memory_space<vmem_shared>>
      %dma_wait3A_44 = arith.constant 0 : i32
      %dma_wait3A_45 = arith.constant 0 : i32
      %dma_wait3A_46 = tpu.memref_slice %arg11[%dma_wait3A_44, %dma_wait3A_45] : memref<128x128xf32, #tpu.memory_space<vmem>> -> memref<64x128xf32, #tpu.memory_space<vmem>>
      %dma_wait3A_47 = arith.constant 0 : i32
      %dma_wait3A_48 = tpu.memref_slice %arg14[%add3A_26, %dma_wait3A_47] : memref<1024x128xf32, #tpu.memory_space<vmem_shared>> -> memref<64x128xf32, #tpu.memory_space<vmem_shared>>
      tpu.wait_dma2 semaphore(%run_scoped3A : memref<!tpu.dma_semaphore, #tpu.memory_space<semaphore_mem>>) src(%dma_wait3A_48 : memref<64x128xf32, #tpu.memory_space<vmem_shared>>) dst(%dma_wait3A_46 : memref<64x128xf32, #tpu.memory_space<vmem>>)
      tpu.yield
    }) : () -> ()
    %mul3A_27 = arith.constant 64 : i32
    %mul3A_28 = arith.muli %arg1, %mul3A_27 : i32
    %add3A_29 = arith.constant 0 : i32
    %add3A_30 = arith.addi %mul3A_28, %add3A_29 : i32
    "tpu.region"() ({
      %run_scoped3A = tpu.sem_alloc : memref<!tpu.dma_semaphore, #tpu.memory_space<semaphore_mem>>
      %dma_start3A = arith.constant 0 : i32
      %dma_start3A_31 = arith.constant 0 : i32
      %dma_start3A_32 = tpu.memref_slice %arg11[%dma_start3A, %dma_start3A_31] : memref<128x128xf32, #tpu.memory_space<vmem>> -> memref<64x128xf32, #tpu.memory_space<vmem>>
      %dma_start3A_33 = arith.constant 0 : i32
      %dma_start3A_34 = tpu.memref_slice %arg8[%arg0, %add3A_30, %dma_start3A_33] : memref<2x1024x128xf32, #tpu.memory_space<hbm>> -> memref<1x64x128xf32, #tpu.memory_space<hbm>>
      %dma_start3A_35 = tpu.memref_squeeze %dma_start3A_34 : memref<1x64x128xf32, #tpu.memory_space<hbm>> -> memref<64x128xf32, #tpu.memory_space<hbm>>
      %dma_start3A_36 = arith.constant 0 : i32
      %dma_start3A_37 = tpu.memref_slice %arg8[%arg0, %add3A_30, %dma_start3A_36] : memref<2x1024x128xf32, #tpu.memory_space<hbm>> -> memref<1x64x128xf32, #tpu.memory_space<hbm>>
      %dma_start3A_38 = tpu.memref_squeeze %dma_start3A_37 : memref<1x64x128xf32, #tpu.memory_space<hbm>> -> memref<64x128xf32, #tpu.memory_space<hbm>>
      %dma_start3A_39 = arith.constant 0 : i32
      %dma_start3A_40 = arith.constant 0 : i32
      %dma_start3A_41 = tpu.memref_slice %arg11[%dma_start3A_39, %dma_start3A_40] : memref<128x128xf32, #tpu.memory_space<vmem>> -> memref<64x128xf32, #tpu.memory_space<vmem>>
      tpu.enqueue_dma source(%dma_start3A_41 : memref<64x128xf32, #tpu.memory_space<vmem>>) target(%dma_start3A_38 : memref<64x128xf32, #tpu.memory_space<hbm>>) target_semaphore(%run_scoped3A : memref<!tpu.dma_semaphore, #tpu.memory_space<semaphore_mem>>)
      %dma_wait3A = arith.constant 0 : i32
      %dma_wait3A_42 = arith.constant 0 : i32
      %dma_wait3A_43 = tpu.memref_slice %arg11[%dma_wait3A, %dma_wait3A_42] : memref<128x128xf32, #tpu.memory_space<vmem>> -> memref<64x128xf32, #tpu.memory_space<vmem>>
      %dma_wait3A_44 = arith.constant 0 : i32
      %dma_wait3A_45 = tpu.memref_slice %arg8[%arg0, %add3A_30, %dma_wait3A_44] : memref<2x1024x128xf32, #tpu.memory_space<hbm>> -> memref<1x64x128xf32, #tpu.memory_space<hbm>>
      %dma_wait3A_46 = tpu.memref_squeeze %dma_wait3A_45 : memref<1x64x128xf32, #tpu.memory_space<hbm>> -> memref<64x128xf32, #tpu.memory_space<hbm>>
      %dma_wait3A_47 = arith.constant 0 : i32
      %dma_wait3A_48 = tpu.memref_slice %arg8[%arg0, %add3A_30, %dma_wait3A_47] : memref<2x1024x128xf32, #tpu.memory_space<hbm>> -> memref<1x64x128xf32, #tpu.memory_space<hbm>>
      %dma_wait3A_49 = tpu.memref_squeeze %dma_wait3A_48 : memref<1x64x128xf32, #tpu.memory_space<hbm>> -> memref<64x128xf32, #tpu.memory_space<hbm>>
      %dma_wait3A_50 = arith.constant 0 : i32
      %dma_wait3A_51 = arith.constant 0 : i32
      %dma_wait3A_52 = tpu.memref_slice %arg11[%dma_wait3A_50, %dma_wait3A_51] : memref<128x128xf32, #tpu.memory_space<vmem>> -> memref<64x128xf32, #tpu.memory_space<vmem>>
      tpu.wait_dma2 semaphore(%run_scoped3A : memref<!tpu.dma_semaphore, #tpu.memory_space<semaphore_mem>>) src(%dma_wait3A_52 : memref<64x128xf32, #tpu.memory_space<vmem>>) dst(%dma_wait3A_49 : memref<64x128xf32, #tpu.memory_space<hbm>>)
      tpu.yield
    }) : () -> ()
    return
  }
}

module attributes {stable_mosaic.version = 14 : i64} {
  func.func @_fin_body(%arg0: i32, %arg1: memref<2x10000x128xf32, #tpu.memory_space<vmem>>, %arg2: memref<2x10000x128xf32, #tpu.memory_space<vmem>>, %arg3: memref<10000x128xf32, #tpu.memory_space<vmem>>) attributes {dimension_semantics = [#tpu.dimension_semantics<arbitrary>], iteration_bounds = array<i64: 1>, scalar_prefetch = 0 : i64, scratch_operands = 0 : i64, tpu.core_type = #tpu.core_type<tc>, window_params = [{pipeline_mode = #tpu.pipeline_mode<synchronous>, transform_indices = @transform_0, window_bounds = array<i64: 2, 10000, 128>}, {pipeline_mode = #tpu.pipeline_mode<synchronous>, transform_indices = @transform_1, window_bounds = array<i64: 2, 10000, 128>}, {pipeline_mode = #tpu.pipeline_mode<synchronous>, transform_indices = @transform_2, window_bounds = array<i64: 10000, 128>}]} {
    %get3A = arith.constant 0 : index
    %get3A_0 = arith.constant 0 : index
    %get3A_1 = arith.constant 0 : index
    %get3A_2 = vector.load %arg1[%get3A, %get3A_0, %get3A_1] : memref<2x10000x128xf32, #tpu.memory_space<vmem>>, vector<1x10000x128xf32>
    %get3A_3 = vector.shape_cast %get3A_2 : vector<1x10000x128xf32> to vector<10000x128xf32>
    %get3A_4 = arith.constant 1 : index
    %get3A_5 = arith.constant 0 : index
    %get3A_6 = arith.constant 0 : index
    %get3A_7 = vector.load %arg1[%get3A_4, %get3A_5, %get3A_6] : memref<2x10000x128xf32, #tpu.memory_space<vmem>>, vector<1x10000x128xf32>
    %get3A_8 = vector.shape_cast %get3A_7 : vector<1x10000x128xf32> to vector<10000x128xf32>
    %add3A = arith.addf %get3A_3, %get3A_8 : vector<10000x128xf32>
    %get3A_9 = arith.constant 0 : index
    %get3A_10 = arith.constant 0 : index
    %get3A_11 = arith.constant 0 : index
    %get3A_12 = vector.load %arg2[%get3A_9, %get3A_10, %get3A_11] : memref<2x10000x128xf32, #tpu.memory_space<vmem>>, vector<1x10000x1xf32>
    %get3A_13 = vector.shape_cast %get3A_12 : vector<1x10000x1xf32> to vector<10000x1xf32>
    %get3A_14 = arith.constant 1 : index
    %get3A_15 = arith.constant 0 : index
    %get3A_16 = arith.constant 0 : index
    %get3A_17 = vector.load %arg2[%get3A_14, %get3A_15, %get3A_16] : memref<2x10000x128xf32, #tpu.memory_space<vmem>>, vector<1x10000x1xf32>
    %get3A_18 = vector.shape_cast %get3A_17 : vector<1x10000x1xf32> to vector<10000x1xf32>
    %add3A_19 = arith.addf %get3A_13, %get3A_18 : vector<10000x1xf32>
    %max3A = arith.constant 1.000000e+00 : f32
    %max3A_20 = vector.broadcast %max3A : f32 to vector<10000x1xf32>
    %max3A_21 = arith.maximumf %add3A_19, %max3A_20 : vector<10000x1xf32>
    %div3A = vector.broadcast %max3A_21 : vector<10000x1xf32> to vector<10000x128xf32>
    %div3A_22 = arith.divf %add3A, %div3A : vector<10000x128xf32>
    %max3A_23 = arith.constant 0.000000e+00 : f32
    %max3A_24 = vector.broadcast %max3A_23 : f32 to vector<10000x128xf32>
    %max3A_25 = arith.maximumf %div3A_22, %max3A_24 : vector<10000x128xf32>
    %swap3A = arith.constant 0 : index
    %swap3A_26 = arith.constant 0 : index
    %swap3A_27 = vector.load %arg3[%swap3A, %swap3A_26] : memref<10000x128xf32, #tpu.memory_space<vmem>>, vector<10000x128xf32>
    tpu.vector_store %arg3[%swap3A, %swap3A_26], %max3A_25 {strides = array<i32>} : memref<10000x128xf32, #tpu.memory_space<vmem>>, vector<10000x128xf32>,
    return
  }
  func.func @transform_0(%arg0: i32) -> (i32, i32, i32) {
    %c0_i32 = arith.constant 0 : i32
    %c0_i32_0 = arith.constant 0 : i32
    %c0_i32_1 = arith.constant 0 : i32
    %c0_i32_2 = arith.constant 0 : i32
    return %c0_i32, %c0_i32_0, %c0_i32_1 : i32, i32, i32
  }
  func.func @transform_1(%arg0: i32) -> (i32, i32, i32) {
    %c0_i32 = arith.constant 0 : i32
    %c0_i32_0 = arith.constant 0 : i32
    %c0_i32_1 = arith.constant 0 : i32
    %c0_i32_2 = arith.constant 0 : i32
    return %c0_i32, %c0_i32_0, %c0_i32_1 : i32, i32, i32
  }
  func.func @transform_2(%arg0: i32) -> (i32, i32) {
    %c0_i32 = arith.constant 0 : i32
    %c0_i32_0 = arith.constant 0 : i32
    %c0_i32_1 = arith.constant 0 : i32
    return %c0_i32, %c0_i32_0 : i32, i32
  }
}

module attributes {stable_mosaic.version = 14 : i64} {
  func.func @_t1_body(%arg0: i32, %arg1: memref<1280x256xf32, #tpu.memory_space<vmem>>, %arg2: memref<1280x128xf32, #tpu.memory_space<vmem>>, %arg3: memref<1280x128xf32, #tpu.memory_space<vmem>>, %arg4: memref<128x128xf32, #tpu.memory_space<vmem>>, %arg5: memref<1x128xf32, #tpu.memory_space<vmem>>, %arg6: memref<128x128xf32, #tpu.memory_space<vmem>>, %arg7: memref<1x128xf32, #tpu.memory_space<vmem>>, %arg8: memref<128x128xf32, #tpu.memory_space<vmem>>, %arg9: memref<1x128xf32, #tpu.memory_space<vmem>>, %arg10: memref<1280x128xf32, #tpu.memory_space<vmem>>, %arg11: memref<1280x128xf32, #tpu.memory_space<vmem>>, %arg12: memref<1280x128xf32, #tpu.memory_space<vmem>>, %arg13: memref<1280x128xf32, #tpu.memory_space<vmem>>) attributes {dimension_semantics = [#tpu.dimension_semantics<arbitrary>], iteration_bounds = array<i64: 250>, scalar_prefetch = 0 : i64, scratch_operands = 0 : i64, tpu.core_type = #tpu.core_type<tc>, window_params = [{transform_indices = @transform_0, window_bounds = array<i64: 1280, 256>}, {transform_indices = @transform_1, window_bounds = array<i64: 1280, 128>}, {transform_indices = @transform_2, window_bounds = array<i64: 1280, 128>}, {pipeline_mode = #tpu.pipeline_mode<synchronous>, transform_indices = @transform_3, window_bounds = array<i64: 128, 128>}, {pipeline_mode = #tpu.pipeline_mode<synchronous>, transform_indices = @transform_4, window_bounds = array<i64: 1, 128>}, {pipeline_mode = #tpu.pipeline_mode<synchronous>, transform_indices = @transform_5, window_bounds = array<i64: 128, 128>}, {pipeline_mode = #tpu.pipeline_mode<synchronous>, transform_indices = @transform_6, window_bounds = array<i64: 1, 128>}, {pipeline_mode = #tpu.pipeline_mode<synchronous>, transform_indices = @transform_7, window_bounds = array<i64: 128, 128>}, {pipeline_mode = #tpu.pipeline_mode<synchronous>, transform_indices = @transform_8, window_bounds = array<i64: 1, 128>}, {transform_indices = @transform_9, window_bounds = array<i64: 1280, 128>}, {transform_indices = @transform_10, window_bounds = array<i64: 1280, 128>}, {transform_indices = @transform_11, window_bounds = array<i64: 1280, 128>}, {transform_indices = @transform_12, window_bounds = array<i64: 1280, 128>}]} {
    %get3A = arith.constant 0 : index
    %get3A_0 = arith.constant 0 : index
    %get3A_1 = vector.load %arg1[%get3A, %get3A_0] : memref<1280x256xf32, #tpu.memory_space<vmem>>, vector<1280x256xf32>
    %slice3A = vector.extract_strided_slice %get3A_1 {offsets = [0, 0], sizes = [1280, 128], strides = [1, 1]} : vector<1280x256xf32> to vector<1280x128xf32>
    %get3A_2 = arith.constant 0 : index
    %get3A_3 = arith.constant 0 : index
    %get3A_4 = vector.load %arg4[%get3A_2, %get3A_3] : memref<128x128xf32, #tpu.memory_space<vmem>>, vector<128x128xf32>
    %dot_general3A = arith.constant dense<0.000000e+00> : vector<1280x128xf32>
    %dot_general3A_5 = tpu.matmul %slice3A, %get3A_4, %dot_general3A {dimension_numbers = #tpu.dot_dimension_numbers<[1], [0], [0], [1], [0, 0, 1, 1], [], []>, transpose_lhs_hint = false} : vector<1280x128xf32>, vector<128x128xf32>, vector<1280x128xf32> -> vector<1280x128xf32>
    %get3A_6 = arith.constant 0 : index
    %get3A_7 = arith.constant 0 : index
    %get3A_8 = vector.load %arg5[%get3A_6, %get3A_7] : memref<1x128xf32, #tpu.memory_space<vmem>>, vector<1x128xf32>
    %add3A = vector.broadcast %get3A_8 : vector<1x128xf32> to vector<1280x128xf32>
    %add3A_9 = arith.addf %dot_general3A_5, %add3A : vector<1280x128xf32>
    %max3A = arith.constant 0.000000e+00 : f32
    %max3A_10 = vector.broadcast %max3A : f32 to vector<1280x128xf32>
    %max3A_11 = arith.maximumf %add3A_9, %max3A_10 : vector<1280x128xf32>
    %swap3A = arith.constant 0 : index
    %swap3A_12 = arith.constant 0 : index
    %swap3A_13 = vector.load %arg10[%swap3A, %swap3A_12] : memref<1280x128xf32, #tpu.memory_space<vmem>>, vector<1280x128xf32>
    tpu.vector_store %arg10[%swap3A, %swap3A_12], %max3A_11 {strides = array<i32>} : memref<1280x128xf32, #tpu.memory_space<vmem>>, vector<1280x128xf32>,
    %slice3A_14 = vector.extract_strided_slice %get3A_1 {offsets = [0, 128], sizes = [1280, 128], strides = [1, 1]} : vector<1280x256xf32> to vector<1280x128xf32>
    %get3A_15 = arith.constant 0 : index
    %get3A_16 = arith.constant 0 : index
    %get3A_17 = vector.load %arg4[%get3A_15, %get3A_16] : memref<128x128xf32, #tpu.memory_space<vmem>>, vector<128x128xf32>
    %dot_general3A_18 = arith.constant dense<0.000000e+00> : vector<1280x128xf32>
    %dot_general3A_19 = tpu.matmul %slice3A_14, %get3A_17, %dot_general3A_18 {dimension_numbers = #tpu.dot_dimension_numbers<[1], [0], [0], [1], [0, 0, 1, 1], [], []>, transpose_lhs_hint = false} : vector<1280x128xf32>, vector<128x128xf32>, vector<1280x128xf32> -> vector<1280x128xf32>
    %get3A_20 = arith.constant 0 : index
    %get3A_21 = arith.constant 0 : index
    %get3A_22 = vector.load %arg5[%get3A_20, %get3A_21] : memref<1x128xf32, #tpu.memory_space<vmem>>, vector<1x128xf32>
    %add3A_23 = vector.broadcast %get3A_22 : vector<1x128xf32> to vector<1280x128xf32>
    %add3A_24 = arith.addf %dot_general3A_19, %add3A_23 : vector<1280x128xf32>
    %max3A_25 = arith.constant 0.000000e+00 : f32
    %max3A_26 = vector.broadcast %max3A_25 : f32 to vector<1280x128xf32>
    %max3A_27 = arith.maximumf %add3A_24, %max3A_26 : vector<1280x128xf32>
    %swap3A_28 = arith.constant 0 : index
    %swap3A_29 = arith.constant 0 : index
    %swap3A_30 = vector.load %arg11[%swap3A_28, %swap3A_29] : memref<1280x128xf32, #tpu.memory_space<vmem>>, vector<1280x128xf32>
    tpu.vector_store %arg11[%swap3A_28, %swap3A_29], %max3A_27 {strides = array<i32>} : memref<1280x128xf32, #tpu.memory_space<vmem>>, vector<1280x128xf32>,
    %get3A_31 = arith.constant 0 : index
    %get3A_32 = arith.constant 0 : index
    %get3A_33 = vector.load %arg2[%get3A_31, %get3A_32] : memref<1280x128xf32, #tpu.memory_space<vmem>>, vector<1280x128xf32>
    %get3A_34 = arith.constant 0 : index
    %get3A_35 = arith.constant 0 : index
    %get3A_36 = vector.load %arg6[%get3A_34, %get3A_35] : memref<128x128xf32, #tpu.memory_space<vmem>>, vector<128x128xf32>
    %dot_general3A_37 = arith.constant dense<0.000000e+00> : vector<1280x128xf32>
    %dot_general3A_38 = tpu.matmul %get3A_33, %get3A_36, %dot_general3A_37 {dimension_numbers = #tpu.dot_dimension_numbers<[1], [0], [0], [1], [0, 0, 1, 1], [], []>, transpose_lhs_hint = false} : vector<1280x128xf32>, vector<128x128xf32>, vector<1280x128xf32> -> vector<1280x128xf32>
    %get3A_39 = arith.constant 0 : index
    %get3A_40 = arith.constant 0 : index
    %get3A_41 = vector.load %arg7[%get3A_39, %get3A_40] : memref<1x128xf32, #tpu.memory_space<vmem>>, vector<1x128xf32>
    %add3A_42 = vector.broadcast %get3A_41 : vector<1x128xf32> to vector<1280x128xf32>
    %add3A_43 = arith.addf %dot_general3A_38, %add3A_42 : vector<1280x128xf32>
    %jit3A = arith.constant 0.000000e+00 : f32
    %jit3A_44 = arith.constant 6.000000e+00 : f32
    %max3A_45 = vector.broadcast %jit3A : f32 to vector<1280x128xf32>
    %max3A_46 = arith.maximumf %max3A_45, %add3A_43 : vector<1280x128xf32>
    %min3A = vector.broadcast %jit3A_44 : f32 to vector<1280x128xf32>
    %min3A_47 = arith.minimumf %min3A, %max3A_46 : vector<1280x128xf32>
    %swap3A_48 = arith.constant 0 : index
    %swap3A_49 = arith.constant 0 : index
    %swap3A_50 = vector.load %arg12[%swap3A_48, %swap3A_49] : memref<1280x128xf32, #tpu.memory_space<vmem>>, vector<1280x128xf32>
    tpu.vector_store %arg12[%swap3A_48, %swap3A_49], %min3A_47 {strides = array<i32>} : memref<1280x128xf32, #tpu.memory_space<vmem>>, vector<1280x128xf32>,
    %get3A_51 = arith.constant 0 : index
    %get3A_52 = arith.constant 0 : index
    %get3A_53 = vector.load %arg3[%get3A_51, %get3A_52] : memref<1280x128xf32, #tpu.memory_space<vmem>>, vector<1280x128xf32>
    %get3A_54 = arith.constant 0 : index
    %get3A_55 = arith.constant 0 : index
    %get3A_56 = vector.load %arg8[%get3A_54, %get3A_55] : memref<128x128xf32, #tpu.memory_space<vmem>>, vector<128x128xf32>
    %dot_general3A_57 = arith.constant dense<0.000000e+00> : vector<1280x128xf32>
    %dot_general3A_58 = tpu.matmul %get3A_53, %get3A_56, %dot_general3A_57 {dimension_numbers = #tpu.dot_dimension_numbers<[1], [0], [0], [1], [0, 0, 1, 1], [], []>, transpose_lhs_hint = false} : vector<1280x128xf32>, vector<128x128xf32>, vector<1280x128xf32> -> vector<1280x128xf32>
    %get3A_59 = arith.constant 0 : index
    %get3A_60 = arith.constant 0 : index
    %get3A_61 = vector.load %arg9[%get3A_59, %get3A_60] : memref<1x128xf32, #tpu.memory_space<vmem>>, vector<1x128xf32>
    %add3A_62 = vector.broadcast %get3A_61 : vector<1x128xf32> to vector<1280x128xf32>
    %add3A_63 = arith.addf %dot_general3A_58, %add3A_62 : vector<1280x128xf32>
    %jit3A_64 = arith.constant 0.000000e+00 : f32
    %jit3A_65 = arith.constant 6.000000e+00 : f32
    %max3A_66 = vector.broadcast %jit3A_64 : f32 to vector<1280x128xf32>
    %max3A_67 = arith.maximumf %max3A_66, %add3A_63 : vector<1280x128xf32>
    %min3A_68 = vector.broadcast %jit3A_65 : f32 to vector<1280x128xf32>
    %min3A_69 = arith.minimumf %min3A_68, %max3A_67 : vector<1280x128xf32>
    %swap3A_70 = arith.constant 0 : index
    %swap3A_71 = arith.constant 0 : index
    %swap3A_72 = vector.load %arg13[%swap3A_70, %swap3A_71] : memref<1280x128xf32, #tpu.memory_space<vmem>>, vector<1280x128xf32>
    tpu.vector_store %arg13[%swap3A_70, %swap3A_71], %min3A_69 {strides = array<i32>} : memref<1280x128xf32, #tpu.memory_space<vmem>>, vector<1280x128xf32>,
    return
  }
  func.func @transform_0(%arg0: i32) -> (i32, i32) {
    %c0_i32 = arith.constant 0 : i32
    %c0_i32_0 = arith.constant 0 : i32
    return %arg0, %c0_i32 : i32, i32
  }
  func.func @transform_1(%arg0: i32) -> (i32, i32) {
    %c0_i32 = arith.constant 0 : i32
    %c0_i32_0 = arith.constant 0 : i32
    return %arg0, %c0_i32 : i32, i32
  }
  func.func @transform_2(%arg0: i32) -> (i32, i32) {
    %c0_i32 = arith.constant 0 : i32
    %c0_i32_0 = arith.constant 0 : i32
    return %arg0, %c0_i32 : i32, i32
  }
  func.func @transform_3(%arg0: i32) -> (i32, i32) {
    %c0_i32 = arith.constant 0 : i32
    %c0_i32_0 = arith.constant 0 : i32
    %c0_i32_1 = arith.constant 0 : i32
    return %c0_i32, %c0_i32_0 : i32, i32
  }
  func.func @transform_4(%arg0: i32) -> (i32, i32) {
    %c0_i32 = arith.constant 0 : i32
    %c0_i32_0 = arith.constant 0 : i32
    %c0_i32_1 = arith.constant 0 : i32
    return %c0_i32, %c0_i32_0 : i32, i32
  }
  func.func @transform_5(%arg0: i32) -> (i32, i32) {
    %c0_i32 = arith.constant 0 : i32
    %c0_i32_0 = arith.constant 0 : i32
    %c0_i32_1 = arith.constant 0 : i32
    return %c0_i32, %c0_i32_0 : i32, i32
  }
  func.func @transform_6(%arg0: i32) -> (i32, i32) {
    %c0_i32 = arith.constant 0 : i32
    %c0_i32_0 = arith.constant 0 : i32
    %c0_i32_1 = arith.constant 0 : i32
    return %c0_i32, %c0_i32_0 : i32, i32
  }
  func.func @transform_7(%arg0: i32) -> (i32, i32) {
    %c0_i32 = arith.constant 0 : i32
    %c0_i32_0 = arith.constant 0 : i32
    %c0_i32_1 = arith.constant 0 : i32
    return %c0_i32, %c0_i32_0 : i32, i32
  }
  func.func @transform_8(%arg0: i32) -> (i32, i32) {
    %c0_i32 = arith.constant 0 : i32
    %c0_i32_0 = arith.constant 0 : i32
    %c0_i32_1 = arith.constant 0 : i32
    return %c0_i32, %c0_i32_0 : i32, i32
  }
  func.func @transform_9(%arg0: i32) -> (i32, i32) {
    %c0_i32 = arith.constant 0 : i32
    %c0_i32_0 = arith.constant 0 : i32
    return %arg0, %c0_i32 : i32, i32
  }
  func.func @transform_10(%arg0: i32) -> (i32, i32) {
    %c0_i32 = arith.constant 0 : i32
    %c0_i32_0 = arith.constant 0 : i32
    return %arg0, %c0_i32 : i32, i32
  }
  func.func @transform_11(%arg0: i32) -> (i32, i32) {
    %c0_i32 = arith.constant 0 : i32
    %c0_i32_0 = arith.constant 0 : i32
    return %arg0, %c0_i32 : i32, i32
  }
  func.func @transform_12(%arg0: i32) -> (i32, i32) {
    %c0_i32 = arith.constant 0 : i32
    %c0_i32_0 = arith.constant 0 : i32
    return %arg0, %c0_i32 : i32, i32
  }
}

module attributes {stable_mosaic.version = 14 : i64} {
  func.func @_fin_body(%arg0: i32, %arg1: memref<2x104x128xf32, #tpu.memory_space<vmem>>, %arg2: memref<2x104x128xf32, #tpu.memory_space<vmem>>, %arg3: memref<104x128xf32, #tpu.memory_space<vmem>>) attributes {dimension_semantics = [#tpu.dimension_semantics<arbitrary>], iteration_bounds = array<i64: 1>, scalar_prefetch = 0 : i64, scratch_operands = 0 : i64, tpu.core_type = #tpu.core_type<tc>, window_params = [{pipeline_mode = #tpu.pipeline_mode<synchronous>, transform_indices = @transform_0, window_bounds = array<i64: 2, 104, 128>}, {pipeline_mode = #tpu.pipeline_mode<synchronous>, transform_indices = @transform_1, window_bounds = array<i64: 2, 104, 128>}, {pipeline_mode = #tpu.pipeline_mode<synchronous>, transform_indices = @transform_2, window_bounds = array<i64: 104, 128>}]} {
    %get3A = arith.constant 0 : index
    %get3A_0 = arith.constant 0 : index
    %get3A_1 = arith.constant 0 : index
    %get3A_2 = vector.load %arg1[%get3A, %get3A_0, %get3A_1] : memref<2x104x128xf32, #tpu.memory_space<vmem>>, vector<1x104x128xf32>
    %get3A_3 = vector.shape_cast %get3A_2 : vector<1x104x128xf32> to vector<104x128xf32>
    %get3A_4 = arith.constant 1 : index
    %get3A_5 = arith.constant 0 : index
    %get3A_6 = arith.constant 0 : index
    %get3A_7 = vector.load %arg1[%get3A_4, %get3A_5, %get3A_6] : memref<2x104x128xf32, #tpu.memory_space<vmem>>, vector<1x104x128xf32>
    %get3A_8 = vector.shape_cast %get3A_7 : vector<1x104x128xf32> to vector<104x128xf32>
    %add3A = arith.addf %get3A_3, %get3A_8 : vector<104x128xf32>
    %get3A_9 = arith.constant 0 : index
    %get3A_10 = arith.constant 0 : index
    %get3A_11 = arith.constant 0 : index
    %get3A_12 = vector.load %arg2[%get3A_9, %get3A_10, %get3A_11] : memref<2x104x128xf32, #tpu.memory_space<vmem>>, vector<1x104x1xf32>
    %get3A_13 = vector.shape_cast %get3A_12 : vector<1x104x1xf32> to vector<104x1xf32>
    %get3A_14 = arith.constant 1 : index
    %get3A_15 = arith.constant 0 : index
    %get3A_16 = arith.constant 0 : index
    %get3A_17 = vector.load %arg2[%get3A_14, %get3A_15, %get3A_16] : memref<2x104x128xf32, #tpu.memory_space<vmem>>, vector<1x104x1xf32>
    %get3A_18 = vector.shape_cast %get3A_17 : vector<1x104x1xf32> to vector<104x1xf32>
    %add3A_19 = arith.addf %get3A_13, %get3A_18 : vector<104x1xf32>
    %max3A = arith.constant 1.000000e+00 : f32
    %max3A_20 = vector.broadcast %max3A : f32 to vector<104x1xf32>
    %max3A_21 = arith.maximumf %add3A_19, %max3A_20 : vector<104x1xf32>
    %div3A = vector.broadcast %max3A_21 : vector<104x1xf32> to vector<104x128xf32>
    %div3A_22 = arith.divf %add3A, %div3A : vector<104x128xf32>
    %max3A_23 = arith.constant 0.000000e+00 : f32
    %max3A_24 = vector.broadcast %max3A_23 : f32 to vector<104x128xf32>
    %max3A_25 = arith.maximumf %div3A_22, %max3A_24 : vector<104x128xf32>
    %swap3A = arith.constant 0 : index
    %swap3A_26 = arith.constant 0 : index
    %swap3A_27 = vector.load %arg3[%swap3A, %swap3A_26] : memref<104x128xf32, #tpu.memory_space<vmem>>, vector<104x128xf32>
    tpu.vector_store %arg3[%swap3A, %swap3A_26], %max3A_25 {strides = array<i32>} : memref<104x128xf32, #tpu.memory_space<vmem>>, vector<104x128xf32>,
    return
  }
  func.func @transform_0(%arg0: i32) -> (i32, i32, i32) {
    %c0_i32 = arith.constant 0 : i32
    %c0_i32_0 = arith.constant 0 : i32
    %c0_i32_1 = arith.constant 0 : i32
    %c0_i32_2 = arith.constant 0 : i32
    return %c0_i32, %c0_i32_0, %c0_i32_1 : i32, i32, i32
  }
  func.func @transform_1(%arg0: i32) -> (i32, i32, i32) {
    %c0_i32 = arith.constant 0 : i32
    %c0_i32_0 = arith.constant 0 : i32
    %c0_i32_1 = arith.constant 0 : i32
    %c0_i32_2 = arith.constant 0 : i32
    return %c0_i32, %c0_i32_0, %c0_i32_1 : i32, i32, i32
  }
  func.func @transform_2(%arg0: i32) -> (i32, i32) {
    %c0_i32 = arith.constant 0 : i32
    %c0_i32_0 = arith.constant 0 : i32
    %c0_i32_1 = arith.constant 0 : i32
    return %c0_i32, %c0_i32_0 : i32, i32
  }
}

module attributes {stable_mosaic.version = 14 : i64} {
  func.func @_t3_body(%arg0: i32, %arg1: memref<1280x128xf32, #tpu.memory_space<vmem>>, %arg2: memref<1280x128xf32, #tpu.memory_space<vmem>>, %arg3: memref<1280x128xf32, #tpu.memory_space<vmem>>, %arg4: memref<1280x128xf32, #tpu.memory_space<vmem>>, %arg5: memref<128x256xf32, #tpu.memory_space<vmem>>, %arg6: memref<128x256xf32, #tpu.memory_space<vmem>>, %arg7: memref<128x256xf32, #tpu.memory_space<vmem>>, %arg8: memref<1x256xf32, #tpu.memory_space<vmem>>, %arg9: memref<128x256xf32, #tpu.memory_space<vmem>>, %arg10: memref<128x256xf32, #tpu.memory_space<vmem>>, %arg11: memref<128x256xf32, #tpu.memory_space<vmem>>, %arg12: memref<1x256xf32, #tpu.memory_space<vmem>>, %arg13: memref<1280x256xf32, #tpu.memory_space<vmem>>, %arg14: memref<1280x256xf32, #tpu.memory_space<vmem>>, %arg15: memref<8x256xf32, #tpu.memory_space<vmem>>) attributes {dimension_semantics = [#tpu.dimension_semantics<arbitrary>], iteration_bounds = array<i64: 250>, scalar_prefetch = 0 : i64, scratch_operands = 0 : i64, tpu.core_type = #tpu.core_type<tc>, window_params = [{transform_indices = @transform_0, window_bounds = array<i64: 1280, 128>}, {transform_indices = @transform_1, window_bounds = array<i64: 1280, 128>}, {transform_indices = @transform_2, window_bounds = array<i64: 1280, 128>}, {transform_indices = @transform_3, window_bounds = array<i64: 1280, 128>}, {pipeline_mode = #tpu.pipeline_mode<synchronous>, transform_indices = @transform_4, window_bounds = array<i64: 128, 256>}, {pipeline_mode = #tpu.pipeline_mode<synchronous>, transform_indices = @transform_5, window_bounds = array<i64: 128, 256>}, {pipeline_mode = #tpu.pipeline_mode<synchronous>, transform_indices = @transform_6, window_bounds = array<i64: 128, 256>}, {pipeline_mode = #tpu.pipeline_mode<synchronous>, transform_indices = @transform_7, window_bounds = array<i64: 1, 256>}, {pipeline_mode = #tpu.pipeline_mode<synchronous>, transform_indices = @transform_8, window_bounds = array<i64: 128, 256>}, {pipeline_mode = #tpu.pipeline_mode<synchronous>, transform_indices = @transform_9, window_bounds = array<i64: 128, 256>}, {pipeline_mode = #tpu.pipeline_mode<synchronous>, transform_indices = @transform_10, window_bounds = array<i64: 128, 256>}, {pipeline_mode = #tpu.pipeline_mode<synchronous>, transform_indices = @transform_11, window_bounds = array<i64: 1, 256>}, {transform_indices = @transform_12, window_bounds = array<i64: 1280, 256>}, {transform_indices = @transform_13, window_bounds = array<i64: 1280, 256>}, {pipeline_mode = #tpu.pipeline_mode<synchronous>, transform_indices = @transform_14, window_bounds = array<i64: 8, 256>}]} {
    %get3A = arith.constant 0 : index
    %get3A_0 = arith.constant 0 : index
    %get3A_1 = vector.load %arg1[%get3A, %get3A_0] : memref<1280x128xf32, #tpu.memory_space<vmem>>, vector<1280x128xf32>
    %get3A_2 = arith.constant 0 : index
    %get3A_3 = arith.constant 0 : index
    %get3A_4 = vector.load %arg5[%get3A_2, %get3A_3] : memref<128x256xf32, #tpu.memory_space<vmem>>, vector<128x256xf32>
    %dot_general3A = arith.constant dense<0.000000e+00> : vector<1280x256xf32>
    %dot_general3A_5 = tpu.matmul %get3A_1, %get3A_4, %dot_general3A {dimension_numbers = #tpu.dot_dimension_numbers<[1], [0], [0], [1], [0, 0, 1, 1], [], []>, transpose_lhs_hint = false} : vector<1280x128xf32>, vector<128x256xf32>, vector<1280x256xf32> -> vector<1280x256xf32>
    %get3A_6 = arith.constant 0 : index
    %get3A_7 = arith.constant 0 : index
    %get3A_8 = vector.load %arg3[%get3A_6, %get3A_7] : memref<1280x128xf32, #tpu.memory_space<vmem>>, vector<1280x128xf32>
    %get3A_9 = arith.constant 0 : index
    %get3A_10 = arith.constant 0 : index
    %get3A_11 = vector.load %arg6[%get3A_9, %get3A_10] : memref<128x256xf32, #tpu.memory_space<vmem>>, vector<128x256xf32>
    %dot_general3A_12 = arith.constant dense<0.000000e+00> : vector<1280x256xf32>
    %dot_general3A_13 = tpu.matmul %get3A_8, %get3A_11, %dot_general3A_12 {dimension_numbers = #tpu.dot_dimension_numbers<[1], [0], [0], [1], [0, 0, 1, 1], [], []>, transpose_lhs_hint = false} : vector<1280x128xf32>, vector<128x256xf32>, vector<1280x256xf32> -> vector<1280x256xf32>
    %add3A = arith.addf %dot_general3A_5, %dot_general3A_13 : vector<1280x256xf32>
    %get3A_14 = arith.constant 0 : index
    %get3A_15 = arith.constant 0 : index
    %get3A_16 = vector.load %arg4[%get3A_14, %get3A_15] : memref<1280x128xf32, #tpu.memory_space<vmem>>, vector<1280x128xf32>
    %get3A_17 = arith.constant 0 : index
    %get3A_18 = arith.constant 0 : index
    %get3A_19 = vector.load %arg7[%get3A_17, %get3A_18] : memref<128x256xf32, #tpu.memory_space<vmem>>, vector<128x256xf32>
    %dot_general3A_20 = arith.constant dense<0.000000e+00> : vector<1280x256xf32>
    %dot_general3A_21 = tpu.matmul %get3A_16, %get3A_19, %dot_general3A_20 {dimension_numbers = #tpu.dot_dimension_numbers<[1], [0], [0], [1], [0, 0, 1, 1], [], []>, transpose_lhs_hint = false} : vector<1280x128xf32>, vector<128x256xf32>, vector<1280x256xf32> -> vector<1280x256xf32>
    %add3A_22 = arith.addf %add3A, %dot_general3A_21 : vector<1280x256xf32>
    %get3A_23 = arith.constant 0 : index
    %get3A_24 = arith.constant 0 : index
    %get3A_25 = vector.load %arg8[%get3A_23, %get3A_24] : memref<1x256xf32, #tpu.memory_space<vmem>>, vector<1x256xf32>
    %add3A_26 = vector.broadcast %get3A_25 : vector<1x256xf32> to vector<1280x256xf32>
    %add3A_27 = arith.addf %add3A_22, %add3A_26 : vector<1280x256xf32>
    %get3A_28 = arith.constant 0 : index
    %get3A_29 = arith.constant 0 : index
    %get3A_30 = vector.load %arg2[%get3A_28, %get3A_29] : memref<1280x128xf32, #tpu.memory_space<vmem>>, vector<1280x128xf32>
    %get3A_31 = arith.constant 0 : index
    %get3A_32 = arith.constant 0 : index
    %get3A_33 = vector.load %arg9[%get3A_31, %get3A_32] : memref<128x256xf32, #tpu.memory_space<vmem>>, vector<128x256xf32>
    %dot_general3A_34 = arith.constant dense<0.000000e+00> : vector<1280x256xf32>
    %dot_general3A_35 = tpu.matmul %get3A_30, %get3A_33, %dot_general3A_34 {dimension_numbers = #tpu.dot_dimension_numbers<[1], [0], [0], [1], [0, 0, 1, 1], [], []>, transpose_lhs_hint = false} : vector<1280x128xf32>, vector<128x256xf32>, vector<1280x256xf32> -> vector<1280x256xf32>
    %get3A_36 = arith.constant 0 : index
    %get3A_37 = arith.constant 0 : index
    %get3A_38 = vector.load %arg3[%get3A_36, %get3A_37] : memref<1280x128xf32, #tpu.memory_space<vmem>>, vector<1280x128xf32>
    %get3A_39 = arith.constant 0 : index
    %get3A_40 = arith.constant 0 : index
    %get3A_41 = vector.load %arg10[%get3A_39, %get3A_40] : memref<128x256xf32, #tpu.memory_space<vmem>>, vector<128x256xf32>
    %dot_general3A_42 = arith.constant dense<0.000000e+00> : vector<1280x256xf32>
    %dot_general3A_43 = tpu.matmul %get3A_38, %get3A_41, %dot_general3A_42 {dimension_numbers = #tpu.dot_dimension_numbers<[1], [0], [0], [1], [0, 0, 1, 1], [], []>, transpose_lhs_hint = false} : vector<1280x128xf32>, vector<128x256xf32>, vector<1280x256xf32> -> vector<1280x256xf32>
    %add3A_44 = arith.addf %dot_general3A_35, %dot_general3A_43 : vector<1280x256xf32>
    %get3A_45 = arith.constant 0 : index
    %get3A_46 = arith.constant 0 : index
    %get3A_47 = vector.load %arg4[%get3A_45, %get3A_46] : memref<1280x128xf32, #tpu.memory_space<vmem>>, vector<1280x128xf32>
    %get3A_48 = arith.constant 0 : index
    %get3A_49 = arith.constant 0 : index
    %get3A_50 = vector.load %arg11[%get3A_48, %get3A_49] : memref<128x256xf32, #tpu.memory_space<vmem>>, vector<128x256xf32>
    %dot_general3A_51 = arith.constant dense<0.000000e+00> : vector<1280x256xf32>
    %dot_general3A_52 = tpu.matmul %get3A_47, %get3A_50, %dot_general3A_51 {dimension_numbers = #tpu.dot_dimension_numbers<[1], [0], [0], [1], [0, 0, 1, 1], [], []>, transpose_lhs_hint = false} : vector<1280x128xf32>, vector<128x256xf32>, vector<1280x256xf32> -> vector<1280x256xf32>
    %add3A_53 = arith.addf %add3A_44, %dot_general3A_52 : vector<1280x256xf32>
    %get3A_54 = arith.constant 0 : index
    %get3A_55 = arith.constant 0 : index
    %get3A_56 = vector.load %arg12[%get3A_54, %get3A_55] : memref<1x256xf32, #tpu.memory_space<vmem>>, vector<1x256xf32>
    %add3A_57 = vector.broadcast %get3A_56 : vector<1x256xf32> to vector<1280x256xf32>
    %add3A_58 = arith.addf %add3A_53, %add3A_57 : vector<1280x256xf32>
    %swap3A = arith.constant 0 : index
    %swap3A_59 = arith.constant 0 : index
    %swap3A_60 = vector.load %arg13[%swap3A, %swap3A_59] : memref<1280x256xf32, #tpu.memory_space<vmem>>, vector<1280x256xf32>
    tpu.vector_store %arg13[%swap3A, %swap3A_59], %add3A_27 {strides = array<i32>} : memref<1280x256xf32, #tpu.memory_space<vmem>>, vector<1280x256xf32>,
    %swap3A_61 = arith.constant 0 : index
    %swap3A_62 = arith.constant 0 : index
    %swap3A_63 = vector.load %arg14[%swap3A_61, %swap3A_62] : memref<1280x256xf32, #tpu.memory_space<vmem>>, vector<1280x256xf32>
    tpu.vector_store %arg14[%swap3A_61, %swap3A_62], %add3A_58 {strides = array<i32>} : memref<1280x256xf32, #tpu.memory_space<vmem>>, vector<1280x256xf32>,
    %reduce_sum3A = arith.constant dense<0.000000e+00> : vector<256xf32>
    %reduce_sum3A_64 = vector.multi_reduction <add>, %add3A_27, %reduce_sum3A [0] : vector<1280x256xf32> to vector<256xf32>
    %broadcast_in_dim3A = vector.shape_cast %reduce_sum3A_64 : vector<256xf32> to vector<1x256xf32>
    %mul3A = arith.mulf %add3A_27, %add3A_27 : vector<1280x256xf32>
    %reduce_sum3A_65 = arith.constant dense<0.000000e+00> : vector<256xf32>
    %reduce_sum3A_66 = vector.multi_reduction <add>, %mul3A, %reduce_sum3A_65 [0] : vector<1280x256xf32> to vector<256xf32>
    %broadcast_in_dim3A_67 = vector.shape_cast %reduce_sum3A_66 : vector<256xf32> to vector<1x256xf32>
    %reduce_sum3A_68 = arith.constant dense<0.000000e+00> : vector<256xf32>
    %reduce_sum3A_69 = vector.multi_reduction <add>, %add3A_58, %reduce_sum3A_68 [0] : vector<1280x256xf32> to vector<256xf32>
    %broadcast_in_dim3A_70 = vector.shape_cast %reduce_sum3A_69 : vector<256xf32> to vector<1x256xf32>
    %mul3A_71 = arith.mulf %add3A_58, %add3A_58 : vector<1280x256xf32>
    %reduce_sum3A_72 = arith.constant dense<0.000000e+00> : vector<256xf32>
    %reduce_sum3A_73 = vector.multi_reduction <add>, %mul3A_71, %reduce_sum3A_72 [0] : vector<1280x256xf32> to vector<256xf32>
    %broadcast_in_dim3A_74 = vector.shape_cast %reduce_sum3A_73 : vector<256xf32> to vector<1x256xf32>
    %broadcast_in_dim3A_75 = arith.constant 0.000000e+00 : f32
    %broadcast_in_dim3A_76 = vector.broadcast %broadcast_in_dim3A_75 : f32 to vector<4x256xf32>
    %concatenate3A = tpu.concatenate %broadcast_in_dim3A, %broadcast_in_dim3A_67, %broadcast_in_dim3A_70, %broadcast_in_dim3A_74, %broadcast_in_dim3A_76 in 0 : vector<1x256xf32>, vector<1x256xf32>, vector<1x256xf32>, vector<1x256xf32>, vector<4x256xf32> -> vector<8x256xf32>
    %eq3A = arith.constant 0 : i32
    %eq3A_77 = arith.cmpi eq, %arg0, %eq3A : i32
    %convert_element_type3A = arith.extui %eq3A_77 : i1 to i32
    %cond3A = arith.constant 0 : i32
    %cond3A_78 = arith.cmpi ne, %convert_element_type3A, %cond3A : i32
    scf.if %cond3A_78 {
      %broadcast_in_dim3A_86 = arith.constant 0.000000e+00 : f32
      %broadcast_in_dim3A_87 = vector.broadcast %broadcast_in_dim3A_86 : f32 to vector<8x256xf32>
      %swap3A_88 = arith.constant 0 : index
      %swap3A_89 = arith.constant 0 : index
      %swap3A_90 = vector.load %arg15[%swap3A_88, %swap3A_89] : memref<8x256xf32, #tpu.memory_space<vmem>>, vector<8x256xf32>
      tpu.vector_store %arg15[%swap3A_88, %swap3A_89], %broadcast_in_dim3A_87 {strides = array<i32>} : memref<8x256xf32, #tpu.memory_space<vmem>>, vector<8x256xf32>,
    } else {
    }
    %get3A_79 = arith.constant 0 : index
    %get3A_80 = arith.constant 0 : index
    %get3A_81 = vector.load %arg15[%get3A_79, %get3A_80] : memref<8x256xf32, #tpu.memory_space<vmem>>, vector<8x256xf32>
    %add3A_82 = arith.addf %get3A_81, %concatenate3A : vector<8x256xf32>
    %swap3A_83 = arith.constant 0 : index
    %swap3A_84 = arith.constant 0 : index
    %swap3A_85 = vector.load %arg15[%swap3A_83, %swap3A_84] : memref<8x256xf32, #tpu.memory_space<vmem>>, vector<8x256xf32>
    tpu.vector_store %arg15[%swap3A_83, %swap3A_84], %add3A_82 {strides = array<i32>} : memref<8x256xf32, #tpu.memory_space<vmem>>, vector<8x256xf32>,
    return
  }
  func.func @transform_0(%arg0: i32) -> (i32, i32) {
    %c0_i32 = arith.constant 0 : i32
    %c0_i32_0 = arith.constant 0 : i32
    return %arg0, %c0_i32 : i32, i32
  }
  func.func @transform_1(%arg0: i32) -> (i32, i32) {
    %c0_i32 = arith.constant 0 : i32
    %c0_i32_0 = arith.constant 0 : i32
    return %arg0, %c0_i32 : i32, i32
  }
  func.func @transform_2(%arg0: i32) -> (i32, i32) {
    %c0_i32 = arith.constant 0 : i32
    %c0_i32_0 = arith.constant 0 : i32
    return %arg0, %c0_i32 : i32, i32
  }
  func.func @transform_3(%arg0: i32) -> (i32, i32) {
    %c0_i32 = arith.constant 0 : i32
    %c0_i32_0 = arith.constant 0 : i32
    return %arg0, %c0_i32 : i32, i32
  }
  func.func @transform_4(%arg0: i32) -> (i32, i32) {
    %c0_i32 = arith.constant 0 : i32
    %c0_i32_0 = arith.constant 0 : i32
    %c0_i32_1 = arith.constant 0 : i32
    return %c0_i32, %c0_i32_0 : i32, i32
  }
  func.func @transform_5(%arg0: i32) -> (i32, i32) {
    %c0_i32 = arith.constant 0 : i32
    %c0_i32_0 = arith.constant 0 : i32
    %c0_i32_1 = arith.constant 0 : i32
    return %c0_i32, %c0_i32_0 : i32, i32
  }
  func.func @transform_6(%arg0: i32) -> (i32, i32) {
    %c0_i32 = arith.constant 0 : i32
    %c0_i32_0 = arith.constant 0 : i32
    %c0_i32_1 = arith.constant 0 : i32
    return %c0_i32, %c0_i32_0 : i32, i32
  }
  func.func @transform_7(%arg0: i32) -> (i32, i32) {
    %c0_i32 = arith.constant 0 : i32
    %c0_i32_0 = arith.constant 0 : i32
    %c0_i32_1 = arith.constant 0 : i32
    return %c0_i32, %c0_i32_0 : i32, i32
  }
  func.func @transform_8(%arg0: i32) -> (i32, i32) {
    %c0_i32 = arith.constant 0 : i32
    %c0_i32_0 = arith.constant 0 : i32
    %c0_i32_1 = arith.constant 0 : i32
    return %c0_i32, %c0_i32_0 : i32, i32
  }
  func.func @transform_9(%arg0: i32) -> (i32, i32) {
    %c0_i32 = arith.constant 0 : i32
    %c0_i32_0 = arith.constant 0 : i32
    %c0_i32_1 = arith.constant 0 : i32
    return %c0_i32, %c0_i32_0 : i32, i32
  }
  func.func @transform_10(%arg0: i32) -> (i32, i32) {
    %c0_i32 = arith.constant 0 : i32
    %c0_i32_0 = arith.constant 0 : i32
    %c0_i32_1 = arith.constant 0 : i32
    return %c0_i32, %c0_i32_0 : i32, i32
  }
  func.func @transform_11(%arg0: i32) -> (i32, i32) {
    %c0_i32 = arith.constant 0 : i32
    %c0_i32_0 = arith.constant 0 : i32
    %c0_i32_1 = arith.constant 0 : i32
    return %c0_i32, %c0_i32_0 : i32, i32
  }
  func.func @transform_12(%arg0: i32) -> (i32, i32) {
    %c0_i32 = arith.constant 0 : i32
    %c0_i32_0 = arith.constant 0 : i32
    return %arg0, %c0_i32 : i32, i32
  }
  func.func @transform_13(%arg0: i32) -> (i32, i32) {
    %c0_i32 = arith.constant 0 : i32
    %c0_i32_0 = arith.constant 0 : i32
    return %arg0, %c0_i32 : i32, i32
  }
  func.func @transform_14(%arg0: i32) -> (i32, i32) {
    %c0_i32 = arith.constant 0 : i32
    %c0_i32_0 = arith.constant 0 : i32
    %c0_i32_1 = arith.constant 0 : i32
    return %c0_i32, %c0_i32_0 : i32, i32
  }
}

module attributes {stable_mosaic.version = 14 : i64} {
  func.func @_t4_body(%arg0: i32, %arg1: memref<1280x256xf32, #tpu.memory_space<vmem>>, %arg2: memref<1280x256xf32, #tpu.memory_space<vmem>>, %arg3: memref<1280x128xf32, #tpu.memory_space<vmem>>, %arg4: memref<1280x128xf32, #tpu.memory_space<vmem>>, %arg5: memref<8x256xf32, #tpu.memory_space<vmem>>, %arg6: memref<1x256xf32, #tpu.memory_space<vmem>>, %arg7: memref<1x256xf32, #tpu.memory_space<vmem>>, %arg8: memref<1x256xf32, #tpu.memory_space<vmem>>, %arg9: memref<1x256xf32, #tpu.memory_space<vmem>>, %arg10: memref<256x256xf32, #tpu.memory_space<vmem>>, %arg11: memref<256x256xf32, #tpu.memory_space<vmem>>, %arg12: memref<1x256xf32, #tpu.memory_space<vmem>>, %arg13: memref<1280x128xf32, #tpu.memory_space<vmem>>, %arg14: memref<1280x128xf32, #tpu.memory_space<vmem>>) attributes {dimension_semantics = [#tpu.dimension_semantics<arbitrary>], iteration_bounds = array<i64: 250>, scalar_prefetch = 0 : i64, scratch_operands = 0 : i64, tpu.core_type = #tpu.core_type<tc>, window_params = [{transform_indices = @transform_0, window_bounds = array<i64: 1280, 256>}, {transform_indices = @transform_1, window_bounds = array<i64: 1280, 256>}, {transform_indices = @transform_2, window_bounds = array<i64: 1280, 128>}, {transform_indices = @transform_3, window_bounds = array<i64: 1280, 128>}, {pipeline_mode = #tpu.pipeline_mode<synchronous>, transform_indices = @transform_4, window_bounds = array<i64: 8, 256>}, {pipeline_mode = #tpu.pipeline_mode<synchronous>, transform_indices = @transform_5, window_bounds = array<i64: 1, 256>}, {pipeline_mode = #tpu.pipeline_mode<synchronous>, transform_indices = @transform_6, window_bounds = array<i64: 1, 256>}, {pipeline_mode = #tpu.pipeline_mode<synchronous>, transform_indices = @transform_7, window_bounds = array<i64: 1, 256>}, {pipeline_mode = #tpu.pipeline_mode<synchronous>, transform_indices = @transform_8, window_bounds = array<i64: 1, 256>}, {pipeline_mode = #tpu.pipeline_mode<synchronous>, transform_indices = @transform_9, window_bounds = array<i64: 256, 256>}, {pipeline_mode = #tpu.pipeline_mode<synchronous>, transform_indices = @transform_10, window_bounds = array<i64: 256, 256>}, {pipeline_mode = #tpu.pipeline_mode<synchronous>, transform_indices = @transform_11, window_bounds = array<i64: 1, 256>}, {transform_indices = @transform_12, window_bounds = array<i64: 1280, 128>}, {transform_indices = @transform_13, window_bounds = array<i64: 1280, 128>}]} {
    %get3A = arith.constant 0 : index
    %get3A_0 = arith.constant 0 : index
    %get3A_1 = vector.load %arg5[%get3A, %get3A_0] : memref<8x256xf32, #tpu.memory_space<vmem>>, vector<8x256xf32>
    %slice3A = vector.extract_strided_slice %get3A_1 {offsets = [0, 0], sizes = [1, 256], strides = [1, 1]} : vector<8x256xf32> to vector<1x256xf32>
    %mul3A = arith.constant 3.125000e-06 : f32
    %mul3A_2 = vector.broadcast %mul3A : f32 to vector<1x256xf32>
    %mul3A_3 = arith.mulf %slice3A, %mul3A_2 : vector<1x256xf32>
    %slice3A_4 = vector.extract_strided_slice %get3A_1 {offsets = [1, 0], sizes = [1, 256], strides = [1, 1]} : vector<8x256xf32> to vector<1x256xf32>
    %mul3A_5 = arith.constant 3.125000e-06 : f32
    %mul3A_6 = vector.broadcast %mul3A_5 : f32 to vector<1x256xf32>
    %mul3A_7 = arith.mulf %slice3A_4, %mul3A_6 : vector<1x256xf32>
    %mul3A_8 = arith.mulf %mul3A_3, %mul3A_3 : vector<1x256xf32>
    %sub3A = arith.subf %mul3A_7, %mul3A_8 : vector<1x256xf32>
    %get3A_9 = arith.constant 0 : index
    %get3A_10 = arith.constant 0 : index
    %get3A_11 = vector.load %arg6[%get3A_9, %get3A_10] : memref<1x256xf32, #tpu.memory_space<vmem>>, vector<1x256xf32>
    %add3A = arith.constant 9.99999974E-6 : f32
    %add3A_12 = vector.broadcast %add3A : f32 to vector<1x256xf32>
    %add3A_13 = arith.addf %sub3A, %add3A_12 : vector<1x256xf32>
    %rsqrt3A = math.rsqrt %add3A_13 : vector<1x256xf32>
    %mul3A_14 = arith.mulf %get3A_11, %rsqrt3A : vector<1x256xf32>
    %get3A_15 = arith.constant 0 : index
    %get3A_16 = arith.constant 0 : index
    %get3A_17 = vector.load %arg7[%get3A_15, %get3A_16] : memref<1x256xf32, #tpu.memory_space<vmem>>, vector<1x256xf32>
    %mul3A_18 = arith.mulf %mul3A_3, %mul3A_14 : vector<1x256xf32>
    %sub3A_19 = arith.subf %get3A_17, %mul3A_18 : vector<1x256xf32>
    %slice3A_20 = vector.extract_strided_slice %get3A_1 {offsets = [2, 0], sizes = [1, 256], strides = [1, 1]} : vector<8x256xf32> to vector<1x256xf32>
    %mul3A_21 = arith.constant 3.125000e-06 : f32
    %mul3A_22 = vector.broadcast %mul3A_21 : f32 to vector<1x256xf32>
    %mul3A_23 = arith.mulf %slice3A_20, %mul3A_22 : vector<1x256xf32>
    %slice3A_24 = vector.extract_strided_slice %get3A_1 {offsets = [3, 0], sizes = [1, 256], strides = [1, 1]} : vector<8x256xf32> to vector<1x256xf32>
    %mul3A_25 = arith.constant 3.125000e-06 : f32
    %mul3A_26 = vector.broadcast %mul3A_25 : f32 to vector<1x256xf32>
    %mul3A_27 = arith.mulf %slice3A_24, %mul3A_26 : vector<1x256xf32>
    %mul3A_28 = arith.mulf %mul3A_23, %mul3A_23 : vector<1x256xf32>
    %sub3A_29 = arith.subf %mul3A_27, %mul3A_28 : vector<1x256xf32>
    %get3A_30 = arith.constant 0 : index
    %get3A_31 = arith.constant 0 : index
    %get3A_32 = vector.load %arg8[%get3A_30, %get3A_31] : memref<1x256xf32, #tpu.memory_space<vmem>>, vector<1x256xf32>
    %add3A_33 = arith.constant 9.99999974E-6 : f32
    %add3A_34 = vector.broadcast %add3A_33 : f32 to vector<1x256xf32>
    %add3A_35 = arith.addf %sub3A_29, %add3A_34 : vector<1x256xf32>
    %rsqrt3A_36 = math.rsqrt %add3A_35 : vector<1x256xf32>
    %mul3A_37 = arith.mulf %get3A_32, %rsqrt3A_36 : vector<1x256xf32>
    %get3A_38 = arith.constant 0 : index
    %get3A_39 = arith.constant 0 : index
    %get3A_40 = vector.load %arg9[%get3A_38, %get3A_39] : memref<1x256xf32, #tpu.memory_space<vmem>>, vector<1x256xf32>
    %mul3A_41 = arith.mulf %mul3A_23, %mul3A_37 : vector<1x256xf32>
    %sub3A_42 = arith.subf %get3A_40, %mul3A_41 : vector<1x256xf32>
    %get3A_43 = arith.constant 0 : index
    %get3A_44 = arith.constant 0 : index
    %get3A_45 = vector.load %arg3[%get3A_43, %get3A_44] : memref<1280x128xf32, #tpu.memory_space<vmem>>, vector<1280x128xf32>
    %get3A_46 = arith.constant 0 : index
    %get3A_47 = arith.constant 0 : index
    %get3A_48 = vector.load %arg4[%get3A_46, %get3A_47] : memref<1280x128xf32, #tpu.memory_space<vmem>>, vector<1280x128xf32>
    %concatenate3A = tpu.concatenate %get3A_45, %get3A_48 in 1 : vector<1280x128xf32>, vector<1280x128xf32> -> vector<1280x256xf32>
    %get3A_49 = arith.constant 0 : index
    %get3A_50 = arith.constant 0 : index
    %get3A_51 = vector.load %arg1[%get3A_49, %get3A_50] : memref<1280x256xf32, #tpu.memory_space<vmem>>, vector<1280x256xf32>
    %mul3A_52 = vector.broadcast %mul3A_14 : vector<1x256xf32> to vector<1280x256xf32>
    %mul3A_53 = arith.mulf %get3A_51, %mul3A_52 : vector<1280x256xf32>
    %add3A_54 = vector.broadcast %sub3A_19 : vector<1x256xf32> to vector<1280x256xf32>
    %add3A_55 = arith.addf %mul3A_53, %add3A_54 : vector<1280x256xf32>
    %add3A_56 = arith.addf %add3A_55, %concatenate3A : vector<1280x256xf32>
    %max3A = arith.constant 0.000000e+00 : f32
    %max3A_57 = vector.broadcast %max3A : f32 to vector<1280x256xf32>
    %max3A_58 = arith.maximumf %add3A_56, %max3A_57 : vector<1280x256xf32>
    %get3A_59 = arith.constant 0 : index
    %get3A_60 = arith.constant 0 : index
    %get3A_61 = vector.load %arg2[%get3A_59, %get3A_60] : memref<1280x256xf32, #tpu.memory_space<vmem>>, vector<1280x256xf32>
    %mul3A_62 = vector.broadcast %mul3A_37 : vector<1x256xf32> to vector<1280x256xf32>
    %mul3A_63 = arith.mulf %get3A_61, %mul3A_62 : vector<1280x256xf32>
    %add3A_64 = vector.broadcast %sub3A_42 : vector<1x256xf32> to vector<1280x256xf32>
    %add3A_65 = arith.addf %mul3A_63, %add3A_64 : vector<1280x256xf32>
    %add3A_66 = arith.addf %add3A_65, %concatenate3A : vector<1280x256xf32>
    %max3A_67 = arith.constant 0.000000e+00 : f32
    %max3A_68 = vector.broadcast %max3A_67 : f32 to vector<1280x256xf32>
    %max3A_69 = arith.maximumf %add3A_66, %max3A_68 : vector<1280x256xf32>
    %get3A_70 = arith.constant 0 : index
    %get3A_71 = arith.constant 0 : index
    %get3A_72 = vector.load %arg10[%get3A_70, %get3A_71] : memref<256x256xf32, #tpu.memory_space<vmem>>, vector<256x256xf32>
    %dot_general3A = arith.constant dense<0.000000e+00> : vector<1280x256xf32>
    %dot_general3A_73 = tpu.matmul %max3A_58, %get3A_72, %dot_general3A {dimension_numbers = #tpu.dot_dimension_numbers<[1], [0], [0], [1], [0, 0, 1, 1], [], []>, transpose_lhs_hint = false} : vector<1280x256xf32>, vector<256x256xf32>, vector<1280x256xf32> -> vector<1280x256xf32>
    %get3A_74 = arith.constant 0 : index
    %get3A_75 = arith.constant 0 : index
    %get3A_76 = vector.load %arg11[%get3A_74, %get3A_75] : memref<256x256xf32, #tpu.memory_space<vmem>>, vector<256x256xf32>
    %dot_general3A_77 = arith.constant dense<0.000000e+00> : vector<1280x256xf32>
    %dot_general3A_78 = tpu.matmul %max3A_69, %get3A_76, %dot_general3A_77 {dimension_numbers = #tpu.dot_dimension_numbers<[1], [0], [0], [1], [0, 0, 1, 1], [], []>, transpose_lhs_hint = false} : vector<1280x256xf32>, vector<256x256xf32>, vector<1280x256xf32> -> vector<1280x256xf32>
    %add3A_79 = arith.addf %dot_general3A_73, %dot_general3A_78 : vector<1280x256xf32>
    %get3A_80 = arith.constant 0 : index
    %get3A_81 = arith.constant 0 : index
    %get3A_82 = vector.load %arg12[%get3A_80, %get3A_81] : memref<1x256xf32, #tpu.memory_space<vmem>>, vector<1x256xf32>
    %add3A_83 = vector.broadcast %get3A_82 : vector<1x256xf32> to vector<1280x256xf32>
    %add3A_84 = arith.addf %add3A_79, %add3A_83 : vector<1280x256xf32>
    %max3A_85 = arith.constant 0.000000e+00 : f32
    %max3A_86 = vector.broadcast %max3A_85 : f32 to vector<1280x256xf32>
    %max3A_87 = arith.maximumf %add3A_84, %max3A_86 : vector<1280x256xf32>
    %slice3A_88 = vector.extract_strided_slice %max3A_87 {offsets = [0, 0], sizes = [1280, 128], strides = [1, 1]} : vector<1280x256xf32> to vector<1280x128xf32>
    %swap3A = arith.constant 0 : index
    %swap3A_89 = arith.constant 0 : index
    %swap3A_90 = vector.load %arg13[%swap3A, %swap3A_89] : memref<1280x128xf32, #tpu.memory_space<vmem>>, vector<1280x128xf32>
    tpu.vector_store %arg13[%swap3A, %swap3A_89], %slice3A_88 {strides = array<i32>} : memref<1280x128xf32, #tpu.memory_space<vmem>>, vector<1280x128xf32>,
    %slice3A_91 = vector.extract_strided_slice %max3A_87 {offsets = [0, 128], sizes = [1280, 128], strides = [1, 1]} : vector<1280x256xf32> to vector<1280x128xf32>
    %swap3A_92 = arith.constant 0 : index
    %swap3A_93 = arith.constant 0 : index
    %swap3A_94 = vector.load %arg14[%swap3A_92, %swap3A_93] : memref<1280x128xf32, #tpu.memory_space<vmem>>, vector<1280x128xf32>
    tpu.vector_store %arg14[%swap3A_92, %swap3A_93], %slice3A_91 {strides = array<i32>} : memref<1280x128xf32, #tpu.memory_space<vmem>>, vector<1280x128xf32>,
    return
  }
  func.func @transform_0(%arg0: i32) -> (i32, i32) {
    %c0_i32 = arith.constant 0 : i32
    %c0_i32_0 = arith.constant 0 : i32
    return %arg0, %c0_i32 : i32, i32
  }
  func.func @transform_1(%arg0: i32) -> (i32, i32) {
    %c0_i32 = arith.constant 0 : i32
    %c0_i32_0 = arith.constant 0 : i32
    return %arg0, %c0_i32 : i32, i32
  }
  func.func @transform_2(%arg0: i32) -> (i32, i32) {
    %c0_i32 = arith.constant 0 : i32
    %c0_i32_0 = arith.constant 0 : i32
    return %arg0, %c0_i32 : i32, i32
  }
  func.func @transform_3(%arg0: i32) -> (i32, i32) {
    %c0_i32 = arith.constant 0 : i32
    %c0_i32_0 = arith.constant 0 : i32
    return %arg0, %c0_i32 : i32, i32
  }
  func.func @transform_4(%arg0: i32) -> (i32, i32) {
    %c0_i32 = arith.constant 0 : i32
    %c0_i32_0 = arith.constant 0 : i32
    %c0_i32_1 = arith.constant 0 : i32
    return %c0_i32, %c0_i32_0 : i32, i32
  }
  func.func @transform_5(%arg0: i32) -> (i32, i32) {
    %c0_i32 = arith.constant 0 : i32
    %c0_i32_0 = arith.constant 0 : i32
    %c0_i32_1 = arith.constant 0 : i32
    return %c0_i32, %c0_i32_0 : i32, i32
  }
  func.func @transform_6(%arg0: i32) -> (i32, i32) {
    %c0_i32 = arith.constant 0 : i32
    %c0_i32_0 = arith.constant 0 : i32
    %c0_i32_1 = arith.constant 0 : i32
    return %c0_i32, %c0_i32_0 : i32, i32
  }
  func.func @transform_7(%arg0: i32) -> (i32, i32) {
    %c0_i32 = arith.constant 0 : i32
    %c0_i32_0 = arith.constant 0 : i32
    %c0_i32_1 = arith.constant 0 : i32
    return %c0_i32, %c0_i32_0 : i32, i32
  }
  func.func @transform_8(%arg0: i32) -> (i32, i32) {
    %c0_i32 = arith.constant 0 : i32
    %c0_i32_0 = arith.constant 0 : i32
    %c0_i32_1 = arith.constant 0 : i32
    return %c0_i32, %c0_i32_0 : i32, i32
  }
  func.func @transform_9(%arg0: i32) -> (i32, i32) {
    %c0_i32 = arith.constant 0 : i32
    %c0_i32_0 = arith.constant 0 : i32
    %c0_i32_1 = arith.constant 0 : i32
    return %c0_i32, %c0_i32_0 : i32, i32
  }
  func.func @transform_10(%arg0: i32) -> (i32, i32) {
    %c0_i32 = arith.constant 0 : i32
    %c0_i32_0 = arith.constant 0 : i32
    %c0_i32_1 = arith.constant 0 : i32
    return %c0_i32, %c0_i32_0 : i32, i32
  }
  func.func @transform_11(%arg0: i32) -> (i32, i32) {
    %c0_i32 = arith.constant 0 : i32
    %c0_i32_0 = arith.constant 0 : i32
    %c0_i32_1 = arith.constant 0 : i32
    return %c0_i32, %c0_i32_0 : i32, i32
  }
  func.func @transform_12(%arg0: i32) -> (i32, i32) {
    %c0_i32 = arith.constant 0 : i32
    %c0_i32_0 = arith.constant 0 : i32
    return %arg0, %c0_i32 : i32, i32
  }
  func.func @transform_13(%arg0: i32) -> (i32, i32) {
    %c0_i32 = arith.constant 0 : i32
    %c0_i32_0 = arith.constant 0 : i32
    return %arg0, %c0_i32 : i32, i32
  }
}

module attributes {stable_mosaic.version = 14 : i64} {
  func.func @_t8_body(%arg0: i32, %arg1: memref<2x1024x128xf32, #tpu.memory_space<vmem>>, %arg2: memref<2x1024x128xf32, #tpu.memory_space<vmem>>, %arg3: memref<2x1024x128xf32, #tpu.memory_space<vmem>>, %arg4: memref<1024x128xf32, #tpu.memory_space<vmem>>, %arg5: memref<128x128xf32, #tpu.memory_space<vmem>>, %arg6: memref<128x128xf32, #tpu.memory_space<vmem>>, %arg7: memref<1x128xf32, #tpu.memory_space<vmem>>, %arg8: memref<1x128xf32, #tpu.memory_space<vmem>>, %arg9: memref<128x128xf32, #tpu.memory_space<vmem>>, %arg10: memref<1x128xf32, #tpu.memory_space<vmem>>, %arg11: memref<1024x128xf32, #tpu.memory_space<vmem>>) attributes {dimension_semantics = [#tpu.dimension_semantics<arbitrary>], iteration_bounds = array<i64: 1>, scalar_prefetch = 0 : i64, scratch_operands = 0 : i64, tpu.core_type = #tpu.core_type<tc>, window_params = [{pipeline_mode = #tpu.pipeline_mode<synchronous>, transform_indices = @transform_0, window_bounds = array<i64: 2, 1024, 128>}, {pipeline_mode = #tpu.pipeline_mode<synchronous>, transform_indices = @transform_1, window_bounds = array<i64: 2, 1024, 128>}, {pipeline_mode = #tpu.pipeline_mode<synchronous>, transform_indices = @transform_2, window_bounds = array<i64: 2, 1024, 128>}, {pipeline_mode = #tpu.pipeline_mode<synchronous>, transform_indices = @transform_3, window_bounds = array<i64: 1024, 128>}, {pipeline_mode = #tpu.pipeline_mode<synchronous>, transform_indices = @transform_4, window_bounds = array<i64: 128, 128>}, {pipeline_mode = #tpu.pipeline_mode<synchronous>, transform_indices = @transform_5, window_bounds = array<i64: 128, 128>}, {pipeline_mode = #tpu.pipeline_mode<synchronous>, transform_indices = @transform_6, window_bounds = array<i64: 1, 128>}, {pipeline_mode = #tpu.pipeline_mode<synchronous>, transform_indices = @transform_7, window_bounds = array<i64: 1, 128>}, {pipeline_mode = #tpu.pipeline_mode<synchronous>, transform_indices = @transform_8, window_bounds = array<i64: 128, 128>}, {pipeline_mode = #tpu.pipeline_mode<synchronous>, transform_indices = @transform_9, window_bounds = array<i64: 1, 128>}, {pipeline_mode = #tpu.pipeline_mode<synchronous>, transform_indices = @transform_10, window_bounds = array<i64: 1024, 128>}]} {
    %get3A = arith.constant 0 : index
    %get3A_0 = arith.constant 0 : index
    %get3A_1 = arith.constant 0 : index
    %get3A_2 = vector.load %arg3[%get3A, %get3A_0, %get3A_1] : memref<2x1024x128xf32, #tpu.memory_space<vmem>>, vector<1x1024x1xf32>
    %get3A_3 = vector.shape_cast %get3A_2 : vector<1x1024x1xf32> to vector<1024x1xf32>
    %get3A_4 = arith.constant 1 : index
    %get3A_5 = arith.constant 0 : index
    %get3A_6 = arith.constant 0 : index
    %get3A_7 = vector.load %arg3[%get3A_4, %get3A_5, %get3A_6] : memref<2x1024x128xf32, #tpu.memory_space<vmem>>, vector<1x1024x1xf32>
    %get3A_8 = vector.shape_cast %get3A_7 : vector<1x1024x1xf32> to vector<1024x1xf32>
    %add3A = arith.addf %get3A_3, %get3A_8 : vector<1024x1xf32>
    %max3A = arith.constant 1.000000e+00 : f32
    %max3A_9 = vector.broadcast %max3A : f32 to vector<1024x1xf32>
    %max3A_10 = arith.maximumf %add3A, %max3A_9 : vector<1024x1xf32>
    %get3A_11 = arith.constant 0 : index
    %get3A_12 = arith.constant 0 : index
    %get3A_13 = arith.constant 0 : index
    %get3A_14 = vector.load %arg1[%get3A_11, %get3A_12, %get3A_13] : memref<2x1024x128xf32, #tpu.memory_space<vmem>>, vector<1x1024x128xf32>
    %get3A_15 = vector.shape_cast %get3A_14 : vector<1x1024x128xf32> to vector<1024x128xf32>
    %get3A_16 = arith.constant 1 : index
    %get3A_17 = arith.constant 0 : index
    %get3A_18 = arith.constant 0 : index
    %get3A_19 = vector.load %arg1[%get3A_16, %get3A_17, %get3A_18] : memref<2x1024x128xf32, #tpu.memory_space<vmem>>, vector<1x1024x128xf32>
    %get3A_20 = vector.shape_cast %get3A_19 : vector<1x1024x128xf32> to vector<1024x128xf32>
    %add3A_21 = arith.addf %get3A_15, %get3A_20 : vector<1024x128xf32>
    %div3A = vector.broadcast %max3A_10 : vector<1024x1xf32> to vector<1024x128xf32>
    %div3A_22 = arith.divf %add3A_21, %div3A : vector<1024x128xf32>
    %get3A_23 = arith.constant 0 : index
    %get3A_24 = arith.constant 0 : index
    %get3A_25 = arith.constant 0 : index
    %get3A_26 = vector.load %arg2[%get3A_23, %get3A_24, %get3A_25] : memref<2x1024x128xf32, #tpu.memory_space<vmem>>, vector<1x1024x128xf32>
    %get3A_27 = vector.shape_cast %get3A_26 : vector<1x1024x128xf32> to vector<1024x128xf32>
    %get3A_28 = arith.constant 1 : index
    %get3A_29 = arith.constant 0 : index
    %get3A_30 = arith.constant 0 : index
    %get3A_31 = vector.load %arg2[%get3A_28, %get3A_29, %get3A_30] : memref<2x1024x128xf32, #tpu.memory_space<vmem>>, vector<1x1024x128xf32>
    %get3A_32 = vector.shape_cast %get3A_31 : vector<1x1024x128xf32> to vector<1024x128xf32>
    %add3A_33 = arith.addf %get3A_27, %get3A_32 : vector<1024x128xf32>
    %div3A_34 = vector.broadcast %max3A_10 : vector<1024x1xf32> to vector<1024x128xf32>
    %div3A_35 = arith.divf %add3A_33, %div3A_34 : vector<1024x128xf32>
    %get3A_36 = arith.constant 0 : index
    %get3A_37 = arith.constant 0 : index
    %get3A_38 = vector.load %arg5[%get3A_36, %get3A_37] : memref<128x128xf32, #tpu.memory_space<vmem>>, vector<128x128xf32>
    %dot_general3A = arith.constant dense<0.000000e+00> : vector<1024x128xf32>
    %dot_general3A_39 = tpu.matmul %div3A_22, %get3A_38, %dot_general3A {dimension_numbers = #tpu.dot_dimension_numbers<[1], [0], [0], [1], [0, 0, 1, 1], [], []>, transpose_lhs_hint = false} : vector<1024x128xf32>, vector<128x128xf32>, vector<1024x128xf32> -> vector<1024x128xf32>
    %get3A_40 = arith.constant 0 : index
    %get3A_41 = arith.constant 0 : index
    %get3A_42 = vector.load %arg6[%get3A_40, %get3A_41] : memref<128x128xf32, #tpu.memory_space<vmem>>, vector<128x128xf32>
    %dot_general3A_43 = arith.constant dense<0.000000e+00> : vector<1024x128xf32>
    %dot_general3A_44 = tpu.matmul %div3A_35, %get3A_42, %dot_general3A_43 {dimension_numbers = #tpu.dot_dimension_numbers<[1], [0], [0], [1], [0, 0, 1, 1], [], []>, transpose_lhs_hint = false} : vector<1024x128xf32>, vector<128x128xf32>, vector<1024x128xf32> -> vector<1024x128xf32>
    %add3A_45 = arith.addf %dot_general3A_39, %dot_general3A_44 : vector<1024x128xf32>
    %get3A_46 = arith.constant 0 : index
    %get3A_47 = arith.constant 0 : index
    %get3A_48 = vector.load %arg4[%get3A_46, %get3A_47] : memref<1024x128xf32, #tpu.memory_space<vmem>>, vector<1024x128xf32>
    %get3A_49 = arith.constant 0 : index
    %get3A_50 = arith.constant 0 : index
    %get3A_51 = vector.load %arg7[%get3A_49, %get3A_50] : memref<1x128xf32, #tpu.memory_space<vmem>>, vector<1x128xf32>
    %mul3A = vector.broadcast %get3A_51 : vector<1x128xf32> to vector<1024x128xf32>
    %mul3A_52 = arith.mulf %get3A_48, %mul3A : vector<1024x128xf32>
    %add3A_53 = arith.addf %add3A_45, %mul3A_52 : vector<1024x128xf32>
    %get3A_54 = arith.constant 0 : index
    %get3A_55 = arith.constant 0 : index
    %get3A_56 = vector.load %arg8[%get3A_54, %get3A_55] : memref<1x128xf32, #tpu.memory_space<vmem>>, vector<1x128xf32>
    %add3A_57 = vector.broadcast %get3A_56 : vector<1x128xf32> to vector<1024x128xf32>
    %add3A_58 = arith.addf %add3A_53, %add3A_57 : vector<1024x128xf32>
    %max3A_59 = arith.constant 0.000000e+00 : f32
    %max3A_60 = vector.broadcast %max3A_59 : f32 to vector<1024x128xf32>
    %max3A_61 = arith.maximumf %add3A_58, %max3A_60 : vector<1024x128xf32>
    %get3A_62 = arith.constant 0 : index
    %get3A_63 = arith.constant 0 : index
    %get3A_64 = vector.load %arg9[%get3A_62, %get3A_63] : memref<128x128xf32, #tpu.memory_space<vmem>>, vector<128x128xf32>
    %dot_general3A_65 = arith.constant dense<0.000000e+00> : vector<1024x128xf32>
    %dot_general3A_66 = tpu.matmul %max3A_61, %get3A_64, %dot_general3A_65 {dimension_numbers = #tpu.dot_dimension_numbers<[1], [0], [0], [1], [0, 0, 1, 1], [], []>, transpose_lhs_hint = false} : vector<1024x128xf32>, vector<128x128xf32>, vector<1024x128xf32> -> vector<1024x128xf32>
    %get3A_67 = arith.constant 0 : index
    %get3A_68 = arith.constant 0 : index
    %get3A_69 = vector.load %arg10[%get3A_67, %get3A_68] : memref<1x128xf32, #tpu.memory_space<vmem>>, vector<1x128xf32>
    %add3A_70 = vector.broadcast %get3A_69 : vector<1x128xf32> to vector<1024x128xf32>
    %add3A_71 = arith.addf %dot_general3A_66, %add3A_70 : vector<1024x128xf32>
    %swap3A = arith.constant 0 : index
    %swap3A_72 = arith.constant 0 : index
    %swap3A_73 = vector.load %arg11[%swap3A, %swap3A_72] : memref<1024x128xf32, #tpu.memory_space<vmem>>, vector<1024x128xf32>
    tpu.vector_store %arg11[%swap3A, %swap3A_72], %add3A_71 {strides = array<i32>} : memref<1024x128xf32, #tpu.memory_space<vmem>>, vector<1024x128xf32>,
    return
  }
  func.func @transform_0(%arg0: i32) -> (i32, i32, i32) {
    %c0_i32 = arith.constant 0 : i32
    %c0_i32_0 = arith.constant 0 : i32
    %c0_i32_1 = arith.constant 0 : i32
    %c0_i32_2 = arith.constant 0 : i32
    return %c0_i32, %c0_i32_0, %c0_i32_1 : i32, i32, i32
  }
  func.func @transform_1(%arg0: i32) -> (i32, i32, i32) {
    %c0_i32 = arith.constant 0 : i32
    %c0_i32_0 = arith.constant 0 : i32
    %c0_i32_1 = arith.constant 0 : i32
    %c0_i32_2 = arith.constant 0 : i32
    return %c0_i32, %c0_i32_0, %c0_i32_1 : i32, i32, i32
  }
  func.func @transform_2(%arg0: i32) -> (i32, i32, i32) {
    %c0_i32 = arith.constant 0 : i32
    %c0_i32_0 = arith.constant 0 : i32
    %c0_i32_1 = arith.constant 0 : i32
    %c0_i32_2 = arith.constant 0 : i32
    return %c0_i32, %c0_i32_0, %c0_i32_1 : i32, i32, i32
  }
  func.func @transform_3(%arg0: i32) -> (i32, i32) {
    %c0_i32 = arith.constant 0 : i32
    %c0_i32_0 = arith.constant 0 : i32
    %c0_i32_1 = arith.constant 0 : i32
    return %c0_i32, %c0_i32_0 : i32, i32
  }
  func.func @transform_4(%arg0: i32) -> (i32, i32) {
    %c0_i32 = arith.constant 0 : i32
    %c0_i32_0 = arith.constant 0 : i32
    %c0_i32_1 = arith.constant 0 : i32
    return %c0_i32, %c0_i32_0 : i32, i32
  }
  func.func @transform_5(%arg0: i32) -> (i32, i32) {
    %c0_i32 = arith.constant 0 : i32
    %c0_i32_0 = arith.constant 0 : i32
    %c0_i32_1 = arith.constant 0 : i32
    return %c0_i32, %c0_i32_0 : i32, i32
  }
  func.func @transform_6(%arg0: i32) -> (i32, i32) {
    %c0_i32 = arith.constant 0 : i32
    %c0_i32_0 = arith.constant 0 : i32
    %c0_i32_1 = arith.constant 0 : i32
    return %c0_i32, %c0_i32_0 : i32, i32
  }
  func.func @transform_7(%arg0: i32) -> (i32, i32) {
    %c0_i32 = arith.constant 0 : i32
    %c0_i32_0 = arith.constant 0 : i32
    %c0_i32_1 = arith.constant 0 : i32
    return %c0_i32, %c0_i32_0 : i32, i32
  }
  func.func @transform_8(%arg0: i32) -> (i32, i32) {
    %c0_i32 = arith.constant 0 : i32
    %c0_i32_0 = arith.constant 0 : i32
    %c0_i32_1 = arith.constant 0 : i32
    return %c0_i32, %c0_i32_0 : i32, i32
  }
  func.func @transform_9(%arg0: i32) -> (i32, i32) {
    %c0_i32 = arith.constant 0 : i32
    %c0_i32_0 = arith.constant 0 : i32
    %c0_i32_1 = arith.constant 0 : i32
    return %c0_i32, %c0_i32_0 : i32, i32
  }
  func.func @transform_10(%arg0: i32) -> (i32, i32) {
    %c0_i32 = arith.constant 0 : i32
    %c0_i32_0 = arith.constant 0 : i32
    %c0_i32_1 = arith.constant 0 : i32
    return %c0_i32, %c0_i32_0 : i32, i32
  }
}

</mosaic_0001>

<sc_bundles>
// kernel: kernel.18.cloned.1.call-start
scs
__scs_entry_jumppad:
0x0: {  	(pc) =	sbr.rel $0x88, $3  }
0x1: {  	(tag) =	ssettag $0x0;
	lr =	simm.s32 $0x1  }
0x2: {  	[smem:$0x3F7C] =	sst lr;
	_ =	strace $0xD0000000  }
0x3: {  	_ = 	snop  }
0x4: {  	_ = 	snop  }
0x5: {  	_ = 	snop  }
0x6: {  	_ = 	snop  }
0x7: {  	_ = 	snop  }
__scs_overlays_trampoline_lowered:
0x8: {  	[smem:$0x3F8B] =	sst s0  }
0x9: {  	[smem:$0x3F8C] =	sst s1  }
0xa: {  	[smem:$0x3F8D] =	sst s2  }
0xb: {  	[smem:$0x3F8E] =	sst s3  }
0xc: {  	[smem:$0x3F8F] =	sst s4  }
0xd: {  	[smem:$0x3F90] =	sst s5  }
0xe: {  	[smem:$0x3F91] =	sst s6  }
0xf: {  	[smem:$0x3F92] =	sst s7  }
0x10: {  	[smem:$0x3F93] =	sst s8  }
0x11: {  	[smem:$0x3F94] =	sst s9;
	s0 =	simm.s32 @!p0 $0x0  }
0x12: {  	s1 =	sld [smem:$0x3F7A];
	s0 =	simm.s32 @p0 $0x1  }
0x13: {  	[smem:$0x3F95] =	sst s0;
	s0 =	simm.s32 @!p1 $0x0  }
0x14: {  	s2 =	sld [smem:$0x3F79];
	s0 =	simm.s32 @p1 $0x1  }
0x15: {  	[smem:$0x3F96] =	sst s0;
	s0 =	simm.s32 @!p2 $0x0  }
0x16: {  	s3 =	sld [smem:$0x3FDB];
	s0 =	simm.s32 @p2 $0x1  }
0x17: {  	s4 =	simm.s32 $0x1BF5;
	[smem:$0x3F98] =	sst s0  }
0x18: {  	s0 =	sld [smem:$0x3F7B];
	_ =	swait.ge [sflag:s4], $0x0  }
0x19: {  	s7 =	sld [smem:$0x3F7C]  }
0x1a: {  	s8 =	sadd.s32 $0xFFFFE003, lr  }
0x1b: {  	s9 =	sadd.s32 $0xFFFFFEF7, lr;
	s5 =	simm.s32 $0xFFFFFFFF;
	p2 =	slt.u32 s8, $0xFFFFF086  }
0x1c: {  	p1 =	slt.u32 s9, $0xF7A;
	s5 =	simm.s32 @!p2 $0x0  }
0x1d: {  	s5 =	simm.s32 @p1 $0x1;
	p0 =	seq.s32 s7, s2  }
0x1e: {  	s7 =	smul.u32 @!p0 $0xF7A, s2;
	p2 =	seq.s32 @!p0 s5, $0x0  }
0x1f: {  	s9 =	smul.u32 $0xF7A, s1;
	s8 =	simm.s32 @!p0 $0x1BF5;
	p2 =	por !p2, p0  }
0x20: {  	[sflag:s8] =	ssyncset.s32 @!p0 $0xFFFFF086;
	s6 =	sadd.s32 @!p0 s3, s7;
	s7 =	simm.s32 @!p0 $0x108  }
0x21: {  	s3 =	sadd.s32 s3, s9;
	s6 =	sadd.s32 @!p0 $0x88, s6;
	s7 =	simm.s32 @p2 $0x1082  }
0x22: {  	[simem:s7], [sflag:s8] =	dma.local @!p0 [hbm:s6], $0xF7A  }
0x23: {  	s9 =	sor.u32 $0xD0000000, s2;
	s6 =	simm.s32 $0x108;
	_ =	swait.ge @!p0 [sflag:s8], $0x0  }
0x24: {  	s3 =	sadd.s32 $0x88, s3;
	s6 =	simm.s32 @!p1 $0x1082;
	[sflag:s4] =	ssyncset.s32 $0xFFFFF086  }
0x25: {  	[simem:s6], [sflag:s4] =	dma.local [hbm:s3], $0xF7A  }
0x26: {  	[smem:$0x3F7C] =	sst s1;
	(tag) =	ssettag s2;
	_ =	strace s9  }
0x27: {  	s1 =	sld [smem:$0x3F8C]  }
0x28: {  	s2 =	sld [smem:$0x3F8D]  }
0x29: {  	s4 =	sld [smem:$0x3F8F]  }
0x2a: {  	p0 =	seq.s32 s5, $0x0;
	s5 =	sld [smem:$0x3F90]  }
0x2b: {  	s6 =	sld [smem:$0x3F91]  }
0x2c: {  	s7 =	sld [smem:$0x3F92]  }
0x2d: {  	s3 =	simm.s32 $0x108;
	s8 =	sld [smem:$0x3F93]  }
0x2e: {  	s3 =	simm.s32 @!p0 $0x1082;
	s9 =	sld [smem:$0x3F94]  }
0x2f: {  	lr =	sadd.s32 s0, s3;
	s0 =	sld [smem:$0x3F8B]  }
0x30: {  	s3 =	sld [smem:$0x3F8E]  }
0x31: {  	[smem:$0x3F97] =	sst s10  }
0x32: {  	s10 =	sld [smem:$0x3F95];
	_ =	sdelay $0x3  }
0x33: {  	p0 =	seq.s32 s10, $0x1;
	s10 =	sld [smem:$0x3F97];
	_ =	sdelay $0x3  }
0x34: {  	[smem:$0x3F97] =	sst s10  }
0x35: {  	s10 =	sld [smem:$0x3F96];
	_ =	sdelay $0x3  }
0x36: {  	p1 =	seq.s32 s10, $0x1;
	s10 =	sld [smem:$0x3F97];
	_ =	sdelay $0x3  }
0x37: {  	[smem:$0x3F97] =	sst s10  }
0x38: {  	s10 =	sld [smem:$0x3F98]  }
0x39: {  	_ = 	snop;
	(pc) =	sbr.ind lr, $3  }
0x3a: {  	_ = 	snop  }
0x3b: {  	_ = 	snop  }
0x3c: {  	p2 =	seq.s32 s10, $0x1;
	s10 =	sld [smem:$0x3F97]  }
0x3d: {  	_ =	shalt  }
0x3e: {  	_ =	shalt  }
0x3f: {  	_ =	shalt  }
0x40: {  	_ =	shalt  }
0x41: {  	_ =	shalt  }
0x42: {  	_ =	shalt  }
0x43: {  	_ =	shalt  }
0x44: {  	_ =	shalt  }
0x45: {  	_ =	shalt  }
0x46: {  	_ =	shalt  }
0x47: {  	_ =	shalt  }
0x48: {  	_ =	shalt  }
0x49: {  	_ =	shalt  }
0x4a: {  	_ =	shalt  }
0x4b: {  	_ =	shalt  }
0x4c: {  	_ =	shalt  }
0x4d: {  	_ =	shalt  }
0x4e: {  	_ =	shalt  }
0x4f: {  	_ =	shalt  }
0x50: {  	_ =	shalt  }
0x51: {  	_ =	shalt  }
0x52: {  	_ =	shalt  }
0x53: {  	_ =	shalt  }
0x54: {  	_ =	shalt  }
0x55: {  	_ =	shalt  }
0x56: {  	_ =	shalt  }
0x57: {  	_ =	shalt  }
0x58: {  	_ =	shalt  }
0x59: {  	_ =	shalt  }
0x5a: {  	_ =	shalt  }
0x5b: {  	_ =	shalt  }
0x5c: {  	_ =	shalt  }
0x5d: {  	_ =	shalt  }
0x5e: {  	_ =	shalt  }
0x5f: {  	_ =	shalt  }
0x60: {  	_ =	shalt  }
0x61: {  	_ =	shalt  }
0x62: {  	_ =	shalt  }
0x63: {  	_ =	shalt  }
0x64: {  	_ =	shalt  }
0x65: {  	_ =	shalt  }
0x66: {  	_ =	shalt  }
0x67: {  	_ =	shalt  }
0x68: {  	_ =	shalt  }
0x69: {  	_ =	shalt  }
0x6a: {  	_ =	shalt  }
0x6b: {  	_ =	shalt  }
0x6c: {  	_ =	shalt  }
0x6d: {  	_ =	shalt  }
0x6e: {  	_ =	shalt  }
0x6f: {  	_ =	shalt  }
0x70: {  	_ =	shalt  }
0x71: {  	_ =	shalt  }
0x72: {  	_ =	shalt  }
0x73: {  	_ =	shalt  }
0x74: {  	_ =	shalt  }
0x75: {  	_ =	shalt  }
0x76: {  	_ =	shalt  }
0x77: {  	_ =	shalt  }
0x78: {  	_ =	shalt  }
0x79: {  	_ =	shalt  }
0x7a: {  	_ =	shalt  }
0x7b: {  	_ =	shalt  }
0x7c: {  	_ =	shalt  }
0x7d: {  	_ =	shalt  }
0x7e: {  	_ =	shalt  }
0x7f: {  	_ =	shalt  }
0x80: {  	_ =	shalt  }
0x81: {  	_ =	shalt  }
0x82: {  	_ =	shalt  }
0x83: {  	_ =	shalt  }
0x84: {  	_ =	shalt  }
0x85: {  	_ =	shalt  }
0x86: {  	_ =	shalt  }
0x87: {  	_ =	shalt  }
.Lfunc_end0:
.L_simem_size_0:
called_computation_lowered:
.L_overlay_start_0:
0x88: {  	s2 =	sld [smem:$0x3FD9]  }
0x89: {  	s3 =	sld [smem:$0x3FFE];
	_ =	sdelay $0x1  }
0x8a: {  	s1 =	srdreg.scid  }
0x8b: {  	s0 =	sand.u32 $0x1, s1  }
0x8c: {  	s17 =	sshll.u32 s0, $0xA;
	s2 =	sadd.s32 s3, s2  }
0x8d: {  	s2 =	sadd.s32 s2, s17  }
0x8e: {  	[smem:$0x3FA3] =	sst s2  }
0x8f: {  	_ = 	snop  }
0x90: {  	s18 =	sld [smem:$0x3FC6]  }
0x91: {  	s4 =	sld [smem:$0x3FC5]  }
0x92: {  	s5 =	sld [smem:$0x3FC4];
	(tm) =	ssettm $0x1  }
0x93: {  	s19 =	sld [smem:$0x3FFB];
	_ =	sdelay $0x3  }
0x94: {  	_ =	strace s19  }
0x95: {  	s2 =	sld [smem:$0x3FFC];
	_ =	sdelay $0x3  }
0x96: {  	_ =	strace s2  }
0x97: {  	s2 =	sld [smem:$0x3FFD];
	_ =	sdelay $0x3  }
0x98: {  	_ =	strace s2  }
0x99: {  	_ =	strace $0x8FFFFFFF  }
0x9a: {  	s20 =	sld [smem:$0x3FDB];
	_ =	sdelay $0x1  }
0x9b: {  	s6 =	simm.s32 $_scs_section_size  }
0x9c: {  	s7 =	simm.s32 $_size__tile_overlayer_lowered;
	s8 =	simm.s32 $_tile_overlayer_lowered  }
0x9d: {  	s9 =	simm.s32 $0x1BFF;
	s21 =	sshll.u32 s8, $0x1;
	s6 =	sadd.s32 s6, s20  }
0x9e: {  	s22 =	simm.s32 $0x0;
	s7 =	sshll.u32 s7, $0x1;
	s8 =	sadd.s32 s21, s6  }
0x9f: {  	[timem:s22], [sflag:s9] =	dma.local [hbm:s8], s7  }
0xa0: {  	_ =	swait.ge [sflag:s9], s7  }
0xa1: {  	s7 =	ssub.s32 $0x0, s7;
	[sflag:s9] =	ssyncset.done $0x0  }
0xa2: {  	[sflag:s9] =	ssyncadd.s32 s7;
	_ =	sdelay $0x1  }
0xa3: {  	s23 =	simm.s32 $0x1B8B  }
0xa4: {  	_ =	swait.ge [sflag:s23], $0x1  }
0xa5: {  	[sflag:s23] =	ssyncset.done $0x0  }
0xa6: {  	[sflag:s23] =	ssyncadd.s32 $0xFFFFFFFF  }
0xa7: {  	s7 =	sld [smem:$0x0]  }
0xa8: {  	s8 =	sand.u32 $0xFFFFFFFE, s1  }
0xa9: {  	p0 =	sne.s32 s1, s8  }
0xaa: {  	s8 =	sshll.u32 @p0 s8, $0xE  }
0xab: {  	s8 =	sadd.s32 @p0 $0x11B8D, s8;
	s9 =	sshll.u32 @p0 s7, $0x11  }
0xac: {  	s8 =	sor.u32 @p0 s9, s8  }
0xad: {  	[sflag:s8] =	ssyncadd.remote.s32 @p0 $0x1;
	_ =	sdelay $0x1  }
0xae: {  	s8 =	simm.s32 @p0 $0x1B8D  }
0xaf: {  	_ =	swait.eq @p0 [sflag:s8], $0x1  }
0xb0: {  	[sflag:s8] =	ssyncadd.s32 @p0 $0xFFFFFFFF  }
0xb1: {  	s9 =	sshll.u32 @!p0 s1, $0xE  }
0xb2: {  	s9 =	sor.u32 @!p0 $0x4000, s9;
	s8 =	simm.s32 @!p0 $0x1B8D  }
0xb3: {  	s7 =	sshll.u32 @!p0 s7, $0x11;
	s9 =	sadd.s32 @!p0 $0x11B8D, s9;
	_ =	swait.eq @!p0 [sflag:s8], $0x1  }
0xb4: {  	s7 =	sor.u32 @!p0 s7, s9;
	[sflag:s8] =	ssyncadd.s32 @!p0 $0xFFFFFFFF  }
0xb5: {  	s25 =	simm.s32 $0x1B8E;
	s24 =	sld [smem:$0x3FFE];
	[sflag:s7] =	ssyncadd.remote.s32 @!p0 $0x1  }
0xb6: {  	s26 =	simm.s32 $execute0_lowered;
	[smem:$0x3FD2] =	sst s25  }
0xb7: {  	s8 =	sshll.u32 s26, $0x1;
	_ =	strace $0x80000049;
	[dreg:$0x1] =	wrdreg $0xFFFFFFFF  }
0xb8: {  	s28 =	simm.s32 $_size_execute0_lowered;
	s6 =	sadd.s32 s6, s8;
	[dreg:$0x0] =	wrdreg $0x0  }
0xb9: {  	s8 =	sshll.u32 s28, $0x1;
	[dreg:$0x2] =	wrdreg s6  }
0xba: {  	[dreg:$0x3] =	wrdreg s8  }
0xbb: {  	[dreg:$0x4] =	wrdreg $0xC0  }
0xbc: {  	_ =	task [dreg:s22], $0x5FFFF  }
0xbd: {  	[dreg:$0x1] =	wrdreg $0xFFFFFFFF  }
0xbe: {  	[dreg:$0x0] =	wrdreg $0x60  }
0xbf: {  	[dreg:$0x2] =	wrdreg s18  }
0xc0: {  	[dreg:$0x3] =	wrdreg s4  }
0xc1: {  	[dreg:$0x4] =	wrdreg s5  }
0xc2: {  	[dreg:$0x5] =	wrdreg s24  }
0xc3: {  	[dreg:$0x6] =	wrdreg $0x41800  }
0xc4: {  	[dreg:$0x7] =	wrdreg $0x17A000  }
0xc5: {  	[dreg:$0x8] =	wrdreg $0x17D400  }
0xc6: {  	[dreg:$0x9] =	wrdreg $0x9  }
0xc7: {  	_ =	task.clear_ibuf [dreg:s22], $0xAFFFF;
	_ =	strace $0x90000049  }
0xc8: {  	s29 =	simm.s32 $0x9;
	_ =	strace $0x8000004B  }
0xc9: {  	_ =	swait.ge [sflag:s29], $0x1  }
0xca: {  	[sflag:s29] =	ssyncadd.s32 $0xFFFFFFFF  }
0xcb: {  	_ =	strace $0x9000004B  }
0xcc: {  	_ =	sfence  }
0xcd: {  	s30 =	sld [smem:$0x0];
	_ =	sdelay $0x2  }
0xce: {  	s31 =	sshll.u32 s1, $0xD;
	s1 =	sshrl.u32 s1, $0x2  }
0xcf: {  	s4 =	sand.u32 $0x4000, s31;
	s1 =	sadd.s32 s1, s30  }
0xd0: {  	s0 =	sor.u32 s4, s0;
	s1 =	sshll.u32 s1, $0x11  }
0xd1: {  	s0 =	sor.u32 s1, s0  }
0xd2: {  	s0 =	sadd.s32 $0x8F2B, s0  }
0xd3: {  	[sflag:s0] =	ssyncadd.remote.s32 $0x1  }
0xd4: {  	_ =	sfence.sel $0xFFFF  }
0xd5: {  	[dreg:$0x0] =	wrdreg $0xFFFFFFFF;
	(pc) =	sbr.abs _section_cstart, $3  }
0xd6: {  	[dreg:$0x1] =	wrdreg $0xFFFFFFFF  }
0xd7: {  	_ =	task.clear_ibuf [dreg:s22], $0x2FFFF;
	_ =	strace $0x9FFFFFFF  }
0xd8: {  	(tm) =	ssettm $0x7FFFFFFF  }
0xd9: {  	_ =	shalt  }
tec
execute0_lowered:
.L_overlay_start_1:
0x0: {  	(tag) =	ssettag $0x1  }
0x1: {  	s0 =	rddreg [dreg:$0x0]  }
0x2: {  	s5 =	rddreg [dreg:$0x1]  }
0x3: {  	s6 =	rddreg [dreg:$0x2]  }
0x4: {  	s11 =	rddreg [dreg:$0x3]  }
0x5: {  	s1 =	rddreg [dreg:$0x4]  }
0x6: {  	s2 =	rddreg [dreg:$0x5]  }
0x7: {  	s3 =	rddreg [dreg:$0x6]  }
0x8: {  	s4 =	simm.s32 $0x0;
	s25 =	srdreg.scid;
	s21 =	stileid.u32  }
0x9: {  	s28 =	simm.s32 $0x180;
	s29 =	simm.s32 $0x3;
	[smem:$0x7FF] =	sst s4  }
0xa: {  	s30 =	simm.s32 $0x0;
	s7 =	sadd.s32 $0x1391C00, s11;
	s12 =	sadd.s32 $0x13E1C00, s11  }
0xb: {  	s13 =	sand.u32 $0x1, s25;
	s26 =	sshll.u32 s21, $0xA;
	s9 =	smul.u32 $0x13800, s21  }
0xc: {  	p0 =	sne.s32 s21, $0x0;
	_ =	strace $0x8000004A;
	[dreg:$0x8] =	wrdreg s7  }
0xd: {  	s8 =	ssub.s32 $0x2, s13;
	s14 =	sadd.s32 s26, s11;
	s15 =	smul.u32 $0x138800, s13  }
0xe: {  	s31 =	sshrl.u32 s8, $0x1;
	s17 =	sadd.s32 $0x4000, s9;
	s18 =	sadd.s32 $0x8000, s9  }
0xf: {  	s19 =	sadd.s32 $0xC000, s9;
	s20 =	sadd.s32 $0x10000, s9;
	s25 =	ssub.s32 s8, s31  }
0x10: {  	s10 =	sadd.s32 s9, s15;
	s16 =	sadd.s32 s15, s17;
	s23 =	sadd.s32 s15, s18  }
0x11: {  	s24 =	sadd.s32 s15, s19;
	s17 =	sadd.s32 s17, s1;
	s18 =	sadd.s32 s18, s1  }
0x12: {  	s19 =	sadd.s32 s19, s1;
	s7 =	sshrl.u32 s10, $0x3;
	s8 =	sshrl.u32 s16, $0x3  }
0x13: {  	s10 =	sadd.s32 s15, s20;
	s9 =	sshrl.u32 s24, $0x3;
	s15 =	sshrl.u32 s15, $0x3  }
0x14: {  	s16 =	sadd.s32 $0x13E1400, s11;
	s20 =	sadd.s32 s20, s1;
	s25 =	smax.u32 s25, $0x1  }
0x15: {  	s7 =	sadd.s32 s12, s7;
	s22 =	sadd.s32 s12, s8;
	[dreg:$0xe] =	wrdreg s16  }
0x16: {  	s8 =	sshrl.u32 s23, $0x3;
	s10 =	sshrl.u32 s10, $0x3;
	[dreg:$0x9] =	wrdreg s7  }
0x17: {  	s31 =	sadd.s32 s12, s9;
	s9 =	sshll.u32 s13, $0xE;
	[dreg:$0xa] =	wrdreg s22  }
0x18: {  	s26 =	sadd.s32 s12, s8;
	[dreg:$0xc] =	wrdreg s31;
	s8 =	sadd.s32 s12, s10  }
0x19: {  	s22 =	sadd.s32 s12, s15;
	s24 =	sadd.s32 s9, s14;
	s14 =	smul.u32 $0x680, s13  }
0x1a: {  	s10 =	sshll.u32 s21, $0x5;
	s15 =	smul.u32 $0x4E000, s21;
	[dreg:$0xb] =	wrdreg s26  }
0x1b: {  	s31 =	sshll.u32 s21, $0xD;
	[dreg:$0xd] =	wrdreg s8;
	s6 =	sadd.s32 s10, s6  }
0x1c: {  	s5 =	sadd.s32 s10, s5;
	s0 =	sadd.s32 s10, s0;
	s26 =	sshll.u32 s13, $0x4  }
0x1d: {  	s22 =	sadd.s32 $0x27000, s22;
	s24 =	sadd.s32 $0x1430C00, s24;
	s23 =	sadd.s32 s14, s11  }
0x1e: {  	s16 =	sshrl.u32 s15, $0x2;
	s12 =	sadd.s32 s26, s6;
	s13 =	sadd.s32 s26, s5  }
0x1f: {  	s14 =	sadd.s32 s26, s0;
	s15 =	sshll.u32 s21, $0x1;
	s21 =	sadd.s32 s31, s3  }
0x20: {  	s26 =	sadd.s32 $0x138000, s1;
	s16 =	sadd.s32 s16, s1;
	s23 =	sadd.s32 $0x142FE00, s23  }
.LBB2_1:
0x21: {  	s0 =	rddreg [dreg:$0x8]  }
0x22: {  	[tilespmem:s28], [sflag:$0x3] =	stream.linear.gather [hbm4b:s0+s4], $0x4000, $0x38;
	[tilespmem:$0x19D40] =	vst v63  }
0x23: {  	_ =	swait.ge [sflag:s29], $0x4000  }
0x24: {  	[sflag:s29] =	ssyncset.done $0x0  }
0x25: {  	[sflag:s29] =	ssyncadd.s32 $0xFFFFC000  }
0x26: {  	[spmem:s16] =	stream.linear.scatter [tilespmem:s28], [sflag:$0x3], $0x4000, $0x38;
	[tilespmem:$0x19D40] =	vst v63  }
0x27: {  	_ =	swait.ge [sflag:s29], $0x4000  }
0x28: {  	[sflag:s29] =	ssyncset.done $0x0  }
0x29: {  	[sflag:s29] =	ssyncadd.s32 $0xFFFFC000  }
0x2a: {  	[spmem:s17] =	stream.linear.scatter [tilespmem:s28], [sflag:$0x3], $0x4000, $0x38;
	[tilespmem:$0x19D40] =	vst v63  }
0x2b: {  	_ =	swait.ge [sflag:s29], $0x4000  }
0x2c: {  	[sflag:s29] =	ssyncset.done $0x0  }
0x2d: {  	[sflag:s29] =	ssyncadd.s32 $0xFFFFC000  }
0x2e: {  	[spmem:s18] =	stream.linear.scatter [tilespmem:s28], [sflag:$0x3], $0x4000, $0x38;
	[tilespmem:$0x19D40] =	vst v63  }
0x2f: {  	_ =	swait.ge [sflag:s29], $0x4000  }
0x30: {  	[sflag:s29] =	ssyncset.done $0x0  }
0x31: {  	[sflag:s29] =	ssyncadd.s32 $0xFFFFC000  }
0x32: {  	[spmem:s19] =	stream.linear.scatter [tilespmem:s28], [sflag:$0x3], $0x4000, $0x38;
	[tilespmem:$0x19D40] =	vst v63  }
0x33: {  	_ =	swait.ge [sflag:s29], $0x4000  }
0x34: {  	[sflag:s29] =	ssyncset.done $0x0  }
0x35: {  	[sflag:s29] =	ssyncadd.s32 $0xFFFFC000  }
0x36: {  	[spmem:s20] =	stream.linear.scatter [tilespmem:s28], [sflag:$0x3], $0x3800, $0x38;
	[tilespmem:$0x19D40] =	vst v63  }
0x37: {  	_ =	swait.ge [sflag:s29], $0x3800  }
0x38: {  	[sflag:s29] =	ssyncset.done $0x0  }
0x39: {  	s5 =	simm.s32 @!p0 $0x3;
	s0 =	simm.s32 @!p0 $0x180;
	[sflag:s29] =	ssyncadd.s32 $0xFFFFC800  }
0x3a: {  	[spmem:s26] =	stream.linear.scatter @!p0 [tilespmem:s0], [sflag:$0x3], $0x800, $0x38;
	[tilespmem:$0x19D40] =	vst v63  }
0x3b: {  	_ =	swait.ge @!p0 [sflag:s5], $0x800  }
0x3c: {  	[sflag:s5] =	ssyncset.done @!p0 $0x0  }
0x3d: {  	[sflag:s5] =	ssyncadd.s32 @!p0 $0xFFFFF800  }
0x3e: {  	[spmem:s2] =	stream.linear.scatter @!p0 [tilespmem:s0], [sflag:$0x3], $0x3400, $0x38;
	[tilespmem:$0x19D40] =	vst v63  }
0x3f: {  	_ =	swait.ge @!p0 [sflag:s5], $0x3400  }
0x40: {  	[sflag:s5] =	ssyncset.done @!p0 $0x0  }
0x41: {  	[sflag:s5] =	ssyncadd.s32 @!p0 $0xFFFFCC00  }
0x42: {  	[spmem:s21] =	stream.linear.scatter [tilespmem:s28], [sflag:$0x3], $0x2000, $0x38;
	[tilespmem:$0x19D40] =	vst v63  }
0x43: {  	_ =	swait.ge [sflag:s29], $0x2000  }
0x44: {  	[sflag:s29] =	ssyncset.done $0x0  }
0x45: {  	[sflag:s29] =	ssyncadd.s32 $0xFFFFE000  }
0x46: {  	[bflag:$0x0] =	sbarrier.arrive $0xFFFF  }
0x47: {  	s11 =	rddreg [dreg:$0xe]  }
0x48: {  	[tilespmem:s28], [sflag:$0x3] =	stream.linear.gather [hbm4b:s11+s4], $0x4000, $0x38;
	[tilespmem:$0x19D40] =	vst v63  }
0x49: {  	p1 =	sgt.u32 s15, $0x9C3;
	_ =	swait.ge [sflag:s29], $0x4000  }
0x4a: {  	s0 =	sadd.s32 @!p1 $0x0, s14;
	[sflag:s29] =	ssyncset.done $0x0  }
0x4b: {  	s5 =	simm.s32 @!p1 $0x0;
	p1 =	por p1, p1;
	[sflag:s29] =	ssyncadd.s32 $0xFFFFC000  }
0x4c: {  	[tilespmem:s5], [sflag:$0x1] =	stream.linear.gather @!p1 [hbm4b:s0+s5], $0x80, $0x38;
	[tilespmem:$0x19D40] =	vst v63  }
0x4d: {  	s31 =	simm.s32 @!p1 $0x80;
	s0 =	sadd.s32 @!p1 $0x0, s13  }
0x4e: {  	[tilespmem:s31], [sflag:$0x1] =	stream.linear.gather @!p1 [hbm4b:s0+s5], $0x80, $0x38;
	[tilespmem:$0x19D40] =	vst v63  }
0x4f: {  	s7 =	simm.s32 @!p1 $0x100;
	s6 =	simm.s32 @!p1 $0x1;
	s0 =	sadd.s32 @!p1 $0x0, s12  }
0x50: {  	[tilespmem:s7], [sflag:$0x1] =	stream.linear.gather @!p1 [hbm4b:s0+s5], $0x80, $0x38;
	[tilespmem:$0x19D40] =	vst v63  }
0x51: {  	_ =	swait.ge @!p1 [sflag:s6], $0x80  }
0x52: {  	[sflag:s6] =	ssyncset.done @!p1 $0x0  }
0x53: {  	[sflag:s6] =	ssyncadd.s32 @!p1 $0xFFFFFF80  }
0x54: {  	_ =	swait.ge @!p1 [sflag:s6], $0x80  }
0x55: {  	[sflag:s6] =	ssyncset.done @!p1 $0x0  }
0x56: {  	[sflag:s6] =	ssyncadd.s32 @!p1 $0xFFFFFF80  }
0x57: {  	_ =	swait.ge @!p1 [sflag:s6], $0x80  }
0x58: {  	[sflag:s6] =	ssyncset.done @!p1 $0x0  }
0x59: {  	s0 =	simm.s32 @!p1 $0x180;
	[sflag:s6] =	ssyncadd.s32 @!p1 $0xFFFFFF80  }
0x5a: {  	[spmem:s1] =	stream.indirect.scatter.add.f32 @!p1 [tilespmem:s0], [sflag:$0x2], $0x80, s5, s31, $0xb8;
	[tilespmem:$0x19D40] =	vst v63  }
0x5b: {  	_ = 	snop  }
0x5c: {  	[spmem:s2] =	stream.indirect.scatter.add.f32 @!p1 [tilespmem:s0], [sflag:$0x2], $0x80, s31, s31, $0xb8;
	[tilespmem:$0x19D40] =	vst v63  }
0x5d: {  	s6 =	simm.s32 @!p1 $0x2  }
0x5e: {  	[spmem:s3] =	stream.indirect.scatter.add.f32 @!p1 [tilespmem:s0], [sflag:$0x2], $0x80, s7, s31, $0xb8;
	[tilespmem:$0x19D40] =	vst v63  }
0x5f: {  	_ =	swait.ge @!p1 [sflag:s6], $0x4000  }
0x60: {  	[sflag:s6] =	ssyncset.done @!p1 $0x0  }
0x61: {  	[sflag:s6] =	ssyncadd.s32 @!p1 $0xFFFFC000  }
0x62: {  	_ =	swait.ge @!p1 [sflag:s6], $0x4000  }
0x63: {  	[sflag:s6] =	ssyncset.done @!p1 $0x0  }
0x64: {  	[sflag:s6] =	ssyncadd.s32 @!p1 $0xFFFFC000  }
0x65: {  	s5 =	simm.s32 $0x400;
	s0 =	sadd.s32 $0x20, s15;
	_ =	swait.ge @!p1 [sflag:s6], $0x4000  }
0x66: {  	s31 =	simm.s32 $0x200;
	p3 =	sgt.u32 s0, $0x9C3;
	[sflag:s6] =	ssyncset.done @!p1 $0x0  }
.LBB2_2:
0x67: {  	s7 =	sadd.s32 @!p3 s31, s14;
	s8 =	simm.s32 @!p3 $0x0  }
0x68: {  	[sflag:s6] =	ssyncadd.s32 @!p1 $0xFFFFC000;
	s6 =	smov.u32 s5;
	p1 =	por p3, p3  }
0x69: {  	[tilespmem:s8], [sflag:$0x1] =	stream.linear.gather @!p1 [hbm4b:s7+s8], $0x80, $0x38;
	[tilespmem:$0x19D40] =	vst v63  }
0x6a: {  	s5 =	sadd.s32 $0x200, s5;
	s7 =	sadd.s32 @!p1 s31, s13;
	s9 =	simm.s32 @!p1 $0x80  }
0x6b: {  	[tilespmem:s9], [sflag:$0x1] =	stream.linear.gather @!p1 [hbm4b:s7+s8], $0x80, $0x38;
	[tilespmem:$0x19D40] =	vst v63  }
0x6c: {  	s10 =	simm.s32 @!p1 $0x100;
	s11 =	simm.s32 @!p1 $0x1;
	s7 =	sadd.s32 @!p1 s31, s12  }
0x6d: {  	[tilespmem:s10], [sflag:$0x1] =	stream.linear.gather @!p1 [hbm4b:s7+s8], $0x80, $0x38;
	[tilespmem:$0x19D40] =	vst v63  }
0x6e: {  	p2 =	sne.s32 s5, $0x9E00;
	s31 =	smov.u32 s6;
	_ =	swait.ge @!p1 [sflag:s11], $0x80  }
0x6f: {  	[sflag:s11] =	ssyncset.done @!p1 $0x0  }
0x70: {  	[sflag:s11] =	ssyncadd.s32 @!p1 $0xFFFFFF80  }
0x71: {  	_ =	swait.ge @!p1 [sflag:s11], $0x80  }
0x72: {  	[sflag:s11] =	ssyncset.done @!p1 $0x0  }
0x73: {  	[sflag:s11] =	ssyncadd.s32 @!p1 $0xFFFFFF80  }
0x74: {  	_ =	swait.ge @!p1 [sflag:s11], $0x80  }
0x75: {  	[sflag:s11] =	ssyncset.done @!p1 $0x0  }
0x76: {  	s7 =	simm.s32 @!p1 $0x180;
	[sflag:s11] =	ssyncadd.s32 @!p1 $0xFFFFFF80  }
0x77: {  	[spmem:s1] =	stream.indirect.scatter.add.f32 @!p1 [tilespmem:s7], [sflag:$0x2], $0x80, s8, s9, $0xb8;
	[tilespmem:$0x19D40] =	vst v63  }
0x78: {  	_ = 	snop  }
0x79: {  	[spmem:s2] =	stream.indirect.scatter.add.f32 @!p1 [tilespmem:s7], [sflag:$0x2], $0x80, s9, s9, $0xb8;
	[tilespmem:$0x19D40] =	vst v63  }
0x7a: {  	s6 =	simm.s32 @!p1 $0x2  }
0x7b: {  	[spmem:s3] =	stream.indirect.scatter.add.f32 @!p1 [tilespmem:s7], [sflag:$0x2], $0x80, s10, s9, $0xb8;
	[tilespmem:$0x19D40] =	vst v63  }
0x7c: {  	_ =	swait.ge @!p1 [sflag:s6], $0x4000  }
0x7d: {  	[sflag:s6] =	ssyncset.done @!p1 $0x0  }
0x7e: {  	[sflag:s6] =	ssyncadd.s32 @!p1 $0xFFFFC000  }
.Ltmp0:
0x7f: {  	_ =	swait.ge @!p1 [sflag:s6], $0x4000;
	(pc) =	sbr.rel @p2 .LBB2_2-.Ltmp0, $4  }
0x80: {  	[sflag:s6] =	ssyncset.done @!p1 $0x0  }
0x81: {  	[sflag:s6] =	ssyncadd.s32 @!p1 $0xFFFFC000  }
0x82: {  	s0 =	sadd.s32 $0x20, s0;
	_ =	swait.ge @!p1 [sflag:s6], $0x4000  }
0x83: {  	p3 =	sgt.u32 s0, $0x9C3;
	[sflag:s6] =	ssyncset.done @!p1 $0x0  }
0x84: {  	s0 =	sadd.s32 @!p3 s31, s14  }
0x85: {  	s5 =	simm.s32 @!p3 $0x0;
	[sflag:s6] =	ssyncadd.s32 @!p1 $0xFFFFC000;
	p1 =	por p3, p3  }
0x86: {  	[tilespmem:s5], [sflag:$0x1] =	stream.linear.gather @!p1 [hbm4b:s0+s5], $0x80, $0x38;
	[tilespmem:$0x19D40] =	vst v63  }
0x87: {  	s0 =	sadd.s32 @!p1 s31, s13;
	s6 =	simm.s32 @!p1 $0x80  }
0x88: {  	[tilespmem:s6], [sflag:$0x1] =	stream.linear.gather @!p1 [hbm4b:s0+s5], $0x80, $0x38;
	[tilespmem:$0x19D40] =	vst v63  }
0x89: {  	s7 =	simm.s32 @!p1 $0x100;
	s0 =	sadd.s32 @!p1 s31, s12  }
0x8a: {  	[tilespmem:s7], [sflag:$0x1] =	stream.linear.gather @!p1 [hbm4b:s0+s5], $0x80, $0x38;
	[tilespmem:$0x19D40] =	vst v63  }
0x8b: {  	s0 =	simm.s32 @!p1 $0x1  }
0x8c: {  	_ =	swait.ge @!p1 [sflag:s0], $0x80  }
0x8d: {  	[sflag:s0] =	ssyncset.done @!p1 $0x0  }
0x8e: {  	[sflag:s0] =	ssyncadd.s32 @!p1 $0xFFFFFF80  }
0x8f: {  	_ =	swait.ge @!p1 [sflag:s0], $0x80  }
0x90: {  	[sflag:s0] =	ssyncset.done @!p1 $0x0  }
0x91: {  	[sflag:s0] =	ssyncadd.s32 @!p1 $0xFFFFFF80  }
0x92: {  	_ =	swait.ge @!p1 [sflag:s0], $0x80  }
0x93: {  	[sflag:s0] =	ssyncset.done @!p1 $0x0  }
0x94: {  	[sflag:s0] =	ssyncadd.s32 @!p1 $0xFFFFFF80;
	s0 =	simm.s32 @!p1 $0x180  }
0x95: {  	[spmem:s1] =	stream.indirect.scatter.add.f32 @!p1 [tilespmem:s0], [sflag:$0x2], $0x80, s5, s6, $0xb8;
	[tilespmem:$0x19D40] =	vst v63  }
0x96: {  	_ = 	snop  }
0x97: {  	[spmem:s2] =	stream.indirect.scatter.add.f32 @!p1 [tilespmem:s0], [sflag:$0x2], $0x80, s6, s6, $0xb8;
	[tilespmem:$0x19D40] =	vst v63  }
0x98: {  	_ = 	snop  }
0x99: {  	[spmem:s3] =	stream.indirect.scatter.add.f32 @!p1 [tilespmem:s0], [sflag:$0x2], $0x80, s7, s6, $0xb8;
	[tilespmem:$0x19D40] =	vst v63  }
0x9a: {  	s0 =	simm.s32 @!p1 $0x2  }
0x9b: {  	_ =	swait.ge @!p1 [sflag:s0], $0x4000  }
0x9c: {  	[sflag:s0] =	ssyncset.done @!p1 $0x0  }
0x9d: {  	[sflag:s0] =	ssyncadd.s32 @!p1 $0xFFFFC000  }
0x9e: {  	_ =	swait.ge @!p1 [sflag:s0], $0x4000  }
0x9f: {  	[sflag:s0] =	ssyncset.done @!p1 $0x0  }
0xa0: {  	[sflag:s0] =	ssyncadd.s32 @!p1 $0xFFFFC000  }
0xa1: {  	_ =	swait.ge @!p1 [sflag:s0], $0x4000  }
0xa2: {  	[sflag:s0] =	ssyncset.done @!p1 $0x0  }
0xa3: {  	[sflag:s0] =	ssyncadd.s32 @!p1 $0xFFFFC000  }
0xa4: {  	[bflag:$0x0] =	sbarrier.arrive $0xFFFF  }
0xa5: {  	[tilespmem:s28], [sflag:$0x3] =	stream.linear.gather [spmem:s16], $0x4000, $0x38;
	[tilespmem:$0x19D40] =	vst v63  }
0xa6: {  	_ =	swait.ge [sflag:s29], $0x4000  }
0xa7: {  	[sflag:s29] =	ssyncset.done $0x0  }
0xa8: {  	s8 =	rddreg [dreg:$0x9];
	[sflag:s29] =	ssyncadd.s32 $0xFFFFC000  }
0xa9: {  	[hbm4b:s8+s4] =	stream.linear.scatter [tilespmem:s28], [sflag:$0x3], $0x4000, $0x38;
	[tilespmem:$0x19D40] =	vst v63  }
0xaa: {  	_ =	swait.ge [sflag:s29], $0x4000  }
0xab: {  	[sflag:s29] =	ssyncset.done $0x0  }
0xac: {  	[sflag:s29] =	ssyncadd.s32 $0xFFFFC000  }
0xad: {  	[tilespmem:s28], [sflag:$0x3] =	stream.linear.gather [spmem:s17], $0x4000, $0x38;
	[tilespmem:$0x19D40] =	vst v63  }
0xae: {  	_ =	swait.ge [sflag:s29], $0x4000  }
0xaf: {  	[sflag:s29] =	ssyncset.done $0x0  }
0xb0: {  	s9 =	rddreg [dreg:$0xa];
	[sflag:s29] =	ssyncadd.s32 $0xFFFFC000  }
0xb1: {  	[hbm4b:s9+s4] =	stream.linear.scatter [tilespmem:s28], [sflag:$0x3], $0x4000, $0x38;
	[tilespmem:$0x19D40] =	vst v63  }
0xb2: {  	_ =	swait.ge [sflag:s29], $0x4000  }
0xb3: {  	[sflag:s29] =	ssyncset.done $0x0  }
0xb4: {  	[sflag:s29] =	ssyncadd.s32 $0xFFFFC000  }
0xb5: {  	[tilespmem:s28], [sflag:$0x3] =	stream.linear.gather [spmem:s18], $0x4000, $0x38;
	[tilespmem:$0x19D40] =	vst v63  }
0xb6: {  	_ =	swait.ge [sflag:s29], $0x4000  }
0xb7: {  	[sflag:s29] =	ssyncset.done $0x0  }
0xb8: {  	s10 =	rddreg [dreg:$0xb];
	[sflag:s29] =	ssyncadd.s32 $0xFFFFC000  }
0xb9: {  	[hbm4b:s10+s4] =	stream.linear.scatter [tilespmem:s28], [sflag:$0x3], $0x4000, $0x38;
	[tilespmem:$0x19D40] =	vst v63  }
0xba: {  	_ =	swait.ge [sflag:s29], $0x4000  }
0xbb: {  	[sflag:s29] =	ssyncset.done $0x0  }
0xbc: {  	[sflag:s29] =	ssyncadd.s32 $0xFFFFC000  }
0xbd: {  	[tilespmem:s28], [sflag:$0x3] =	stream.linear.gather [spmem:s19], $0x4000, $0x38;
	[tilespmem:$0x19D40] =	vst v63  }
0xbe: {  	_ =	swait.ge [sflag:s29], $0x4000  }
0xbf: {  	[sflag:s29] =	ssyncset.done $0x0  }
0xc0: {  	s11 =	rddreg [dreg:$0xc];
	[sflag:s29] =	ssyncadd.s32 $0xFFFFC000  }
0xc1: {  	[hbm4b:s11+s4] =	stream.linear.scatter [tilespmem:s28], [sflag:$0x3], $0x4000, $0x38;
	[tilespmem:$0x19D40] =	vst v63  }
0xc2: {  	_ =	swait.ge [sflag:s29], $0x4000  }
0xc3: {  	[sflag:s29] =	ssyncset.done $0x0  }
0xc4: {  	[sflag:s29] =	ssyncadd.s32 $0xFFFFC000  }
0xc5: {  	[tilespmem:s28], [sflag:$0x3] =	stream.linear.gather [spmem:s20], $0x3800, $0x38;
	[tilespmem:$0x19D40] =	vst v63  }
0xc6: {  	_ =	swait.ge [sflag:s29], $0x3800  }
0xc7: {  	[sflag:s29] =	ssyncset.done $0x0  }
0xc8: {  	s31 =	rddreg [dreg:$0xd];
	[sflag:s29] =	ssyncadd.s32 $0xFFFFC800  }
0xc9: {  	[hbm4b:s31+s4] =	stream.linear.scatter [tilespmem:s28], [sflag:$0x3], $0x3800, $0x38;
	[tilespmem:$0x19D40] =	vst v63  }
0xca: {  	_ =	swait.ge [sflag:s29], $0x3800  }
0xcb: {  	[sflag:s29] =	ssyncset.done $0x0  }
0xcc: {  	s5 =	simm.s32 @!p0 $0x3;
	s0 =	simm.s32 @!p0 $0x180;
	[sflag:s29] =	ssyncadd.s32 $0xFFFFC800  }
0xcd: {  	[tilespmem:s0], [sflag:$0x3] =	stream.linear.gather @!p0 [spmem:s26], $0x800, $0x38;
	[tilespmem:$0x19D40] =	vst v63  }
0xce: {  	_ =	swait.ge @!p0 [sflag:s5], $0x800  }
0xcf: {  	[sflag:s5] =	ssyncset.done @!p0 $0x0  }
0xd0: {  	s6 =	simm.s32 @!p0 $0x0;
	[sflag:s5] =	ssyncadd.s32 @!p0 $0xFFFFF800  }
0xd1: {  	[hbm4b:s22+s6] =	stream.linear.scatter @!p0 [tilespmem:s0], [sflag:$0x3], $0x800, $0x38;
	[tilespmem:$0x19D40] =	vst v63  }
0xd2: {  	_ =	swait.ge @!p0 [sflag:s5], $0x800  }
0xd3: {  	[sflag:s5] =	ssyncset.done @!p0 $0x0  }
0xd4: {  	[sflag:s5] =	ssyncadd.s32 @!p0 $0xFFFFF800  }
0xd5: {  	[tilespmem:s0], [sflag:$0x3] =	stream.linear.gather @!p0 [spmem:s2], $0x3400, $0x38;
	[tilespmem:$0x19D40] =	vst v63  }
0xd6: {  	_ =	swait.ge @!p0 [sflag:s5], $0x3400  }
0xd7: {  	[sflag:s5] =	ssyncset.done @!p0 $0x0  }
0xd8: {  	[sflag:s5] =	ssyncadd.s32 @!p0 $0xFFFFCC00  }
0xd9: {  	[hbm4b:s23+s6] =	stream.linear.scatter @!p0 [tilespmem:s0], [sflag:$0x3], $0x3400, $0x38;
	[tilespmem:$0x19D40] =	vst v63  }
0xda: {  	_ =	swait.ge @!p0 [sflag:s5], $0x3400  }
0xdb: {  	[sflag:s5] =	ssyncset.done @!p0 $0x0  }
0xdc: {  	[sflag:s5] =	ssyncadd.s32 @!p0 $0xFFFFCC00  }
0xdd: {  	[tilespmem:s28], [sflag:$0x3] =	stream.linear.gather [spmem:s21], $0x2000, $0x38;
	[tilespmem:$0x19D40] =	vst v63  }
0xde: {  	s30 =	sadd.s32 $0x1, s30;
	_ =	swait.ge [sflag:s29], $0x2000  }
0xdf: {  	p1 =	sne.s32 s30, s25;
	[sflag:s29] =	ssyncset.done $0x0  }
.Ltmp1:
0xe0: {  	[sflag:s29] =	ssyncadd.s32 $0xFFFFE000;
	(pc) =	sbr.rel @p1 .LBB2_1-.Ltmp1, $4  }
0xe1: {  	[hbm4b:s24+s4] =	stream.linear.scatter [tilespmem:s28], [sflag:$0x3], $0x2000, $0x38;
	[tilespmem:$0x19D40] =	vst v63  }
0xe2: {  	_ =	swait.ge [sflag:s29], $0x2000  }
0xe3: {  	[sflag:s29] =	ssyncset.done $0x0  }
0xe4: {  	[sflag:s29] =	ssyncadd.s32 $0xFFFFE000  }
0xe5: {  	_ =	sfence.sel $0x180000  }
0xe6: {  	[bflag:$0x0] =	sbarrier.arrive $0xFFFF  }
0xe7: {  	_ =	strace $0x9000004A  }
0xe8: {  	[bflag:$0x2] =	sbarrier.arrive $0xFFFF  }
0xe9: {  	s0 =	rddreg [dreg:$0x7]  }
0xea: {  	s0 =	sadd.s32 @!p0 $0x100000, s0  }
0xeb: {  	[sflag:s0] =	ssyncadd.tile.s32 @!p0 $0x1;
	_ =	shalt  }
.Lfunc_end2:
_tile_overlayer_lowered:
.L_overlay_start_2:
0xec: {  	(tag) =	ssettag $0x2  }
0xed: {  	s0 =	rddreg [dreg:$0x0];
	s2 =	stileid.u32  }
0xee: {  	s1 =	rddreg [dreg:$0x1];
	p0 =	sne.s32 s2, $0x0  }
0xef: {  	s3 =	rddreg [dreg:$0x2];
	[bflag:$0x3] =	sbarrier.arrive $0xFFFF;
	s2 =	simm.s32 @!p0 $0x1C03  }
0xf0: {  	[timem:s3], [sflag:s2] =	dma.local @!p0 [hbm:s0], s1  }
0xf1: {  	s0 =	simm.s32 @!p0 $0x3  }
0xf2: {  	_ =	swait.ge @!p0 [sflag:s0], s1  }
0xf3: {  	s1 =	ssub.s32 @!p0 $0x0, s1;
	[sflag:s0] =	ssyncset.done @!p0 $0x0  }
0xf4: {  	[sflag:s0] =	ssyncadd.s32 @!p0 s1  }
0xf5: {  	[bflag:$0x3] =	sbarrier.arrive $0xFFFF  }
0xf6: {  	_ =	shalt  }

// kernel: kernel.21.cloned.1.call-start
scs
__scs_entry_jumppad:
0x0: {  	(pc) =	sbr.rel $0x88, $3  }
0x1: {  	(tag) =	ssettag $0x0;
	lr =	simm.s32 $0x1  }
0x2: {  	[smem:$0x3F7C] =	sst lr;
	_ =	strace $0xD0000000  }
0x3: {  	_ = 	snop  }
0x4: {  	_ = 	snop  }
0x5: {  	_ = 	snop  }
0x6: {  	_ = 	snop  }
0x7: {  	_ = 	snop  }
__scs_overlays_trampoline_lowered:
0x8: {  	[smem:$0x3F8B] =	sst s0  }
0x9: {  	[smem:$0x3F8C] =	sst s1  }
0xa: {  	[smem:$0x3F8D] =	sst s2  }
0xb: {  	[smem:$0x3F8E] =	sst s3  }
0xc: {  	[smem:$0x3F8F] =	sst s4  }
0xd: {  	[smem:$0x3F90] =	sst s5  }
0xe: {  	[smem:$0x3F91] =	sst s6  }
0xf: {  	[smem:$0x3F92] =	sst s7  }
0x10: {  	[smem:$0x3F93] =	sst s8  }
0x11: {  	[smem:$0x3F94] =	sst s9;
	s0 =	simm.s32 @!p0 $0x0  }
0x12: {  	s1 =	sld [smem:$0x3F7A];
	s0 =	simm.s32 @p0 $0x1  }
0x13: {  	[smem:$0x3F95] =	sst s0;
	s0 =	simm.s32 @!p1 $0x0  }
0x14: {  	s2 =	sld [smem:$0x3F79];
	s0 =	simm.s32 @p1 $0x1  }
0x15: {  	[smem:$0x3F96] =	sst s0;
	s0 =	simm.s32 @!p2 $0x0  }
0x16: {  	s3 =	sld [smem:$0x3FDB];
	s0 =	simm.s32 @p2 $0x1  }
0x17: {  	s4 =	simm.s32 $0x1BF5;
	[smem:$0x3F98] =	sst s0  }
0x18: {  	s0 =	sld [smem:$0x3F7B];
	_ =	swait.ge [sflag:s4], $0x0  }
0x19: {  	s7 =	sld [smem:$0x3F7C]  }
0x1a: {  	s8 =	sadd.s32 $0xFFFFE003, lr  }
0x1b: {  	s9 =	sadd.s32 $0xFFFFFEF7, lr;
	s5 =	simm.s32 $0xFFFFFFFF;
	p2 =	slt.u32 s8, $0xFFFFF086  }
0x1c: {  	p1 =	slt.u32 s9, $0xF7A;
	s5 =	simm.s32 @!p2 $0x0  }
0x1d: {  	s5 =	simm.s32 @p1 $0x1;
	p0 =	seq.s32 s7, s2  }
0x1e: {  	s7 =	smul.u32 @!p0 $0xF7A, s2;
	p2 =	seq.s32 @!p0 s5, $0x0  }
0x1f: {  	s9 =	smul.u32 $0xF7A, s1;
	s8 =	simm.s32 @!p0 $0x1BF5;
	p2 =	por !p2, p0  }
0x20: {  	[sflag:s8] =	ssyncset.s32 @!p0 $0xFFFFF086;
	s6 =	sadd.s32 @!p0 s3, s7;
	s7 =	simm.s32 @!p0 $0x108  }
0x21: {  	s3 =	sadd.s32 s3, s9;
	s6 =	sadd.s32 @!p0 $0x88, s6;
	s7 =	simm.s32 @p2 $0x1082  }
0x22: {  	[simem:s7], [sflag:s8] =	dma.local @!p0 [hbm:s6], $0xF7A  }
0x23: {  	s9 =	sor.u32 $0xD0000000, s2;
	s6 =	simm.s32 $0x108;
	_ =	swait.ge @!p0 [sflag:s8], $0x0  }
0x24: {  	s3 =	sadd.s32 $0x88, s3;
	s6 =	simm.s32 @!p1 $0x1082;
	[sflag:s4] =	ssyncset.s32 $0xFFFFF086  }
0x25: {  	[simem:s6], [sflag:s4] =	dma.local [hbm:s3], $0xF7A  }
0x26: {  	[smem:$0x3F7C] =	sst s1;
	(tag) =	ssettag s2;
	_ =	strace s9  }
0x27: {  	s1 =	sld [smem:$0x3F8C]  }
0x28: {  	s2 =	sld [smem:$0x3F8D]  }
0x29: {  	s4 =	sld [smem:$0x3F8F]  }
0x2a: {  	p0 =	seq.s32 s5, $0x0;
	s5 =	sld [smem:$0x3F90]  }
0x2b: {  	s6 =	sld [smem:$0x3F91]  }
0x2c: {  	s7 =	sld [smem:$0x3F92]  }
0x2d: {  	s3 =	simm.s32 $0x108;
	s8 =	sld [smem:$0x3F93]  }
0x2e: {  	s3 =	simm.s32 @!p0 $0x1082;
	s9 =	sld [smem:$0x3F94]  }
0x2f: {  	lr =	sadd.s32 s0, s3;
	s0 =	sld [smem:$0x3F8B]  }
0x30: {  	s3 =	sld [smem:$0x3F8E]  }
0x31: {  	[smem:$0x3F97] =	sst s10  }
0x32: {  	s10 =	sld [smem:$0x3F95];
	_ =	sdelay $0x3  }
0x33: {  	p0 =	seq.s32 s10, $0x1;
	s10 =	sld [smem:$0x3F97];
	_ =	sdelay $0x3  }
0x34: {  	[smem:$0x3F97] =	sst s10  }
0x35: {  	s10 =	sld [smem:$0x3F96];
	_ =	sdelay $0x3  }
0x36: {  	p1 =	seq.s32 s10, $0x1;
	s10 =	sld [smem:$0x3F97];
	_ =	sdelay $0x3  }
0x37: {  	[smem:$0x3F97] =	sst s10  }
0x38: {  	s10 =	sld [smem:$0x3F98]  }
0x39: {  	_ = 	snop;
	(pc) =	sbr.ind lr, $3  }
0x3a: {  	_ = 	snop  }
0x3b: {  	_ = 	snop  }
0x3c: {  	p2 =	seq.s32 s10, $0x1;
	s10 =	sld [smem:$0x3F97]  }
0x3d: {  	_ =	shalt  }
0x3e: {  	_ =	shalt  }
0x3f: {  	_ =	shalt  }
0x40: {  	_ =	shalt  }
0x41: {  	_ =	shalt  }
0x42: {  	_ =	shalt  }
0x43: {  	_ =	shalt  }
0x44: {  	_ =	shalt  }
0x45: {  	_ =	shalt  }
0x46: {  	_ =	shalt  }
0x47: {  	_ =	shalt  }
0x48: {  	_ =	shalt  }
0x49: {  	_ =	shalt  }
0x4a: {  	_ =	shalt  }
0x4b: {  	_ =	shalt  }
0x4c: {  	_ =	shalt  }
0x4d: {  	_ =	shalt  }
0x4e: {  	_ =	shalt  }
0x4f: {  	_ =	shalt  }
0x50: {  	_ =	shalt  }
0x51: {  	_ =	shalt  }
0x52: {  	_ =	shalt  }
0x53: {  	_ =	shalt  }
0x54: {  	_ =	shalt  }
0x55: {  	_ =	shalt  }
0x56: {  	_ =	shalt  }
0x57: {  	_ =	shalt  }
0x58: {  	_ =	shalt  }
0x59: {  	_ =	shalt  }
0x5a: {  	_ =	shalt  }
0x5b: {  	_ =	shalt  }
0x5c: {  	_ =	shalt  }
0x5d: {  	_ =	shalt  }
0x5e: {  	_ =	shalt  }
0x5f: {  	_ =	shalt  }
0x60: {  	_ =	shalt  }
0x61: {  	_ =	shalt  }
0x62: {  	_ =	shalt  }
0x63: {  	_ =	shalt  }
0x64: {  	_ =	shalt  }
0x65: {  	_ =	shalt  }
0x66: {  	_ =	shalt  }
0x67: {  	_ =	shalt  }
0x68: {  	_ =	shalt  }
0x69: {  	_ =	shalt  }
0x6a: {  	_ =	shalt  }
0x6b: {  	_ =	shalt  }
0x6c: {  	_ =	shalt  }
0x6d: {  	_ =	shalt  }
0x6e: {  	_ =	shalt  }
0x6f: {  	_ =	shalt  }
0x70: {  	_ =	shalt  }
0x71: {  	_ =	shalt  }
0x72: {  	_ =	shalt  }
0x73: {  	_ =	shalt  }
0x74: {  	_ =	shalt  }
0x75: {  	_ =	shalt  }
0x76: {  	_ =	shalt  }
0x77: {  	_ =	shalt  }
0x78: {  	_ =	shalt  }
0x79: {  	_ =	shalt  }
0x7a: {  	_ =	shalt  }
0x7b: {  	_ =	shalt  }
0x7c: {  	_ =	shalt  }
0x7d: {  	_ =	shalt  }
0x7e: {  	_ =	shalt  }
0x7f: {  	_ =	shalt  }
0x80: {  	_ =	shalt  }
0x81: {  	_ =	shalt  }
0x82: {  	_ =	shalt  }
0x83: {  	_ =	shalt  }
0x84: {  	_ =	shalt  }
0x85: {  	_ =	shalt  }
0x86: {  	_ =	shalt  }
0x87: {  	_ =	shalt  }
.Lfunc_end0:
.L_simem_size_0:
called_computation.1_lowered:
.L_overlay_start_0:
0x88: {  	s2 =	sld [smem:$0x3FD9]  }
0x89: {  	s3 =	sld [smem:$0x3FFE];
	_ =	sdelay $0x1  }
0x8a: {  	s1 =	srdreg.scid  }
0x8b: {  	s0 =	sand.u32 $0x1, s1  }
0x8c: {  	s17 =	sshll.u32 s0, $0xA;
	s2 =	sadd.s32 s3, s2  }
0x8d: {  	s2 =	sadd.s32 s2, s17  }
0x8e: {  	[smem:$0x3FA3] =	sst s2  }
0x8f: {  	_ = 	snop  }
0x90: {  	s2 =	sld [smem:$0x3FC6]  }
0x91: {  	s18 =	sld [smem:$0x3FC5];
	(tm) =	ssettm $0x1  }
0x92: {  	s4 =	sld [smem:$0x3FFB];
	_ =	sdelay $0x3  }
0x93: {  	_ =	strace s4  }
0x94: {  	s4 =	sld [smem:$0x3FFC];
	_ =	sdelay $0x3  }
0x95: {  	_ =	strace s4  }
0x96: {  	s4 =	sld [smem:$0x3FFD];
	_ =	sdelay $0x3  }
0x97: {  	_ =	strace s4  }
0x98: {  	_ =	strace $0x8FFFFFFF  }
0x99: {  	s19 =	sld [smem:$0x3FDB];
	_ =	sdelay $0x1  }
0x9a: {  	s5 =	simm.s32 $_scs_section_size  }
0x9b: {  	s6 =	simm.s32 $_size__tile_overlayer_lowered;
	s7 =	simm.s32 $_tile_overlayer_lowered  }
0x9c: {  	s22 =	simm.s32 $0x1BFF;
	s21 =	sshll.u32 s7, $0x1;
	s4 =	sadd.s32 s5, s19  }
0x9d: {  	s8 =	simm.s32 $0x0;
	s20 =	sshll.u32 s6, $0x1;
	s6 =	sadd.s32 s21, s4  }
0x9e: {  	[timem:s8], [sflag:s22] =	dma.local [hbm:s6], s20  }
0x9f: {  	_ =	swait.ge [sflag:s22], s20  }
0xa0: {  	s5 =	ssub.s32 $0x0, s20;
	[sflag:s22] =	ssyncset.done $0x0  }
0xa1: {  	[sflag:s22] =	ssyncadd.s32 s5;
	_ =	sdelay $0x1  }
0xa2: {  	s23 =	simm.s32 $0x1B8B  }
0xa3: {  	_ =	swait.ge [sflag:s23], $0x1  }
0xa4: {  	[sflag:s23] =	ssyncset.done $0x0  }
0xa5: {  	s25 =	simm.s32 $0x1B8E;
	s24 =	sld [smem:$0x3FFE];
	[sflag:s23] =	ssyncadd.s32 $0xFFFFFFFF  }
0xa6: {  	s26 =	simm.s32 $execute0_lowered;
	[smem:$0x3FD2] =	sst s25  }
0xa7: {  	s6 =	sshll.u32 s26, $0x1;
	_ =	strace $0x80000046;
	[dreg:$0x1] =	wrdreg $0xFFFFFFFF  }
0xa8: {  	s28 =	simm.s32 $_size_execute0_lowered;
	s4 =	sadd.s32 s4, s6;
	[dreg:$0x0] =	wrdreg $0x0  }
0xa9: {  	s6 =	sshll.u32 s28, $0x1;
	[dreg:$0x2] =	wrdreg s4  }
0xaa: {  	[dreg:$0x3] =	wrdreg s6  }
0xab: {  	[dreg:$0x4] =	wrdreg $0xC0  }
0xac: {  	_ =	task [dreg:s8], $0x5FFFF  }
0xad: {  	[dreg:$0x1] =	wrdreg $0xFFFFFFFF  }
0xae: {  	[dreg:$0x0] =	wrdreg $0x60  }
0xaf: {  	[dreg:$0x2] =	wrdreg s24  }
0xb0: {  	[dreg:$0x3] =	wrdreg s2  }
0xb1: {  	[dreg:$0x4] =	wrdreg s18  }
0xb2: {  	[dreg:$0x5] =	wrdreg $0x81000  }
0xb3: {  	[dreg:$0x6] =	wrdreg $0x1B9800  }
0xb4: {  	[dreg:$0x7] =	wrdreg $0xA  }
0xb5: {  	_ =	task.clear_ibuf [dreg:s8], $0x8FFFF;
	_ =	strace $0x90000046  }
0xb6: {  	s29 =	simm.s32 $0xA;
	_ =	strace $0x80000048  }
0xb7: {  	_ =	swait.ge [sflag:s29], $0x1  }
0xb8: {  	[sflag:s29] =	ssyncadd.s32 $0xFFFFFFFF  }
0xb9: {  	_ =	strace $0x90000048  }
0xba: {  	_ =	sfence  }
0xbb: {  	s30 =	sld [smem:$0x0];
	_ =	sdelay $0x2  }
0xbc: {  	s31 =	sshll.u32 s1, $0xD;
	s1 =	sshrl.u32 s1, $0x2  }
0xbd: {  	s3 =	sand.u32 $0x4000, s31;
	s1 =	sadd.s32 s1, s30  }
0xbe: {  	s0 =	sor.u32 s3, s0;
	s1 =	sshll.u32 s1, $0x11  }
0xbf: {  	s0 =	sor.u32 s1, s0  }
0xc0: {  	s0 =	sadd.s32 $0x8F2B, s0  }
0xc1: {  	[sflag:s0] =	ssyncadd.remote.s32 $0x1  }
0xc2: {  	_ =	sfence.sel $0xFFFF  }
0xc3: {  	[dreg:$0x0] =	wrdreg $0xFFFFFFFF;
	(pc) =	sbr.abs _section_cstart, $3  }
0xc4: {  	[dreg:$0x1] =	wrdreg $0xFFFFFFFF  }
0xc5: {  	_ =	task.clear_ibuf [dreg:s8], $0x2FFFF;
	_ =	strace $0x9FFFFFFF  }
0xc6: {  	(tm) =	ssettm $0x7FFFFFFF  }
0xc7: {  	_ =	shalt  }
tec
execute0_lowered:
.L_overlay_start_1:
0x0: {  	(tag) =	ssettag $0x1  }
0x1: {  	s0 =	rddreg [dreg:$0x0]  }
0x2: {  	s4 =	rddreg [dreg:$0x1]  }
0x3: {  	s20 =	rddreg [dreg:$0x2]  }
0x4: {  	s1 =	rddreg [dreg:$0x3]  }
0x5: {  	s2 =	rddreg [dreg:$0x4]  }
0x6: {  	s5 =	srdreg.scid;
	s3 =	simm.s32 $0x0;
	s24 =	stileid.u32  }
0x7: {  	s21 =	sand.u32 $0x1, s5;
	[smem:$0x7FF] =	sst s3;
	s17 =	smul.u32 $0x4E000, s24  }
0x8: {  	s16 =	sshll.u32 s24, $0xC;
	s7 =	sadd.s32 $0x1391C00, s0;
	s12 =	smul.u32 $0x13800, s24  }
0x9: {  	s5 =	sshll.u32 s24, $0x1;
	s11 =	sadd.s32 $0x138000, s1;
	p0 =	sne.s32 s24, $0x0  }
0xa: {  	s6 =	smul.u32 $0x680, s21;
	_ =	strace $0x80000047;
	s22 =	sadd.s32 s16, s0  }
0xb: {  	[dreg:$0x6] =	wrdreg s7;
	s18 =	ssub.s32 $0x2, s21;
	s16 =	sadd.s32 $0x1392400, s0  }
0xc: {  	s30 =	sshll.u32 s21, $0x4;
	s19 =	sshrl.u32 s18, $0x1;
	s23 =	sshrl.u32 s17, $0x2  }
0xd: {  	s13 =	sadd.s32 $0x4000, s12;
	s14 =	sadd.s32 $0x8000, s12;
	s15 =	sadd.s32 $0xC000, s12  }
0xe: {  	s17 =	smul.u32 $0x138800, s21;
	s0 =	sadd.s32 s6, s0;
	s19 =	ssub.s32 s18, s19  }
0xf: {  	s6 =	sadd.s32 s23, s1;
	s7 =	sadd.s32 s13, s1;
	s8 =	sadd.s32 s14, s1  }
0x10: {  	s9 =	sadd.s32 s15, s1;
	s18 =	sadd.s32 $0x10000, s12;
	s23 =	sshll.u32 s24, $0x5  }
0x11: {  	s24 =	simm.s32 $0x100;
	s10 =	sadd.s32 s18, s1;
	s12 =	sadd.s32 s12, s17  }
0x12: {  	s13 =	sadd.s32 s17, s13;
	s14 =	sadd.s32 s17, s14;
	s15 =	sadd.s32 s17, s15  }
0x13: {  	s18 =	sadd.s32 s17, s18;
	s17 =	sshrl.u32 s17, $0x3;
	s19 =	smax.u32 s19, $0x1  }
0x14: {  	s29 =	sadd.s32 s23, s20;
	s4 =	sadd.s32 s23, s4;
	s12 =	sshrl.u32 s12, $0x3  }
0x15: {  	s13 =	sshrl.u32 s13, $0x3;
	s14 =	sshrl.u32 s14, $0x3;
	s15 =	sshrl.u32 s15, $0x3  }
0x16: {  	s18 =	sshrl.u32 s18, $0x3;
	s17 =	sadd.s32 s16, s17;
	s12 =	sadd.s32 s16, s12  }
0x17: {  	s20 =	sadd.s32 s30, s29;
	s25 =	sadd.s32 s16, s13;
	[dreg:$0x7] =	wrdreg s12  }
0x18: {  	s26 =	sadd.s32 s16, s14;
	s28 =	sadd.s32 s16, s15;
	[dreg:$0x8] =	wrdreg s25  }
0x19: {  	s16 =	sadd.s32 s16, s18;
	s17 =	sadd.s32 $0x27000, s17;
	[dreg:$0x9] =	wrdreg s26  }
0x1a: {  	s18 =	sadd.s32 $0x13E0600, s0;
	[dreg:$0xa] =	wrdreg s28;
	s25 =	sshll.u32 s21, $0xB  }
0x1b: {  	s21 =	sadd.s32 s30, s4;
	s26 =	simm.s32 $0x0;
	s31 =	sadd.s32 s25, s22  }
0x1c: {  	s25 =	simm.s32 $0x3;
	s22 =	sadd.s32 $0x4EBC00, s31;
	s23 =	sadd.s32 $0x9C00, s31  }
.LBB2_1:
0x1d: {  	s0 =	rddreg [dreg:$0x6]  }
0x1e: {  	[tilespmem:s24], [sflag:$0x3] =	stream.linear.gather [hbm4b:s0+s3], $0x4000, $0x38;
	[tilespmem:$0x1BCC0] =	vst v63  }
0x1f: {  	_ =	swait.ge [sflag:s25], $0x4000  }
0x20: {  	[sflag:s25] =	ssyncset.done $0x0  }
0x21: {  	[sflag:s25] =	ssyncadd.s32 $0xFFFFC000  }
0x22: {  	[spmem:s6] =	stream.linear.scatter [tilespmem:s24], [sflag:$0x3], $0x4000, $0x38;
	[tilespmem:$0x1BCC0] =	vst v63  }
0x23: {  	_ =	swait.ge [sflag:s25], $0x4000  }
0x24: {  	[sflag:s25] =	ssyncset.done $0x0  }
0x25: {  	[sflag:s25] =	ssyncadd.s32 $0xFFFFC000  }
0x26: {  	[spmem:s7] =	stream.linear.scatter [tilespmem:s24], [sflag:$0x3], $0x4000, $0x38;
	[tilespmem:$0x1BCC0] =	vst v63  }
0x27: {  	_ =	swait.ge [sflag:s25], $0x4000  }
0x28: {  	[sflag:s25] =	ssyncset.done $0x0  }
0x29: {  	[sflag:s25] =	ssyncadd.s32 $0xFFFFC000  }
0x2a: {  	[spmem:s8] =	stream.linear.scatter [tilespmem:s24], [sflag:$0x3], $0x4000, $0x38;
	[tilespmem:$0x1BCC0] =	vst v63  }
0x2b: {  	_ =	swait.ge [sflag:s25], $0x4000  }
0x2c: {  	[sflag:s25] =	ssyncset.done $0x0  }
0x2d: {  	[sflag:s25] =	ssyncadd.s32 $0xFFFFC000  }
0x2e: {  	[spmem:s9] =	stream.linear.scatter [tilespmem:s24], [sflag:$0x3], $0x4000, $0x38;
	[tilespmem:$0x1BCC0] =	vst v63  }
0x2f: {  	_ =	swait.ge [sflag:s25], $0x4000  }
0x30: {  	[sflag:s25] =	ssyncset.done $0x0  }
0x31: {  	[sflag:s25] =	ssyncadd.s32 $0xFFFFC000  }
0x32: {  	[spmem:s10] =	stream.linear.scatter [tilespmem:s24], [sflag:$0x3], $0x3800, $0x38;
	[tilespmem:$0x1BCC0] =	vst v63  }
0x33: {  	_ =	swait.ge [sflag:s25], $0x3800  }
0x34: {  	[sflag:s25] =	ssyncset.done $0x0  }
0x35: {  	s4 =	simm.s32 @!p0 $0x3;
	s0 =	simm.s32 @!p0 $0x100;
	[sflag:s25] =	ssyncadd.s32 $0xFFFFC800  }
0x36: {  	[spmem:s11] =	stream.linear.scatter @!p0 [tilespmem:s0], [sflag:$0x3], $0x800, $0x38;
	[tilespmem:$0x1BCC0] =	vst v63  }
0x37: {  	_ =	swait.ge @!p0 [sflag:s4], $0x800  }
0x38: {  	[sflag:s4] =	ssyncset.done @!p0 $0x0  }
0x39: {  	[sflag:s4] =	ssyncadd.s32 @!p0 $0xFFFFF800  }
0x3a: {  	[spmem:s2] =	stream.linear.scatter @!p0 [tilespmem:s0], [sflag:$0x3], $0x3400, $0x38;
	[tilespmem:$0x1BCC0] =	vst v63  }
0x3b: {  	_ =	swait.ge @!p0 [sflag:s4], $0x3400  }
0x3c: {  	p1 =	sgt.u32 s5, $0x9C3;
	[sflag:s4] =	ssyncset.done @!p0 $0x0  }
0x3d: {  	s0 =	sadd.s32 @!p1 $0x0, s21;
	[sflag:s4] =	ssyncadd.s32 @!p0 $0xFFFFCC00  }
0x3e: {  	s4 =	simm.s32 @!p1 $0x0;
	p1 =	por p1, p1;
	[bflag:$0x0] =	sbarrier.arrive $0xFFFF  }
0x3f: {  	[tilespmem:s4], [sflag:$0x1] =	stream.linear.gather @!p1 [hbm4b:s0+s4], $0x80, $0x38;
	[tilespmem:$0x1BCC0] =	vst v63  }
0x40: {  	s28 =	simm.s32 @!p1 $0x80;
	s0 =	sadd.s32 @!p1 $0x0, s20  }
0x41: {  	[tilespmem:s28], [sflag:$0x1] =	stream.linear.gather @!p1 [hbm4b:s0+s4], $0x80, $0x38;
	[tilespmem:$0x1BCC0] =	vst v63  }
0x42: {  	s0 =	simm.s32 @!p1 $0x100  }
0x43: {  	[tilespmem:s0], [sflag:$0x1] =	stream.linear.gather @!p1 [hbm4b:s23+s4], $0x4000, $0x38;
	[tilespmem:$0x1BCC0] =	vst v63  }
0x44: {  	s29 =	simm.s32 @!p1 $0x4100;
	s30 =	simm.s32 @!p1 $0x1  }
0x45: {  	[tilespmem:s29], [sflag:$0x1] =	stream.linear.gather @!p1 [hbm4b:s22+s4], $0x4000, $0x38;
	[tilespmem:$0x1BCC0] =	vst v63  }
0x46: {  	_ =	swait.ge @!p1 [sflag:s30], $0x80  }
0x47: {  	[sflag:s30] =	ssyncset.done @!p1 $0x0  }
0x48: {  	[sflag:s30] =	ssyncadd.s32 @!p1 $0xFFFFFF80  }
0x49: {  	_ =	swait.ge @!p1 [sflag:s30], $0x80  }
0x4a: {  	[sflag:s30] =	ssyncset.done @!p1 $0x0  }
0x4b: {  	[sflag:s30] =	ssyncadd.s32 @!p1 $0xFFFFFF80  }
0x4c: {  	_ =	swait.ge @!p1 [sflag:s30], $0x4000  }
0x4d: {  	[sflag:s30] =	ssyncset.done @!p1 $0x0  }
0x4e: {  	[sflag:s30] =	ssyncadd.s32 @!p1 $0xFFFFC000  }
0x4f: {  	_ =	swait.ge @!p1 [sflag:s30], $0x4000  }
0x50: {  	[sflag:s30] =	ssyncset.done @!p1 $0x0  }
0x51: {  	[sflag:s30] =	ssyncadd.s32 @!p1 $0xFFFFC000  }
0x52: {  	[spmem:s1] =	stream.indirect.scatter.add.f32 @!p1 [tilespmem:s0], [sflag:$0x2], $0x80, s4, s28, $0xb8;
	[tilespmem:$0x1BCC0] =	vst v63  }
0x53: {  	s4 =	simm.s32 @!p1 $0x2  }
0x54: {  	[spmem:s2] =	stream.indirect.scatter.add.f32 @!p1 [tilespmem:s29], [sflag:$0x2], $0x80, s28, s28, $0xb8;
	[tilespmem:$0x1BCC0] =	vst v63  }
0x55: {  	_ =	swait.ge @!p1 [sflag:s4], $0x4000  }
0x56: {  	[sflag:s4] =	ssyncset.done @!p1 $0x0  }
0x57: {  	s31 =	simm.s32 $0x400;
	s0 =	sadd.s32 $0x20, s5;
	[sflag:s4] =	ssyncadd.s32 @!p1 $0xFFFFC000  }
0x58: {  	s30 =	simm.s32 $0x200;
	p3 =	sgt.u32 s0, $0x9C3;
	_ =	swait.ge @!p1 [sflag:s4], $0x4000  }
0x59: {  	s28 =	sadd.s32 $0x10000, s23;
	s29 =	sadd.s32 $0x10000, s22;
	[sflag:s4] =	ssyncset.done @!p1 $0x0  }
.LBB2_2:
0x5a: {  	s12 =	sadd.s32 @!p3 s30, s21;
	s13 =	simm.s32 @!p3 $0x0  }
0x5b: {  	[sflag:s4] =	ssyncadd.s32 @!p1 $0xFFFFC000;
	s4 =	smov.u32 s31;
	p1 =	por p3, p3  }
0x5c: {  	[tilespmem:s13], [sflag:$0x1] =	stream.linear.gather @!p1 [hbm4b:s12+s13], $0x80, $0x38;
	[tilespmem:$0x1BCC0] =	vst v63  }
0x5d: {  	s31 =	sadd.s32 $0x200, s31;
	s12 =	sadd.s32 @!p1 s30, s20;
	s14 =	simm.s32 @!p1 $0x80  }
0x5e: {  	[tilespmem:s14], [sflag:$0x1] =	stream.linear.gather @!p1 [hbm4b:s12+s13], $0x80, $0x38;
	[tilespmem:$0x1BCC0] =	vst v63  }
0x5f: {  	p2 =	sne.s32 s31, $0x9E00;
	s30 =	smov.u32 s4;
	s12 =	simm.s32 @!p1 $0x100  }
0x60: {  	[tilespmem:s12], [sflag:$0x1] =	stream.linear.gather @!p1 [hbm4b:s28+s13], $0x4000, $0x38;
	[tilespmem:$0x1BCC0] =	vst v63  }
0x61: {  	s15 =	simm.s32 @!p1 $0x4100;
	s4 =	simm.s32 @!p1 $0x1  }
0x62: {  	[tilespmem:s15], [sflag:$0x1] =	stream.linear.gather @!p1 [hbm4b:s29+s13], $0x4000, $0x38;
	[tilespmem:$0x1BCC0] =	vst v63  }
0x63: {  	_ =	swait.ge @!p1 [sflag:s4], $0x80  }
0x64: {  	[sflag:s4] =	ssyncset.done @!p1 $0x0  }
0x65: {  	[sflag:s4] =	ssyncadd.s32 @!p1 $0xFFFFFF80  }
0x66: {  	_ =	swait.ge @!p1 [sflag:s4], $0x80  }
0x67: {  	[sflag:s4] =	ssyncset.done @!p1 $0x0  }
0x68: {  	[sflag:s4] =	ssyncadd.s32 @!p1 $0xFFFFFF80  }
0x69: {  	_ =	swait.ge @!p1 [sflag:s4], $0x4000  }
0x6a: {  	[sflag:s4] =	ssyncset.done @!p1 $0x0  }
0x6b: {  	[sflag:s4] =	ssyncadd.s32 @!p1 $0xFFFFC000  }
0x6c: {  	_ =	swait.ge @!p1 [sflag:s4], $0x4000  }
0x6d: {  	[sflag:s4] =	ssyncset.done @!p1 $0x0  }
0x6e: {  	[sflag:s4] =	ssyncadd.s32 @!p1 $0xFFFFC000  }
0x6f: {  	[spmem:s1] =	stream.indirect.scatter.add.f32 @!p1 [tilespmem:s12], [sflag:$0x2], $0x80, s13, s14, $0xb8;
	[tilespmem:$0x1BCC0] =	vst v63  }
0x70: {  	s4 =	simm.s32 @!p1 $0x2  }
0x71: {  	[spmem:s2] =	stream.indirect.scatter.add.f32 @!p1 [tilespmem:s15], [sflag:$0x2], $0x80, s14, s14, $0xb8;
	[tilespmem:$0x1BCC0] =	vst v63  }
.Ltmp0:
0x72: {  	_ =	swait.ge @!p1 [sflag:s4], $0x4000;
	(pc) =	sbr.rel @p2 .LBB2_2-.Ltmp0, $4  }
0x73: {  	[sflag:s4] =	ssyncset.done @!p1 $0x0  }
0x74: {  	[sflag:s4] =	ssyncadd.s32 @!p1 $0xFFFFC000  }
0x75: {  	s0 =	sadd.s32 $0x20, s0;
	s28 =	sadd.s32 $0x10000, s28;
	_ =	swait.ge @!p1 [sflag:s4], $0x4000  }
0x76: {  	p3 =	sgt.u32 s0, $0x9C3;
	s29 =	sadd.s32 $0x10000, s29;
	[sflag:s4] =	ssyncset.done @!p1 $0x0  }
0x77: {  	s0 =	sadd.s32 @!p3 s30, s21  }
0x78: {  	[sflag:s4] =	ssyncadd.s32 @!p1 $0xFFFFC000;
	s4 =	simm.s32 @!p3 $0x0;
	p1 =	por p3, p3  }
0x79: {  	[tilespmem:s4], [sflag:$0x1] =	stream.linear.gather @!p1 [hbm4b:s0+s4], $0x80, $0x38;
	[tilespmem:$0x1BCC0] =	vst v63  }
0x7a: {  	s0 =	sadd.s32 @!p1 s30, s20;
	s12 =	simm.s32 @!p1 $0x80  }
0x7b: {  	[tilespmem:s12], [sflag:$0x1] =	stream.linear.gather @!p1 [hbm4b:s0+s4], $0x80, $0x38;
	[tilespmem:$0x1BCC0] =	vst v63  }
0x7c: {  	s0 =	simm.s32 @!p1 $0x100  }
0x7d: {  	[tilespmem:s0], [sflag:$0x1] =	stream.linear.gather @!p1 [hbm4b:s28+s4], $0x4000, $0x38;
	[tilespmem:$0x1BCC0] =	vst v63  }
0x7e: {  	s13 =	simm.s32 @!p1 $0x4100;
	s14 =	simm.s32 @!p1 $0x1  }
0x7f: {  	[tilespmem:s13], [sflag:$0x1] =	stream.linear.gather @!p1 [hbm4b:s29+s4], $0x4000, $0x38;
	[tilespmem:$0x1BCC0] =	vst v63  }
0x80: {  	_ =	swait.ge @!p1 [sflag:s14], $0x80  }
0x81: {  	[sflag:s14] =	ssyncset.done @!p1 $0x0  }
0x82: {  	[sflag:s14] =	ssyncadd.s32 @!p1 $0xFFFFFF80  }
0x83: {  	_ =	swait.ge @!p1 [sflag:s14], $0x80  }
0x84: {  	[sflag:s14] =	ssyncset.done @!p1 $0x0  }
0x85: {  	[sflag:s14] =	ssyncadd.s32 @!p1 $0xFFFFFF80  }
0x86: {  	_ =	swait.ge @!p1 [sflag:s14], $0x4000  }
0x87: {  	[sflag:s14] =	ssyncset.done @!p1 $0x0  }
0x88: {  	[sflag:s14] =	ssyncadd.s32 @!p1 $0xFFFFC000  }
0x89: {  	_ =	swait.ge @!p1 [sflag:s14], $0x4000  }
0x8a: {  	[sflag:s14] =	ssyncset.done @!p1 $0x0  }
0x8b: {  	[sflag:s14] =	ssyncadd.s32 @!p1 $0xFFFFC000  }
0x8c: {  	[spmem:s1] =	stream.indirect.scatter.add.f32 @!p1 [tilespmem:s0], [sflag:$0x2], $0x80, s4, s12, $0xb8;
	[tilespmem:$0x1BCC0] =	vst v63  }
0x8d: {  	s0 =	simm.s32 @!p1 $0x2  }
0x8e: {  	[spmem:s2] =	stream.indirect.scatter.add.f32 @!p1 [tilespmem:s13], [sflag:$0x2], $0x80, s12, s12, $0xb8;
	[tilespmem:$0x1BCC0] =	vst v63  }
0x8f: {  	_ =	swait.ge @!p1 [sflag:s0], $0x4000  }
0x90: {  	[sflag:s0] =	ssyncset.done @!p1 $0x0  }
0x91: {  	[sflag:s0] =	ssyncadd.s32 @!p1 $0xFFFFC000  }
0x92: {  	_ =	swait.ge @!p1 [sflag:s0], $0x4000  }
0x93: {  	[sflag:s0] =	ssyncset.done @!p1 $0x0  }
0x94: {  	[sflag:s0] =	ssyncadd.s32 @!p1 $0xFFFFC000  }
0x95: {  	[bflag:$0x0] =	sbarrier.arrive $0xFFFF  }
0x96: {  	[tilespmem:s24], [sflag:$0x3] =	stream.linear.gather [spmem:s6], $0x4000, $0x38;
	[tilespmem:$0x1BCC0] =	vst v63  }
0x97: {  	_ =	swait.ge [sflag:s25], $0x4000  }
0x98: {  	[sflag:s25] =	ssyncset.done $0x0  }
0x99: {  	s28 =	rddreg [dreg:$0x7];
	[sflag:s25] =	ssyncadd.s32 $0xFFFFC000  }
0x9a: {  	[hbm4b:s28+s3] =	stream.linear.scatter [tilespmem:s24], [sflag:$0x3], $0x4000, $0x38;
	[tilespmem:$0x1BCC0] =	vst v63  }
0x9b: {  	_ =	swait.ge [sflag:s25], $0x4000  }
0x9c: {  	[sflag:s25] =	ssyncset.done $0x0  }
0x9d: {  	[sflag:s25] =	ssyncadd.s32 $0xFFFFC000  }
0x9e: {  	[tilespmem:s24], [sflag:$0x3] =	stream.linear.gather [spmem:s7], $0x4000, $0x38;
	[tilespmem:$0x1BCC0] =	vst v63  }
0x9f: {  	_ =	swait.ge [sflag:s25], $0x4000  }
0xa0: {  	[sflag:s25] =	ssyncset.done $0x0  }
0xa1: {  	s29 =	rddreg [dreg:$0x8];
	[sflag:s25] =	ssyncadd.s32 $0xFFFFC000  }
0xa2: {  	[hbm4b:s29+s3] =	stream.linear.scatter [tilespmem:s24], [sflag:$0x3], $0x4000, $0x38;
	[tilespmem:$0x1BCC0] =	vst v63  }
0xa3: {  	_ =	swait.ge [sflag:s25], $0x4000  }
0xa4: {  	[sflag:s25] =	ssyncset.done $0x0  }
0xa5: {  	[sflag:s25] =	ssyncadd.s32 $0xFFFFC000  }
0xa6: {  	[tilespmem:s24], [sflag:$0x3] =	stream.linear.gather [spmem:s8], $0x4000, $0x38;
	[tilespmem:$0x1BCC0] =	vst v63  }
0xa7: {  	_ =	swait.ge [sflag:s25], $0x4000  }
0xa8: {  	[sflag:s25] =	ssyncset.done $0x0  }
0xa9: {  	s30 =	rddreg [dreg:$0x9];
	[sflag:s25] =	ssyncadd.s32 $0xFFFFC000  }
0xaa: {  	[hbm4b:s30+s3] =	stream.linear.scatter [tilespmem:s24], [sflag:$0x3], $0x4000, $0x38;
	[tilespmem:$0x1BCC0] =	vst v63  }
0xab: {  	_ =	swait.ge [sflag:s25], $0x4000  }
0xac: {  	[sflag:s25] =	ssyncset.done $0x0  }
0xad: {  	[sflag:s25] =	ssyncadd.s32 $0xFFFFC000  }
0xae: {  	[tilespmem:s24], [sflag:$0x3] =	stream.linear.gather [spmem:s9], $0x4000, $0x38;
	[tilespmem:$0x1BCC0] =	vst v63  }
0xaf: {  	_ =	swait.ge [sflag:s25], $0x4000  }
0xb0: {  	[sflag:s25] =	ssyncset.done $0x0  }
0xb1: {  	s31 =	rddreg [dreg:$0xa];
	[sflag:s25] =	ssyncadd.s32 $0xFFFFC000  }
0xb2: {  	[hbm4b:s31+s3] =	stream.linear.scatter [tilespmem:s24], [sflag:$0x3], $0x4000, $0x38;
	[tilespmem:$0x1BCC0] =	vst v63  }
0xb3: {  	_ =	swait.ge [sflag:s25], $0x4000  }
0xb4: {  	[sflag:s25] =	ssyncset.done $0x0  }
0xb5: {  	[sflag:s25] =	ssyncadd.s32 $0xFFFFC000  }
0xb6: {  	[tilespmem:s24], [sflag:$0x3] =	stream.linear.gather [spmem:s10], $0x3800, $0x38;
	[tilespmem:$0x1BCC0] =	vst v63  }
0xb7: {  	_ =	swait.ge [sflag:s25], $0x3800  }
0xb8: {  	[sflag:s25] =	ssyncset.done $0x0  }
0xb9: {  	[sflag:s25] =	ssyncadd.s32 $0xFFFFC800  }
0xba: {  	[hbm4b:s16+s3] =	stream.linear.scatter [tilespmem:s24], [sflag:$0x3], $0x3800, $0x38;
	[tilespmem:$0x1BCC0] =	vst v63  }
0xbb: {  	_ =	swait.ge [sflag:s25], $0x3800  }
0xbc: {  	[sflag:s25] =	ssyncset.done $0x0  }
0xbd: {  	s4 =	simm.s32 @!p0 $0x3;
	s0 =	simm.s32 @!p0 $0x100;
	[sflag:s25] =	ssyncadd.s32 $0xFFFFC800  }
0xbe: {  	[tilespmem:s0], [sflag:$0x3] =	stream.linear.gather @!p0 [spmem:s11], $0x800, $0x38;
	[tilespmem:$0x1BCC0] =	vst v63  }
0xbf: {  	_ =	swait.ge @!p0 [sflag:s4], $0x800  }
0xc0: {  	[sflag:s4] =	ssyncset.done @!p0 $0x0  }
0xc1: {  	s12 =	simm.s32 @!p0 $0x0;
	[sflag:s4] =	ssyncadd.s32 @!p0 $0xFFFFF800  }
0xc2: {  	[hbm4b:s17+s12] =	stream.linear.scatter @!p0 [tilespmem:s0], [sflag:$0x3], $0x800, $0x38;
	[tilespmem:$0x1BCC0] =	vst v63  }
0xc3: {  	_ =	swait.ge @!p0 [sflag:s4], $0x800  }
0xc4: {  	[sflag:s4] =	ssyncset.done @!p0 $0x0  }
0xc5: {  	[sflag:s4] =	ssyncadd.s32 @!p0 $0xFFFFF800  }
0xc6: {  	[tilespmem:s0], [sflag:$0x3] =	stream.linear.gather @!p0 [spmem:s2], $0x3400, $0x38;
	[tilespmem:$0x1BCC0] =	vst v63  }
0xc7: {  	s26 =	sadd.s32 $0x1, s26;
	_ =	swait.ge @!p0 [sflag:s4], $0x3400  }
0xc8: {  	p1 =	sne.s32 s26, s19;
	[sflag:s4] =	ssyncset.done @!p0 $0x0  }
.Ltmp1:
0xc9: {  	[sflag:s4] =	ssyncadd.s32 @!p0 $0xFFFFCC00;
	(pc) =	sbr.rel @p1 .LBB2_1-.Ltmp1, $4  }
0xca: {  	[hbm4b:s18+s12] =	stream.linear.scatter @!p0 [tilespmem:s0], [sflag:$0x3], $0x3400, $0x38;
	[tilespmem:$0x1BCC0] =	vst v63  }
0xcb: {  	_ =	swait.ge @!p0 [sflag:s4], $0x3400  }
0xcc: {  	[sflag:s4] =	ssyncset.done @!p0 $0x0  }
0xcd: {  	[sflag:s4] =	ssyncadd.s32 @!p0 $0xFFFFCC00  }
0xce: {  	_ =	sfence.sel $0x180000  }
0xcf: {  	[bflag:$0x0] =	sbarrier.arrive $0xFFFF  }
0xd0: {  	_ =	strace $0x90000047  }
0xd1: {  	[bflag:$0x2] =	sbarrier.arrive $0xFFFF  }
0xd2: {  	s0 =	rddreg [dreg:$0x5]  }
0xd3: {  	s0 =	sadd.s32 @!p0 $0x100000, s0  }
0xd4: {  	[sflag:s0] =	ssyncadd.tile.s32 @!p0 $0x1;
	_ =	shalt  }
.Lfunc_end2:
_tile_overlayer_lowered:
.L_overlay_start_2:
0xd5: {  	(tag) =	ssettag $0x2  }
0xd6: {  	s0 =	rddreg [dreg:$0x0];
	s2 =	stileid.u32  }
0xd7: {  	s1 =	rddreg [dreg:$0x1];
	p0 =	sne.s32 s2, $0x0  }
0xd8: {  	s3 =	rddreg [dreg:$0x2];
	[bflag:$0x3] =	sbarrier.arrive $0xFFFF;
	s2 =	simm.s32 @!p0 $0x1C03  }
0xd9: {  	[timem:s3], [sflag:s2] =	dma.local @!p0 [hbm:s0], s1  }
0xda: {  	s0 =	simm.s32 @!p0 $0x3  }
0xdb: {  	_ =	swait.ge @!p0 [sflag:s0], s1  }
0xdc: {  	s1 =	ssub.s32 @!p0 $0x0, s1;
	[sflag:s0] =	ssyncset.done @!p0 $0x0  }
0xdd: {  	[sflag:s0] =	ssyncadd.s32 @!p0 s1  }
0xde: {  	[bflag:$0x3] =	sbarrier.arrive $0xFFFF  }
0xdf: {  	_ =	shalt  }

// kernel: kernel.24.cloned.1.call-start
scs
__scs_entry_jumppad:
0x0: {  	(pc) =	sbr.rel $0x88, $3  }
0x1: {  	(tag) =	ssettag $0x0;
	lr =	simm.s32 $0x1  }
0x2: {  	[smem:$0x3F7C] =	sst lr;
	_ =	strace $0xD0000000  }
0x3: {  	_ = 	snop  }
0x4: {  	_ = 	snop  }
0x5: {  	_ = 	snop  }
0x6: {  	_ = 	snop  }
0x7: {  	_ = 	snop  }
__scs_overlays_trampoline_lowered:
0x8: {  	[smem:$0x3F8B] =	sst s0  }
0x9: {  	[smem:$0x3F8C] =	sst s1  }
0xa: {  	[smem:$0x3F8D] =	sst s2  }
0xb: {  	[smem:$0x3F8E] =	sst s3  }
0xc: {  	[smem:$0x3F8F] =	sst s4  }
0xd: {  	[smem:$0x3F90] =	sst s5  }
0xe: {  	[smem:$0x3F91] =	sst s6  }
0xf: {  	[smem:$0x3F92] =	sst s7  }
0x10: {  	[smem:$0x3F93] =	sst s8  }
0x11: {  	[smem:$0x3F94] =	sst s9;
	s0 =	simm.s32 @!p0 $0x0  }
0x12: {  	s1 =	sld [smem:$0x3F7A];
	s0 =	simm.s32 @p0 $0x1  }
0x13: {  	[smem:$0x3F95] =	sst s0;
	s0 =	simm.s32 @!p1 $0x0  }
0x14: {  	s2 =	sld [smem:$0x3F79];
	s0 =	simm.s32 @p1 $0x1  }
0x15: {  	[smem:$0x3F96] =	sst s0;
	s0 =	simm.s32 @!p2 $0x0  }
0x16: {  	s3 =	sld [smem:$0x3FDB];
	s0 =	simm.s32 @p2 $0x1  }
0x17: {  	s4 =	simm.s32 $0x1BF5;
	[smem:$0x3F98] =	sst s0  }
0x18: {  	s0 =	sld [smem:$0x3F7B];
	_ =	swait.ge [sflag:s4], $0x0  }
0x19: {  	s7 =	sld [smem:$0x3F7C]  }
0x1a: {  	s8 =	sadd.s32 $0xFFFFE003, lr  }
0x1b: {  	s9 =	sadd.s32 $0xFFFFFEF7, lr;
	s5 =	simm.s32 $0xFFFFFFFF;
	p2 =	slt.u32 s8, $0xFFFFF086  }
0x1c: {  	p1 =	slt.u32 s9, $0xF7A;
	s5 =	simm.s32 @!p2 $0x0  }
0x1d: {  	s5 =	simm.s32 @p1 $0x1;
	p0 =	seq.s32 s7, s2  }
0x1e: {  	s7 =	smul.u32 @!p0 $0xF7A, s2;
	p2 =	seq.s32 @!p0 s5, $0x0  }
0x1f: {  	s9 =	smul.u32 $0xF7A, s1;
	s8 =	simm.s32 @!p0 $0x1BF5;
	p2 =	por !p2, p0  }
0x20: {  	[sflag:s8] =	ssyncset.s32 @!p0 $0xFFFFF086;
	s6 =	sadd.s32 @!p0 s3, s7;
	s7 =	simm.s32 @!p0 $0x108  }
0x21: {  	s3 =	sadd.s32 s3, s9;
	s6 =	sadd.s32 @!p0 $0x88, s6;
	s7 =	simm.s32 @p2 $0x1082  }
0x22: {  	[simem:s7], [sflag:s8] =	dma.local @!p0 [hbm:s6], $0xF7A  }
0x23: {  	s9 =	sor.u32 $0xD0000000, s2;
	s6 =	simm.s32 $0x108;
	_ =	swait.ge @!p0 [sflag:s8], $0x0  }
0x24: {  	s3 =	sadd.s32 $0x88, s3;
	s6 =	simm.s32 @!p1 $0x1082;
	[sflag:s4] =	ssyncset.s32 $0xFFFFF086  }
0x25: {  	[simem:s6], [sflag:s4] =	dma.local [hbm:s3], $0xF7A  }
0x26: {  	[smem:$0x3F7C] =	sst s1;
	(tag) =	ssettag s2;
	_ =	strace s9  }
0x27: {  	s1 =	sld [smem:$0x3F8C]  }
0x28: {  	s2 =	sld [smem:$0x3F8D]  }
0x29: {  	s4 =	sld [smem:$0x3F8F]  }
0x2a: {  	p0 =	seq.s32 s5, $0x0;
	s5 =	sld [smem:$0x3F90]  }
0x2b: {  	s6 =	sld [smem:$0x3F91]  }
0x2c: {  	s7 =	sld [smem:$0x3F92]  }
0x2d: {  	s3 =	simm.s32 $0x108;
	s8 =	sld [smem:$0x3F93]  }
0x2e: {  	s3 =	simm.s32 @!p0 $0x1082;
	s9 =	sld [smem:$0x3F94]  }
0x2f: {  	lr =	sadd.s32 s0, s3;
	s0 =	sld [smem:$0x3F8B]  }
0x30: {  	s3 =	sld [smem:$0x3F8E]  }
0x31: {  	[smem:$0x3F97] =	sst s10  }
0x32: {  	s10 =	sld [smem:$0x3F95];
	_ =	sdelay $0x3  }
0x33: {  	p0 =	seq.s32 s10, $0x1;
	s10 =	sld [smem:$0x3F97];
	_ =	sdelay $0x3  }
0x34: {  	[smem:$0x3F97] =	sst s10  }
0x35: {  	s10 =	sld [smem:$0x3F96];
	_ =	sdelay $0x3  }
0x36: {  	p1 =	seq.s32 s10, $0x1;
	s10 =	sld [smem:$0x3F97];
	_ =	sdelay $0x3  }
0x37: {  	[smem:$0x3F97] =	sst s10  }
0x38: {  	s10 =	sld [smem:$0x3F98]  }
0x39: {  	_ = 	snop;
	(pc) =	sbr.ind lr, $3  }
0x3a: {  	_ = 	snop  }
0x3b: {  	_ = 	snop  }
0x3c: {  	p2 =	seq.s32 s10, $0x1;
	s10 =	sld [smem:$0x3F97]  }
0x3d: {  	_ =	shalt  }
0x3e: {  	_ =	shalt  }
0x3f: {  	_ =	shalt  }
0x40: {  	_ =	shalt  }
0x41: {  	_ =	shalt  }
0x42: {  	_ =	shalt  }
0x43: {  	_ =	shalt  }
0x44: {  	_ =	shalt  }
0x45: {  	_ =	shalt  }
0x46: {  	_ =	shalt  }
0x47: {  	_ =	shalt  }
0x48: {  	_ =	shalt  }
0x49: {  	_ =	shalt  }
0x4a: {  	_ =	shalt  }
0x4b: {  	_ =	shalt  }
0x4c: {  	_ =	shalt  }
0x4d: {  	_ =	shalt  }
0x4e: {  	_ =	shalt  }
0x4f: {  	_ =	shalt  }
0x50: {  	_ =	shalt  }
0x51: {  	_ =	shalt  }
0x52: {  	_ =	shalt  }
0x53: {  	_ =	shalt  }
0x54: {  	_ =	shalt  }
0x55: {  	_ =	shalt  }
0x56: {  	_ =	shalt  }
0x57: {  	_ =	shalt  }
0x58: {  	_ =	shalt  }
0x59: {  	_ =	shalt  }
0x5a: {  	_ =	shalt  }
0x5b: {  	_ =	shalt  }
0x5c: {  	_ =	shalt  }
0x5d: {  	_ =	shalt  }
0x5e: {  	_ =	shalt  }
0x5f: {  	_ =	shalt  }
0x60: {  	_ =	shalt  }
0x61: {  	_ =	shalt  }
0x62: {  	_ =	shalt  }
0x63: {  	_ =	shalt  }
0x64: {  	_ =	shalt  }
0x65: {  	_ =	shalt  }
0x66: {  	_ =	shalt  }
0x67: {  	_ =	shalt  }
0x68: {  	_ =	shalt  }
0x69: {  	_ =	shalt  }
0x6a: {  	_ =	shalt  }
0x6b: {  	_ =	shalt  }
0x6c: {  	_ =	shalt  }
0x6d: {  	_ =	shalt  }
0x6e: {  	_ =	shalt  }
0x6f: {  	_ =	shalt  }
0x70: {  	_ =	shalt  }
0x71: {  	_ =	shalt  }
0x72: {  	_ =	shalt  }
0x73: {  	_ =	shalt  }
0x74: {  	_ =	shalt  }
0x75: {  	_ =	shalt  }
0x76: {  	_ =	shalt  }
0x77: {  	_ =	shalt  }
0x78: {  	_ =	shalt  }
0x79: {  	_ =	shalt  }
0x7a: {  	_ =	shalt  }
0x7b: {  	_ =	shalt  }
0x7c: {  	_ =	shalt  }
0x7d: {  	_ =	shalt  }
0x7e: {  	_ =	shalt  }
0x7f: {  	_ =	shalt  }
0x80: {  	_ =	shalt  }
0x81: {  	_ =	shalt  }
0x82: {  	_ =	shalt  }
0x83: {  	_ =	shalt  }
0x84: {  	_ =	shalt  }
0x85: {  	_ =	shalt  }
0x86: {  	_ =	shalt  }
0x87: {  	_ =	shalt  }
.Lfunc_end0:
.L_simem_size_0:
called_computation.2_lowered:
.L_overlay_start_0:
0x88: {  	s2 =	sld [smem:$0x3FD9]  }
0x89: {  	s3 =	sld [smem:$0x3FFE];
	_ =	sdelay $0x1  }
0x8a: {  	s1 =	srdreg.scid  }
0x8b: {  	s0 =	sand.u32 $0x1, s1  }
0x8c: {  	s17 =	sshll.u32 s0, $0xA;
	s2 =	sadd.s32 s3, s2  }
0x8d: {  	s2 =	sadd.s32 s2, s17  }
0x8e: {  	[smem:$0x3FA3] =	sst s2  }
0x8f: {  	_ = 	snop  }
0x90: {  	s2 =	sld [smem:$0x3FC6]  }
0x91: {  	s18 =	sld [smem:$0x3FC5];
	(tm) =	ssettm $0x1  }
0x92: {  	s4 =	sld [smem:$0x3FFB];
	_ =	sdelay $0x3  }
0x93: {  	_ =	strace s4  }
0x94: {  	s4 =	sld [smem:$0x3FFC];
	_ =	sdelay $0x3  }
0x95: {  	_ =	strace s4  }
0x96: {  	s4 =	sld [smem:$0x3FFD];
	_ =	sdelay $0x3  }
0x97: {  	_ =	strace s4  }
0x98: {  	_ =	strace $0x8FFFFFFF  }
0x99: {  	s19 =	sld [smem:$0x3FDB];
	_ =	sdelay $0x1  }
0x9a: {  	s5 =	simm.s32 $_scs_section_size  }
0x9b: {  	s6 =	simm.s32 $_size__tile_overlayer_lowered;
	s7 =	simm.s32 $_tile_overlayer_lowered  }
0x9c: {  	s22 =	simm.s32 $0x1BFF;
	s21 =	sshll.u32 s7, $0x1;
	s4 =	sadd.s32 s5, s19  }
0x9d: {  	s8 =	simm.s32 $0x0;
	s20 =	sshll.u32 s6, $0x1;
	s6 =	sadd.s32 s21, s4  }
0x9e: {  	[timem:s8], [sflag:s22] =	dma.local [hbm:s6], s20  }
0x9f: {  	_ =	swait.ge [sflag:s22], s20  }
0xa0: {  	s5 =	ssub.s32 $0x0, s20;
	[sflag:s22] =	ssyncset.done $0x0  }
0xa1: {  	[sflag:s22] =	ssyncadd.s32 s5;
	_ =	sdelay $0x1  }
0xa2: {  	s23 =	simm.s32 $0x1B8B  }
0xa3: {  	_ =	swait.ge [sflag:s23], $0x1  }
0xa4: {  	[sflag:s23] =	ssyncset.done $0x0  }
0xa5: {  	s25 =	simm.s32 $0x1B8E;
	s24 =	sld [smem:$0x3FFE];
	[sflag:s23] =	ssyncadd.s32 $0xFFFFFFFF  }
0xa6: {  	s26 =	simm.s32 $execute0_lowered;
	[smem:$0x3FD2] =	sst s25  }
0xa7: {  	s6 =	sshll.u32 s26, $0x1;
	_ =	strace $0x8000004C;
	[dreg:$0x1] =	wrdreg $0xFFFFFFFF  }
0xa8: {  	s28 =	simm.s32 $_size_execute0_lowered;
	s4 =	sadd.s32 s4, s6;
	[dreg:$0x0] =	wrdreg $0x0  }
0xa9: {  	s6 =	sshll.u32 s28, $0x1;
	[dreg:$0x2] =	wrdreg s4  }
0xaa: {  	[dreg:$0x3] =	wrdreg s6  }
0xab: {  	[dreg:$0x4] =	wrdreg $0xC0  }
0xac: {  	_ =	task [dreg:s8], $0x5FFFF  }
0xad: {  	[dreg:$0x1] =	wrdreg $0xFFFFFFFF  }
0xae: {  	[dreg:$0x0] =	wrdreg $0x60  }
0xaf: {  	[dreg:$0x2] =	wrdreg s24  }
0xb0: {  	[dreg:$0x3] =	wrdreg s2  }
0xb1: {  	[dreg:$0x4] =	wrdreg s18  }
0xb2: {  	[dreg:$0x5] =	wrdreg $0x9  }
0xb3: {  	_ =	task.clear_ibuf [dreg:s8], $0x6FFFF;
	_ =	strace $0x9000004C  }
0xb4: {  	s29 =	simm.s32 $0x9;
	_ =	strace $0x8000004E  }
0xb5: {  	_ =	swait.ge [sflag:s29], $0x1  }
0xb6: {  	[sflag:s29] =	ssyncadd.s32 $0xFFFFFFFF  }
0xb7: {  	_ =	strace $0x9000004E  }
0xb8: {  	_ =	sfence  }
0xb9: {  	s30 =	sld [smem:$0x0];
	_ =	sdelay $0x2  }
0xba: {  	s31 =	sshll.u32 s1, $0xD;
	s1 =	sshrl.u32 s1, $0x2  }
0xbb: {  	s3 =	sand.u32 $0x4000, s31;
	s1 =	sadd.s32 s1, s30  }
0xbc: {  	s0 =	sor.u32 s3, s0;
	s1 =	sshll.u32 s1, $0x11  }
0xbd: {  	s0 =	sor.u32 s1, s0  }
0xbe: {  	s0 =	sadd.s32 $0x8F2B, s0  }
0xbf: {  	[sflag:s0] =	ssyncadd.remote.s32 $0x1  }
0xc0: {  	_ =	sfence.sel $0xFFFF  }
0xc1: {  	[dreg:$0x0] =	wrdreg $0xFFFFFFFF;
	(pc) =	sbr.abs _section_cstart, $3  }
0xc2: {  	[dreg:$0x1] =	wrdreg $0xFFFFFFFF  }
0xc3: {  	_ =	task.clear_ibuf [dreg:s8], $0x2FFFF;
	_ =	strace $0x9FFFFFFF  }
0xc4: {  	(tm) =	ssettm $0x7FFFFFFF  }
0xc5: {  	_ =	shalt  }
tec
execute0_lowered:
.L_overlay_start_1:
0x0: {  	(tag) =	ssettag $0x1  }
0x1: {  	s5 =	rddreg [dreg:$0x0]  }
0x2: {  	s8 =	rddreg [dreg:$0x1]  }
0x3: {  	s7 =	rddreg [dreg:$0x2]  }
0x4: {  	s0 =	rddreg [dreg:$0x3];
	s1 =	simm.s32 $0x0;
	s2 =	srdreg.scid  }
0x5: {  	[smem:$0x7FF] =	sst s1;
	s9 =	sand.u32 $0x1, s2  }
0x6: {  	s2 =	stileid.u32;
	s3 =	sadd.s32 $0x1392400, s5;
	s4 =	sadd.s32 $0x13B9600, s5  }
0x7: {  	_ =	strace $0x8000004D;
	s6 =	ssub.s32 $0x2, s9;
	s10 =	sshll.u32 s2, $0xC  }
0x8: {  	s31 =	sshll.u32 s2, $0x5;
	s12 =	sshll.u32 s9, $0x4;
	s9 =	sshll.u32 s9, $0xB  }
0x9: {  	s11 =	sshrl.u32 s6, $0x1;
	s10 =	sadd.s32 s10, s5;
	s5 =	sshll.u32 s2, $0x1  }
0xa: {  	s7 =	sadd.s32 s31, s7;
	s8 =	sadd.s32 s31, s8;
	s6 =	ssub.s32 s6, s11  }
0xb: {  	s7 =	sadd.s32 s12, s7;
	s10 =	sadd.s32 s9, s10;
	s8 =	sadd.s32 s12, s8  }
0xc: {  	s6 =	smax.u32 s6, $0x1;
	s9 =	sadd.s32 $0x191AC00, s10;
	s10 =	sadd.s32 $0x1438C00, s10  }
.LBB2_1:
0xd: {  	p0 =	sgt.u32 s5, $0x9C3  }
0xe: {  	s11 =	sadd.s32 @!p0 $0x0, s8;
	s12 =	simm.s32 @!p0 $0x0  }
0xf: {  	[tilespmem:s12], [sflag:$0x3] =	stream.linear.gather @!p0 [hbm4b:s11+s12], $0x80, $0x38;
	[tilespmem:$0x8100] =	vst v63  }
0x10: {  	s13 =	simm.s32 @!p0 $0x80;
	s14 =	simm.s32 @!p0 $0x3;
	s11 =	sadd.s32 @!p0 $0x0, s7  }
0x11: {  	[tilespmem:s13], [sflag:$0x3] =	stream.linear.gather @!p0 [hbm4b:s11+s12], $0x80, $0x38;
	[tilespmem:$0x8100] =	vst v63  }
0x12: {  	_ =	swait.ge @!p0 [sflag:s14], $0x80  }
0x13: {  	[sflag:s14] =	ssyncset.done @!p0 $0x0;
	p0 =	por p0, p0  }
0x14: {  	[sflag:s14] =	ssyncadd.s32 @!p0 $0xFFFFFF80  }
0x15: {  	_ =	swait.ge @!p0 [sflag:s14], $0x80  }
0x16: {  	[sflag:s14] =	ssyncset.done @!p0 $0x0  }
0x17: {  	s11 =	simm.s32 @!p0 $0x100;
	[sflag:s14] =	ssyncadd.s32 @!p0 $0xFFFFFF80  }
0x18: {  	[tilespmem:s11], [sflag:$0x1] =	stream.indirect.gather @!p0 [hbm4b:s3+s13], $0x80, s12, s13, $0xb8;
	[tilespmem:$0x8100] =	vst v63  }
0x19: {  	s15 =	simm.s32 @!p0 $0x1;
	s14 =	simm.s32 @!p0 $0x4100  }
0x1a: {  	[tilespmem:s14], [sflag:$0x2] =	stream.indirect.gather @!p0 [hbm4b:s4+s13], $0x80, s13, s13, $0xb8;
	[tilespmem:$0x8100] =	vst v63  }
0x1b: {  	_ =	swait.ge @!p0 [sflag:s15], $0x4000  }
0x1c: {  	[sflag:s15] =	ssyncset.done @!p0 $0x0  }
0x1d: {  	s16 =	simm.s32 @!p0 $0x2;
	[sflag:s15] =	ssyncadd.s32 @!p0 $0xFFFFC000  }
0x1e: {  	_ =	swait.ge @!p0 [sflag:s16], $0x4000  }
0x1f: {  	[sflag:s16] =	ssyncset.done @!p0 $0x0  }
0x20: {  	[sflag:s16] =	ssyncadd.s32 @!p0 $0xFFFFC000  }
0x21: {  	[hbm4b:s10+s12] =	stream.linear.scatter @!p0 [tilespmem:s11], [sflag:$0x1], $0x4000, $0x38;
	[tilespmem:$0x8100] =	vst v63  }
0x22: {  	_ = 	snop  }
0x23: {  	[hbm4b:s9+s12] =	stream.linear.scatter @!p0 [tilespmem:s14], [sflag:$0x2], $0x4000, $0x38;
	[tilespmem:$0x8100] =	vst v63  }
0x24: {  	_ =	swait.ge @!p0 [sflag:s15], $0x4000  }
0x25: {  	[sflag:s15] =	ssyncset.done @!p0 $0x0  }
0x26: {  	s13 =	simm.s32 $0x400;
	s11 =	sadd.s32 $0x10000, s10;
	[sflag:s15] =	ssyncadd.s32 @!p0 $0xFFFFC000  }
0x27: {  	s14 =	simm.s32 $0x200;
	s15 =	sadd.s32 $0x20, s5;
	_ =	swait.ge @!p0 [sflag:s16], $0x4000  }
0x28: {  	s12 =	sadd.s32 $0x10000, s9;
	p2 =	sgt.u32 s15, $0x9C3;
	[sflag:s16] =	ssyncset.done @!p0 $0x0  }
.LBB2_2:
0x29: {  	s17 =	sadd.s32 @!p2 s14, s8;
	s18 =	simm.s32 @!p2 $0x0;
	[sflag:s16] =	ssyncadd.s32 @!p0 $0xFFFFC000  }
0x2a: {  	[tilespmem:s18], [sflag:$0x3] =	stream.linear.gather @!p2 [hbm4b:s17+s18], $0x80, $0x38;
	[tilespmem:$0x8100] =	vst v63  }
0x2b: {  	s14 =	sadd.s32 @!p2 s14, s7;
	s16 =	simm.s32 @!p2 $0x80;
	s17 =	simm.s32 @!p2 $0x3  }
0x2c: {  	[tilespmem:s16], [sflag:$0x3] =	stream.linear.gather @!p2 [hbm4b:s14+s18], $0x80, $0x38;
	[tilespmem:$0x8100] =	vst v63  }
0x2d: {  	s14 =	smov.u32 s13;
	s13 =	sadd.s32 $0x200, s13;
	_ =	swait.ge @!p2 [sflag:s17], $0x80  }
0x2e: {  	p0 =	por p2, p2;
	p1 =	sne.s32 s13, $0x9E00;
	[sflag:s17] =	ssyncset.done @!p2 $0x0  }
0x2f: {  	[sflag:s17] =	ssyncadd.s32 @!p0 $0xFFFFFF80  }
0x30: {  	_ =	swait.ge @!p0 [sflag:s17], $0x80  }
0x31: {  	[sflag:s17] =	ssyncset.done @!p0 $0x0  }
0x32: {  	[sflag:s17] =	ssyncadd.s32 @!p0 $0xFFFFFF80;
	s17 =	simm.s32 @!p0 $0x100  }
0x33: {  	[tilespmem:s17], [sflag:$0x1] =	stream.indirect.gather @!p0 [hbm4b:s3+s16], $0x80, s18, s16, $0xb8;
	[tilespmem:$0x8100] =	vst v63  }
0x34: {  	s19 =	simm.s32 @!p0 $0x4100;
	s20 =	simm.s32 @!p0 $0x1  }
0x35: {  	[tilespmem:s19], [sflag:$0x2] =	stream.indirect.gather @!p0 [hbm4b:s4+s16], $0x80, s16, s16, $0xb8;
	[tilespmem:$0x8100] =	vst v63  }
0x36: {  	_ =	swait.ge @!p0 [sflag:s20], $0x4000  }
0x37: {  	[sflag:s20] =	ssyncset.done @!p0 $0x0  }
0x38: {  	s16 =	simm.s32 @!p0 $0x2;
	[sflag:s20] =	ssyncadd.s32 @!p0 $0xFFFFC000  }
0x39: {  	_ =	swait.ge @!p0 [sflag:s16], $0x4000  }
0x3a: {  	[sflag:s16] =	ssyncset.done @!p0 $0x0  }
0x3b: {  	[sflag:s16] =	ssyncadd.s32 @!p0 $0xFFFFC000  }
0x3c: {  	[hbm4b:s11+s18] =	stream.linear.scatter @!p0 [tilespmem:s17], [sflag:$0x1], $0x4000, $0x38;
	[tilespmem:$0x8100] =	vst v63  }
0x3d: {  	_ = 	snop  }
0x3e: {  	[hbm4b:s12+s18] =	stream.linear.scatter @!p0 [tilespmem:s19], [sflag:$0x2], $0x4000, $0x38;
	[tilespmem:$0x8100] =	vst v63  }
.Ltmp0:
0x3f: {  	_ =	swait.ge @!p0 [sflag:s20], $0x4000;
	(pc) =	sbr.rel @p1 .LBB2_2-.Ltmp0, $4  }
0x40: {  	[sflag:s20] =	ssyncset.done @!p0 $0x0  }
0x41: {  	[sflag:s20] =	ssyncadd.s32 @!p0 $0xFFFFC000  }
0x42: {  	s15 =	sadd.s32 $0x20, s15;
	s11 =	sadd.s32 $0x10000, s11;
	_ =	swait.ge @!p0 [sflag:s16], $0x4000  }
0x43: {  	p2 =	sgt.u32 s15, $0x9C3;
	s12 =	sadd.s32 $0x10000, s12;
	[sflag:s16] =	ssyncset.done @!p0 $0x0  }
0x44: {  	s13 =	sadd.s32 @!p2 s14, s8;
	s15 =	simm.s32 @!p2 $0x0;
	[sflag:s16] =	ssyncadd.s32 @!p0 $0xFFFFC000  }
0x45: {  	[tilespmem:s15], [sflag:$0x3] =	stream.linear.gather @!p2 [hbm4b:s13+s15], $0x80, $0x38;
	[tilespmem:$0x8100] =	vst v63  }
0x46: {  	s16 =	simm.s32 @!p2 $0x3;
	s13 =	sadd.s32 @!p2 s14, s7;
	s14 =	simm.s32 @!p2 $0x80  }
0x47: {  	[tilespmem:s14], [sflag:$0x3] =	stream.linear.gather @!p2 [hbm4b:s13+s15], $0x80, $0x38;
	[tilespmem:$0x8100] =	vst v63  }
0x48: {  	_ =	swait.ge @!p2 [sflag:s16], $0x80  }
0x49: {  	p0 =	por p2, p2;
	[sflag:s16] =	ssyncset.done @!p2 $0x0  }
0x4a: {  	[sflag:s16] =	ssyncadd.s32 @!p0 $0xFFFFFF80  }
0x4b: {  	_ =	swait.ge @!p0 [sflag:s16], $0x80  }
0x4c: {  	[sflag:s16] =	ssyncset.done @!p0 $0x0  }
0x4d: {  	s13 =	simm.s32 @!p0 $0x100;
	[sflag:s16] =	ssyncadd.s32 @!p0 $0xFFFFFF80  }
0x4e: {  	[tilespmem:s13], [sflag:$0x1] =	stream.indirect.gather @!p0 [hbm4b:s3+s14], $0x80, s15, s14, $0xb8;
	[tilespmem:$0x8100] =	vst v63  }
0x4f: {  	s17 =	simm.s32 @!p0 $0x1;
	s16 =	simm.s32 @!p0 $0x4100  }
0x50: {  	[tilespmem:s16], [sflag:$0x2] =	stream.indirect.gather @!p0 [hbm4b:s4+s14], $0x80, s14, s14, $0xb8;
	[tilespmem:$0x8100] =	vst v63  }
0x51: {  	_ =	swait.ge @!p0 [sflag:s17], $0x4000  }
0x52: {  	[sflag:s17] =	ssyncset.done @!p0 $0x0  }
0x53: {  	s14 =	simm.s32 @!p0 $0x2;
	[sflag:s17] =	ssyncadd.s32 @!p0 $0xFFFFC000  }
0x54: {  	_ =	swait.ge @!p0 [sflag:s14], $0x4000  }
0x55: {  	[sflag:s14] =	ssyncset.done @!p0 $0x0  }
0x56: {  	[sflag:s14] =	ssyncadd.s32 @!p0 $0xFFFFC000  }
0x57: {  	[hbm4b:s11+s15] =	stream.linear.scatter @!p0 [tilespmem:s13], [sflag:$0x1], $0x4000, $0x38;
	[tilespmem:$0x8100] =	vst v63  }
0x58: {  	s1 =	sadd.s32 $0x1, s1  }
0x59: {  	[hbm4b:s12+s15] =	stream.linear.scatter @!p0 [tilespmem:s16], [sflag:$0x2], $0x4000, $0x38;
	[tilespmem:$0x8100] =	vst v63  }
0x5a: {  	p1 =	sne.s32 s1, s6;
	_ =	swait.ge @!p0 [sflag:s17], $0x4000  }
.Ltmp1:
0x5b: {  	[sflag:s17] =	ssyncset.done @!p0 $0x0;
	(pc) =	sbr.rel @p1 .LBB2_1-.Ltmp1, $4  }
0x5c: {  	[sflag:s17] =	ssyncadd.s32 @!p0 $0xFFFFC000  }
0x5d: {  	_ =	swait.ge @!p0 [sflag:s14], $0x4000  }
0x5e: {  	[sflag:s14] =	ssyncset.done @!p0 $0x0  }
0x5f: {  	[sflag:s14] =	ssyncadd.s32 @!p0 $0xFFFFC000  }
0x60: {  	_ =	sfence.sel $0x180000  }
0x61: {  	[bflag:$0x0] =	sbarrier.arrive $0xFFFF  }
0x62: {  	p0 =	sne.s32 s2, $0x0;
	_ =	strace $0x9000004D  }
0x63: {  	s0 =	sadd.s32 @!p0 $0x100000, s0;
	[bflag:$0x2] =	sbarrier.arrive $0xFFFF  }
0x64: {  	[sflag:s0] =	ssyncadd.tile.s32 @!p0 $0x1;
	_ =	shalt  }
.Lfunc_end2:
_tile_overlayer_lowered:
.L_overlay_start_2:
0x65: {  	(tag) =	ssettag $0x2  }
0x66: {  	s0 =	rddreg [dreg:$0x0];
	s2 =	stileid.u32  }
0x67: {  	s1 =	rddreg [dreg:$0x1];
	p0 =	sne.s32 s2, $0x0  }
0x68: {  	s3 =	rddreg [dreg:$0x2];
	[bflag:$0x3] =	sbarrier.arrive $0xFFFF;
	s2 =	simm.s32 @!p0 $0x1C04  }
0x69: {  	[timem:s3], [sflag:s2] =	dma.local @!p0 [hbm:s0], s1  }
0x6a: {  	s0 =	simm.s32 @!p0 $0x4  }
0x6b: {  	_ =	swait.ge @!p0 [sflag:s0], s1  }
0x6c: {  	s1 =	ssub.s32 @!p0 $0x0, s1;
	[sflag:s0] =	ssyncset.done @!p0 $0x0  }
0x6d: {  	[sflag:s0] =	ssyncadd.s32 @!p0 s1  }
0x6e: {  	[bflag:$0x3] =	sbarrier.arrive $0xFFFF  }
0x6f: {  	_ =	shalt  }

// kernel: kernel.27.cloned.1.call-start
scs
__scs_entry_jumppad:
0x0: {  	(pc) =	sbr.rel $0x88, $3  }
0x1: {  	(tag) =	ssettag $0x0;
	lr =	simm.s32 $0x1  }
0x2: {  	[smem:$0x3F7C] =	sst lr;
	_ =	strace $0xD0000000  }
0x3: {  	_ = 	snop  }
0x4: {  	_ = 	snop  }
0x5: {  	_ = 	snop  }
0x6: {  	_ = 	snop  }
0x7: {  	_ = 	snop  }
__scs_overlays_trampoline_lowered:
0x8: {  	[smem:$0x3F8B] =	sst s0  }
0x9: {  	[smem:$0x3F8C] =	sst s1  }
0xa: {  	[smem:$0x3F8D] =	sst s2  }
0xb: {  	[smem:$0x3F8E] =	sst s3  }
0xc: {  	[smem:$0x3F8F] =	sst s4  }
0xd: {  	[smem:$0x3F90] =	sst s5  }
0xe: {  	[smem:$0x3F91] =	sst s6  }
0xf: {  	[smem:$0x3F92] =	sst s7  }
0x10: {  	[smem:$0x3F93] =	sst s8  }
0x11: {  	[smem:$0x3F94] =	sst s9;
	s0 =	simm.s32 @!p0 $0x0  }
0x12: {  	s1 =	sld [smem:$0x3F7A];
	s0 =	simm.s32 @p0 $0x1  }
0x13: {  	[smem:$0x3F95] =	sst s0;
	s0 =	simm.s32 @!p1 $0x0  }
0x14: {  	s2 =	sld [smem:$0x3F79];
	s0 =	simm.s32 @p1 $0x1  }
0x15: {  	[smem:$0x3F96] =	sst s0;
	s0 =	simm.s32 @!p2 $0x0  }
0x16: {  	s3 =	sld [smem:$0x3FDB];
	s0 =	simm.s32 @p2 $0x1  }
0x17: {  	s4 =	simm.s32 $0x1BF5;
	[smem:$0x3F98] =	sst s0  }
0x18: {  	s0 =	sld [smem:$0x3F7B];
	_ =	swait.ge [sflag:s4], $0x0  }
0x19: {  	s7 =	sld [smem:$0x3F7C]  }
0x1a: {  	s8 =	sadd.s32 $0xFFFFE003, lr  }
0x1b: {  	s9 =	sadd.s32 $0xFFFFFEF7, lr;
	s5 =	simm.s32 $0xFFFFFFFF;
	p2 =	slt.u32 s8, $0xFFFFF086  }
0x1c: {  	p1 =	slt.u32 s9, $0xF7A;
	s5 =	simm.s32 @!p2 $0x0  }
0x1d: {  	s5 =	simm.s32 @p1 $0x1;
	p0 =	seq.s32 s7, s2  }
0x1e: {  	s7 =	smul.u32 @!p0 $0xF7A, s2;
	p2 =	seq.s32 @!p0 s5, $0x0  }
0x1f: {  	s9 =	smul.u32 $0xF7A, s1;
	s8 =	simm.s32 @!p0 $0x1BF5;
	p2 =	por !p2, p0  }
0x20: {  	[sflag:s8] =	ssyncset.s32 @!p0 $0xFFFFF086;
	s6 =	sadd.s32 @!p0 s3, s7;
	s7 =	simm.s32 @!p0 $0x108  }
0x21: {  	s3 =	sadd.s32 s3, s9;
	s6 =	sadd.s32 @!p0 $0x88, s6;
	s7 =	simm.s32 @p2 $0x1082  }
0x22: {  	[simem:s7], [sflag:s8] =	dma.local @!p0 [hbm:s6], $0xF7A  }
0x23: {  	s9 =	sor.u32 $0xD0000000, s2;
	s6 =	simm.s32 $0x108;
	_ =	swait.ge @!p0 [sflag:s8], $0x0  }
0x24: {  	s3 =	sadd.s32 $0x88, s3;
	s6 =	simm.s32 @!p1 $0x1082;
	[sflag:s4] =	ssyncset.s32 $0xFFFFF086  }
0x25: {  	[simem:s6], [sflag:s4] =	dma.local [hbm:s3], $0xF7A  }
0x26: {  	[smem:$0x3F7C] =	sst s1;
	(tag) =	ssettag s2;
	_ =	strace s9  }
0x27: {  	s1 =	sld [smem:$0x3F8C]  }
0x28: {  	s2 =	sld [smem:$0x3F8D]  }
0x29: {  	s4 =	sld [smem:$0x3F8F]  }
0x2a: {  	p0 =	seq.s32 s5, $0x0;
	s5 =	sld [smem:$0x3F90]  }
0x2b: {  	s6 =	sld [smem:$0x3F91]  }
0x2c: {  	s7 =	sld [smem:$0x3F92]  }
0x2d: {  	s3 =	simm.s32 $0x108;
	s8 =	sld [smem:$0x3F93]  }
0x2e: {  	s3 =	simm.s32 @!p0 $0x1082;
	s9 =	sld [smem:$0x3F94]  }
0x2f: {  	lr =	sadd.s32 s0, s3;
	s0 =	sld [smem:$0x3F8B]  }
0x30: {  	s3 =	sld [smem:$0x3F8E]  }
0x31: {  	[smem:$0x3F97] =	sst s10  }
0x32: {  	s10 =	sld [smem:$0x3F95];
	_ =	sdelay $0x3  }
0x33: {  	p0 =	seq.s32 s10, $0x1;
	s10 =	sld [smem:$0x3F97];
	_ =	sdelay $0x3  }
0x34: {  	[smem:$0x3F97] =	sst s10  }
0x35: {  	s10 =	sld [smem:$0x3F96];
	_ =	sdelay $0x3  }
0x36: {  	p1 =	seq.s32 s10, $0x1;
	s10 =	sld [smem:$0x3F97];
	_ =	sdelay $0x3  }
0x37: {  	[smem:$0x3F97] =	sst s10  }
0x38: {  	s10 =	sld [smem:$0x3F98]  }
0x39: {  	_ = 	snop;
	(pc) =	sbr.ind lr, $3  }
0x3a: {  	_ = 	snop  }
0x3b: {  	_ = 	snop  }
0x3c: {  	p2 =	seq.s32 s10, $0x1;
	s10 =	sld [smem:$0x3F97]  }
0x3d: {  	_ =	shalt  }
0x3e: {  	_ =	shalt  }
0x3f: {  	_ =	shalt  }
0x40: {  	_ =	shalt  }
0x41: {  	_ =	shalt  }
0x42: {  	_ =	shalt  }
0x43: {  	_ =	shalt  }
0x44: {  	_ =	shalt  }
0x45: {  	_ =	shalt  }
0x46: {  	_ =	shalt  }
0x47: {  	_ =	shalt  }
0x48: {  	_ =	shalt  }
0x49: {  	_ =	shalt  }
0x4a: {  	_ =	shalt  }
0x4b: {  	_ =	shalt  }
0x4c: {  	_ =	shalt  }
0x4d: {  	_ =	shalt  }
0x4e: {  	_ =	shalt  }
0x4f: {  	_ =	shalt  }
0x50: {  	_ =	shalt  }
0x51: {  	_ =	shalt  }
0x52: {  	_ =	shalt  }
0x53: {  	_ =	shalt  }
0x54: {  	_ =	shalt  }
0x55: {  	_ =	shalt  }
0x56: {  	_ =	shalt  }
0x57: {  	_ =	shalt  }
0x58: {  	_ =	shalt  }
0x59: {  	_ =	shalt  }
0x5a: {  	_ =	shalt  }
0x5b: {  	_ =	shalt  }
0x5c: {  	_ =	shalt  }
0x5d: {  	_ =	shalt  }
0x5e: {  	_ =	shalt  }
0x5f: {  	_ =	shalt  }
0x60: {  	_ =	shalt  }
0x61: {  	_ =	shalt  }
0x62: {  	_ =	shalt  }
0x63: {  	_ =	shalt  }
0x64: {  	_ =	shalt  }
0x65: {  	_ =	shalt  }
0x66: {  	_ =	shalt  }
0x67: {  	_ =	shalt  }
0x68: {  	_ =	shalt  }
0x69: {  	_ =	shalt  }
0x6a: {  	_ =	shalt  }
0x6b: {  	_ =	shalt  }
0x6c: {  	_ =	shalt  }
0x6d: {  	_ =	shalt  }
0x6e: {  	_ =	shalt  }
0x6f: {  	_ =	shalt  }
0x70: {  	_ =	shalt  }
0x71: {  	_ =	shalt  }
0x72: {  	_ =	shalt  }
0x73: {  	_ =	shalt  }
0x74: {  	_ =	shalt  }
0x75: {  	_ =	shalt  }
0x76: {  	_ =	shalt  }
0x77: {  	_ =	shalt  }
0x78: {  	_ =	shalt  }
0x79: {  	_ =	shalt  }
0x7a: {  	_ =	shalt  }
0x7b: {  	_ =	shalt  }
0x7c: {  	_ =	shalt  }
0x7d: {  	_ =	shalt  }
0x7e: {  	_ =	shalt  }
0x7f: {  	_ =	shalt  }
0x80: {  	_ =	shalt  }
0x81: {  	_ =	shalt  }
0x82: {  	_ =	shalt  }
0x83: {  	_ =	shalt  }
0x84: {  	_ =	shalt  }
0x85: {  	_ =	shalt  }
0x86: {  	_ =	shalt  }
0x87: {  	_ =	shalt  }
.Lfunc_end0:
.L_simem_size_0:
called_computation.3_lowered:
.L_overlay_start_0:
0x88: {  	s2 =	sld [smem:$0x3FD9]  }
0x89: {  	s3 =	sld [smem:$0x3FFE];
	_ =	sdelay $0x1  }
0x8a: {  	s1 =	srdreg.scid  }
0x8b: {  	s0 =	sand.u32 $0x1, s1  }
0x8c: {  	s17 =	sshll.u32 s0, $0xA;
	s2 =	sadd.s32 s3, s2  }
0x8d: {  	s2 =	sadd.s32 s2, s17  }
0x8e: {  	[smem:$0x3FA3] =	sst s2  }
0x8f: {  	_ = 	snop  }
0x90: {  	s2 =	sld [smem:$0x3FC6]  }
0x91: {  	s18 =	sld [smem:$0x3FC5];
	(tm) =	ssettm $0x1  }
0x92: {  	s4 =	sld [smem:$0x3FFB];
	_ =	sdelay $0x3  }
0x93: {  	_ =	strace s4  }
0x94: {  	s4 =	sld [smem:$0x3FFC];
	_ =	sdelay $0x3  }
0x95: {  	_ =	strace s4  }
0x96: {  	s4 =	sld [smem:$0x3FFD];
	_ =	sdelay $0x3  }
0x97: {  	_ =	strace s4  }
0x98: {  	_ =	strace $0x8FFFFFFF  }
0x99: {  	s19 =	sld [smem:$0x3FDB];
	_ =	sdelay $0x1  }
0x9a: {  	s5 =	simm.s32 $_scs_section_size  }
0x9b: {  	s6 =	simm.s32 $_size__tile_overlayer_lowered;
	s7 =	simm.s32 $_tile_overlayer_lowered  }
0x9c: {  	s22 =	simm.s32 $0x1BFF;
	s21 =	sshll.u32 s7, $0x1;
	s4 =	sadd.s32 s5, s19  }
0x9d: {  	s8 =	simm.s32 $0x0;
	s20 =	sshll.u32 s6, $0x1;
	s6 =	sadd.s32 s21, s4  }
0x9e: {  	[timem:s8], [sflag:s22] =	dma.local [hbm:s6], s20  }
0x9f: {  	_ =	swait.ge [sflag:s22], s20  }
0xa0: {  	s5 =	ssub.s32 $0x0, s20;
	[sflag:s22] =	ssyncset.done $0x0  }
0xa1: {  	[sflag:s22] =	ssyncadd.s32 s5;
	_ =	sdelay $0x1  }
0xa2: {  	s23 =	simm.s32 $0x1B8B  }
0xa3: {  	_ =	swait.ge [sflag:s23], $0x1  }
0xa4: {  	[sflag:s23] =	ssyncset.done $0x0  }
0xa5: {  	s25 =	simm.s32 $0x1B8E;
	s24 =	sld [smem:$0x3FFE];
	[sflag:s23] =	ssyncadd.s32 $0xFFFFFFFF  }
0xa6: {  	s26 =	simm.s32 $execute0_lowered;
	[smem:$0x3FD2] =	sst s25  }
0xa7: {  	s6 =	sshll.u32 s26, $0x1;
	_ =	strace $0x8000004F;
	[dreg:$0x1] =	wrdreg $0xFFFFFFFF  }
0xa8: {  	s28 =	simm.s32 $_size_execute0_lowered;
	s4 =	sadd.s32 s4, s6;
	[dreg:$0x0] =	wrdreg $0x0  }
0xa9: {  	s6 =	sshll.u32 s28, $0x1;
	[dreg:$0x2] =	wrdreg s4  }
0xaa: {  	[dreg:$0x3] =	wrdreg s6  }
0xab: {  	[dreg:$0x4] =	wrdreg $0xC0  }
0xac: {  	_ =	task [dreg:s8], $0x5FFFF  }
0xad: {  	[dreg:$0x1] =	wrdreg $0xFFFFFFFF  }
0xae: {  	[dreg:$0x0] =	wrdreg $0x60  }
0xaf: {  	[dreg:$0x2] =	wrdreg s24  }
0xb0: {  	[dreg:$0x3] =	wrdreg s2  }
0xb1: {  	[dreg:$0x4] =	wrdreg s18  }
0xb2: {  	[dreg:$0x5] =	wrdreg $0x81000  }
0xb3: {  	[dreg:$0x6] =	wrdreg $0x1B9800  }
0xb4: {  	[dreg:$0x7] =	wrdreg $0x9  }
0xb5: {  	_ =	task.clear_ibuf [dreg:s8], $0x8FFFF;
	_ =	strace $0x9000004F  }
0xb6: {  	s29 =	simm.s32 $0x9;
	_ =	strace $0x80000051  }
0xb7: {  	_ =	swait.ge [sflag:s29], $0x1  }
0xb8: {  	[sflag:s29] =	ssyncadd.s32 $0xFFFFFFFF  }
0xb9: {  	_ =	strace $0x90000051  }
0xba: {  	_ =	sfence  }
0xbb: {  	s30 =	sld [smem:$0x0];
	_ =	sdelay $0x2  }
0xbc: {  	s31 =	sshll.u32 s1, $0xD;
	s1 =	sshrl.u32 s1, $0x2  }
0xbd: {  	s3 =	sand.u32 $0x4000, s31;
	s1 =	sadd.s32 s1, s30  }
0xbe: {  	s0 =	sor.u32 s3, s0;
	s1 =	sshll.u32 s1, $0x11  }
0xbf: {  	s0 =	sor.u32 s1, s0  }
0xc0: {  	s0 =	sadd.s32 $0x8F2B, s0  }
0xc1: {  	[sflag:s0] =	ssyncadd.remote.s32 $0x1  }
0xc2: {  	_ =	sfence.sel $0xFFFF  }
0xc3: {  	[dreg:$0x0] =	wrdreg $0xFFFFFFFF;
	(pc) =	sbr.abs _section_cstart, $3  }
0xc4: {  	[dreg:$0x1] =	wrdreg $0xFFFFFFFF  }
0xc5: {  	_ =	task.clear_ibuf [dreg:s8], $0x2FFFF;
	_ =	strace $0x9FFFFFFF  }
0xc6: {  	(tm) =	ssettm $0x7FFFFFFF  }
0xc7: {  	_ =	shalt  }
tec
execute0_lowered:
.L_overlay_start_1:
0x0: {  	(tag) =	ssettag $0x1  }
0x1: {  	s0 =	rddreg [dreg:$0x0]  }
0x2: {  	s4 =	rddreg [dreg:$0x1]  }
0x3: {  	s20 =	rddreg [dreg:$0x2]  }
0x4: {  	s1 =	rddreg [dreg:$0x3]  }
0x5: {  	s2 =	rddreg [dreg:$0x4]  }
0x6: {  	s5 =	srdreg.scid;
	s3 =	simm.s32 $0x0;
	s24 =	stileid.u32  }
0x7: {  	s21 =	sand.u32 $0x1, s5;
	[smem:$0x7FF] =	sst s3;
	s17 =	smul.u32 $0x4E000, s24  }
0x8: {  	s16 =	sshll.u32 s24, $0xC;
	s7 =	sadd.s32 $0x1391C00, s0;
	s12 =	smul.u32 $0x13800, s24  }
0x9: {  	s5 =	sshll.u32 s24, $0x1;
	s11 =	sadd.s32 $0x138000, s1;
	p0 =	sne.s32 s24, $0x0  }
0xa: {  	s6 =	smul.u32 $0x680, s21;
	_ =	strace $0x80000050;
	s22 =	sadd.s32 s16, s0  }
0xb: {  	[dreg:$0x6] =	wrdreg s7;
	s18 =	ssub.s32 $0x2, s21;
	s16 =	sadd.s32 $0x1392400, s0  }
0xc: {  	s30 =	sshll.u32 s21, $0x4;
	s19 =	sshrl.u32 s18, $0x1;
	s23 =	sshrl.u32 s17, $0x2  }
0xd: {  	s13 =	sadd.s32 $0x4000, s12;
	s14 =	sadd.s32 $0x8000, s12;
	s15 =	sadd.s32 $0xC000, s12  }
0xe: {  	s17 =	smul.u32 $0x138800, s21;
	s0 =	sadd.s32 s6, s0;
	s19 =	ssub.s32 s18, s19  }
0xf: {  	s6 =	sadd.s32 s23, s1;
	s7 =	sadd.s32 s13, s1;
	s8 =	sadd.s32 s14, s1  }
0x10: {  	s9 =	sadd.s32 s15, s1;
	s18 =	sadd.s32 $0x10000, s12;
	s23 =	sshll.u32 s24, $0x5  }
0x11: {  	s24 =	simm.s32 $0x100;
	s10 =	sadd.s32 s18, s1;
	s12 =	sadd.s32 s12, s17  }
0x12: {  	s13 =	sadd.s32 s17, s13;
	s14 =	sadd.s32 s17, s14;
	s15 =	sadd.s32 s17, s15  }
0x13: {  	s18 =	sadd.s32 s17, s18;
	s17 =	sshrl.u32 s17, $0x3;
	s19 =	smax.u32 s19, $0x1  }
0x14: {  	s29 =	sadd.s32 s23, s20;
	s4 =	sadd.s32 s23, s4;
	s12 =	sshrl.u32 s12, $0x3  }
0x15: {  	s13 =	sshrl.u32 s13, $0x3;
	s14 =	sshrl.u32 s14, $0x3;
	s15 =	sshrl.u32 s15, $0x3  }
0x16: {  	s18 =	sshrl.u32 s18, $0x3;
	s17 =	sadd.s32 s16, s17;
	s12 =	sadd.s32 s16, s12  }
0x17: {  	s20 =	sadd.s32 s30, s29;
	s25 =	sadd.s32 s16, s13;
	[dreg:$0x7] =	wrdreg s12  }
0x18: {  	s26 =	sadd.s32 s16, s14;
	s28 =	sadd.s32 s16, s15;
	[dreg:$0x8] =	wrdreg s25  }
0x19: {  	s16 =	sadd.s32 s16, s18;
	s17 =	sadd.s32 $0x27000, s17;
	[dreg:$0x9] =	wrdreg s26  }
0x1a: {  	s18 =	sadd.s32 $0x13E0600, s0;
	[dreg:$0xa] =	wrdreg s28;
	s25 =	sshll.u32 s21, $0xB  }
0x1b: {  	s21 =	sadd.s32 s30, s4;
	s26 =	simm.s32 $0x0;
	s31 =	sadd.s32 s25, s22  }
0x1c: {  	s25 =	simm.s32 $0x3;
	s22 =	sadd.s32 $0x191AC00, s31;
	s23 =	sadd.s32 $0x1438C00, s31  }
.LBB2_1:
0x1d: {  	s0 =	rddreg [dreg:$0x6]  }
0x1e: {  	[tilespmem:s24], [sflag:$0x3] =	stream.linear.gather [hbm4b:s0+s3], $0x4000, $0x38;
	[tilespmem:$0x1BCC0] =	vst v63  }
0x1f: {  	_ =	swait.ge [sflag:s25], $0x4000  }
0x20: {  	[sflag:s25] =	ssyncset.done $0x0  }
0x21: {  	[sflag:s25] =	ssyncadd.s32 $0xFFFFC000  }
0x22: {  	[spmem:s6] =	stream.linear.scatter [tilespmem:s24], [sflag:$0x3], $0x4000, $0x38;
	[tilespmem:$0x1BCC0] =	vst v63  }
0x23: {  	_ =	swait.ge [sflag:s25], $0x4000  }
0x24: {  	[sflag:s25] =	ssyncset.done $0x0  }
0x25: {  	[sflag:s25] =	ssyncadd.s32 $0xFFFFC000  }
0x26: {  	[spmem:s7] =	stream.linear.scatter [tilespmem:s24], [sflag:$0x3], $0x4000, $0x38;
	[tilespmem:$0x1BCC0] =	vst v63  }
0x27: {  	_ =	swait.ge [sflag:s25], $0x4000  }
0x28: {  	[sflag:s25] =	ssyncset.done $0x0  }
0x29: {  	[sflag:s25] =	ssyncadd.s32 $0xFFFFC000  }
0x2a: {  	[spmem:s8] =	stream.linear.scatter [tilespmem:s24], [sflag:$0x3], $0x4000, $0x38;
	[tilespmem:$0x1BCC0] =	vst v63  }
0x2b: {  	_ =	swait.ge [sflag:s25], $0x4000  }
0x2c: {  	[sflag:s25] =	ssyncset.done $0x0  }
0x2d: {  	[sflag:s25] =	ssyncadd.s32 $0xFFFFC000  }
0x2e: {  	[spmem:s9] =	stream.linear.scatter [tilespmem:s24], [sflag:$0x3], $0x4000, $0x38;
	[tilespmem:$0x1BCC0] =	vst v63  }
0x2f: {  	_ =	swait.ge [sflag:s25], $0x4000  }
0x30: {  	[sflag:s25] =	ssyncset.done $0x0  }
0x31: {  	[sflag:s25] =	ssyncadd.s32 $0xFFFFC000  }
0x32: {  	[spmem:s10] =	stream.linear.scatter [tilespmem:s24], [sflag:$0x3], $0x3800, $0x38;
	[tilespmem:$0x1BCC0] =	vst v63  }
0x33: {  	_ =	swait.ge [sflag:s25], $0x3800  }
0x34: {  	[sflag:s25] =	ssyncset.done $0x0  }
0x35: {  	s4 =	simm.s32 @!p0 $0x3;
	s0 =	simm.s32 @!p0 $0x100;
	[sflag:s25] =	ssyncadd.s32 $0xFFFFC800  }
0x36: {  	[spmem:s11] =	stream.linear.scatter @!p0 [tilespmem:s0], [sflag:$0x3], $0x800, $0x38;
	[tilespmem:$0x1BCC0] =	vst v63  }
0x37: {  	_ =	swait.ge @!p0 [sflag:s4], $0x800  }
0x38: {  	[sflag:s4] =	ssyncset.done @!p0 $0x0  }
0x39: {  	[sflag:s4] =	ssyncadd.s32 @!p0 $0xFFFFF800  }
0x3a: {  	[spmem:s2] =	stream.linear.scatter @!p0 [tilespmem:s0], [sflag:$0x3], $0x3400, $0x38;
	[tilespmem:$0x1BCC0] =	vst v63  }
0x3b: {  	_ =	swait.ge @!p0 [sflag:s4], $0x3400  }
0x3c: {  	p1 =	sgt.u32 s5, $0x9C3;
	[sflag:s4] =	ssyncset.done @!p0 $0x0  }
0x3d: {  	s0 =	sadd.s32 @!p1 $0x0, s21;
	[sflag:s4] =	ssyncadd.s32 @!p0 $0xFFFFCC00  }
0x3e: {  	s4 =	simm.s32 @!p1 $0x0;
	p1 =	por p1, p1;
	[bflag:$0x0] =	sbarrier.arrive $0xFFFF  }
0x3f: {  	[tilespmem:s4], [sflag:$0x1] =	stream.linear.gather @!p1 [hbm4b:s0+s4], $0x80, $0x38;
	[tilespmem:$0x1BCC0] =	vst v63  }
0x40: {  	s28 =	simm.s32 @!p1 $0x80;
	s0 =	sadd.s32 @!p1 $0x0, s20  }
0x41: {  	[tilespmem:s28], [sflag:$0x1] =	stream.linear.gather @!p1 [hbm4b:s0+s4], $0x80, $0x38;
	[tilespmem:$0x1BCC0] =	vst v63  }
0x42: {  	s0 =	simm.s32 @!p1 $0x100  }
0x43: {  	[tilespmem:s0], [sflag:$0x1] =	stream.linear.gather @!p1 [hbm4b:s23+s4], $0x4000, $0x38;
	[tilespmem:$0x1BCC0] =	vst v63  }
0x44: {  	s29 =	simm.s32 @!p1 $0x4100;
	s30 =	simm.s32 @!p1 $0x1  }
0x45: {  	[tilespmem:s29], [sflag:$0x1] =	stream.linear.gather @!p1 [hbm4b:s22+s4], $0x4000, $0x38;
	[tilespmem:$0x1BCC0] =	vst v63  }
0x46: {  	_ =	swait.ge @!p1 [sflag:s30], $0x80  }
0x47: {  	[sflag:s30] =	ssyncset.done @!p1 $0x0  }
0x48: {  	[sflag:s30] =	ssyncadd.s32 @!p1 $0xFFFFFF80  }
0x49: {  	_ =	swait.ge @!p1 [sflag:s30], $0x80  }
0x4a: {  	[sflag:s30] =	ssyncset.done @!p1 $0x0  }
0x4b: {  	[sflag:s30] =	ssyncadd.s32 @!p1 $0xFFFFFF80  }
0x4c: {  	_ =	swait.ge @!p1 [sflag:s30], $0x4000  }
0x4d: {  	[sflag:s30] =	ssyncset.done @!p1 $0x0  }
0x4e: {  	[sflag:s30] =	ssyncadd.s32 @!p1 $0xFFFFC000  }
0x4f: {  	_ =	swait.ge @!p1 [sflag:s30], $0x4000  }
0x50: {  	[sflag:s30] =	ssyncset.done @!p1 $0x0  }
0x51: {  	[sflag:s30] =	ssyncadd.s32 @!p1 $0xFFFFC000  }
0x52: {  	[spmem:s1] =	stream.indirect.scatter.add.f32 @!p1 [tilespmem:s0], [sflag:$0x2], $0x80, s4, s28, $0xb8;
	[tilespmem:$0x1BCC0] =	vst v63  }
0x53: {  	s4 =	simm.s32 @!p1 $0x2  }
0x54: {  	[spmem:s2] =	stream.indirect.scatter.add.f32 @!p1 [tilespmem:s29], [sflag:$0x2], $0x80, s28, s28, $0xb8;
	[tilespmem:$0x1BCC0] =	vst v63  }
0x55: {  	_ =	swait.ge @!p1 [sflag:s4], $0x4000  }
0x56: {  	[sflag:s4] =	ssyncset.done @!p1 $0x0  }
0x57: {  	s31 =	simm.s32 $0x400;
	s0 =	sadd.s32 $0x20, s5;
	[sflag:s4] =	ssyncadd.s32 @!p1 $0xFFFFC000  }
0x58: {  	s30 =	simm.s32 $0x200;
	p3 =	sgt.u32 s0, $0x9C3;
	_ =	swait.ge @!p1 [sflag:s4], $0x4000  }
0x59: {  	s28 =	sadd.s32 $0x10000, s23;
	s29 =	sadd.s32 $0x10000, s22;
	[sflag:s4] =	ssyncset.done @!p1 $0x0  }
.LBB2_2:
0x5a: {  	s12 =	sadd.s32 @!p3 s30, s21;
	s13 =	simm.s32 @!p3 $0x0  }
0x5b: {  	[sflag:s4] =	ssyncadd.s32 @!p1 $0xFFFFC000;
	s4 =	smov.u32 s31;
	p1 =	por p3, p3  }
0x5c: {  	[tilespmem:s13], [sflag:$0x1] =	stream.linear.gather @!p1 [hbm4b:s12+s13], $0x80, $0x38;
	[tilespmem:$0x1BCC0] =	vst v63  }
0x5d: {  	s31 =	sadd.s32 $0x200, s31;
	s12 =	sadd.s32 @!p1 s30, s20;
	s14 =	simm.s32 @!p1 $0x80  }
0x5e: {  	[tilespmem:s14], [sflag:$0x1] =	stream.linear.gather @!p1 [hbm4b:s12+s13], $0x80, $0x38;
	[tilespmem:$0x1BCC0] =	vst v63  }
0x5f: {  	p2 =	sne.s32 s31, $0x9E00;
	s30 =	smov.u32 s4;
	s12 =	simm.s32 @!p1 $0x100  }
0x60: {  	[tilespmem:s12], [sflag:$0x1] =	stream.linear.gather @!p1 [hbm4b:s28+s13], $0x4000, $0x38;
	[tilespmem:$0x1BCC0] =	vst v63  }
0x61: {  	s15 =	simm.s32 @!p1 $0x4100;
	s4 =	simm.s32 @!p1 $0x1  }
0x62: {  	[tilespmem:s15], [sflag:$0x1] =	stream.linear.gather @!p1 [hbm4b:s29+s13], $0x4000, $0x38;
	[tilespmem:$0x1BCC0] =	vst v63  }
0x63: {  	_ =	swait.ge @!p1 [sflag:s4], $0x80  }
0x64: {  	[sflag:s4] =	ssyncset.done @!p1 $0x0  }
0x65: {  	[sflag:s4] =	ssyncadd.s32 @!p1 $0xFFFFFF80  }
0x66: {  	_ =	swait.ge @!p1 [sflag:s4], $0x80  }
0x67: {  	[sflag:s4] =	ssyncset.done @!p1 $0x0  }
0x68: {  	[sflag:s4] =	ssyncadd.s32 @!p1 $0xFFFFFF80  }
0x69: {  	_ =	swait.ge @!p1 [sflag:s4], $0x4000  }
0x6a: {  	[sflag:s4] =	ssyncset.done @!p1 $0x0  }
0x6b: {  	[sflag:s4] =	ssyncadd.s32 @!p1 $0xFFFFC000  }
0x6c: {  	_ =	swait.ge @!p1 [sflag:s4], $0x4000  }
0x6d: {  	[sflag:s4] =	ssyncset.done @!p1 $0x0  }
0x6e: {  	[sflag:s4] =	ssyncadd.s32 @!p1 $0xFFFFC000  }
0x6f: {  	[spmem:s1] =	stream.indirect.scatter.add.f32 @!p1 [tilespmem:s12], [sflag:$0x2], $0x80, s13, s14, $0xb8;
	[tilespmem:$0x1BCC0] =	vst v63  }
0x70: {  	s4 =	simm.s32 @!p1 $0x2  }
0x71: {  	[spmem:s2] =	stream.indirect.scatter.add.f32 @!p1 [tilespmem:s15], [sflag:$0x2], $0x80, s14, s14, $0xb8;
	[tilespmem:$0x1BCC0] =	vst v63  }
.Ltmp0:
0x72: {  	_ =	swait.ge @!p1 [sflag:s4], $0x4000;
	(pc) =	sbr.rel @p2 .LBB2_2-.Ltmp0, $4  }
0x73: {  	[sflag:s4] =	ssyncset.done @!p1 $0x0  }
0x74: {  	[sflag:s4] =	ssyncadd.s32 @!p1 $0xFFFFC000  }
0x75: {  	s0 =	sadd.s32 $0x20, s0;
	s28 =	sadd.s32 $0x10000, s28;
	_ =	swait.ge @!p1 [sflag:s4], $0x4000  }
0x76: {  	p3 =	sgt.u32 s0, $0x9C3;
	s29 =	sadd.s32 $0x10000, s29;
	[sflag:s4] =	ssyncset.done @!p1 $0x0  }
0x77: {  	s0 =	sadd.s32 @!p3 s30, s21  }
0x78: {  	[sflag:s4] =	ssyncadd.s32 @!p1 $0xFFFFC000;
	s4 =	simm.s32 @!p3 $0x0;
	p1 =	por p3, p3  }
0x79: {  	[tilespmem:s4], [sflag:$0x1] =	stream.linear.gather @!p1 [hbm4b:s0+s4], $0x80, $0x38;
	[tilespmem:$0x1BCC0] =	vst v63  }
0x7a: {  	s0 =	sadd.s32 @!p1 s30, s20;
	s12 =	simm.s32 @!p1 $0x80  }
0x7b: {  	[tilespmem:s12], [sflag:$0x1] =	stream.linear.gather @!p1 [hbm4b:s0+s4], $0x80, $0x38;
	[tilespmem:$0x1BCC0] =	vst v63  }
0x7c: {  	s0 =	simm.s32 @!p1 $0x100  }
0x7d: {  	[tilespmem:s0], [sflag:$0x1] =	stream.linear.gather @!p1 [hbm4b:s28+s4], $0x4000, $0x38;
	[tilespmem:$0x1BCC0] =	vst v63  }
0x7e: {  	s13 =	simm.s32 @!p1 $0x4100;
	s14 =	simm.s32 @!p1 $0x1  }
0x7f: {  	[tilespmem:s13], [sflag:$0x1] =	stream.linear.gather @!p1 [hbm4b:s29+s4], $0x4000, $0x38;
	[tilespmem:$0x1BCC0] =	vst v63  }
0x80: {  	_ =	swait.ge @!p1 [sflag:s14], $0x80  }
0x81: {  	[sflag:s14] =	ssyncset.done @!p1 $0x0  }
0x82: {  	[sflag:s14] =	ssyncadd.s32 @!p1 $0xFFFFFF80  }
0x83: {  	_ =	swait.ge @!p1 [sflag:s14], $0x80  }
0x84: {  	[sflag:s14] =	ssyncset.done @!p1 $0x0  }
0x85: {  	[sflag:s14] =	ssyncadd.s32 @!p1 $0xFFFFFF80  }
0x86: {  	_ =	swait.ge @!p1 [sflag:s14], $0x4000  }
0x87: {  	[sflag:s14] =	ssyncset.done @!p1 $0x0  }
0x88: {  	[sflag:s14] =	ssyncadd.s32 @!p1 $0xFFFFC000  }
0x89: {  	_ =	swait.ge @!p1 [sflag:s14], $0x4000  }
0x8a: {  	[sflag:s14] =	ssyncset.done @!p1 $0x0  }
0x8b: {  	[sflag:s14] =	ssyncadd.s32 @!p1 $0xFFFFC000  }
0x8c: {  	[spmem:s1] =	stream.indirect.scatter.add.f32 @!p1 [tilespmem:s0], [sflag:$0x2], $0x80, s4, s12, $0xb8;
	[tilespmem:$0x1BCC0] =	vst v63  }
0x8d: {  	s0 =	simm.s32 @!p1 $0x2  }
0x8e: {  	[spmem:s2] =	stream.indirect.scatter.add.f32 @!p1 [tilespmem:s13], [sflag:$0x2], $0x80, s12, s12, $0xb8;
	[tilespmem:$0x1BCC0] =	vst v63  }
0x8f: {  	_ =	swait.ge @!p1 [sflag:s0], $0x4000  }
0x90: {  	[sflag:s0] =	ssyncset.done @!p1 $0x0  }
0x91: {  	[sflag:s0] =	ssyncadd.s32 @!p1 $0xFFFFC000  }
0x92: {  	_ =	swait.ge @!p1 [sflag:s0], $0x4000  }
0x93: {  	[sflag:s0] =	ssyncset.done @!p1 $0x0  }
0x94: {  	[sflag:s0] =	ssyncadd.s32 @!p1 $0xFFFFC000  }
0x95: {  	[bflag:$0x0] =	sbarrier.arrive $0xFFFF  }
0x96: {  	[tilespmem:s24], [sflag:$0x3] =	stream.linear.gather [spmem:s6], $0x4000, $0x38;
	[tilespmem:$0x1BCC0] =	vst v63  }
0x97: {  	_ =	swait.ge [sflag:s25], $0x4000  }
0x98: {  	[sflag:s25] =	ssyncset.done $0x0  }
0x99: {  	s28 =	rddreg [dreg:$0x7];
	[sflag:s25] =	ssyncadd.s32 $0xFFFFC000  }
0x9a: {  	[hbm4b:s28+s3] =	stream.linear.scatter [tilespmem:s24], [sflag:$0x3], $0x4000, $0x38;
	[tilespmem:$0x1BCC0] =	vst v63  }
0x9b: {  	_ =	swait.ge [sflag:s25], $0x4000  }
0x9c: {  	[sflag:s25] =	ssyncset.done $0x0  }
0x9d: {  	[sflag:s25] =	ssyncadd.s32 $0xFFFFC000  }
0x9e: {  	[tilespmem:s24], [sflag:$0x3] =	stream.linear.gather [spmem:s7], $0x4000, $0x38;
	[tilespmem:$0x1BCC0] =	vst v63  }
0x9f: {  	_ =	swait.ge [sflag:s25], $0x4000  }
0xa0: {  	[sflag:s25] =	ssyncset.done $0x0  }
0xa1: {  	s29 =	rddreg [dreg:$0x8];
	[sflag:s25] =	ssyncadd.s32 $0xFFFFC000  }
0xa2: {  	[hbm4b:s29+s3] =	stream.linear.scatter [tilespmem:s24], [sflag:$0x3], $0x4000, $0x38;
	[tilespmem:$0x1BCC0] =	vst v63  }
0xa3: {  	_ =	swait.ge [sflag:s25], $0x4000  }
0xa4: {  	[sflag:s25] =	ssyncset.done $0x0  }
0xa5: {  	[sflag:s25] =	ssyncadd.s32 $0xFFFFC000  }
0xa6: {  	[tilespmem:s24], [sflag:$0x3] =	stream.linear.gather [spmem:s8], $0x4000, $0x38;
	[tilespmem:$0x1BCC0] =	vst v63  }
0xa7: {  	_ =	swait.ge [sflag:s25], $0x4000  }
0xa8: {  	[sflag:s25] =	ssyncset.done $0x0  }
0xa9: {  	s30 =	rddreg [dreg:$0x9];
	[sflag:s25] =	ssyncadd.s32 $0xFFFFC000  }
0xaa: {  	[hbm4b:s30+s3] =	stream.linear.scatter [tilespmem:s24], [sflag:$0x3], $0x4000, $0x38;
	[tilespmem:$0x1BCC0] =	vst v63  }
0xab: {  	_ =	swait.ge [sflag:s25], $0x4000  }
0xac: {  	[sflag:s25] =	ssyncset.done $0x0  }
0xad: {  	[sflag:s25] =	ssyncadd.s32 $0xFFFFC000  }
0xae: {  	[tilespmem:s24], [sflag:$0x3] =	stream.linear.gather [spmem:s9], $0x4000, $0x38;
	[tilespmem:$0x1BCC0] =	vst v63  }
0xaf: {  	_ =	swait.ge [sflag:s25], $0x4000  }
0xb0: {  	[sflag:s25] =	ssyncset.done $0x0  }
0xb1: {  	s31 =	rddreg [dreg:$0xa];
	[sflag:s25] =	ssyncadd.s32 $0xFFFFC000  }
0xb2: {  	[hbm4b:s31+s3] =	stream.linear.scatter [tilespmem:s24], [sflag:$0x3], $0x4000, $0x38;
	[tilespmem:$0x1BCC0] =	vst v63  }
0xb3: {  	_ =	swait.ge [sflag:s25], $0x4000  }
0xb4: {  	[sflag:s25] =	ssyncset.done $0x0  }
0xb5: {  	[sflag:s25] =	ssyncadd.s32 $0xFFFFC000  }
0xb6: {  	[tilespmem:s24], [sflag:$0x3] =	stream.linear.gather [spmem:s10], $0x3800, $0x38;
	[tilespmem:$0x1BCC0] =	vst v63  }
0xb7: {  	_ =	swait.ge [sflag:s25], $0x3800  }
0xb8: {  	[sflag:s25] =	ssyncset.done $0x0  }
0xb9: {  	[sflag:s25] =	ssyncadd.s32 $0xFFFFC800  }
0xba: {  	[hbm4b:s16+s3] =	stream.linear.scatter [tilespmem:s24], [sflag:$0x3], $0x3800, $0x38;
	[tilespmem:$0x1BCC0] =	vst v63  }
0xbb: {  	_ =	swait.ge [sflag:s25], $0x3800  }
0xbc: {  	[sflag:s25] =	ssyncset.done $0x0  }
0xbd: {  	s4 =	simm.s32 @!p0 $0x3;
	s0 =	simm.s32 @!p0 $0x100;
	[sflag:s25] =	ssyncadd.s32 $0xFFFFC800  }
0xbe: {  	[tilespmem:s0], [sflag:$0x3] =	stream.linear.gather @!p0 [spmem:s11], $0x800, $0x38;
	[tilespmem:$0x1BCC0] =	vst v63  }
0xbf: {  	_ =	swait.ge @!p0 [sflag:s4], $0x800  }
0xc0: {  	[sflag:s4] =	ssyncset.done @!p0 $0x0  }
0xc1: {  	s12 =	simm.s32 @!p0 $0x0;
	[sflag:s4] =	ssyncadd.s32 @!p0 $0xFFFFF800  }
0xc2: {  	[hbm4b:s17+s12] =	stream.linear.scatter @!p0 [tilespmem:s0], [sflag:$0x3], $0x800, $0x38;
	[tilespmem:$0x1BCC0] =	vst v63  }
0xc3: {  	_ =	swait.ge @!p0 [sflag:s4], $0x800  }
0xc4: {  	[sflag:s4] =	ssyncset.done @!p0 $0x0  }
0xc5: {  	[sflag:s4] =	ssyncadd.s32 @!p0 $0xFFFFF800  }
0xc6: {  	[tilespmem:s0], [sflag:$0x3] =	stream.linear.gather @!p0 [spmem:s2], $0x3400, $0x38;
	[tilespmem:$0x1BCC0] =	vst v63  }
0xc7: {  	s26 =	sadd.s32 $0x1, s26;
	_ =	swait.ge @!p0 [sflag:s4], $0x3400  }
0xc8: {  	p1 =	sne.s32 s26, s19;
	[sflag:s4] =	ssyncset.done @!p0 $0x0  }
.Ltmp1:
0xc9: {  	[sflag:s4] =	ssyncadd.s32 @!p0 $0xFFFFCC00;
	(pc) =	sbr.rel @p1 .LBB2_1-.Ltmp1, $4  }
0xca: {  	[hbm4b:s18+s12] =	stream.linear.scatter @!p0 [tilespmem:s0], [sflag:$0x3], $0x3400, $0x38;
	[tilespmem:$0x1BCC0] =	vst v63  }
0xcb: {  	_ =	swait.ge @!p0 [sflag:s4], $0x3400  }
0xcc: {  	[sflag:s4] =	ssyncset.done @!p0 $0x0  }
0xcd: {  	[sflag:s4] =	ssyncadd.s32 @!p0 $0xFFFFCC00  }
0xce: {  	_ =	sfence.sel $0x180000  }
0xcf: {  	[bflag:$0x0] =	sbarrier.arrive $0xFFFF  }
0xd0: {  	_ =	strace $0x90000050  }
0xd1: {  	[bflag:$0x2] =	sbarrier.arrive $0xFFFF  }
0xd2: {  	s0 =	rddreg [dreg:$0x5]  }
0xd3: {  	s0 =	sadd.s32 @!p0 $0x100000, s0  }
0xd4: {  	[sflag:s0] =	ssyncadd.tile.s32 @!p0 $0x1;
	_ =	shalt  }
.Lfunc_end2:
_tile_overlayer_lowered:
.L_overlay_start_2:
0xd5: {  	(tag) =	ssettag $0x2  }
0xd6: {  	s0 =	rddreg [dreg:$0x0];
	s2 =	stileid.u32  }
0xd7: {  	s1 =	rddreg [dreg:$0x1];
	p0 =	sne.s32 s2, $0x0  }
0xd8: {  	s3 =	rddreg [dreg:$0x2];
	[bflag:$0x3] =	sbarrier.arrive $0xFFFF;
	s2 =	simm.s32 @!p0 $0x1C03  }
0xd9: {  	[timem:s3], [sflag:s2] =	dma.local @!p0 [hbm:s0], s1  }
0xda: {  	s0 =	simm.s32 @!p0 $0x3  }
0xdb: {  	_ =	swait.ge @!p0 [sflag:s0], s1  }
0xdc: {  	s1 =	ssub.s32 @!p0 $0x0, s1;
	[sflag:s0] =	ssyncset.done @!p0 $0x0  }
0xdd: {  	[sflag:s0] =	ssyncadd.s32 @!p0 s1  }
0xde: {  	[bflag:$0x3] =	sbarrier.arrive $0xFFFF  }
0xdf: {  	_ =	shalt  }

// kernel: kernel.30.cloned.1.call-start
scs
__scs_entry_jumppad:
0x0: {  	(pc) =	sbr.rel $0x88, $3  }
0x1: {  	(tag) =	ssettag $0x0;
	lr =	simm.s32 $0x1  }
0x2: {  	[smem:$0x3F7C] =	sst lr;
	_ =	strace $0xD0000000  }
0x3: {  	_ = 	snop  }
0x4: {  	_ = 	snop  }
0x5: {  	_ = 	snop  }
0x6: {  	_ = 	snop  }
0x7: {  	_ = 	snop  }
__scs_overlays_trampoline_lowered:
0x8: {  	[smem:$0x3F8B] =	sst s0  }
0x9: {  	[smem:$0x3F8C] =	sst s1  }
0xa: {  	[smem:$0x3F8D] =	sst s2  }
0xb: {  	[smem:$0x3F8E] =	sst s3  }
0xc: {  	[smem:$0x3F8F] =	sst s4  }
0xd: {  	[smem:$0x3F90] =	sst s5  }
0xe: {  	[smem:$0x3F91] =	sst s6  }
0xf: {  	[smem:$0x3F92] =	sst s7  }
0x10: {  	[smem:$0x3F93] =	sst s8  }
0x11: {  	[smem:$0x3F94] =	sst s9;
	s0 =	simm.s32 @!p0 $0x0  }
0x12: {  	s1 =	sld [smem:$0x3F7A];
	s0 =	simm.s32 @p0 $0x1  }
0x13: {  	[smem:$0x3F95] =	sst s0;
	s0 =	simm.s32 @!p1 $0x0  }
0x14: {  	s2 =	sld [smem:$0x3F79];
	s0 =	simm.s32 @p1 $0x1  }
0x15: {  	[smem:$0x3F96] =	sst s0;
	s0 =	simm.s32 @!p2 $0x0  }
0x16: {  	s3 =	sld [smem:$0x3FDB];
	s0 =	simm.s32 @p2 $0x1  }
0x17: {  	s4 =	simm.s32 $0x1BF5;
	[smem:$0x3F98] =	sst s0  }
0x18: {  	s0 =	sld [smem:$0x3F7B];
	_ =	swait.ge [sflag:s4], $0x0  }
0x19: {  	s7 =	sld [smem:$0x3F7C]  }
0x1a: {  	s8 =	sadd.s32 $0xFFFFE003, lr  }
0x1b: {  	s9 =	sadd.s32 $0xFFFFFEF7, lr;
	s5 =	simm.s32 $0xFFFFFFFF;
	p2 =	slt.u32 s8, $0xFFFFF086  }
0x1c: {  	p1 =	slt.u32 s9, $0xF7A;
	s5 =	simm.s32 @!p2 $0x0  }
0x1d: {  	s5 =	simm.s32 @p1 $0x1;
	p0 =	seq.s32 s7, s2  }
0x1e: {  	s7 =	smul.u32 @!p0 $0xF7A, s2;
	p2 =	seq.s32 @!p0 s5, $0x0  }
0x1f: {  	s9 =	smul.u32 $0xF7A, s1;
	s8 =	simm.s32 @!p0 $0x1BF5;
	p2 =	por !p2, p0  }
0x20: {  	[sflag:s8] =	ssyncset.s32 @!p0 $0xFFFFF086;
	s6 =	sadd.s32 @!p0 s3, s7;
	s7 =	simm.s32 @!p0 $0x108  }
0x21: {  	s3 =	sadd.s32 s3, s9;
	s6 =	sadd.s32 @!p0 $0x88, s6;
	s7 =	simm.s32 @p2 $0x1082  }
0x22: {  	[simem:s7], [sflag:s8] =	dma.local @!p0 [hbm:s6], $0xF7A  }
0x23: {  	s9 =	sor.u32 $0xD0000000, s2;
	s6 =	simm.s32 $0x108;
	_ =	swait.ge @!p0 [sflag:s8], $0x0  }
0x24: {  	s3 =	sadd.s32 $0x88, s3;
	s6 =	simm.s32 @!p1 $0x1082;
	[sflag:s4] =	ssyncset.s32 $0xFFFFF086  }
0x25: {  	[simem:s6], [sflag:s4] =	dma.local [hbm:s3], $0xF7A  }
0x26: {  	[smem:$0x3F7C] =	sst s1;
	(tag) =	ssettag s2;
	_ =	strace s9  }
0x27: {  	s1 =	sld [smem:$0x3F8C]  }
0x28: {  	s2 =	sld [smem:$0x3F8D]  }
0x29: {  	s4 =	sld [smem:$0x3F8F]  }
0x2a: {  	p0 =	seq.s32 s5, $0x0;
	s5 =	sld [smem:$0x3F90]  }
0x2b: {  	s6 =	sld [smem:$0x3F91]  }
0x2c: {  	s7 =	sld [smem:$0x3F92]  }
0x2d: {  	s3 =	simm.s32 $0x108;
	s8 =	sld [smem:$0x3F93]  }
0x2e: {  	s3 =	simm.s32 @!p0 $0x1082;
	s9 =	sld [smem:$0x3F94]  }
0x2f: {  	lr =	sadd.s32 s0, s3;
	s0 =	sld [smem:$0x3F8B]  }
0x30: {  	s3 =	sld [smem:$0x3F8E]  }
0x31: {  	[smem:$0x3F97] =	sst s10  }
0x32: {  	s10 =	sld [smem:$0x3F95];
	_ =	sdelay $0x3  }
0x33: {  	p0 =	seq.s32 s10, $0x1;
	s10 =	sld [smem:$0x3F97];
	_ =	sdelay $0x3  }
0x34: {  	[smem:$0x3F97] =	sst s10  }
0x35: {  	s10 =	sld [smem:$0x3F96];
	_ =	sdelay $0x3  }
0x36: {  	p1 =	seq.s32 s10, $0x1;
	s10 =	sld [smem:$0x3F97];
	_ =	sdelay $0x3  }
0x37: {  	[smem:$0x3F97] =	sst s10  }
0x38: {  	s10 =	sld [smem:$0x3F98]  }
0x39: {  	_ = 	snop;
	(pc) =	sbr.ind lr, $3  }
0x3a: {  	_ = 	snop  }
0x3b: {  	_ = 	snop  }
0x3c: {  	p2 =	seq.s32 s10, $0x1;
	s10 =	sld [smem:$0x3F97]  }
0x3d: {  	_ =	shalt  }
0x3e: {  	_ =	shalt  }
0x3f: {  	_ =	shalt  }
0x40: {  	_ =	shalt  }
0x41: {  	_ =	shalt  }
0x42: {  	_ =	shalt  }
0x43: {  	_ =	shalt  }
0x44: {  	_ =	shalt  }
0x45: {  	_ =	shalt  }
0x46: {  	_ =	shalt  }
0x47: {  	_ =	shalt  }
0x48: {  	_ =	shalt  }
0x49: {  	_ =	shalt  }
0x4a: {  	_ =	shalt  }
0x4b: {  	_ =	shalt  }
0x4c: {  	_ =	shalt  }
0x4d: {  	_ =	shalt  }
0x4e: {  	_ =	shalt  }
0x4f: {  	_ =	shalt  }
0x50: {  	_ =	shalt  }
0x51: {  	_ =	shalt  }
0x52: {  	_ =	shalt  }
0x53: {  	_ =	shalt  }
0x54: {  	_ =	shalt  }
0x55: {  	_ =	shalt  }
0x56: {  	_ =	shalt  }
0x57: {  	_ =	shalt  }
0x58: {  	_ =	shalt  }
0x59: {  	_ =	shalt  }
0x5a: {  	_ =	shalt  }
0x5b: {  	_ =	shalt  }
0x5c: {  	_ =	shalt  }
0x5d: {  	_ =	shalt  }
0x5e: {  	_ =	shalt  }
0x5f: {  	_ =	shalt  }
0x60: {  	_ =	shalt  }
0x61: {  	_ =	shalt  }
0x62: {  	_ =	shalt  }
0x63: {  	_ =	shalt  }
0x64: {  	_ =	shalt  }
0x65: {  	_ =	shalt  }
0x66: {  	_ =	shalt  }
0x67: {  	_ =	shalt  }
0x68: {  	_ =	shalt  }
0x69: {  	_ =	shalt  }
0x6a: {  	_ =	shalt  }
0x6b: {  	_ =	shalt  }
0x6c: {  	_ =	shalt  }
0x6d: {  	_ =	shalt  }
0x6e: {  	_ =	shalt  }
0x6f: {  	_ =	shalt  }
0x70: {  	_ =	shalt  }
0x71: {  	_ =	shalt  }
0x72: {  	_ =	shalt  }
0x73: {  	_ =	shalt  }
0x74: {  	_ =	shalt  }
0x75: {  	_ =	shalt  }
0x76: {  	_ =	shalt  }
0x77: {  	_ =	shalt  }
0x78: {  	_ =	shalt  }
0x79: {  	_ =	shalt  }
0x7a: {  	_ =	shalt  }
0x7b: {  	_ =	shalt  }
0x7c: {  	_ =	shalt  }
0x7d: {  	_ =	shalt  }
0x7e: {  	_ =	shalt  }
0x7f: {  	_ =	shalt  }
0x80: {  	_ =	shalt  }
0x81: {  	_ =	shalt  }
0x82: {  	_ =	shalt  }
0x83: {  	_ =	shalt  }
0x84: {  	_ =	shalt  }
0x85: {  	_ =	shalt  }
0x86: {  	_ =	shalt  }
0x87: {  	_ =	shalt  }
.Lfunc_end0:
.L_simem_size_0:
called_computation.4_lowered:
.L_overlay_start_0:
0x88: {  	s2 =	sld [smem:$0x3FD9]  }
0x89: {  	s3 =	sld [smem:$0x3FFE];
	_ =	sdelay $0x1  }
0x8a: {  	s1 =	srdreg.scid  }
0x8b: {  	s0 =	sand.u32 $0x1, s1  }
0x8c: {  	s17 =	sshll.u32 s0, $0xA;
	s2 =	sadd.s32 s3, s2  }
0x8d: {  	s2 =	sadd.s32 s2, s17  }
0x8e: {  	[smem:$0x3FA3] =	sst s2  }
0x8f: {  	_ = 	snop  }
0x90: {  	s2 =	sld [smem:$0x3FC6]  }
0x91: {  	s18 =	sld [smem:$0x3FC5];
	(tm) =	ssettm $0x1  }
0x92: {  	s4 =	sld [smem:$0x3FFB];
	_ =	sdelay $0x3  }
0x93: {  	_ =	strace s4  }
0x94: {  	s4 =	sld [smem:$0x3FFC];
	_ =	sdelay $0x3  }
0x95: {  	_ =	strace s4  }
0x96: {  	s4 =	sld [smem:$0x3FFD];
	_ =	sdelay $0x3  }
0x97: {  	_ =	strace s4  }
0x98: {  	_ =	strace $0x8FFFFFFF  }
0x99: {  	s19 =	sld [smem:$0x3FDB];
	_ =	sdelay $0x1  }
0x9a: {  	s5 =	simm.s32 $_scs_section_size  }
0x9b: {  	s6 =	simm.s32 $_size__tile_overlayer_lowered;
	s7 =	simm.s32 $_tile_overlayer_lowered  }
0x9c: {  	s22 =	simm.s32 $0x1BFF;
	s21 =	sshll.u32 s7, $0x1;
	s4 =	sadd.s32 s5, s19  }
0x9d: {  	s8 =	simm.s32 $0x0;
	s20 =	sshll.u32 s6, $0x1;
	s6 =	sadd.s32 s21, s4  }
0x9e: {  	[timem:s8], [sflag:s22] =	dma.local [hbm:s6], s20  }
0x9f: {  	_ =	swait.ge [sflag:s22], s20  }
0xa0: {  	s5 =	ssub.s32 $0x0, s20;
	[sflag:s22] =	ssyncset.done $0x0  }
0xa1: {  	[sflag:s22] =	ssyncadd.s32 s5;
	_ =	sdelay $0x1  }
0xa2: {  	s23 =	simm.s32 $0x1B8B  }
0xa3: {  	_ =	swait.ge [sflag:s23], $0x1  }
0xa4: {  	[sflag:s23] =	ssyncset.done $0x0  }
0xa5: {  	s25 =	simm.s32 $0x1B8E;
	s24 =	sld [smem:$0x3FFE];
	[sflag:s23] =	ssyncadd.s32 $0xFFFFFFFF  }
0xa6: {  	s26 =	simm.s32 $execute0_lowered;
	[smem:$0x3FD2] =	sst s25  }
0xa7: {  	s6 =	sshll.u32 s26, $0x1;
	_ =	strace $0x80000052;
	[dreg:$0x1] =	wrdreg $0xFFFFFFFF  }
0xa8: {  	s28 =	simm.s32 $_size_execute0_lowered;
	s4 =	sadd.s32 s4, s6;
	[dreg:$0x0] =	wrdreg $0x0  }
0xa9: {  	s6 =	sshll.u32 s28, $0x1;
	[dreg:$0x2] =	wrdreg s4  }
0xaa: {  	[dreg:$0x3] =	wrdreg s6  }
0xab: {  	[dreg:$0x4] =	wrdreg $0xC0  }
0xac: {  	_ =	task [dreg:s8], $0x5FFFF  }
0xad: {  	[dreg:$0x1] =	wrdreg $0xFFFFFFFF  }
0xae: {  	[dreg:$0x0] =	wrdreg $0x60  }
0xaf: {  	[dreg:$0x2] =	wrdreg s24  }
0xb0: {  	[dreg:$0x3] =	wrdreg s2  }
0xb1: {  	[dreg:$0x4] =	wrdreg s18  }
0xb2: {  	[dreg:$0x5] =	wrdreg $0x9  }
0xb3: {  	_ =	task.clear_ibuf [dreg:s8], $0x6FFFF;
	_ =	strace $0x90000052  }
0xb4: {  	s29 =	simm.s32 $0x9;
	_ =	strace $0x80000054  }
0xb5: {  	_ =	swait.ge [sflag:s29], $0x1  }
0xb6: {  	[sflag:s29] =	ssyncadd.s32 $0xFFFFFFFF  }
0xb7: {  	_ =	strace $0x90000054  }
0xb8: {  	_ =	sfence  }
0xb9: {  	s30 =	sld [smem:$0x0];
	_ =	sdelay $0x2  }
0xba: {  	s31 =	sshll.u32 s1, $0xD;
	s1 =	sshrl.u32 s1, $0x2  }
0xbb: {  	s3 =	sand.u32 $0x4000, s31;
	s1 =	sadd.s32 s1, s30  }
0xbc: {  	s0 =	sor.u32 s3, s0;
	s1 =	sshll.u32 s1, $0x11  }
0xbd: {  	s0 =	sor.u32 s1, s0  }
0xbe: {  	s0 =	sadd.s32 $0x8F2B, s0  }
0xbf: {  	[sflag:s0] =	ssyncadd.remote.s32 $0x1  }
0xc0: {  	_ =	sfence.sel $0xFFFF  }
0xc1: {  	[dreg:$0x0] =	wrdreg $0xFFFFFFFF;
	(pc) =	sbr.abs _section_cstart, $3  }
0xc2: {  	[dreg:$0x1] =	wrdreg $0xFFFFFFFF  }
0xc3: {  	_ =	task.clear_ibuf [dreg:s8], $0x2FFFF;
	_ =	strace $0x9FFFFFFF  }
0xc4: {  	(tm) =	ssettm $0x7FFFFFFF  }
0xc5: {  	_ =	shalt  }
tec
execute0_lowered:
.L_overlay_start_1:
0x0: {  	(tag) =	ssettag $0x1  }
0x1: {  	s5 =	rddreg [dreg:$0x0]  }
0x2: {  	s8 =	rddreg [dreg:$0x1]  }
0x3: {  	s7 =	rddreg [dreg:$0x2]  }
0x4: {  	s0 =	rddreg [dreg:$0x3];
	s1 =	simm.s32 $0x0;
	s2 =	srdreg.scid  }
0x5: {  	[smem:$0x7FF] =	sst s1;
	s9 =	sand.u32 $0x1, s2  }
0x6: {  	s2 =	stileid.u32;
	s3 =	sadd.s32 $0x1392400, s5;
	s4 =	sadd.s32 $0x13B9600, s5  }
0x7: {  	_ =	strace $0x80000053;
	s6 =	ssub.s32 $0x2, s9;
	s10 =	sshll.u32 s2, $0xC  }
0x8: {  	s31 =	sshll.u32 s2, $0x5;
	s12 =	sshll.u32 s9, $0x4;
	s9 =	sshll.u32 s9, $0xB  }
0x9: {  	s11 =	sshrl.u32 s6, $0x1;
	s10 =	sadd.s32 s10, s5;
	s5 =	sshll.u32 s2, $0x1  }
0xa: {  	s7 =	sadd.s32 s31, s7;
	s8 =	sadd.s32 s31, s8;
	s6 =	ssub.s32 s6, s11  }
0xb: {  	s7 =	sadd.s32 s12, s7;
	s10 =	sadd.s32 s9, s10;
	s8 =	sadd.s32 s12, s8  }
0xc: {  	s6 =	smax.u32 s6, $0x1;
	s9 =	sadd.s32 $0x4EBC00, s10;
	s10 =	sadd.s32 $0x9C00, s10  }
.LBB2_1:
0xd: {  	p0 =	sgt.u32 s5, $0x9C3  }
0xe: {  	s11 =	sadd.s32 @!p0 $0x0, s8;
	s12 =	simm.s32 @!p0 $0x0  }
0xf: {  	[tilespmem:s12], [sflag:$0x3] =	stream.linear.gather @!p0 [hbm4b:s11+s12], $0x80, $0x38;
	[tilespmem:$0x8100] =	vst v63  }
0x10: {  	s13 =	simm.s32 @!p0 $0x80;
	s14 =	simm.s32 @!p0 $0x3;
	s11 =	sadd.s32 @!p0 $0x0, s7  }
0x11: {  	[tilespmem:s13], [sflag:$0x3] =	stream.linear.gather @!p0 [hbm4b:s11+s12], $0x80, $0x38;
	[tilespmem:$0x8100] =	vst v63  }
0x12: {  	_ =	swait.ge @!p0 [sflag:s14], $0x80  }
0x13: {  	[sflag:s14] =	ssyncset.done @!p0 $0x0;
	p0 =	por p0, p0  }
0x14: {  	[sflag:s14] =	ssyncadd.s32 @!p0 $0xFFFFFF80  }
0x15: {  	_ =	swait.ge @!p0 [sflag:s14], $0x80  }
0x16: {  	[sflag:s14] =	ssyncset.done @!p0 $0x0  }
0x17: {  	s11 =	simm.s32 @!p0 $0x100;
	[sflag:s14] =	ssyncadd.s32 @!p0 $0xFFFFFF80  }
0x18: {  	[tilespmem:s11], [sflag:$0x1] =	stream.indirect.gather @!p0 [hbm4b:s3+s13], $0x80, s12, s13, $0xb8;
	[tilespmem:$0x8100] =	vst v63  }
0x19: {  	s15 =	simm.s32 @!p0 $0x1;
	s14 =	simm.s32 @!p0 $0x4100  }
0x1a: {  	[tilespmem:s14], [sflag:$0x2] =	stream.indirect.gather @!p0 [hbm4b:s4+s13], $0x80, s13, s13, $0xb8;
	[tilespmem:$0x8100] =	vst v63  }
0x1b: {  	_ =	swait.ge @!p0 [sflag:s15], $0x4000  }
0x1c: {  	[sflag:s15] =	ssyncset.done @!p0 $0x0  }
0x1d: {  	s16 =	simm.s32 @!p0 $0x2;
	[sflag:s15] =	ssyncadd.s32 @!p0 $0xFFFFC000  }
0x1e: {  	_ =	swait.ge @!p0 [sflag:s16], $0x4000  }
0x1f: {  	[sflag:s16] =	ssyncset.done @!p0 $0x0  }
0x20: {  	[sflag:s16] =	ssyncadd.s32 @!p0 $0xFFFFC000  }
0x21: {  	[hbm4b:s10+s12] =	stream.linear.scatter @!p0 [tilespmem:s11], [sflag:$0x1], $0x4000, $0x38;
	[tilespmem:$0x8100] =	vst v63  }
0x22: {  	_ = 	snop  }
0x23: {  	[hbm4b:s9+s12] =	stream.linear.scatter @!p0 [tilespmem:s14], [sflag:$0x2], $0x4000, $0x38;
	[tilespmem:$0x8100] =	vst v63  }
0x24: {  	_ =	swait.ge @!p0 [sflag:s15], $0x4000  }
0x25: {  	[sflag:s15] =	ssyncset.done @!p0 $0x0  }
0x26: {  	s13 =	simm.s32 $0x400;
	s11 =	sadd.s32 $0x10000, s10;
	[sflag:s15] =	ssyncadd.s32 @!p0 $0xFFFFC000  }
0x27: {  	s14 =	simm.s32 $0x200;
	s15 =	sadd.s32 $0x20, s5;
	_ =	swait.ge @!p0 [sflag:s16], $0x4000  }
0x28: {  	s12 =	sadd.s32 $0x10000, s9;
	p2 =	sgt.u32 s15, $0x9C3;
	[sflag:s16] =	ssyncset.done @!p0 $0x0  }
.LBB2_2:
0x29: {  	s17 =	sadd.s32 @!p2 s14, s8;
	s18 =	simm.s32 @!p2 $0x0;
	[sflag:s16] =	ssyncadd.s32 @!p0 $0xFFFFC000  }
0x2a: {  	[tilespmem:s18], [sflag:$0x3] =	stream.linear.gather @!p2 [hbm4b:s17+s18], $0x80, $0x38;
	[tilespmem:$0x8100] =	vst v63  }
0x2b: {  	s14 =	sadd.s32 @!p2 s14, s7;
	s16 =	simm.s32 @!p2 $0x80;
	s17 =	simm.s32 @!p2 $0x3  }
0x2c: {  	[tilespmem:s16], [sflag:$0x3] =	stream.linear.gather @!p2 [hbm4b:s14+s18], $0x80, $0x38;
	[tilespmem:$0x8100] =	vst v63  }
0x2d: {  	s14 =	smov.u32 s13;
	s13 =	sadd.s32 $0x200, s13;
	_ =	swait.ge @!p2 [sflag:s17], $0x80  }
0x2e: {  	p0 =	por p2, p2;
	p1 =	sne.s32 s13, $0x9E00;
	[sflag:s17] =	ssyncset.done @!p2 $0x0  }
0x2f: {  	[sflag:s17] =	ssyncadd.s32 @!p0 $0xFFFFFF80  }
0x30: {  	_ =	swait.ge @!p0 [sflag:s17], $0x80  }
0x31: {  	[sflag:s17] =	ssyncset.done @!p0 $0x0  }
0x32: {  	[sflag:s17] =	ssyncadd.s32 @!p0 $0xFFFFFF80;
	s17 =	simm.s32 @!p0 $0x100  }
0x33: {  	[tilespmem:s17], [sflag:$0x1] =	stream.indirect.gather @!p0 [hbm4b:s3+s16], $0x80, s18, s16, $0xb8;
	[tilespmem:$0x8100] =	vst v63  }
0x34: {  	s19 =	simm.s32 @!p0 $0x4100;
	s20 =	simm.s32 @!p0 $0x1  }
0x35: {  	[tilespmem:s19], [sflag:$0x2] =	stream.indirect.gather @!p0 [hbm4b:s4+s16], $0x80, s16, s16, $0xb8;
	[tilespmem:$0x8100] =	vst v63  }
0x36: {  	_ =	swait.ge @!p0 [sflag:s20], $0x4000  }
0x37: {  	[sflag:s20] =	ssyncset.done @!p0 $0x0  }
0x38: {  	s16 =	simm.s32 @!p0 $0x2;
	[sflag:s20] =	ssyncadd.s32 @!p0 $0xFFFFC000  }
0x39: {  	_ =	swait.ge @!p0 [sflag:s16], $0x4000  }
0x3a: {  	[sflag:s16] =	ssyncset.done @!p0 $0x0  }
0x3b: {  	[sflag:s16] =	ssyncadd.s32 @!p0 $0xFFFFC000  }
0x3c: {  	[hbm4b:s11+s18] =	stream.linear.scatter @!p0 [tilespmem:s17], [sflag:$0x1], $0x4000, $0x38;
	[tilespmem:$0x8100] =	vst v63  }
0x3d: {  	_ = 	snop  }
0x3e: {  	[hbm4b:s12+s18] =	stream.linear.scatter @!p0 [tilespmem:s19], [sflag:$0x2], $0x4000, $0x38;
	[tilespmem:$0x8100] =	vst v63  }
.Ltmp0:
0x3f: {  	_ =	swait.ge @!p0 [sflag:s20], $0x4000;
	(pc) =	sbr.rel @p1 .LBB2_2-.Ltmp0, $4  }
0x40: {  	[sflag:s20] =	ssyncset.done @!p0 $0x0  }
0x41: {  	[sflag:s20] =	ssyncadd.s32 @!p0 $0xFFFFC000  }
0x42: {  	s15 =	sadd.s32 $0x20, s15;
	s11 =	sadd.s32 $0x10000, s11;
	_ =	swait.ge @!p0 [sflag:s16], $0x4000  }
0x43: {  	p2 =	sgt.u32 s15, $0x9C3;
	s12 =	sadd.s32 $0x10000, s12;
	[sflag:s16] =	ssyncset.done @!p0 $0x0  }
0x44: {  	s13 =	sadd.s32 @!p2 s14, s8;
	s15 =	simm.s32 @!p2 $0x0;
	[sflag:s16] =	ssyncadd.s32 @!p0 $0xFFFFC000  }
0x45: {  	[tilespmem:s15], [sflag:$0x3] =	stream.linear.gather @!p2 [hbm4b:s13+s15], $0x80, $0x38;
	[tilespmem:$0x8100] =	vst v63  }
0x46: {  	s16 =	simm.s32 @!p2 $0x3;
	s13 =	sadd.s32 @!p2 s14, s7;
	s14 =	simm.s32 @!p2 $0x80  }
0x47: {  	[tilespmem:s14], [sflag:$0x3] =	stream.linear.gather @!p2 [hbm4b:s13+s15], $0x80, $0x38;
	[tilespmem:$0x8100] =	vst v63  }
0x48: {  	_ =	swait.ge @!p2 [sflag:s16], $0x80  }
0x49: {  	p0 =	por p2, p2;
	[sflag:s16] =	ssyncset.done @!p2 $0x0  }
0x4a: {  	[sflag:s16] =	ssyncadd.s32 @!p0 $0xFFFFFF80  }
0x4b: {  	_ =	swait.ge @!p0 [sflag:s16], $0x80  }
0x4c: {  	[sflag:s16] =	ssyncset.done @!p0 $0x0  }
0x4d: {  	s13 =	simm.s32 @!p0 $0x100;
	[sflag:s16] =	ssyncadd.s32 @!p0 $0xFFFFFF80  }
0x4e: {  	[tilespmem:s13], [sflag:$0x1] =	stream.indirect.gather @!p0 [hbm4b:s3+s14], $0x80, s15, s14, $0xb8;
	[tilespmem:$0x8100] =	vst v63  }
0x4f: {  	s17 =	simm.s32 @!p0 $0x1;
	s16 =	simm.s32 @!p0 $0x4100  }
0x50: {  	[tilespmem:s16], [sflag:$0x2] =	stream.indirect.gather @!p0 [hbm4b:s4+s14], $0x80, s14, s14, $0xb8;
	[tilespmem:$0x8100] =	vst v63  }
0x51: {  	_ =	swait.ge @!p0 [sflag:s17], $0x4000  }
0x52: {  	[sflag:s17] =	ssyncset.done @!p0 $0x0  }
0x53: {  	s14 =	simm.s32 @!p0 $0x2;
	[sflag:s17] =	ssyncadd.s32 @!p0 $0xFFFFC000  }
0x54: {  	_ =	swait.ge @!p0 [sflag:s14], $0x4000  }
0x55: {  	[sflag:s14] =	ssyncset.done @!p0 $0x0  }
0x56: {  	[sflag:s14] =	ssyncadd.s32 @!p0 $0xFFFFC000  }
0x57: {  	[hbm4b:s11+s15] =	stream.linear.scatter @!p0 [tilespmem:s13], [sflag:$0x1], $0x4000, $0x38;
	[tilespmem:$0x8100] =	vst v63  }
0x58: {  	s1 =	sadd.s32 $0x1, s1  }
0x59: {  	[hbm4b:s12+s15] =	stream.linear.scatter @!p0 [tilespmem:s16], [sflag:$0x2], $0x4000, $0x38;
	[tilespmem:$0x8100] =	vst v63  }
0x5a: {  	p1 =	sne.s32 s1, s6;
	_ =	swait.ge @!p0 [sflag:s17], $0x4000  }
.Ltmp1:
0x5b: {  	[sflag:s17] =	ssyncset.done @!p0 $0x0;
	(pc) =	sbr.rel @p1 .LBB2_1-.Ltmp1, $4  }
0x5c: {  	[sflag:s17] =	ssyncadd.s32 @!p0 $0xFFFFC000  }
0x5d: {  	_ =	swait.ge @!p0 [sflag:s14], $0x4000  }
0x5e: {  	[sflag:s14] =	ssyncset.done @!p0 $0x0  }
0x5f: {  	[sflag:s14] =	ssyncadd.s32 @!p0 $0xFFFFC000  }
0x60: {  	_ =	sfence.sel $0x180000  }
0x61: {  	[bflag:$0x0] =	sbarrier.arrive $0xFFFF  }
0x62: {  	p0 =	sne.s32 s2, $0x0;
	_ =	strace $0x90000053  }
0x63: {  	s0 =	sadd.s32 @!p0 $0x100000, s0;
	[bflag:$0x2] =	sbarrier.arrive $0xFFFF  }
0x64: {  	[sflag:s0] =	ssyncadd.tile.s32 @!p0 $0x1;
	_ =	shalt  }
.Lfunc_end2:
_tile_overlayer_lowered:
.L_overlay_start_2:
0x65: {  	(tag) =	ssettag $0x2  }
0x66: {  	s0 =	rddreg [dreg:$0x0];
	s2 =	stileid.u32  }
0x67: {  	s1 =	rddreg [dreg:$0x1];
	p0 =	sne.s32 s2, $0x0  }
0x68: {  	s3 =	rddreg [dreg:$0x2];
	[bflag:$0x3] =	sbarrier.arrive $0xFFFF;
	s2 =	simm.s32 @!p0 $0x1C04  }
0x69: {  	[timem:s3], [sflag:s2] =	dma.local @!p0 [hbm:s0], s1  }
0x6a: {  	s0 =	simm.s32 @!p0 $0x4  }
0x6b: {  	_ =	swait.ge @!p0 [sflag:s0], s1  }
0x6c: {  	s1 =	ssub.s32 @!p0 $0x0, s1;
	[sflag:s0] =	ssyncset.done @!p0 $0x0  }
0x6d: {  	[sflag:s0] =	ssyncadd.s32 @!p0 s1  }
0x6e: {  	[bflag:$0x3] =	sbarrier.arrive $0xFFFF  }
0x6f: {  	_ =	shalt  }

// kernel: kernel.33.cloned.1.call-start
scs
__scs_entry_jumppad:
0x0: {  	(pc) =	sbr.rel $0x88, $3  }
0x1: {  	(tag) =	ssettag $0x0;
	lr =	simm.s32 $0x1  }
0x2: {  	[smem:$0x3F7C] =	sst lr;
	_ =	strace $0xD0000000  }
0x3: {  	_ = 	snop  }
0x4: {  	_ = 	snop  }
0x5: {  	_ = 	snop  }
0x6: {  	_ = 	snop  }
0x7: {  	_ = 	snop  }
__scs_overlays_trampoline_lowered:
0x8: {  	[smem:$0x3F8B] =	sst s0  }
0x9: {  	[smem:$0x3F8C] =	sst s1  }
0xa: {  	[smem:$0x3F8D] =	sst s2  }
0xb: {  	[smem:$0x3F8E] =	sst s3  }
0xc: {  	[smem:$0x3F8F] =	sst s4  }
0xd: {  	[smem:$0x3F90] =	sst s5  }
0xe: {  	[smem:$0x3F91] =	sst s6  }
0xf: {  	[smem:$0x3F92] =	sst s7  }
0x10: {  	[smem:$0x3F93] =	sst s8  }
0x11: {  	[smem:$0x3F94] =	sst s9;
	s0 =	simm.s32 @!p0 $0x0  }
0x12: {  	s1 =	sld [smem:$0x3F7A];
	s0 =	simm.s32 @p0 $0x1  }
0x13: {  	[smem:$0x3F95] =	sst s0;
	s0 =	simm.s32 @!p1 $0x0  }
0x14: {  	s2 =	sld [smem:$0x3F79];
	s0 =	simm.s32 @p1 $0x1  }
0x15: {  	[smem:$0x3F96] =	sst s0;
	s0 =	simm.s32 @!p2 $0x0  }
0x16: {  	s3 =	sld [smem:$0x3FDB];
	s0 =	simm.s32 @p2 $0x1  }
0x17: {  	s4 =	simm.s32 $0x1BF5;
	[smem:$0x3F98] =	sst s0  }
0x18: {  	s0 =	sld [smem:$0x3F7B];
	_ =	swait.ge [sflag:s4], $0x0  }
0x19: {  	s7 =	sld [smem:$0x3F7C]  }
0x1a: {  	s8 =	sadd.s32 $0xFFFFE003, lr  }
0x1b: {  	s9 =	sadd.s32 $0xFFFFFEF7, lr;
	s5 =	simm.s32 $0xFFFFFFFF;
	p2 =	slt.u32 s8, $0xFFFFF086  }
0x1c: {  	p1 =	slt.u32 s9, $0xF7A;
	s5 =	simm.s32 @!p2 $0x0  }
0x1d: {  	s5 =	simm.s32 @p1 $0x1;
	p0 =	seq.s32 s7, s2  }
0x1e: {  	s7 =	smul.u32 @!p0 $0xF7A, s2;
	p2 =	seq.s32 @!p0 s5, $0x0  }
0x1f: {  	s9 =	smul.u32 $0xF7A, s1;
	s8 =	simm.s32 @!p0 $0x1BF5;
	p2 =	por !p2, p0  }
0x20: {  	[sflag:s8] =	ssyncset.s32 @!p0 $0xFFFFF086;
	s6 =	sadd.s32 @!p0 s3, s7;
	s7 =	simm.s32 @!p0 $0x108  }
0x21: {  	s3 =	sadd.s32 s3, s9;
	s6 =	sadd.s32 @!p0 $0x88, s6;
	s7 =	simm.s32 @p2 $0x1082  }
0x22: {  	[simem:s7], [sflag:s8] =	dma.local @!p0 [hbm:s6], $0xF7A  }
0x23: {  	s9 =	sor.u32 $0xD0000000, s2;
	s6 =	simm.s32 $0x108;
	_ =	swait.ge @!p0 [sflag:s8], $0x0  }
0x24: {  	s3 =	sadd.s32 $0x88, s3;
	s6 =	simm.s32 @!p1 $0x1082;
	[sflag:s4] =	ssyncset.s32 $0xFFFFF086  }
0x25: {  	[simem:s6], [sflag:s4] =	dma.local [hbm:s3], $0xF7A  }
0x26: {  	[smem:$0x3F7C] =	sst s1;
	(tag) =	ssettag s2;
	_ =	strace s9  }
0x27: {  	s1 =	sld [smem:$0x3F8C]  }
0x28: {  	s2 =	sld [smem:$0x3F8D]  }
0x29: {  	s4 =	sld [smem:$0x3F8F]  }
0x2a: {  	p0 =	seq.s32 s5, $0x0;
	s5 =	sld [smem:$0x3F90]  }
0x2b: {  	s6 =	sld [smem:$0x3F91]  }
0x2c: {  	s7 =	sld [smem:$0x3F92]  }
0x2d: {  	s3 =	simm.s32 $0x108;
	s8 =	sld [smem:$0x3F93]  }
0x2e: {  	s3 =	simm.s32 @!p0 $0x1082;
	s9 =	sld [smem:$0x3F94]  }
0x2f: {  	lr =	sadd.s32 s0, s3;
	s0 =	sld [smem:$0x3F8B]  }
0x30: {  	s3 =	sld [smem:$0x3F8E]  }
0x31: {  	[smem:$0x3F97] =	sst s10  }
0x32: {  	s10 =	sld [smem:$0x3F95];
	_ =	sdelay $0x3  }
0x33: {  	p0 =	seq.s32 s10, $0x1;
	s10 =	sld [smem:$0x3F97];
	_ =	sdelay $0x3  }
0x34: {  	[smem:$0x3F97] =	sst s10  }
0x35: {  	s10 =	sld [smem:$0x3F96];
	_ =	sdelay $0x3  }
0x36: {  	p1 =	seq.s32 s10, $0x1;
	s10 =	sld [smem:$0x3F97];
	_ =	sdelay $0x3  }
0x37: {  	[smem:$0x3F97] =	sst s10  }
0x38: {  	s10 =	sld [smem:$0x3F98]  }
0x39: {  	_ = 	snop;
	(pc) =	sbr.ind lr, $3  }
0x3a: {  	_ = 	snop  }
0x3b: {  	_ = 	snop  }
0x3c: {  	p2 =	seq.s32 s10, $0x1;
	s10 =	sld [smem:$0x3F97]  }
0x3d: {  	_ =	shalt  }
0x3e: {  	_ =	shalt  }
0x3f: {  	_ =	shalt  }
0x40: {  	_ =	shalt  }
0x41: {  	_ =	shalt  }
0x42: {  	_ =	shalt  }
0x43: {  	_ =	shalt  }
0x44: {  	_ =	shalt  }
0x45: {  	_ =	shalt  }
0x46: {  	_ =	shalt  }
0x47: {  	_ =	shalt  }
0x48: {  	_ =	shalt  }
0x49: {  	_ =	shalt  }
0x4a: {  	_ =	shalt  }
0x4b: {  	_ =	shalt  }
0x4c: {  	_ =	shalt  }
0x4d: {  	_ =	shalt  }
0x4e: {  	_ =	shalt  }
0x4f: {  	_ =	shalt  }
0x50: {  	_ =	shalt  }
0x51: {  	_ =	shalt  }
0x52: {  	_ =	shalt  }
0x53: {  	_ =	shalt  }
0x54: {  	_ =	shalt  }
0x55: {  	_ =	shalt  }
0x56: {  	_ =	shalt  }
0x57: {  	_ =	shalt  }
0x58: {  	_ =	shalt  }
0x59: {  	_ =	shalt  }
0x5a: {  	_ =	shalt  }
0x5b: {  	_ =	shalt  }
0x5c: {  	_ =	shalt  }
0x5d: {  	_ =	shalt  }
0x5e: {  	_ =	shalt  }
0x5f: {  	_ =	shalt  }
0x60: {  	_ =	shalt  }
0x61: {  	_ =	shalt  }
0x62: {  	_ =	shalt  }
0x63: {  	_ =	shalt  }
0x64: {  	_ =	shalt  }
0x65: {  	_ =	shalt  }
0x66: {  	_ =	shalt  }
0x67: {  	_ =	shalt  }
0x68: {  	_ =	shalt  }
0x69: {  	_ =	shalt  }
0x6a: {  	_ =	shalt  }
0x6b: {  	_ =	shalt  }
0x6c: {  	_ =	shalt  }
0x6d: {  	_ =	shalt  }
0x6e: {  	_ =	shalt  }
0x6f: {  	_ =	shalt  }
0x70: {  	_ =	shalt  }
0x71: {  	_ =	shalt  }
0x72: {  	_ =	shalt  }
0x73: {  	_ =	shalt  }
0x74: {  	_ =	shalt  }
0x75: {  	_ =	shalt  }
0x76: {  	_ =	shalt  }
0x77: {  	_ =	shalt  }
0x78: {  	_ =	shalt  }
0x79: {  	_ =	shalt  }
0x7a: {  	_ =	shalt  }
0x7b: {  	_ =	shalt  }
0x7c: {  	_ =	shalt  }
0x7d: {  	_ =	shalt  }
0x7e: {  	_ =	shalt  }
0x7f: {  	_ =	shalt  }
0x80: {  	_ =	shalt  }
0x81: {  	_ =	shalt  }
0x82: {  	_ =	shalt  }
0x83: {  	_ =	shalt  }
0x84: {  	_ =	shalt  }
0x85: {  	_ =	shalt  }
0x86: {  	_ =	shalt  }
0x87: {  	_ =	shalt  }
.Lfunc_end0:
.L_simem_size_0:
called_computation.5_lowered:
.L_overlay_start_0:
0x88: {  	s2 =	sld [smem:$0x3FD9]  }
0x89: {  	s3 =	sld [smem:$0x3FFE];
	_ =	sdelay $0x1  }
0x8a: {  	s1 =	srdreg.scid  }
0x8b: {  	s0 =	sand.u32 $0x1, s1  }
0x8c: {  	s17 =	sshll.u32 s0, $0xA;
	s2 =	sadd.s32 s3, s2  }
0x8d: {  	s2 =	sadd.s32 s2, s17  }
0x8e: {  	[smem:$0x3FA3] =	sst s2  }
0x8f: {  	_ = 	snop  }
0x90: {  	s2 =	sld [smem:$0x3FC4];
	(tm) =	ssettm $0x1  }
0x91: {  	s18 =	sld [smem:$0x3FFB];
	_ =	sdelay $0x3  }
0x92: {  	_ =	strace s18  }
0x93: {  	s3 =	sld [smem:$0x3FFC];
	_ =	sdelay $0x3  }
0x94: {  	_ =	strace s3  }
0x95: {  	s3 =	sld [smem:$0x3FFD];
	_ =	sdelay $0x3  }
0x96: {  	_ =	strace s3  }
0x97: {  	_ =	strace $0x8FFFFFFF  }
0x98: {  	s19 =	sld [smem:$0x3FDB];
	_ =	sdelay $0x1  }
0x99: {  	s4 =	simm.s32 $_scs_section_size  }
0x9a: {  	s5 =	simm.s32 $_size__tile_overlayer_lowered;
	s6 =	simm.s32 $_tile_overlayer_lowered  }
0x9b: {  	s22 =	simm.s32 $0x1BFF;
	s21 =	sshll.u32 s6, $0x1;
	s3 =	sadd.s32 s4, s19  }
0x9c: {  	s7 =	simm.s32 $0x0;
	s20 =	sshll.u32 s5, $0x1;
	s5 =	sadd.s32 s21, s3  }
0x9d: {  	[timem:s7], [sflag:s22] =	dma.local [hbm:s5], s20  }
0x9e: {  	_ =	swait.ge [sflag:s22], s20  }
0x9f: {  	s4 =	ssub.s32 $0x0, s20;
	[sflag:s22] =	ssyncset.done $0x0  }
0xa0: {  	[sflag:s22] =	ssyncadd.s32 s4;
	_ =	sdelay $0x1  }
0xa1: {  	s23 =	simm.s32 $0x1B8B  }
0xa2: {  	_ =	swait.ge [sflag:s23], $0x1  }
0xa3: {  	[sflag:s23] =	ssyncset.done $0x0  }
0xa4: {  	s25 =	simm.s32 $0x1B8E;
	s24 =	sld [smem:$0x3FFE];
	[sflag:s23] =	ssyncadd.s32 $0xFFFFFFFF  }
0xa5: {  	s26 =	simm.s32 $execute0_lowered;
	[smem:$0x3FD2] =	sst s25  }
0xa6: {  	s5 =	sshll.u32 s26, $0x1;
	_ =	strace $0x80000055;
	[dreg:$0x1] =	wrdreg $0xFFFFFFFF  }
0xa7: {  	s28 =	simm.s32 $_size_execute0_lowered;
	s3 =	sadd.s32 s3, s5;
	[dreg:$0x0] =	wrdreg $0x0  }
0xa8: {  	s5 =	sshll.u32 s28, $0x1;
	[dreg:$0x2] =	wrdreg s3  }
0xa9: {  	[dreg:$0x3] =	wrdreg s5  }
0xaa: {  	[dreg:$0x4] =	wrdreg $0xC0  }
0xab: {  	_ =	task [dreg:s7], $0x5FFFF  }
0xac: {  	[dreg:$0x1] =	wrdreg $0xFFFFFFFF  }
0xad: {  	[dreg:$0x0] =	wrdreg $0x60  }
0xae: {  	[dreg:$0x2] =	wrdreg s24  }
0xaf: {  	[dreg:$0x3] =	wrdreg s2  }
0xb0: {  	[dreg:$0x4] =	wrdreg $0x81000  }
0xb1: {  	[dreg:$0x5] =	wrdreg $0xA1000  }
0xb2: {  	[dreg:$0x6] =	wrdreg $0x9  }
0xb3: {  	_ =	task.clear_ibuf [dreg:s7], $0x7FFFF;
	_ =	strace $0x90000055  }
0xb4: {  	s29 =	simm.s32 $0x9;
	_ =	strace $0x80000057  }
0xb5: {  	_ =	swait.ge [sflag:s29], $0x1  }
0xb6: {  	[sflag:s29] =	ssyncadd.s32 $0xFFFFFFFF  }
0xb7: {  	_ =	strace $0x90000057  }
0xb8: {  	_ =	sfence  }
0xb9: {  	s30 =	sld [smem:$0x0];
	_ =	sdelay $0x2  }
0xba: {  	s31 =	sshll.u32 s1, $0xD;
	s1 =	sshrl.u32 s1, $0x2  }
0xbb: {  	s3 =	sand.u32 $0x4000, s31;
	s1 =	sadd.s32 s1, s30  }
0xbc: {  	s0 =	sor.u32 s3, s0;
	s1 =	sshll.u32 s1, $0x11  }
0xbd: {  	s0 =	sor.u32 s1, s0  }
0xbe: {  	s0 =	sadd.s32 $0x8F2B, s0  }
0xbf: {  	[sflag:s0] =	ssyncadd.remote.s32 $0x1  }
0xc0: {  	_ =	sfence.sel $0xFFFF  }
0xc1: {  	[dreg:$0x0] =	wrdreg $0xFFFFFFFF;
	(pc) =	sbr.abs _section_cstart, $3  }
0xc2: {  	[dreg:$0x1] =	wrdreg $0xFFFFFFFF  }
0xc3: {  	_ =	task.clear_ibuf [dreg:s7], $0x2FFFF;
	_ =	strace $0x9FFFFFFF  }
0xc4: {  	(tm) =	ssettm $0x7FFFFFFF  }
0xc5: {  	_ =	shalt  }
tec
execute0_lowered:
.L_overlay_start_1:
0x0: {  	(tag) =	ssettag $0x1  }
0x1: {  	s6 =	rddreg [dreg:$0x0]  }
0x2: {  	s12 =	rddreg [dreg:$0x1]  }
0x3: {  	s1 =	rddreg [dreg:$0x2]  }
0x4: {  	s3 =	rddreg [dreg:$0x3]  }
0x5: {  	s0 =	rddreg [dreg:$0x4];
	s5 =	srdreg.scid  }
0x6: {  	s4 =	simm.s32 $0x0;
	s2 =	stileid.u32;
	s17 =	simm.s32 $0x0  }
0x7: {  	s13 =	sand.u32 $0x1, s5;
	[smem:$0x7FF] =	sst s4;
	s8 =	sshll.u32 s2, $0xD  }
0x8: {  	s7 =	sshll.u32 s2, $0xC;
	s15 =	sshll.u32 s2, $0x5;
	s5 =	sshll.u32 s13, $0x11  }
0x9: {  	_ =	strace $0x80000056;
	s14 =	sadd.s32 s7, s6;
	s9 =	ssub.s32 $0x2, s13  }
0xa: {  	s7 =	sadd.s32 s8, s1;
	s16 =	sshll.u32 s13, $0xB;
	s12 =	sadd.s32 s15, s12  }
0xb: {  	s13 =	sshll.u32 s13, $0x4;
	s15 =	simm.s32 $0x100;
	s5 =	sor.u32 s8, s5  }
0xc: {  	s31 =	sshrl.u32 s9, $0x1;
	s8 =	sadd.s32 s8, s3;
	s14 =	sadd.s32 s16, s14  }
0xd: {  	s12 =	sadd.s32 s13, s12;
	s16 =	simm.s32 $0x3;
	s30 =	sshrl.u32 s5, $0x3  }
0xe: {  	s5 =	sadd.s32 $0x1391C00, s6;
	s11 =	ssub.s32 s9, s31;
	s13 =	sadd.s32 $0x4EBC00, s14  }
0xf: {  	s14 =	sadd.s32 $0x9C00, s14;
	s10 =	sadd.s32 s30, s6;
	s6 =	sshll.u32 s2, $0x1  }
0x10: {  	s11 =	smax.u32 s11, $0x1;
	s9 =	sadd.s32 $0x1392400, s10;
	s10 =	sadd.s32 $0x139A400, s10  }
.LBB2_1:
0x11: {  	[tilespmem:s15], [sflag:$0x3] =	stream.linear.gather [hbm4b:s5+s4], $0x4000, $0x38;
	[tilespmem:$0xC100] =	vst v63  }
0x12: {  	_ =	swait.ge [sflag:s16], $0x4000  }
0x13: {  	[sflag:s16] =	ssyncset.done $0x0  }
0x14: {  	[sflag:s16] =	ssyncadd.s32 $0xFFFFC000  }
0x15: {  	[spmem:s7] =	stream.linear.scatter [tilespmem:s15], [sflag:$0x3], $0x2000, $0x38;
	[tilespmem:$0xC100] =	vst v63  }
0x16: {  	_ =	swait.ge [sflag:s16], $0x2000  }
0x17: {  	[sflag:s16] =	ssyncset.done $0x0  }
0x18: {  	[sflag:s16] =	ssyncadd.s32 $0xFFFFE000  }
0x19: {  	[spmem:s8] =	stream.linear.scatter [tilespmem:s15], [sflag:$0x3], $0x2000, $0x38;
	[tilespmem:$0xC100] =	vst v63  }
0x1a: {  	_ =	swait.ge [sflag:s16], $0x2000  }
0x1b: {  	[sflag:s16] =	ssyncset.done $0x0  }
0x1c: {  	p0 =	sgt.u32 s6, $0x9C3;
	[sflag:s16] =	ssyncadd.s32 $0xFFFFE000  }
0x1d: {  	s18 =	simm.s32 @!p0 $0x0;
	p0 =	por p0, p0;
	[bflag:$0x0] =	sbarrier.arrive $0xFFFF  }
0x1e: {  	[tilespmem:s18], [sflag:$0x1] =	stream.linear.gather @!p0 [hbm4b:s12+s18], $0x80, $0x38;
	[tilespmem:$0xC100] =	vst v63  }
0x1f: {  	s19 =	simm.s32 @!p0 $0x80  }
0x20: {  	[tilespmem:s19], [sflag:$0x1] =	stream.linear.gather @!p0 [hbm4b:s12+s18], $0x80, $0x38;
	[tilespmem:$0xC100] =	vst v63  }
0x21: {  	s20 =	sadd.s32 @!p0 $0x0, s14;
	s21 =	simm.s32 @!p0 $0x100  }
0x22: {  	[tilespmem:s21], [sflag:$0x1] =	stream.linear.gather @!p0 [hbm4b:s20+s18], $0x4000, $0x38;
	[tilespmem:$0xC100] =	vst v63  }
0x23: {  	s23 =	simm.s32 @!p0 $0x4100;
	s22 =	simm.s32 @!p0 $0x1;
	s20 =	sadd.s32 @!p0 $0x0, s13  }
0x24: {  	[tilespmem:s23], [sflag:$0x1] =	stream.linear.gather @!p0 [hbm4b:s20+s18], $0x4000, $0x38;
	[tilespmem:$0xC100] =	vst v63  }
0x25: {  	_ =	swait.ge @!p0 [sflag:s22], $0x80  }
0x26: {  	[sflag:s22] =	ssyncset.done @!p0 $0x0  }
0x27: {  	[sflag:s22] =	ssyncadd.s32 @!p0 $0xFFFFFF80  }
0x28: {  	_ =	swait.ge @!p0 [sflag:s22], $0x80  }
0x29: {  	[sflag:s22] =	ssyncset.done @!p0 $0x0  }
0x2a: {  	[sflag:s22] =	ssyncadd.s32 @!p0 $0xFFFFFF80  }
0x2b: {  	_ =	swait.ge @!p0 [sflag:s22], $0x4000  }
0x2c: {  	[sflag:s22] =	ssyncset.done @!p0 $0x0  }
0x2d: {  	[sflag:s22] =	ssyncadd.s32 @!p0 $0xFFFFC000  }
0x2e: {  	_ =	swait.ge @!p0 [sflag:s22], $0x4000  }
0x2f: {  	[sflag:s22] =	ssyncset.done @!p0 $0x0  }
0x30: {  	[sflag:s22] =	ssyncadd.s32 @!p0 $0xFFFFC000  }
0x31: {  	[spmem:s1] =	stream.indirect.scatter.add.f32 @!p0 [tilespmem:s21], [sflag:$0x2], $0x80, s18, s19, $0xb8;
	[tilespmem:$0xC100] =	vst v63  }
0x32: {  	s22 =	simm.s32 @!p0 $0x2  }
0x33: {  	[spmem:s3] =	stream.indirect.scatter.add.f32 @!p0 [tilespmem:s23], [sflag:$0x2], $0x80, s19, s19, $0xb8;
	[tilespmem:$0xC100] =	vst v63  }
0x34: {  	_ =	swait.ge @!p0 [sflag:s22], $0x4000  }
0x35: {  	[sflag:s22] =	ssyncset.done @!p0 $0x0  }
0x36: {  	s20 =	simm.s32 $0x20000;
	[sflag:s22] =	ssyncadd.s32 @!p0 $0xFFFFC000  }
0x37: {  	s18 =	simm.s32 $0x10000;
	s21 =	sadd.s32 $0x20, s6;
	_ =	swait.ge @!p0 [sflag:s22], $0x4000  }
0x38: {  	p2 =	sgt.u32 s21, $0x9C3;
	s19 =	sadd.s32 $0x200, s12;
	[sflag:s22] =	ssyncset.done @!p0 $0x0  }
.LBB2_2:
0x39: {  	s23 =	simm.s32 @!p2 $0x0;
	[sflag:s22] =	ssyncadd.s32 @!p0 $0xFFFFC000  }
0x3a: {  	s22 =	smov.u32 s20;
	s20 =	sadd.s32 $0x10000, s20;
	p0 =	por p2, p2  }
0x3b: {  	[tilespmem:s23], [sflag:$0x1] =	stream.linear.gather @!p0 [hbm4b:s19+s23], $0x80, $0x38;
	[tilespmem:$0xC100] =	vst v63  }
0x3c: {  	p1 =	sne.s32 s20, $0x4F0000;
	s24 =	simm.s32 @!p0 $0x80  }
0x3d: {  	[tilespmem:s24], [sflag:$0x1] =	stream.linear.gather @!p0 [hbm4b:s19+s23], $0x80, $0x38;
	[tilespmem:$0xC100] =	vst v63  }
0x3e: {  	s25 =	sadd.s32 @!p0 s18, s14;
	s26 =	simm.s32 @!p0 $0x100  }
0x3f: {  	[tilespmem:s26], [sflag:$0x1] =	stream.linear.gather @!p0 [hbm4b:s25+s23], $0x4000, $0x38;
	[tilespmem:$0xC100] =	vst v63  }
0x40: {  	s18 =	sadd.s32 @!p0 s18, s13;
	s28 =	simm.s32 @!p0 $0x1;
	s25 =	simm.s32 @!p0 $0x4100  }
0x41: {  	[tilespmem:s25], [sflag:$0x1] =	stream.linear.gather @!p0 [hbm4b:s18+s23], $0x4000, $0x38;
	[tilespmem:$0xC100] =	vst v63  }
0x42: {  	s18 =	smov.u32 s22;
	_ =	swait.ge @!p0 [sflag:s28], $0x80  }
0x43: {  	[sflag:s28] =	ssyncset.done @!p0 $0x0  }
0x44: {  	[sflag:s28] =	ssyncadd.s32 @!p0 $0xFFFFFF80  }
0x45: {  	_ =	swait.ge @!p0 [sflag:s28], $0x80  }
0x46: {  	[sflag:s28] =	ssyncset.done @!p0 $0x0  }
0x47: {  	[sflag:s28] =	ssyncadd.s32 @!p0 $0xFFFFFF80  }
0x48: {  	_ =	swait.ge @!p0 [sflag:s28], $0x4000  }
0x49: {  	[sflag:s28] =	ssyncset.done @!p0 $0x0  }
0x4a: {  	[sflag:s28] =	ssyncadd.s32 @!p0 $0xFFFFC000  }
0x4b: {  	_ =	swait.ge @!p0 [sflag:s28], $0x4000  }
0x4c: {  	[sflag:s28] =	ssyncset.done @!p0 $0x0  }
0x4d: {  	[sflag:s28] =	ssyncadd.s32 @!p0 $0xFFFFC000  }
0x4e: {  	[spmem:s1] =	stream.indirect.scatter.add.f32 @!p0 [tilespmem:s26], [sflag:$0x2], $0x80, s23, s24, $0xb8;
	[tilespmem:$0xC100] =	vst v63  }
0x4f: {  	s22 =	simm.s32 @!p0 $0x2  }
0x50: {  	[spmem:s3] =	stream.indirect.scatter.add.f32 @!p0 [tilespmem:s25], [sflag:$0x2], $0x80, s24, s24, $0xb8;
	[tilespmem:$0xC100] =	vst v63  }
.Ltmp0:
0x51: {  	_ =	swait.ge @!p0 [sflag:s22], $0x4000;
	(pc) =	sbr.rel @p1 .LBB2_2-.Ltmp0, $4  }
0x52: {  	[sflag:s22] =	ssyncset.done @!p0 $0x0  }
0x53: {  	[sflag:s22] =	ssyncadd.s32 @!p0 $0xFFFFC000  }
0x54: {  	s21 =	sadd.s32 $0x20, s21;
	_ =	swait.ge @!p0 [sflag:s22], $0x4000  }
0x55: {  	p2 =	sgt.u32 s21, $0x9C3;
	s19 =	sadd.s32 $0x200, s19;
	[sflag:s22] =	ssyncset.done @!p0 $0x0  }
0x56: {  	s20 =	simm.s32 @!p2 $0x0;
	[sflag:s22] =	ssyncadd.s32 @!p0 $0xFFFFC000;
	p0 =	por p2, p2  }
0x57: {  	[tilespmem:s20], [sflag:$0x1] =	stream.linear.gather @!p0 [hbm4b:s19+s20], $0x80, $0x38;
	[tilespmem:$0xC100] =	vst v63  }
0x58: {  	s21 =	simm.s32 @!p0 $0x80  }
0x59: {  	[tilespmem:s21], [sflag:$0x1] =	stream.linear.gather @!p0 [hbm4b:s19+s20], $0x80, $0x38;
	[tilespmem:$0xC100] =	vst v63  }
0x5a: {  	s22 =	simm.s32 @!p0 $0x100;
	s19 =	sadd.s32 @!p0 s18, s14  }
0x5b: {  	[tilespmem:s22], [sflag:$0x1] =	stream.linear.gather @!p0 [hbm4b:s19+s20], $0x4000, $0x38;
	[tilespmem:$0xC100] =	vst v63  }
0x5c: {  	s23 =	simm.s32 @!p0 $0x1;
	s18 =	sadd.s32 @!p0 s18, s13;
	s19 =	simm.s32 @!p0 $0x4100  }
0x5d: {  	[tilespmem:s19], [sflag:$0x1] =	stream.linear.gather @!p0 [hbm4b:s18+s20], $0x4000, $0x38;
	[tilespmem:$0xC100] =	vst v63  }
0x5e: {  	_ =	swait.ge @!p0 [sflag:s23], $0x80  }
0x5f: {  	[sflag:s23] =	ssyncset.done @!p0 $0x0  }
0x60: {  	[sflag:s23] =	ssyncadd.s32 @!p0 $0xFFFFFF80  }
0x61: {  	_ =	swait.ge @!p0 [sflag:s23], $0x80  }
0x62: {  	[sflag:s23] =	ssyncset.done @!p0 $0x0  }
0x63: {  	[sflag:s23] =	ssyncadd.s32 @!p0 $0xFFFFFF80  }
0x64: {  	_ =	swait.ge @!p0 [sflag:s23], $0x4000  }
0x65: {  	[sflag:s23] =	ssyncset.done @!p0 $0x0  }
0x66: {  	[sflag:s23] =	ssyncadd.s32 @!p0 $0xFFFFC000  }
0x67: {  	_ =	swait.ge @!p0 [sflag:s23], $0x4000  }
0x68: {  	[sflag:s23] =	ssyncset.done @!p0 $0x0  }
0x69: {  	[sflag:s23] =	ssyncadd.s32 @!p0 $0xFFFFC000  }
0x6a: {  	[spmem:s1] =	stream.indirect.scatter.add.f32 @!p0 [tilespmem:s22], [sflag:$0x2], $0x80, s20, s21, $0xb8;
	[tilespmem:$0xC100] =	vst v63  }
0x6b: {  	s18 =	simm.s32 @!p0 $0x2  }
0x6c: {  	[spmem:s3] =	stream.indirect.scatter.add.f32 @!p0 [tilespmem:s19], [sflag:$0x2], $0x80, s21, s21, $0xb8;
	[tilespmem:$0xC100] =	vst v63  }
0x6d: {  	_ =	swait.ge @!p0 [sflag:s18], $0x4000  }
0x6e: {  	[sflag:s18] =	ssyncset.done @!p0 $0x0  }
0x6f: {  	[sflag:s18] =	ssyncadd.s32 @!p0 $0xFFFFC000  }
0x70: {  	_ =	swait.ge @!p0 [sflag:s18], $0x4000  }
0x71: {  	[sflag:s18] =	ssyncset.done @!p0 $0x0  }
0x72: {  	[sflag:s18] =	ssyncadd.s32 @!p0 $0xFFFFC000  }
0x73: {  	[bflag:$0x0] =	sbarrier.arrive $0xFFFF  }
0x74: {  	[tilespmem:s15], [sflag:$0x3] =	stream.linear.gather [spmem:s7], $0x2000, $0x38;
	[tilespmem:$0xC100] =	vst v63  }
0x75: {  	_ =	swait.ge [sflag:s16], $0x2000  }
0x76: {  	[sflag:s16] =	ssyncset.done $0x0  }
0x77: {  	[sflag:s16] =	ssyncadd.s32 $0xFFFFE000  }
0x78: {  	[hbm4b:s9+s4] =	stream.linear.scatter [tilespmem:s15], [sflag:$0x3], $0x2000, $0x38;
	[tilespmem:$0xC100] =	vst v63  }
0x79: {  	_ =	swait.ge [sflag:s16], $0x2000  }
0x7a: {  	[sflag:s16] =	ssyncset.done $0x0  }
0x7b: {  	[sflag:s16] =	ssyncadd.s32 $0xFFFFE000  }
0x7c: {  	[tilespmem:s15], [sflag:$0x3] =	stream.linear.gather [spmem:s8], $0x2000, $0x38;
	[tilespmem:$0xC100] =	vst v63  }
0x7d: {  	s17 =	sadd.s32 $0x1, s17;
	_ =	swait.ge [sflag:s16], $0x2000  }
0x7e: {  	p0 =	sne.s32 s17, s11;
	[sflag:s16] =	ssyncset.done $0x0  }
.Ltmp1:
0x7f: {  	[sflag:s16] =	ssyncadd.s32 $0xFFFFE000;
	(pc) =	sbr.rel @p0 .LBB2_1-.Ltmp1, $4  }
0x80: {  	[hbm4b:s10+s4] =	stream.linear.scatter [tilespmem:s15], [sflag:$0x3], $0x2000, $0x38;
	[tilespmem:$0xC100] =	vst v63  }
0x81: {  	_ =	swait.ge [sflag:s16], $0x2000  }
0x82: {  	[sflag:s16] =	ssyncset.done $0x0  }
0x83: {  	[sflag:s16] =	ssyncadd.s32 $0xFFFFE000  }
0x84: {  	_ =	sfence.sel $0x180000  }
0x85: {  	[bflag:$0x0] =	sbarrier.arrive $0xFFFF  }
0x86: {  	p0 =	sne.s32 s2, $0x0;
	_ =	strace $0x90000056  }
0x87: {  	s0 =	sadd.s32 @!p0 $0x100000, s0;
	[bflag:$0x2] =	sbarrier.arrive $0xFFFF  }
0x88: {  	[sflag:s0] =	ssyncadd.tile.s32 @!p0 $0x1;
	_ =	shalt  }
.Lfunc_end2:
_tile_overlayer_lowered:
.L_overlay_start_2:
0x89: {  	(tag) =	ssettag $0x2  }
0x8a: {  	s0 =	rddreg [dreg:$0x0];
	s2 =	stileid.u32  }
0x8b: {  	s1 =	rddreg [dreg:$0x1];
	p0 =	sne.s32 s2, $0x0  }
0x8c: {  	s3 =	rddreg [dreg:$0x2];
	[bflag:$0x3] =	sbarrier.arrive $0xFFFF;
	s2 =	simm.s32 @!p0 $0x1C03  }
0x8d: {  	[timem:s3], [sflag:s2] =	dma.local @!p0 [hbm:s0], s1  }
0x8e: {  	s0 =	simm.s32 @!p0 $0x3  }
0x8f: {  	_ =	swait.ge @!p0 [sflag:s0], s1  }
0x90: {  	s1 =	ssub.s32 @!p0 $0x0, s1;
	[sflag:s0] =	ssyncset.done @!p0 $0x0  }
0x91: {  	[sflag:s0] =	ssyncadd.s32 @!p0 s1  }
0x92: {  	[bflag:$0x3] =	sbarrier.arrive $0xFFFF  }
0x93: {  	_ =	shalt  }

</sc_bundles>
